<compile_context>
chip_gen: v7x
topology: tpu7x:2x2x1
jax: 0.10.2.dev20260603
libtpu: 0.0.44.dev20260713+nightly
codegen_flags: <defaults>
</compile_context>

<pallas_src>
import functools
import math

import jax
import jax.numpy as jnp
from jax import lax
from jax.experimental import pallas as pl
from jax.experimental.pallas import tpu as pltpu
from jax.experimental.pallas import tpu_sc as plsc

NC = 2
NS = 16
NW = NC * NS
CHUNK = 512
PSTRIDE = 33


def _proj_body(x_ref, wq_ref, wkv_ref, q_ref, kv_ref, *, inv_dk):
    x = x_ref[...]

    def dot(w):
        return lax.dot_general(x, w, (((1,), (0,)), ((), ())),
                               preferred_element_type=jnp.float32)

    q_ref[...] = dot(wq_ref[...]) * inv_dk
    kv_ref[...] = dot(wkv_ref[...])


def _edge_body(q_hbm, kv_hbm, row_hbm, col_hbm, zn_hbm, zd_hbm,
               num_hbm, den_hbm,
               rowi, coli, qb, kvb, vb, pbuf, wb, dbuf,
               num_sp, den_sp, sem,
               *, e_total, cpw, rpt, nheads):
    c = lax.axis_index("c")
    s = lax.axis_index("s")
    wid = c * NS + s

    r0 = s * rpt
    pltpu.sync_copy(zn_hbm, num_sp.at[pl.ds(r0, rpt)])
    pltpu.sync_copy(zd_hbm, den_sp.at[pl.ds(r0, rpt)])
    ibase = wid * cpw * CHUNK
    for j in range(cpw):
        pltpu.make_async_copy(row_hbm.at[pl.ds(ibase + j * CHUNK, CHUNK)],
                              rowi.at[j], sem).start()
        pltpu.make_async_copy(col_hbm.at[pl.ds(ibase + j * CHUNK, CHUNK)],
                              coli.at[j], sem).start()
    for j in range(cpw):
        pltpu.make_async_copy(row_hbm.at[pl.ds(ibase + j * CHUNK, CHUNK)],
                              rowi.at[j], sem).wait()
        pltpu.make_async_copy(col_hbm.at[pl.ds(ibase + j * CHUNK, CHUNK)],
                              coli.at[j], sem).wait()
    plsc.subcore_barrier()

    lane = lax.iota(jnp.int32, 16)
    ebase0 = wid * (cpw * CHUNK)

    def gather_start(j):
        pltpu.make_async_copy(q_hbm.at[rowi.at[j]], qb, sem).start()
        pltpu.make_async_copy(kv_hbm.at[coli.at[j]], kvb, sem).start()

    def gather_wait(j):
        pltpu.make_async_copy(q_hbm.at[rowi.at[j]], qb, sem).wait()
        pltpu.make_async_copy(kv_hbm.at[coli.at[j]], kvb, sem).wait()

    def compute_scatter(j):
        gbase = ebase0 + j * CHUNK

        def pstep(e, carry2):
            pbuf[pl.ds(e * PSTRIDE, 16)] = (qb[e, pl.ds(0, 16)]
                                            * kvb[e, pl.ds(0, 16)])
            pbuf[pl.ds(e * PSTRIDE + 16, 16)] = (qb[e, pl.ds(16, 16)]
                                                 * kvb[e, pl.ds(16, 16)])
            return carry2

        lax.fori_loop(0, CHUNK, pstep, 0, unroll=16)

        def gstep(g, carry2):
            fidx = (g * 16 + lane) * PSTRIDE
            accs = [jnp.zeros((16,), jnp.float32) for _ in range(4)]
            for h in range(nheads):
                accs[h % 4] = accs[h % 4] + plsc.load_gather(pbuf, [fidx + h])
            w = jnp.exp((accs[0] + accs[1]) + (accs[2] + accs[3]))
            ge = gbase + g * 16 + lane
            w = jnp.where(ge < e_total, w, 0.0)
            wb[pl.ds(g * 16, 16)] = w
            return carry2

        lax.fori_loop(0, CHUNK // 16, gstep, 0, unroll=2)

        def estep(e, carry2):
            we = plsc.load_gather(wb, [jnp.full((16,), e, jnp.int32)])
            vb[e, pl.ds(0, 16)] = kvb[e, pl.ds(nheads, 16)] * we
            vb[e, pl.ds(16, 16)] = kvb[e, pl.ds(nheads + 16, 16)] * we
            return carry2

        lax.fori_loop(0, CHUNK, estep, 0, unroll=16)
        pltpu.sync_copy(vb, num_sp.at[rowi.at[j]], add=True)
        pltpu.sync_copy(wb, den_sp.at[rowi.at[j]], add=True)

    def chunk(j, carry):
        gather_start(j)
        gather_wait(j)
        compute_scatter(j)
        return carry

    lax.fori_loop(0, cpw, chunk, 0)
    plsc.subcore_barrier()
    pltpu.sync_copy(num_sp.at[pl.ds(r0, rpt)], num_hbm.at[c, pl.ds(r0, rpt)])
    pltpu.sync_copy(den_sp.at[pl.ds(r0, rpt)], dbuf.at[pl.ds(0, rpt)])
    half0 = rpt - (rpt // 2 // 8) * 8
    for hbase, hlen in ((0, half0), (half0, rpt - half0)):
        def xstep(r, carry2):
            dv = plsc.load_gather(dbuf, [jnp.full((16,), hbase, jnp.int32) + r])
            vb[r, pl.ds(0, 16)] = dv
            vb[r, pl.ds(16, 16)] = dv
            return carry2

        lax.fori_loop(0, hlen, xstep, 0, unroll=8)
        pltpu.sync_copy(vb.at[pl.ds(0, hlen)],
                        den_hbm.at[c, pl.ds(r0 + hbase, hlen)])


def _combine_body(num_ref, den_ref, out_ref):
    n = num_ref[...]
    d = den_ref[...]
    ns = n[0] + n[1]
    ds = d[0] + d[1]
    ok = ds > 0.0
    safe = jnp.where(ok, ds, 1.0)
    out_ref[...] = jnp.where(ok, ns / safe, 0.0)


def kernel(X, edge_index, Wq, Wk, Wv):
    n, d = X.shape
    h = Wq.shape[1]
    e = edge_index.shape[1]
    inv_dk = 1.0 / math.sqrt(float(h))

    bn = 1000
    grid = (n // bn,)
    wkv = jnp.concatenate([Wk, Wv], axis=1)
    q, kv = pl.pallas_call(
        functools.partial(_proj_body, inv_dk=inv_dk),
        grid=grid,
        in_specs=[
            pl.BlockSpec((bn, d), lambda i: (i, 0)),
            pl.BlockSpec((d, h), lambda i: (0, 0)),
            pl.BlockSpec((d, 2 * h), lambda i: (0, 0)),
        ],
        out_specs=[
            pl.BlockSpec((bn, h), lambda i: (i, 0)),
            pl.BlockSpec((bn, 2 * h), lambda i: (i, 0)),
        ],
        out_shape=[
            jax.ShapeDtypeStruct((n, h), jnp.float32),
            jax.ShapeDtypeStruct((n, 2 * h), jnp.float32),
        ],
    )(X, Wq, wkv)

    cpw = -(-e // (NW * CHUNK))
    e_pad = NW * cpw * CHUNK
    rpt = -(-(-(-n // NS)) // 8) * 8
    n_pad = NS * rpt
    spread = (jnp.arange(e_pad - e, dtype=jnp.int32) * 8) % n
    row = jnp.concatenate([edge_index[0], spread])
    col = jnp.concatenate([edge_index[1], spread])
    zn = jnp.zeros((rpt, h), jnp.float32)
    zd = jnp.zeros((rpt,), jnp.float32)

    mesh = plsc.VectorSubcoreMesh(core_axis_name="c", subcore_axis_name="s",
                                  num_cores=NC, num_subcores=NS)
    edge_fn = pl.kernel(
        functools.partial(_edge_body, e_total=e, cpw=cpw, rpt=rpt, nheads=h),
        out_type=(
            jax.ShapeDtypeStruct((NC, n_pad, h), jnp.float32),
            jax.ShapeDtypeStruct((NC, n_pad, h), jnp.float32),
        ),
        mesh=mesh,
        compiler_params=pltpu.CompilerParams(needs_layout_passes=False,
                                             use_tc_tiling_on_sc=False),
        scratch_types=[
            pltpu.VMEM((cpw, CHUNK), jnp.int32),
            pltpu.VMEM((cpw, CHUNK), jnp.int32),
            pltpu.VMEM((CHUNK, h), jnp.float32),
            pltpu.VMEM((CHUNK, 2 * h), jnp.float32),
            pltpu.VMEM((CHUNK, h), jnp.float32),
            pltpu.VMEM((CHUNK * PSTRIDE + 16,), jnp.float32),
            pltpu.VMEM((CHUNK,), jnp.float32),
            pltpu.VMEM((rpt + 8,), jnp.float32),
            pltpu.VMEM_SHARED((n_pad, h), jnp.float32),
            pltpu.VMEM_SHARED((n_pad,), jnp.float32),
            pltpu.SemaphoreType.DMA,
        ],
    )
    num, den = edge_fn(q, kv, row, col, zn, zd)

    out = pl.pallas_call(
        _combine_body,
        grid=(n // bn,),
        in_specs=[
            pl.BlockSpec((NC, bn, h), lambda i: (0, i, 0)),
            pl.BlockSpec((NC, bn, h), lambda i: (0, i, 0)),
        ],
        out_specs=pl.BlockSpec((bn, h), lambda i: (i, 0)),
        out_shape=jax.ShapeDtypeStruct((n, h), jnp.float32),
    )(num, den)
    return out

# --- scband reference (transcript-rebuilt; emitter-appended) ---
"""Pipeline reference for scband-memory-aggregator-695784702254 (READ-ONLY COPY).

The authoritative reference and input builder live on the scoring server;
editing this copy changes nothing except your own understanding.
"""

import jax, jax.numpy as jnp
import numpy as np
import math

N = 10000
E = 160000
D = 256
H = 32  # head_size = input_size // n_heads = 256 // 8


def setup_inputs(seed: int = 0) -> dict:
    key = jax.random.key(seed)
    k1, k2, k3, k4 = jax.random.split(key, 4)
    X = jax.random.normal(k1, (N, D), dtype=jnp.float32)
    # unique edges (torch.sparse coalesces duplicates; avoid them for exact match)
    rng = np.random.default_rng(0)
    lin = np.unique(rng.integers(0, N * N, size=int(E * 1.3), dtype=np.int64))
    lin = rng.permutation(lin)[:E]
    edge_index = jnp.asarray(np.stack([lin // N, lin % N]).astype(np.int32))
    # torch.nn.Linear default init: U(-1/sqrt(fan_in), 1/sqrt(fan_in)); stored as x @ W with W[D, H]
    s = 1.0 / math.sqrt(D)
    Wq = jax.random.uniform(k2, (D, H), minval=-s, maxval=s, dtype=jnp.float32)
    Wk = jax.random.uniform(k3, (D, H), minval=-s, maxval=s, dtype=jnp.float32)
    Wv = jax.random.uniform(k4, (D, H), minval=-s, maxval=s, dtype=jnp.float32)
    return {"X": X, "edge_index": edge_index, "Wq": Wq, "Wk": Wk, "Wv": Wv}


def reference(X, edge_index, Wq, Wk, Wv):
    n = X.shape[0]
    Q = X @ Wq
    K = X @ Wk
    V = X @ Wv
    row = edge_index[0]
    col = edge_index[1]
    dk = math.sqrt(Q.shape[-1])
    # per-edge attention logits: <Q[row], K[col]> / sqrt(dk)
    scores = jnp.sum(Q[row] * K[col], axis=-1) / dk
    # sparse softmax over dim=1 (per-row over this row's edges)
    row_max = jax.lax.stop_gradient(jax.ops.segment_max(scores, row, num_segments=n))
    row_max = jnp.where(jnp.isfinite(row_max), row_max, 0.0)
    e = jnp.exp(scores - row_max[row])
    denom = jax.ops.segment_sum(e, row, num_segments=n)
    alpha = e / denom[row]
    # sparse_softmax_A @ V  ==  scatter-add of alpha * V[col] into rows
    attention = jax.ops.segment_sum(alpha[:, None] * V[col], row, num_segments=n)
    return attention

if __name__ == "__main__":
    import jax
    _d = setup_inputs()
    print(jax.jit(kernel)(*tuple(_d.values())))

</pallas_src>

<mosaic_0001>
#map = affine_map<(d0, d1) -> (0, 0)>
#map1 = affine_map<(d0, d1) -> (0)>
#map2 = affine_map<(d0, d1) -> (0, 0, 0)>
module attributes {stable_mosaic.version = 14 : i64} {
  func.func @_edge_body(%arg0: i32, %arg1: i32, %arg2: memref<10000x32xf32, #tpu.memory_space<hbm>>, %arg3: memref<10000x64xf32, #tpu.memory_space<hbm>>, %arg4: memref<163840xi32, #tpu.memory_space<hbm>>, %arg5: memref<163840xi32, #tpu.memory_space<hbm>>, %arg6: memref<632x32xf32, #tpu.memory_space<hbm>>, %arg7: memref<632xf32, #tpu.memory_space<hbm>>, %arg8: memref<2x10112x32xf32, #tpu.memory_space<hbm>>, %arg9: memref<2x10112x32xf32, #tpu.memory_space<hbm>>, %arg10: memref<10x512xi32, #tpu.memory_space<vmem>>, %arg11: memref<10x512xi32, #tpu.memory_space<vmem>>, %arg12: memref<512x32xf32, #tpu.memory_space<vmem>>, %arg13: memref<512x64xf32, #tpu.memory_space<vmem>>, %arg14: memref<512x32xf32, #tpu.memory_space<vmem>>, %arg15: memref<16912xf32, #tpu.memory_space<vmem>>, %arg16: memref<512xf32, #tpu.memory_space<vmem>>, %arg17: memref<640xf32, #tpu.memory_space<vmem>>, %arg18: memref<10112x32xf32, #tpu.memory_space<vmem_shared>>, %arg19: memref<10112xf32, #tpu.memory_space<vmem_shared>>, %arg20: memref<!tpu.dma_semaphore, #tpu.memory_space<semaphore_mem>>) attributes {dimension_semantics = [#tpu.dimension_semantics<core_parallel>, #tpu.dimension_semantics<subcore_parallel>], iteration_bounds = array<i64: 2, 16>, scalar_prefetch = 0 : i64, scratch_operands = 11 : i64, tpu.core_type = #tpu.core_type<sc_vector_subcore>, window_params = [{transform_indices = #map}, {transform_indices = #map}, {transform_indices = #map1}, {transform_indices = #map1}, {transform_indices = #map}, {transform_indices = #map1}, {transform_indices = #map2}, {transform_indices = #map2}]} {
    %mul3A = arith.constant 16 : i32
    %mul3A_0 = arith.muli %arg0, %mul3A : i32
    %add3A = arith.addi %mul3A_0, %arg1 : i32
    %mul3A_1 = arith.constant 632 : i32
    %mul3A_2 = arith.muli %arg1, %mul3A_1 : i32
    "tpu.region"() ({
      %run_scoped3A = tpu.sem_alloc : memref<!tpu.dma_semaphore, #tpu.memory_space<semaphore_mem>>
      %dma_start3A_469 = arith.constant 0 : i32
      %dma_start3A_470 = tpu.memref_slice %arg18[%mul3A_2, %dma_start3A_469] : memref<10112x32xf32, #tpu.memory_space<vmem_shared>> -> memref<632x32xf32, #tpu.memory_space<vmem_shared>>
      tpu.enqueue_dma source(%arg6 : memref<632x32xf32, #tpu.memory_space<hbm>>) target(%dma_start3A_470 : memref<632x32xf32, #tpu.memory_space<vmem_shared>>) target_semaphore(%run_scoped3A : memref<!tpu.dma_semaphore, #tpu.memory_space<semaphore_mem>>)
      %dma_wait3A_471 = arith.constant 0 : i32
      %dma_wait3A_472 = tpu.memref_slice %arg18[%mul3A_2, %dma_wait3A_471] : memref<10112x32xf32, #tpu.memory_space<vmem_shared>> -> memref<632x32xf32, #tpu.memory_space<vmem_shared>>
      tpu.wait_dma2 semaphore(%run_scoped3A : memref<!tpu.dma_semaphore, #tpu.memory_space<semaphore_mem>>) src(%arg6 : memref<632x32xf32, #tpu.memory_space<hbm>>) dst(%dma_wait3A_472 : memref<632x32xf32, #tpu.memory_space<vmem_shared>>)
      tpu.yield
    }) : () -> ()
    "tpu.region"() ({
      %run_scoped3A = tpu.sem_alloc : memref<!tpu.dma_semaphore, #tpu.memory_space<semaphore_mem>>
      %dma_start3A_469 = tpu.memref_slice %arg19[%mul3A_2] : memref<10112xf32, #tpu.memory_space<vmem_shared>> -> memref<632xf32, #tpu.memory_space<vmem_shared>>
      tpu.enqueue_dma source(%arg7 : memref<632xf32, #tpu.memory_space<hbm>>) target(%dma_start3A_469 : memref<632xf32, #tpu.memory_space<vmem_shared>>) target_semaphore(%run_scoped3A : memref<!tpu.dma_semaphore, #tpu.memory_space<semaphore_mem>>)
      %dma_wait3A_470 = tpu.memref_slice %arg19[%mul3A_2] : memref<10112xf32, #tpu.memory_space<vmem_shared>> -> memref<632xf32, #tpu.memory_space<vmem_shared>>
      tpu.wait_dma2 semaphore(%run_scoped3A : memref<!tpu.dma_semaphore, #tpu.memory_space<semaphore_mem>>) src(%arg7 : memref<632xf32, #tpu.memory_space<hbm>>) dst(%dma_wait3A_470 : memref<632xf32, #tpu.memory_space<vmem_shared>>)
      tpu.yield
    }) : () -> ()
    %mul3A_3 = arith.constant 10 : i32
    %mul3A_4 = arith.muli %add3A, %mul3A_3 : i32
    %mul3A_5 = arith.constant 512 : i32
    %mul3A_6 = arith.muli %mul3A_4, %mul3A_5 : i32
    %add3A_7 = arith.constant 0 : i32
    %add3A_8 = arith.addi %mul3A_6, %add3A_7 : i32
    %dma_start3A = arith.constant 0 : i32
    %dma_start3A_9 = arith.constant 0 : i32
    %dma_start3A_10 = tpu.memref_slice %arg10[%dma_start3A, %dma_start3A_9] : memref<10x512xi32, #tpu.memory_space<vmem>> -> memref<1x512xi32, #tpu.memory_space<vmem>>
    %dma_start3A_11 = tpu.memref_squeeze %dma_start3A_10 : memref<1x512xi32, #tpu.memory_space<vmem>> -> memref<512xi32, #tpu.memory_space<vmem>>
    %dma_start3A_12 = tpu.memref_slice %arg4[%add3A_8] : memref<163840xi32, #tpu.memory_space<hbm>> -> memref<512xi32, #tpu.memory_space<hbm>>
    %dma_start3A_13 = arith.constant 0 : i32
    %dma_start3A_14 = tpu.memref_slice %arg10[%dma_start3A, %dma_start3A_13] : memref<10x512xi32, #tpu.memory_space<vmem>> -> memref<1x512xi32, #tpu.memory_space<vmem>>
    %dma_start3A_15 = tpu.memref_squeeze %dma_start3A_14 : memref<1x512xi32, #tpu.memory_space<vmem>> -> memref<512xi32, #tpu.memory_space<vmem>>
    %dma_start3A_16 = tpu.memref_slice %arg4[%add3A_8] : memref<163840xi32, #tpu.memory_space<hbm>> -> memref<512xi32, #tpu.memory_space<hbm>>
    tpu.enqueue_dma source(%dma_start3A_16 : memref<512xi32, #tpu.memory_space<hbm>>) target(%dma_start3A_15 : memref<512xi32, #tpu.memory_space<vmem>>) target_semaphore(%arg20 : memref<!tpu.dma_semaphore, #tpu.memory_space<semaphore_mem>>)
    %add3A_17 = arith.constant 0 : i32
    %add3A_18 = arith.addi %mul3A_6, %add3A_17 : i32
    %dma_start3A_19 = arith.constant 0 : i32
    %dma_start3A_20 = arith.constant 0 : i32
    %dma_start3A_21 = tpu.memref_slice %arg11[%dma_start3A_19, %dma_start3A_20] : memref<10x512xi32, #tpu.memory_space<vmem>> -> memref<1x512xi32, #tpu.memory_space<vmem>>
    %dma_start3A_22 = tpu.memref_squeeze %dma_start3A_21 : memref<1x512xi32, #tpu.memory_space<vmem>> -> memref<512xi32, #tpu.memory_space<vmem>>
    %dma_start3A_23 = tpu.memref_slice %arg5[%add3A_18] : memref<163840xi32, #tpu.memory_space<hbm>> -> memref<512xi32, #tpu.memory_space<hbm>>
    %dma_start3A_24 = arith.constant 0 : i32
    %dma_start3A_25 = tpu.memref_slice %arg11[%dma_start3A_19, %dma_start3A_24] : memref<10x512xi32, #tpu.memory_space<vmem>> -> memref<1x512xi32, #tpu.memory_space<vmem>>
    %dma_start3A_26 = tpu.memref_squeeze %dma_start3A_25 : memref<1x512xi32, #tpu.memory_space<vmem>> -> memref<512xi32, #tpu.memory_space<vmem>>
    %dma_start3A_27 = tpu.memref_slice %arg5[%add3A_18] : memref<163840xi32, #tpu.memory_space<hbm>> -> memref<512xi32, #tpu.memory_space<hbm>>
    tpu.enqueue_dma source(%dma_start3A_27 : memref<512xi32, #tpu.memory_space<hbm>>) target(%dma_start3A_26 : memref<512xi32, #tpu.memory_space<vmem>>) target_semaphore(%arg20 : memref<!tpu.dma_semaphore, #tpu.memory_space<semaphore_mem>>)
    %add3A_28 = arith.constant 512 : i32
    %add3A_29 = arith.addi %mul3A_6, %add3A_28 : i32
    %dma_start3A_30 = arith.constant 1 : i32
    %dma_start3A_31 = arith.constant 0 : i32
    %dma_start3A_32 = tpu.memref_slice %arg10[%dma_start3A_30, %dma_start3A_31] : memref<10x512xi32, #tpu.memory_space<vmem>> -> memref<1x512xi32, #tpu.memory_space<vmem>>
    %dma_start3A_33 = tpu.memref_squeeze %dma_start3A_32 : memref<1x512xi32, #tpu.memory_space<vmem>> -> memref<512xi32, #tpu.memory_space<vmem>>
    %dma_start3A_34 = tpu.memref_slice %arg4[%add3A_29] : memref<163840xi32, #tpu.memory_space<hbm>> -> memref<512xi32, #tpu.memory_space<hbm>>
    %dma_start3A_35 = arith.constant 0 : i32
    %dma_start3A_36 = tpu.memref_slice %arg10[%dma_start3A_30, %dma_start3A_35] : memref<10x512xi32, #tpu.memory_space<vmem>> -> memref<1x512xi32, #tpu.memory_space<vmem>>
    %dma_start3A_37 = tpu.memref_squeeze %dma_start3A_36 : memref<1x512xi32, #tpu.memory_space<vmem>> -> memref<512xi32, #tpu.memory_space<vmem>>
    %dma_start3A_38 = tpu.memref_slice %arg4[%add3A_29] : memref<163840xi32, #tpu.memory_space<hbm>> -> memref<512xi32, #tpu.memory_space<hbm>>
    tpu.enqueue_dma source(%dma_start3A_38 : memref<512xi32, #tpu.memory_space<hbm>>) target(%dma_start3A_37 : memref<512xi32, #tpu.memory_space<vmem>>) target_semaphore(%arg20 : memref<!tpu.dma_semaphore, #tpu.memory_space<semaphore_mem>>)
    %add3A_39 = arith.constant 512 : i32
    %add3A_40 = arith.addi %mul3A_6, %add3A_39 : i32
    %dma_start3A_41 = arith.constant 1 : i32
    %dma_start3A_42 = arith.constant 0 : i32
    %dma_start3A_43 = tpu.memref_slice %arg11[%dma_start3A_41, %dma_start3A_42] : memref<10x512xi32, #tpu.memory_space<vmem>> -> memref<1x512xi32, #tpu.memory_space<vmem>>
    %dma_start3A_44 = tpu.memref_squeeze %dma_start3A_43 : memref<1x512xi32, #tpu.memory_space<vmem>> -> memref<512xi32, #tpu.memory_space<vmem>>
    %dma_start3A_45 = tpu.memref_slice %arg5[%add3A_40] : memref<163840xi32, #tpu.memory_space<hbm>> -> memref<512xi32, #tpu.memory_space<hbm>>
    %dma_start3A_46 = arith.constant 0 : i32
    %dma_start3A_47 = tpu.memref_slice %arg11[%dma_start3A_41, %dma_start3A_46] : memref<10x512xi32, #tpu.memory_space<vmem>> -> memref<1x512xi32, #tpu.memory_space<vmem>>
    %dma_start3A_48 = tpu.memref_squeeze %dma_start3A_47 : memref<1x512xi32, #tpu.memory_space<vmem>> -> memref<512xi32, #tpu.memory_space<vmem>>
    %dma_start3A_49 = tpu.memref_slice %arg5[%add3A_40] : memref<163840xi32, #tpu.memory_space<hbm>> -> memref<512xi32, #tpu.memory_space<hbm>>
    tpu.enqueue_dma source(%dma_start3A_49 : memref<512xi32, #tpu.memory_space<hbm>>) target(%dma_start3A_48 : memref<512xi32, #tpu.memory_space<vmem>>) target_semaphore(%arg20 : memref<!tpu.dma_semaphore, #tpu.memory_space<semaphore_mem>>)
    %add3A_50 = arith.constant 1024 : i32
    %add3A_51 = arith.addi %mul3A_6, %add3A_50 : i32
    %dma_start3A_52 = arith.constant 2 : i32
    %dma_start3A_53 = arith.constant 0 : i32
    %dma_start3A_54 = tpu.memref_slice %arg10[%dma_start3A_52, %dma_start3A_53] : memref<10x512xi32, #tpu.memory_space<vmem>> -> memref<1x512xi32, #tpu.memory_space<vmem>>
    %dma_start3A_55 = tpu.memref_squeeze %dma_start3A_54 : memref<1x512xi32, #tpu.memory_space<vmem>> -> memref<512xi32, #tpu.memory_space<vmem>>
    %dma_start3A_56 = tpu.memref_slice %arg4[%add3A_51] : memref<163840xi32, #tpu.memory_space<hbm>> -> memref<512xi32, #tpu.memory_space<hbm>>
    %dma_start3A_57 = arith.constant 0 : i32
    %dma_start3A_58 = tpu.memref_slice %arg10[%dma_start3A_52, %dma_start3A_57] : memref<10x512xi32, #tpu.memory_space<vmem>> -> memref<1x512xi32, #tpu.memory_space<vmem>>
    %dma_start3A_59 = tpu.memref_squeeze %dma_start3A_58 : memref<1x512xi32, #tpu.memory_space<vmem>> -> memref<512xi32, #tpu.memory_space<vmem>>
    %dma_start3A_60 = tpu.memref_slice %arg4[%add3A_51] : memref<163840xi32, #tpu.memory_space<hbm>> -> memref<512xi32, #tpu.memory_space<hbm>>
    tpu.enqueue_dma source(%dma_start3A_60 : memref<512xi32, #tpu.memory_space<hbm>>) target(%dma_start3A_59 : memref<512xi32, #tpu.memory_space<vmem>>) target_semaphore(%arg20 : memref<!tpu.dma_semaphore, #tpu.memory_space<semaphore_mem>>)
    %add3A_61 = arith.constant 1024 : i32
    %add3A_62 = arith.addi %mul3A_6, %add3A_61 : i32
    %dma_start3A_63 = arith.constant 2 : i32
    %dma_start3A_64 = arith.constant 0 : i32
    %dma_start3A_65 = tpu.memref_slice %arg11[%dma_start3A_63, %dma_start3A_64] : memref<10x512xi32, #tpu.memory_space<vmem>> -> memref<1x512xi32, #tpu.memory_space<vmem>>
    %dma_start3A_66 = tpu.memref_squeeze %dma_start3A_65 : memref<1x512xi32, #tpu.memory_space<vmem>> -> memref<512xi32, #tpu.memory_space<vmem>>
    %dma_start3A_67 = tpu.memref_slice %arg5[%add3A_62] : memref<163840xi32, #tpu.memory_space<hbm>> -> memref<512xi32, #tpu.memory_space<hbm>>
    %dma_start3A_68 = arith.constant 0 : i32
    %dma_start3A_69 = tpu.memref_slice %arg11[%dma_start3A_63, %dma_start3A_68] : memref<10x512xi32, #tpu.memory_space<vmem>> -> memref<1x512xi32, #tpu.memory_space<vmem>>
    %dma_start3A_70 = tpu.memref_squeeze %dma_start3A_69 : memref<1x512xi32, #tpu.memory_space<vmem>> -> memref<512xi32, #tpu.memory_space<vmem>>
    %dma_start3A_71 = tpu.memref_slice %arg5[%add3A_62] : memref<163840xi32, #tpu.memory_space<hbm>> -> memref<512xi32, #tpu.memory_space<hbm>>
    tpu.enqueue_dma source(%dma_start3A_71 : memref<512xi32, #tpu.memory_space<hbm>>) target(%dma_start3A_70 : memref<512xi32, #tpu.memory_space<vmem>>) target_semaphore(%arg20 : memref<!tpu.dma_semaphore, #tpu.memory_space<semaphore_mem>>)
    %add3A_72 = arith.constant 1536 : i32
    %add3A_73 = arith.addi %mul3A_6, %add3A_72 : i32
    %dma_start3A_74 = arith.constant 3 : i32
    %dma_start3A_75 = arith.constant 0 : i32
    %dma_start3A_76 = tpu.memref_slice %arg10[%dma_start3A_74, %dma_start3A_75] : memref<10x512xi32, #tpu.memory_space<vmem>> -> memref<1x512xi32, #tpu.memory_space<vmem>>
    %dma_start3A_77 = tpu.memref_squeeze %dma_start3A_76 : memref<1x512xi32, #tpu.memory_space<vmem>> -> memref<512xi32, #tpu.memory_space<vmem>>
    %dma_start3A_78 = tpu.memref_slice %arg4[%add3A_73] : memref<163840xi32, #tpu.memory_space<hbm>> -> memref<512xi32, #tpu.memory_space<hbm>>
    %dma_start3A_79 = arith.constant 0 : i32
    %dma_start3A_80 = tpu.memref_slice %arg10[%dma_start3A_74, %dma_start3A_79] : memref<10x512xi32, #tpu.memory_space<vmem>> -> memref<1x512xi32, #tpu.memory_space<vmem>>
    %dma_start3A_81 = tpu.memref_squeeze %dma_start3A_80 : memref<1x512xi32, #tpu.memory_space<vmem>> -> memref<512xi32, #tpu.memory_space<vmem>>
    %dma_start3A_82 = tpu.memref_slice %arg4[%add3A_73] : memref<163840xi32, #tpu.memory_space<hbm>> -> memref<512xi32, #tpu.memory_space<hbm>>
    tpu.enqueue_dma source(%dma_start3A_82 : memref<512xi32, #tpu.memory_space<hbm>>) target(%dma_start3A_81 : memref<512xi32, #tpu.memory_space<vmem>>) target_semaphore(%arg20 : memref<!tpu.dma_semaphore, #tpu.memory_space<semaphore_mem>>)
    %add3A_83 = arith.constant 1536 : i32
    %add3A_84 = arith.addi %mul3A_6, %add3A_83 : i32
    %dma_start3A_85 = arith.constant 3 : i32
    %dma_start3A_86 = arith.constant 0 : i32
    %dma_start3A_87 = tpu.memref_slice %arg11[%dma_start3A_85, %dma_start3A_86] : memref<10x512xi32, #tpu.memory_space<vmem>> -> memref<1x512xi32, #tpu.memory_space<vmem>>
    %dma_start3A_88 = tpu.memref_squeeze %dma_start3A_87 : memref<1x512xi32, #tpu.memory_space<vmem>> -> memref<512xi32, #tpu.memory_space<vmem>>
    %dma_start3A_89 = tpu.memref_slice %arg5[%add3A_84] : memref<163840xi32, #tpu.memory_space<hbm>> -> memref<512xi32, #tpu.memory_space<hbm>>
    %dma_start3A_90 = arith.constant 0 : i32
    %dma_start3A_91 = tpu.memref_slice %arg11[%dma_start3A_85, %dma_start3A_90] : memref<10x512xi32, #tpu.memory_space<vmem>> -> memref<1x512xi32, #tpu.memory_space<vmem>>
    %dma_start3A_92 = tpu.memref_squeeze %dma_start3A_91 : memref<1x512xi32, #tpu.memory_space<vmem>> -> memref<512xi32, #tpu.memory_space<vmem>>
    %dma_start3A_93 = tpu.memref_slice %arg5[%add3A_84] : memref<163840xi32, #tpu.memory_space<hbm>> -> memref<512xi32, #tpu.memory_space<hbm>>
    tpu.enqueue_dma source(%dma_start3A_93 : memref<512xi32, #tpu.memory_space<hbm>>) target(%dma_start3A_92 : memref<512xi32, #tpu.memory_space<vmem>>) target_semaphore(%arg20 : memref<!tpu.dma_semaphore, #tpu.memory_space<semaphore_mem>>)
    %add3A_94 = arith.constant 2048 : i32
    %add3A_95 = arith.addi %mul3A_6, %add3A_94 : i32
    %dma_start3A_96 = arith.constant 4 : i32
    %dma_start3A_97 = arith.constant 0 : i32
    %dma_start3A_98 = tpu.memref_slice %arg10[%dma_start3A_96, %dma_start3A_97] : memref<10x512xi32, #tpu.memory_space<vmem>> -> memref<1x512xi32, #tpu.memory_space<vmem>>
    %dma_start3A_99 = tpu.memref_squeeze %dma_start3A_98 : memref<1x512xi32, #tpu.memory_space<vmem>> -> memref<512xi32, #tpu.memory_space<vmem>>
    %dma_start3A_100 = tpu.memref_slice %arg4[%add3A_95] : memref<163840xi32, #tpu.memory_space<hbm>> -> memref<512xi32, #tpu.memory_space<hbm>>
    %dma_start3A_101 = arith.constant 0 : i32
    %dma_start3A_102 = tpu.memref_slice %arg10[%dma_start3A_96, %dma_start3A_101] : memref<10x512xi32, #tpu.memory_space<vmem>> -> memref<1x512xi32, #tpu.memory_space<vmem>>
    %dma_start3A_103 = tpu.memref_squeeze %dma_start3A_102 : memref<1x512xi32, #tpu.memory_space<vmem>> -> memref<512xi32, #tpu.memory_space<vmem>>
    %dma_start3A_104 = tpu.memref_slice %arg4[%add3A_95] : memref<163840xi32, #tpu.memory_space<hbm>> -> memref<512xi32, #tpu.memory_space<hbm>>
    tpu.enqueue_dma source(%dma_start3A_104 : memref<512xi32, #tpu.memory_space<hbm>>) target(%dma_start3A_103 : memref<512xi32, #tpu.memory_space<vmem>>) target_semaphore(%arg20 : memref<!tpu.dma_semaphore, #tpu.memory_space<semaphore_mem>>)
    %add3A_105 = arith.constant 2048 : i32
    %add3A_106 = arith.addi %mul3A_6, %add3A_105 : i32
    %dma_start3A_107 = arith.constant 4 : i32
    %dma_start3A_108 = arith.constant 0 : i32
    %dma_start3A_109 = tpu.memref_slice %arg11[%dma_start3A_107, %dma_start3A_108] : memref<10x512xi32, #tpu.memory_space<vmem>> -> memref<1x512xi32, #tpu.memory_space<vmem>>
    %dma_start3A_110 = tpu.memref_squeeze %dma_start3A_109 : memref<1x512xi32, #tpu.memory_space<vmem>> -> memref<512xi32, #tpu.memory_space<vmem>>
    %dma_start3A_111 = tpu.memref_slice %arg5[%add3A_106] : memref<163840xi32, #tpu.memory_space<hbm>> -> memref<512xi32, #tpu.memory_space<hbm>>
    %dma_start3A_112 = arith.constant 0 : i32
    %dma_start3A_113 = tpu.memref_slice %arg11[%dma_start3A_107, %dma_start3A_112] : memref<10x512xi32, #tpu.memory_space<vmem>> -> memref<1x512xi32, #tpu.memory_space<vmem>>
    %dma_start3A_114 = tpu.memref_squeeze %dma_start3A_113 : memref<1x512xi32, #tpu.memory_space<vmem>> -> memref<512xi32, #tpu.memory_space<vmem>>
    %dma_start3A_115 = tpu.memref_slice %arg5[%add3A_106] : memref<163840xi32, #tpu.memory_space<hbm>> -> memref<512xi32, #tpu.memory_space<hbm>>
    tpu.enqueue_dma source(%dma_start3A_115 : memref<512xi32, #tpu.memory_space<hbm>>) target(%dma_start3A_114 : memref<512xi32, #tpu.memory_space<vmem>>) target_semaphore(%arg20 : memref<!tpu.dma_semaphore, #tpu.memory_space<semaphore_mem>>)
    %add3A_116 = arith.constant 2560 : i32
    %add3A_117 = arith.addi %mul3A_6, %add3A_116 : i32
    %dma_start3A_118 = arith.constant 5 : i32
    %dma_start3A_119 = arith.constant 0 : i32
    %dma_start3A_120 = tpu.memref_slice %arg10[%dma_start3A_118, %dma_start3A_119] : memref<10x512xi32, #tpu.memory_space<vmem>> -> memref<1x512xi32, #tpu.memory_space<vmem>>
    %dma_start3A_121 = tpu.memref_squeeze %dma_start3A_120 : memref<1x512xi32, #tpu.memory_space<vmem>> -> memref<512xi32, #tpu.memory_space<vmem>>
    %dma_start3A_122 = tpu.memref_slice %arg4[%add3A_117] : memref<163840xi32, #tpu.memory_space<hbm>> -> memref<512xi32, #tpu.memory_space<hbm>>
    %dma_start3A_123 = arith.constant 0 : i32
    %dma_start3A_124 = tpu.memref_slice %arg10[%dma_start3A_118, %dma_start3A_123] : memref<10x512xi32, #tpu.memory_space<vmem>> -> memref<1x512xi32, #tpu.memory_space<vmem>>
    %dma_start3A_125 = tpu.memref_squeeze %dma_start3A_124 : memref<1x512xi32, #tpu.memory_space<vmem>> -> memref<512xi32, #tpu.memory_space<vmem>>
    %dma_start3A_126 = tpu.memref_slice %arg4[%add3A_117] : memref<163840xi32, #tpu.memory_space<hbm>> -> memref<512xi32, #tpu.memory_space<hbm>>
    tpu.enqueue_dma source(%dma_start3A_126 : memref<512xi32, #tpu.memory_space<hbm>>) target(%dma_start3A_125 : memref<512xi32, #tpu.memory_space<vmem>>) target_semaphore(%arg20 : memref<!tpu.dma_semaphore, #tpu.memory_space<semaphore_mem>>)
    %add3A_127 = arith.constant 2560 : i32
    %add3A_128 = arith.addi %mul3A_6, %add3A_127 : i32
    %dma_start3A_129 = arith.constant 5 : i32
    %dma_start3A_130 = arith.constant 0 : i32
    %dma_start3A_131 = tpu.memref_slice %arg11[%dma_start3A_129, %dma_start3A_130] : memref<10x512xi32, #tpu.memory_space<vmem>> -> memref<1x512xi32, #tpu.memory_space<vmem>>
    %dma_start3A_132 = tpu.memref_squeeze %dma_start3A_131 : memref<1x512xi32, #tpu.memory_space<vmem>> -> memref<512xi32, #tpu.memory_space<vmem>>
    %dma_start3A_133 = tpu.memref_slice %arg5[%add3A_128] : memref<163840xi32, #tpu.memory_space<hbm>> -> memref<512xi32, #tpu.memory_space<hbm>>
    %dma_start3A_134 = arith.constant 0 : i32
    %dma_start3A_135 = tpu.memref_slice %arg11[%dma_start3A_129, %dma_start3A_134] : memref<10x512xi32, #tpu.memory_space<vmem>> -> memref<1x512xi32, #tpu.memory_space<vmem>>
    %dma_start3A_136 = tpu.memref_squeeze %dma_start3A_135 : memref<1x512xi32, #tpu.memory_space<vmem>> -> memref<512xi32, #tpu.memory_space<vmem>>
    %dma_start3A_137 = tpu.memref_slice %arg5[%add3A_128] : memref<163840xi32, #tpu.memory_space<hbm>> -> memref<512xi32, #tpu.memory_space<hbm>>
    tpu.enqueue_dma source(%dma_start3A_137 : memref<512xi32, #tpu.memory_space<hbm>>) target(%dma_start3A_136 : memref<512xi32, #tpu.memory_space<vmem>>) target_semaphore(%arg20 : memref<!tpu.dma_semaphore, #tpu.memory_space<semaphore_mem>>)
    %add3A_138 = arith.constant 3072 : i32
    %add3A_139 = arith.addi %mul3A_6, %add3A_138 : i32
    %dma_start3A_140 = arith.constant 6 : i32
    %dma_start3A_141 = arith.constant 0 : i32
    %dma_start3A_142 = tpu.memref_slice %arg10[%dma_start3A_140, %dma_start3A_141] : memref<10x512xi32, #tpu.memory_space<vmem>> -> memref<1x512xi32, #tpu.memory_space<vmem>>
    %dma_start3A_143 = tpu.memref_squeeze %dma_start3A_142 : memref<1x512xi32, #tpu.memory_space<vmem>> -> memref<512xi32, #tpu.memory_space<vmem>>
    %dma_start3A_144 = tpu.memref_slice %arg4[%add3A_139] : memref<163840xi32, #tpu.memory_space<hbm>> -> memref<512xi32, #tpu.memory_space<hbm>>
    %dma_start3A_145 = arith.constant 0 : i32
    %dma_start3A_146 = tpu.memref_slice %arg10[%dma_start3A_140, %dma_start3A_145] : memref<10x512xi32, #tpu.memory_space<vmem>> -> memref<1x512xi32, #tpu.memory_space<vmem>>
    %dma_start3A_147 = tpu.memref_squeeze %dma_start3A_146 : memref<1x512xi32, #tpu.memory_space<vmem>> -> memref<512xi32, #tpu.memory_space<vmem>>
    %dma_start3A_148 = tpu.memref_slice %arg4[%add3A_139] : memref<163840xi32, #tpu.memory_space<hbm>> -> memref<512xi32, #tpu.memory_space<hbm>>
    tpu.enqueue_dma source(%dma_start3A_148 : memref<512xi32, #tpu.memory_space<hbm>>) target(%dma_start3A_147 : memref<512xi32, #tpu.memory_space<vmem>>) target_semaphore(%arg20 : memref<!tpu.dma_semaphore, #tpu.memory_space<semaphore_mem>>)
    %add3A_149 = arith.constant 3072 : i32
    %add3A_150 = arith.addi %mul3A_6, %add3A_149 : i32
    %dma_start3A_151 = arith.constant 6 : i32
    %dma_start3A_152 = arith.constant 0 : i32
    %dma_start3A_153 = tpu.memref_slice %arg11[%dma_start3A_151, %dma_start3A_152] : memref<10x512xi32, #tpu.memory_space<vmem>> -> memref<1x512xi32, #tpu.memory_space<vmem>>
    %dma_start3A_154 = tpu.memref_squeeze %dma_start3A_153 : memref<1x512xi32, #tpu.memory_space<vmem>> -> memref<512xi32, #tpu.memory_space<vmem>>
    %dma_start3A_155 = tpu.memref_slice %arg5[%add3A_150] : memref<163840xi32, #tpu.memory_space<hbm>> -> memref<512xi32, #tpu.memory_space<hbm>>
    %dma_start3A_156 = arith.constant 0 : i32
    %dma_start3A_157 = tpu.memref_slice %arg11[%dma_start3A_151, %dma_start3A_156] : memref<10x512xi32, #tpu.memory_space<vmem>> -> memref<1x512xi32, #tpu.memory_space<vmem>>
    %dma_start3A_158 = tpu.memref_squeeze %dma_start3A_157 : memref<1x512xi32, #tpu.memory_space<vmem>> -> memref<512xi32, #tpu.memory_space<vmem>>
    %dma_start3A_159 = tpu.memref_slice %arg5[%add3A_150] : memref<163840xi32, #tpu.memory_space<hbm>> -> memref<512xi32, #tpu.memory_space<hbm>>
    tpu.enqueue_dma source(%dma_start3A_159 : memref<512xi32, #tpu.memory_space<hbm>>) target(%dma_start3A_158 : memref<512xi32, #tpu.memory_space<vmem>>) target_semaphore(%arg20 : memref<!tpu.dma_semaphore, #tpu.memory_space<semaphore_mem>>)
    %add3A_160 = arith.constant 3584 : i32
    %add3A_161 = arith.addi %mul3A_6, %add3A_160 : i32
    %dma_start3A_162 = arith.constant 7 : i32
    %dma_start3A_163 = arith.constant 0 : i32
    %dma_start3A_164 = tpu.memref_slice %arg10[%dma_start3A_162, %dma_start3A_163] : memref<10x512xi32, #tpu.memory_space<vmem>> -> memref<1x512xi32, #tpu.memory_space<vmem>>
    %dma_start3A_165 = tpu.memref_squeeze %dma_start3A_164 : memref<1x512xi32, #tpu.memory_space<vmem>> -> memref<512xi32, #tpu.memory_space<vmem>>
    %dma_start3A_166 = tpu.memref_slice %arg4[%add3A_161] : memref<163840xi32, #tpu.memory_space<hbm>> -> memref<512xi32, #tpu.memory_space<hbm>>
    %dma_start3A_167 = arith.constant 0 : i32
    %dma_start3A_168 = tpu.memref_slice %arg10[%dma_start3A_162, %dma_start3A_167] : memref<10x512xi32, #tpu.memory_space<vmem>> -> memref<1x512xi32, #tpu.memory_space<vmem>>
    %dma_start3A_169 = tpu.memref_squeeze %dma_start3A_168 : memref<1x512xi32, #tpu.memory_space<vmem>> -> memref<512xi32, #tpu.memory_space<vmem>>
    %dma_start3A_170 = tpu.memref_slice %arg4[%add3A_161] : memref<163840xi32, #tpu.memory_space<hbm>> -> memref<512xi32, #tpu.memory_space<hbm>>
    tpu.enqueue_dma source(%dma_start3A_170 : memref<512xi32, #tpu.memory_space<hbm>>) target(%dma_start3A_169 : memref<512xi32, #tpu.memory_space<vmem>>) target_semaphore(%arg20 : memref<!tpu.dma_semaphore, #tpu.memory_space<semaphore_mem>>)
    %add3A_171 = arith.constant 3584 : i32
    %add3A_172 = arith.addi %mul3A_6, %add3A_171 : i32
    %dma_start3A_173 = arith.constant 7 : i32
    %dma_start3A_174 = arith.constant 0 : i32
    %dma_start3A_175 = tpu.memref_slice %arg11[%dma_start3A_173, %dma_start3A_174] : memref<10x512xi32, #tpu.memory_space<vmem>> -> memref<1x512xi32, #tpu.memory_space<vmem>>
    %dma_start3A_176 = tpu.memref_squeeze %dma_start3A_175 : memref<1x512xi32, #tpu.memory_space<vmem>> -> memref<512xi32, #tpu.memory_space<vmem>>
    %dma_start3A_177 = tpu.memref_slice %arg5[%add3A_172] : memref<163840xi32, #tpu.memory_space<hbm>> -> memref<512xi32, #tpu.memory_space<hbm>>
    %dma_start3A_178 = arith.constant 0 : i32
    %dma_start3A_179 = tpu.memref_slice %arg11[%dma_start3A_173, %dma_start3A_178] : memref<10x512xi32, #tpu.memory_space<vmem>> -> memref<1x512xi32, #tpu.memory_space<vmem>>
    %dma_start3A_180 = tpu.memref_squeeze %dma_start3A_179 : memref<1x512xi32, #tpu.memory_space<vmem>> -> memref<512xi32, #tpu.memory_space<vmem>>
    %dma_start3A_181 = tpu.memref_slice %arg5[%add3A_172] : memref<163840xi32, #tpu.memory_space<hbm>> -> memref<512xi32, #tpu.memory_space<hbm>>
    tpu.enqueue_dma source(%dma_start3A_181 : memref<512xi32, #tpu.memory_space<hbm>>) target(%dma_start3A_180 : memref<512xi32, #tpu.memory_space<vmem>>) target_semaphore(%arg20 : memref<!tpu.dma_semaphore, #tpu.memory_space<semaphore_mem>>)
    %add3A_182 = arith.constant 4096 : i32
    %add3A_183 = arith.addi %mul3A_6, %add3A_182 : i32
    %dma_start3A_184 = arith.constant 8 : i32
    %dma_start3A_185 = arith.constant 0 : i32
    %dma_start3A_186 = tpu.memref_slice %arg10[%dma_start3A_184, %dma_start3A_185] : memref<10x512xi32, #tpu.memory_space<vmem>> -> memref<1x512xi32, #tpu.memory_space<vmem>>
    %dma_start3A_187 = tpu.memref_squeeze %dma_start3A_186 : memref<1x512xi32, #tpu.memory_space<vmem>> -> memref<512xi32, #tpu.memory_space<vmem>>
    %dma_start3A_188 = tpu.memref_slice %arg4[%add3A_183] : memref<163840xi32, #tpu.memory_space<hbm>> -> memref<512xi32, #tpu.memory_space<hbm>>
    %dma_start3A_189 = arith.constant 0 : i32
    %dma_start3A_190 = tpu.memref_slice %arg10[%dma_start3A_184, %dma_start3A_189] : memref<10x512xi32, #tpu.memory_space<vmem>> -> memref<1x512xi32, #tpu.memory_space<vmem>>
    %dma_start3A_191 = tpu.memref_squeeze %dma_start3A_190 : memref<1x512xi32, #tpu.memory_space<vmem>> -> memref<512xi32, #tpu.memory_space<vmem>>
    %dma_start3A_192 = tpu.memref_slice %arg4[%add3A_183] : memref<163840xi32, #tpu.memory_space<hbm>> -> memref<512xi32, #tpu.memory_space<hbm>>
    tpu.enqueue_dma source(%dma_start3A_192 : memref<512xi32, #tpu.memory_space<hbm>>) target(%dma_start3A_191 : memref<512xi32, #tpu.memory_space<vmem>>) target_semaphore(%arg20 : memref<!tpu.dma_semaphore, #tpu.memory_space<semaphore_mem>>)
    %add3A_193 = arith.constant 4096 : i32
    %add3A_194 = arith.addi %mul3A_6, %add3A_193 : i32
    %dma_start3A_195 = arith.constant 8 : i32
    %dma_start3A_196 = arith.constant 0 : i32
    %dma_start3A_197 = tpu.memref_slice %arg11[%dma_start3A_195, %dma_start3A_196] : memref<10x512xi32, #tpu.memory_space<vmem>> -> memref<1x512xi32, #tpu.memory_space<vmem>>
    %dma_start3A_198 = tpu.memref_squeeze %dma_start3A_197 : memref<1x512xi32, #tpu.memory_space<vmem>> -> memref<512xi32, #tpu.memory_space<vmem>>
    %dma_start3A_199 = tpu.memref_slice %arg5[%add3A_194] : memref<163840xi32, #tpu.memory_space<hbm>> -> memref<512xi32, #tpu.memory_space<hbm>>
    %dma_start3A_200 = arith.constant 0 : i32
    %dma_start3A_201 = tpu.memref_slice %arg11[%dma_start3A_195, %dma_start3A_200] : memref<10x512xi32, #tpu.memory_space<vmem>> -> memref<1x512xi32, #tpu.memory_space<vmem>>
    %dma_start3A_202 = tpu.memref_squeeze %dma_start3A_201 : memref<1x512xi32, #tpu.memory_space<vmem>> -> memref<512xi32, #tpu.memory_space<vmem>>
    %dma_start3A_203 = tpu.memref_slice %arg5[%add3A_194] : memref<163840xi32, #tpu.memory_space<hbm>> -> memref<512xi32, #tpu.memory_space<hbm>>
    tpu.enqueue_dma source(%dma_start3A_203 : memref<512xi32, #tpu.memory_space<hbm>>) target(%dma_start3A_202 : memref<512xi32, #tpu.memory_space<vmem>>) target_semaphore(%arg20 : memref<!tpu.dma_semaphore, #tpu.memory_space<semaphore_mem>>)
    %add3A_204 = arith.constant 4608 : i32
    %add3A_205 = arith.addi %mul3A_6, %add3A_204 : i32
    %dma_start3A_206 = arith.constant 9 : i32
    %dma_start3A_207 = arith.constant 0 : i32
    %dma_start3A_208 = tpu.memref_slice %arg10[%dma_start3A_206, %dma_start3A_207] : memref<10x512xi32, #tpu.memory_space<vmem>> -> memref<1x512xi32, #tpu.memory_space<vmem>>
    %dma_start3A_209 = tpu.memref_squeeze %dma_start3A_208 : memref<1x512xi32, #tpu.memory_space<vmem>> -> memref<512xi32, #tpu.memory_space<vmem>>
    %dma_start3A_210 = tpu.memref_slice %arg4[%add3A_205] : memref<163840xi32, #tpu.memory_space<hbm>> -> memref<512xi32, #tpu.memory_space<hbm>>
    %dma_start3A_211 = arith.constant 0 : i32
    %dma_start3A_212 = tpu.memref_slice %arg10[%dma_start3A_206, %dma_start3A_211] : memref<10x512xi32, #tpu.memory_space<vmem>> -> memref<1x512xi32, #tpu.memory_space<vmem>>
    %dma_start3A_213 = tpu.memref_squeeze %dma_start3A_212 : memref<1x512xi32, #tpu.memory_space<vmem>> -> memref<512xi32, #tpu.memory_space<vmem>>
    %dma_start3A_214 = tpu.memref_slice %arg4[%add3A_205] : memref<163840xi32, #tpu.memory_space<hbm>> -> memref<512xi32, #tpu.memory_space<hbm>>
    tpu.enqueue_dma source(%dma_start3A_214 : memref<512xi32, #tpu.memory_space<hbm>>) target(%dma_start3A_213 : memref<512xi32, #tpu.memory_space<vmem>>) target_semaphore(%arg20 : memref<!tpu.dma_semaphore, #tpu.memory_space<semaphore_mem>>)
    %add3A_215 = arith.constant 4608 : i32
    %add3A_216 = arith.addi %mul3A_6, %add3A_215 : i32
    %dma_start3A_217 = arith.constant 9 : i32
    %dma_start3A_218 = arith.constant 0 : i32
    %dma_start3A_219 = tpu.memref_slice %arg11[%dma_start3A_217, %dma_start3A_218] : memref<10x512xi32, #tpu.memory_space<vmem>> -> memref<1x512xi32, #tpu.memory_space<vmem>>
    %dma_start3A_220 = tpu.memref_squeeze %dma_start3A_219 : memref<1x512xi32, #tpu.memory_space<vmem>> -> memref<512xi32, #tpu.memory_space<vmem>>
    %dma_start3A_221 = tpu.memref_slice %arg5[%add3A_216] : memref<163840xi32, #tpu.memory_space<hbm>> -> memref<512xi32, #tpu.memory_space<hbm>>
    %dma_start3A_222 = arith.constant 0 : i32
    %dma_start3A_223 = tpu.memref_slice %arg11[%dma_start3A_217, %dma_start3A_222] : memref<10x512xi32, #tpu.memory_space<vmem>> -> memref<1x512xi32, #tpu.memory_space<vmem>>
    %dma_start3A_224 = tpu.memref_squeeze %dma_start3A_223 : memref<1x512xi32, #tpu.memory_space<vmem>> -> memref<512xi32, #tpu.memory_space<vmem>>
    %dma_start3A_225 = tpu.memref_slice %arg5[%add3A_216] : memref<163840xi32, #tpu.memory_space<hbm>> -> memref<512xi32, #tpu.memory_space<hbm>>
    tpu.enqueue_dma source(%dma_start3A_225 : memref<512xi32, #tpu.memory_space<hbm>>) target(%dma_start3A_224 : memref<512xi32, #tpu.memory_space<vmem>>) target_semaphore(%arg20 : memref<!tpu.dma_semaphore, #tpu.memory_space<semaphore_mem>>)
    %add3A_226 = arith.constant 0 : i32
    %add3A_227 = arith.addi %mul3A_6, %add3A_226 : i32
    %dma_wait3A = arith.constant 0 : i32
    %dma_wait3A_228 = arith.constant 0 : i32
    %dma_wait3A_229 = tpu.memref_slice %arg10[%dma_wait3A, %dma_wait3A_228] : memref<10x512xi32, #tpu.memory_space<vmem>> -> memref<1x512xi32, #tpu.memory_space<vmem>>
    %dma_wait3A_230 = tpu.memref_squeeze %dma_wait3A_229 : memref<1x512xi32, #tpu.memory_space<vmem>> -> memref<512xi32, #tpu.memory_space<vmem>>
    %dma_wait3A_231 = tpu.memref_slice %arg4[%add3A_227] : memref<163840xi32, #tpu.memory_space<hbm>> -> memref<512xi32, #tpu.memory_space<hbm>>
    %dma_wait3A_232 = arith.constant 0 : i32
    %dma_wait3A_233 = tpu.memref_slice %arg10[%dma_wait3A, %dma_wait3A_232] : memref<10x512xi32, #tpu.memory_space<vmem>> -> memref<1x512xi32, #tpu.memory_space<vmem>>
    %dma_wait3A_234 = tpu.memref_squeeze %dma_wait3A_233 : memref<1x512xi32, #tpu.memory_space<vmem>> -> memref<512xi32, #tpu.memory_space<vmem>>
    %dma_wait3A_235 = tpu.memref_slice %arg4[%add3A_227] : memref<163840xi32, #tpu.memory_space<hbm>> -> memref<512xi32, #tpu.memory_space<hbm>>
    tpu.wait_dma2 semaphore(%arg20 : memref<!tpu.dma_semaphore, #tpu.memory_space<semaphore_mem>>) src(%dma_wait3A_235 : memref<512xi32, #tpu.memory_space<hbm>>) dst(%dma_wait3A_234 : memref<512xi32, #tpu.memory_space<vmem>>)
    %add3A_236 = arith.constant 0 : i32
    %add3A_237 = arith.addi %mul3A_6, %add3A_236 : i32
    %dma_wait3A_238 = arith.constant 0 : i32
    %dma_wait3A_239 = arith.constant 0 : i32
    %dma_wait3A_240 = tpu.memref_slice %arg11[%dma_wait3A_238, %dma_wait3A_239] : memref<10x512xi32, #tpu.memory_space<vmem>> -> memref<1x512xi32, #tpu.memory_space<vmem>>
    %dma_wait3A_241 = tpu.memref_squeeze %dma_wait3A_240 : memref<1x512xi32, #tpu.memory_space<vmem>> -> memref<512xi32, #tpu.memory_space<vmem>>
    %dma_wait3A_242 = tpu.memref_slice %arg5[%add3A_237] : memref<163840xi32, #tpu.memory_space<hbm>> -> memref<512xi32, #tpu.memory_space<hbm>>
    %dma_wait3A_243 = arith.constant 0 : i32
    %dma_wait3A_244 = tpu.memref_slice %arg11[%dma_wait3A_238, %dma_wait3A_243] : memref<10x512xi32, #tpu.memory_space<vmem>> -> memref<1x512xi32, #tpu.memory_space<vmem>>
    %dma_wait3A_245 = tpu.memref_squeeze %dma_wait3A_244 : memref<1x512xi32, #tpu.memory_space<vmem>> -> memref<512xi32, #tpu.memory_space<vmem>>
    %dma_wait3A_246 = tpu.memref_slice %arg5[%add3A_237] : memref<163840xi32, #tpu.memory_space<hbm>> -> memref<512xi32, #tpu.memory_space<hbm>>
    tpu.wait_dma2 semaphore(%arg20 : memref<!tpu.dma_semaphore, #tpu.memory_space<semaphore_mem>>) src(%dma_wait3A_246 : memref<512xi32, #tpu.memory_space<hbm>>) dst(%dma_wait3A_245 : memref<512xi32, #tpu.memory_space<vmem>>)
    %add3A_247 = arith.constant 512 : i32
    %add3A_248 = arith.addi %mul3A_6, %add3A_247 : i32
    %dma_wait3A_249 = arith.constant 1 : i32
    %dma_wait3A_250 = arith.constant 0 : i32
    %dma_wait3A_251 = tpu.memref_slice %arg10[%dma_wait3A_249, %dma_wait3A_250] : memref<10x512xi32, #tpu.memory_space<vmem>> -> memref<1x512xi32, #tpu.memory_space<vmem>>
    %dma_wait3A_252 = tpu.memref_squeeze %dma_wait3A_251 : memref<1x512xi32, #tpu.memory_space<vmem>> -> memref<512xi32, #tpu.memory_space<vmem>>
    %dma_wait3A_253 = tpu.memref_slice %arg4[%add3A_248] : memref<163840xi32, #tpu.memory_space<hbm>> -> memref<512xi32, #tpu.memory_space<hbm>>
    %dma_wait3A_254 = arith.constant 0 : i32
    %dma_wait3A_255 = tpu.memref_slice %arg10[%dma_wait3A_249, %dma_wait3A_254] : memref<10x512xi32, #tpu.memory_space<vmem>> -> memref<1x512xi32, #tpu.memory_space<vmem>>
    %dma_wait3A_256 = tpu.memref_squeeze %dma_wait3A_255 : memref<1x512xi32, #tpu.memory_space<vmem>> -> memref<512xi32, #tpu.memory_space<vmem>>
    %dma_wait3A_257 = tpu.memref_slice %arg4[%add3A_248] : memref<163840xi32, #tpu.memory_space<hbm>> -> memref<512xi32, #tpu.memory_space<hbm>>
    tpu.wait_dma2 semaphore(%arg20 : memref<!tpu.dma_semaphore, #tpu.memory_space<semaphore_mem>>) src(%dma_wait3A_257 : memref<512xi32, #tpu.memory_space<hbm>>) dst(%dma_wait3A_256 : memref<512xi32, #tpu.memory_space<vmem>>)
    %add3A_258 = arith.constant 512 : i32
    %add3A_259 = arith.addi %mul3A_6, %add3A_258 : i32
    %dma_wait3A_260 = arith.constant 1 : i32
    %dma_wait3A_261 = arith.constant 0 : i32
    %dma_wait3A_262 = tpu.memref_slice %arg11[%dma_wait3A_260, %dma_wait3A_261] : memref<10x512xi32, #tpu.memory_space<vmem>> -> memref<1x512xi32, #tpu.memory_space<vmem>>
    %dma_wait3A_263 = tpu.memref_squeeze %dma_wait3A_262 : memref<1x512xi32, #tpu.memory_space<vmem>> -> memref<512xi32, #tpu.memory_space<vmem>>
    %dma_wait3A_264 = tpu.memref_slice %arg5[%add3A_259] : memref<163840xi32, #tpu.memory_space<hbm>> -> memref<512xi32, #tpu.memory_space<hbm>>
    %dma_wait3A_265 = arith.constant 0 : i32
    %dma_wait3A_266 = tpu.memref_slice %arg11[%dma_wait3A_260, %dma_wait3A_265] : memref<10x512xi32, #tpu.memory_space<vmem>> -> memref<1x512xi32, #tpu.memory_space<vmem>>
    %dma_wait3A_267 = tpu.memref_squeeze %dma_wait3A_266 : memref<1x512xi32, #tpu.memory_space<vmem>> -> memref<512xi32, #tpu.memory_space<vmem>>
    %dma_wait3A_268 = tpu.memref_slice %arg5[%add3A_259] : memref<163840xi32, #tpu.memory_space<hbm>> -> memref<512xi32, #tpu.memory_space<hbm>>
    tpu.wait_dma2 semaphore(%arg20 : memref<!tpu.dma_semaphore, #tpu.memory_space<semaphore_mem>>) src(%dma_wait3A_268 : memref<512xi32, #tpu.memory_space<hbm>>) dst(%dma_wait3A_267 : memref<512xi32, #tpu.memory_space<vmem>>)
    %add3A_269 = arith.constant 1024 : i32
    %add3A_270 = arith.addi %mul3A_6, %add3A_269 : i32
    %dma_wait3A_271 = arith.constant 2 : i32
    %dma_wait3A_272 = arith.constant 0 : i32
    %dma_wait3A_273 = tpu.memref_slice %arg10[%dma_wait3A_271, %dma_wait3A_272] : memref<10x512xi32, #tpu.memory_space<vmem>> -> memref<1x512xi32, #tpu.memory_space<vmem>>
    %dma_wait3A_274 = tpu.memref_squeeze %dma_wait3A_273 : memref<1x512xi32, #tpu.memory_space<vmem>> -> memref<512xi32, #tpu.memory_space<vmem>>
    %dma_wait3A_275 = tpu.memref_slice %arg4[%add3A_270] : memref<163840xi32, #tpu.memory_space<hbm>> -> memref<512xi32, #tpu.memory_space<hbm>>
    %dma_wait3A_276 = arith.constant 0 : i32
    %dma_wait3A_277 = tpu.memref_slice %arg10[%dma_wait3A_271, %dma_wait3A_276] : memref<10x512xi32, #tpu.memory_space<vmem>> -> memref<1x512xi32, #tpu.memory_space<vmem>>
    %dma_wait3A_278 = tpu.memref_squeeze %dma_wait3A_277 : memref<1x512xi32, #tpu.memory_space<vmem>> -> memref<512xi32, #tpu.memory_space<vmem>>
    %dma_wait3A_279 = tpu.memref_slice %arg4[%add3A_270] : memref<163840xi32, #tpu.memory_space<hbm>> -> memref<512xi32, #tpu.memory_space<hbm>>
    tpu.wait_dma2 semaphore(%arg20 : memref<!tpu.dma_semaphore, #tpu.memory_space<semaphore_mem>>) src(%dma_wait3A_279 : memref<512xi32, #tpu.memory_space<hbm>>) dst(%dma_wait3A_278 : memref<512xi32, #tpu.memory_space<vmem>>)
    %add3A_280 = arith.constant 1024 : i32
    %add3A_281 = arith.addi %mul3A_6, %add3A_280 : i32
    %dma_wait3A_282 = arith.constant 2 : i32
    %dma_wait3A_283 = arith.constant 0 : i32
    %dma_wait3A_284 = tpu.memref_slice %arg11[%dma_wait3A_282, %dma_wait3A_283] : memref<10x512xi32, #tpu.memory_space<vmem>> -> memref<1x512xi32, #tpu.memory_space<vmem>>
    %dma_wait3A_285 = tpu.memref_squeeze %dma_wait3A_284 : memref<1x512xi32, #tpu.memory_space<vmem>> -> memref<512xi32, #tpu.memory_space<vmem>>
    %dma_wait3A_286 = tpu.memref_slice %arg5[%add3A_281] : memref<163840xi32, #tpu.memory_space<hbm>> -> memref<512xi32, #tpu.memory_space<hbm>>
    %dma_wait3A_287 = arith.constant 0 : i32
    %dma_wait3A_288 = tpu.memref_slice %arg11[%dma_wait3A_282, %dma_wait3A_287] : memref<10x512xi32, #tpu.memory_space<vmem>> -> memref<1x512xi32, #tpu.memory_space<vmem>>
    %dma_wait3A_289 = tpu.memref_squeeze %dma_wait3A_288 : memref<1x512xi32, #tpu.memory_space<vmem>> -> memref<512xi32, #tpu.memory_space<vmem>>
    %dma_wait3A_290 = tpu.memref_slice %arg5[%add3A_281] : memref<163840xi32, #tpu.memory_space<hbm>> -> memref<512xi32, #tpu.memory_space<hbm>>
    tpu.wait_dma2 semaphore(%arg20 : memref<!tpu.dma_semaphore, #tpu.memory_space<semaphore_mem>>) src(%dma_wait3A_290 : memref<512xi32, #tpu.memory_space<hbm>>) dst(%dma_wait3A_289 : memref<512xi32, #tpu.memory_space<vmem>>)
    %add3A_291 = arith.constant 1536 : i32
    %add3A_292 = arith.addi %mul3A_6, %add3A_291 : i32
    %dma_wait3A_293 = arith.constant 3 : i32
    %dma_wait3A_294 = arith.constant 0 : i32
    %dma_wait3A_295 = tpu.memref_slice %arg10[%dma_wait3A_293, %dma_wait3A_294] : memref<10x512xi32, #tpu.memory_space<vmem>> -> memref<1x512xi32, #tpu.memory_space<vmem>>
    %dma_wait3A_296 = tpu.memref_squeeze %dma_wait3A_295 : memref<1x512xi32, #tpu.memory_space<vmem>> -> memref<512xi32, #tpu.memory_space<vmem>>
    %dma_wait3A_297 = tpu.memref_slice %arg4[%add3A_292] : memref<163840xi32, #tpu.memory_space<hbm>> -> memref<512xi32, #tpu.memory_space<hbm>>
    %dma_wait3A_298 = arith.constant 0 : i32
    %dma_wait3A_299 = tpu.memref_slice %arg10[%dma_wait3A_293, %dma_wait3A_298] : memref<10x512xi32, #tpu.memory_space<vmem>> -> memref<1x512xi32, #tpu.memory_space<vmem>>
    %dma_wait3A_300 = tpu.memref_squeeze %dma_wait3A_299 : memref<1x512xi32, #tpu.memory_space<vmem>> -> memref<512xi32, #tpu.memory_space<vmem>>
    %dma_wait3A_301 = tpu.memref_slice %arg4[%add3A_292] : memref<163840xi32, #tpu.memory_space<hbm>> -> memref<512xi32, #tpu.memory_space<hbm>>
    tpu.wait_dma2 semaphore(%arg20 : memref<!tpu.dma_semaphore, #tpu.memory_space<semaphore_mem>>) src(%dma_wait3A_301 : memref<512xi32, #tpu.memory_space<hbm>>) dst(%dma_wait3A_300 : memref<512xi32, #tpu.memory_space<vmem>>)
    %add3A_302 = arith.constant 1536 : i32
    %add3A_303 = arith.addi %mul3A_6, %add3A_302 : i32
    %dma_wait3A_304 = arith.constant 3 : i32
    %dma_wait3A_305 = arith.constant 0 : i32
    %dma_wait3A_306 = tpu.memref_slice %arg11[%dma_wait3A_304, %dma_wait3A_305] : memref<10x512xi32, #tpu.memory_space<vmem>> -> memref<1x512xi32, #tpu.memory_space<vmem>>
    %dma_wait3A_307 = tpu.memref_squeeze %dma_wait3A_306 : memref<1x512xi32, #tpu.memory_space<vmem>> -> memref<512xi32, #tpu.memory_space<vmem>>
    %dma_wait3A_308 = tpu.memref_slice %arg5[%add3A_303] : memref<163840xi32, #tpu.memory_space<hbm>> -> memref<512xi32, #tpu.memory_space<hbm>>
    %dma_wait3A_309 = arith.constant 0 : i32
    %dma_wait3A_310 = tpu.memref_slice %arg11[%dma_wait3A_304, %dma_wait3A_309] : memref<10x512xi32, #tpu.memory_space<vmem>> -> memref<1x512xi32, #tpu.memory_space<vmem>>
    %dma_wait3A_311 = tpu.memref_squeeze %dma_wait3A_310 : memref<1x512xi32, #tpu.memory_space<vmem>> -> memref<512xi32, #tpu.memory_space<vmem>>
    %dma_wait3A_312 = tpu.memref_slice %arg5[%add3A_303] : memref<163840xi32, #tpu.memory_space<hbm>> -> memref<512xi32, #tpu.memory_space<hbm>>
    tpu.wait_dma2 semaphore(%arg20 : memref<!tpu.dma_semaphore, #tpu.memory_space<semaphore_mem>>) src(%dma_wait3A_312 : memref<512xi32, #tpu.memory_space<hbm>>) dst(%dma_wait3A_311 : memref<512xi32, #tpu.memory_space<vmem>>)
    %add3A_313 = arith.constant 2048 : i32
    %add3A_314 = arith.addi %mul3A_6, %add3A_313 : i32
    %dma_wait3A_315 = arith.constant 4 : i32
    %dma_wait3A_316 = arith.constant 0 : i32
    %dma_wait3A_317 = tpu.memref_slice %arg10[%dma_wait3A_315, %dma_wait3A_316] : memref<10x512xi32, #tpu.memory_space<vmem>> -> memref<1x512xi32, #tpu.memory_space<vmem>>
    %dma_wait3A_318 = tpu.memref_squeeze %dma_wait3A_317 : memref<1x512xi32, #tpu.memory_space<vmem>> -> memref<512xi32, #tpu.memory_space<vmem>>
    %dma_wait3A_319 = tpu.memref_slice %arg4[%add3A_314] : memref<163840xi32, #tpu.memory_space<hbm>> -> memref<512xi32, #tpu.memory_space<hbm>>
    %dma_wait3A_320 = arith.constant 0 : i32
    %dma_wait3A_321 = tpu.memref_slice %arg10[%dma_wait3A_315, %dma_wait3A_320] : memref<10x512xi32, #tpu.memory_space<vmem>> -> memref<1x512xi32, #tpu.memory_space<vmem>>
    %dma_wait3A_322 = tpu.memref_squeeze %dma_wait3A_321 : memref<1x512xi32, #tpu.memory_space<vmem>> -> memref<512xi32, #tpu.memory_space<vmem>>
    %dma_wait3A_323 = tpu.memref_slice %arg4[%add3A_314] : memref<163840xi32, #tpu.memory_space<hbm>> -> memref<512xi32, #tpu.memory_space<hbm>>
    tpu.wait_dma2 semaphore(%arg20 : memref<!tpu.dma_semaphore, #tpu.memory_space<semaphore_mem>>) src(%dma_wait3A_323 : memref<512xi32, #tpu.memory_space<hbm>>) dst(%dma_wait3A_322 : memref<512xi32, #tpu.memory_space<vmem>>)
    %add3A_324 = arith.constant 2048 : i32
    %add3A_325 = arith.addi %mul3A_6, %add3A_324 : i32
    %dma_wait3A_326 = arith.constant 4 : i32
    %dma_wait3A_327 = arith.constant 0 : i32
    %dma_wait3A_328 = tpu.memref_slice %arg11[%dma_wait3A_326, %dma_wait3A_327] : memref<10x512xi32, #tpu.memory_space<vmem>> -> memref<1x512xi32, #tpu.memory_space<vmem>>
    %dma_wait3A_329 = tpu.memref_squeeze %dma_wait3A_328 : memref<1x512xi32, #tpu.memory_space<vmem>> -> memref<512xi32, #tpu.memory_space<vmem>>
    %dma_wait3A_330 = tpu.memref_slice %arg5[%add3A_325] : memref<163840xi32, #tpu.memory_space<hbm>> -> memref<512xi32, #tpu.memory_space<hbm>>
    %dma_wait3A_331 = arith.constant 0 : i32
    %dma_wait3A_332 = tpu.memref_slice %arg11[%dma_wait3A_326, %dma_wait3A_331] : memref<10x512xi32, #tpu.memory_space<vmem>> -> memref<1x512xi32, #tpu.memory_space<vmem>>
    %dma_wait3A_333 = tpu.memref_squeeze %dma_wait3A_332 : memref<1x512xi32, #tpu.memory_space<vmem>> -> memref<512xi32, #tpu.memory_space<vmem>>
    %dma_wait3A_334 = tpu.memref_slice %arg5[%add3A_325] : memref<163840xi32, #tpu.memory_space<hbm>> -> memref<512xi32, #tpu.memory_space<hbm>>
    tpu.wait_dma2 semaphore(%arg20 : memref<!tpu.dma_semaphore, #tpu.memory_space<semaphore_mem>>) src(%dma_wait3A_334 : memref<512xi32, #tpu.memory_space<hbm>>) dst(%dma_wait3A_333 : memref<512xi32, #tpu.memory_space<vmem>>)
    %add3A_335 = arith.constant 2560 : i32
    %add3A_336 = arith.addi %mul3A_6, %add3A_335 : i32
    %dma_wait3A_337 = arith.constant 5 : i32
    %dma_wait3A_338 = arith.constant 0 : i32
    %dma_wait3A_339 = tpu.memref_slice %arg10[%dma_wait3A_337, %dma_wait3A_338] : memref<10x512xi32, #tpu.memory_space<vmem>> -> memref<1x512xi32, #tpu.memory_space<vmem>>
    %dma_wait3A_340 = tpu.memref_squeeze %dma_wait3A_339 : memref<1x512xi32, #tpu.memory_space<vmem>> -> memref<512xi32, #tpu.memory_space<vmem>>
    %dma_wait3A_341 = tpu.memref_slice %arg4[%add3A_336] : memref<163840xi32, #tpu.memory_space<hbm>> -> memref<512xi32, #tpu.memory_space<hbm>>
    %dma_wait3A_342 = arith.constant 0 : i32
    %dma_wait3A_343 = tpu.memref_slice %arg10[%dma_wait3A_337, %dma_wait3A_342] : memref<10x512xi32, #tpu.memory_space<vmem>> -> memref<1x512xi32, #tpu.memory_space<vmem>>
    %dma_wait3A_344 = tpu.memref_squeeze %dma_wait3A_343 : memref<1x512xi32, #tpu.memory_space<vmem>> -> memref<512xi32, #tpu.memory_space<vmem>>
    %dma_wait3A_345 = tpu.memref_slice %arg4[%add3A_336] : memref<163840xi32, #tpu.memory_space<hbm>> -> memref<512xi32, #tpu.memory_space<hbm>>
    tpu.wait_dma2 semaphore(%arg20 : memref<!tpu.dma_semaphore, #tpu.memory_space<semaphore_mem>>) src(%dma_wait3A_345 : memref<512xi32, #tpu.memory_space<hbm>>) dst(%dma_wait3A_344 : memref<512xi32, #tpu.memory_space<vmem>>)
    %add3A_346 = arith.constant 2560 : i32
    %add3A_347 = arith.addi %mul3A_6, %add3A_346 : i32
    %dma_wait3A_348 = arith.constant 5 : i32
    %dma_wait3A_349 = arith.constant 0 : i32
    %dma_wait3A_350 = tpu.memref_slice %arg11[%dma_wait3A_348, %dma_wait3A_349] : memref<10x512xi32, #tpu.memory_space<vmem>> -> memref<1x512xi32, #tpu.memory_space<vmem>>
    %dma_wait3A_351 = tpu.memref_squeeze %dma_wait3A_350 : memref<1x512xi32, #tpu.memory_space<vmem>> -> memref<512xi32, #tpu.memory_space<vmem>>
    %dma_wait3A_352 = tpu.memref_slice %arg5[%add3A_347] : memref<163840xi32, #tpu.memory_space<hbm>> -> memref<512xi32, #tpu.memory_space<hbm>>
    %dma_wait3A_353 = arith.constant 0 : i32
    %dma_wait3A_354 = tpu.memref_slice %arg11[%dma_wait3A_348, %dma_wait3A_353] : memref<10x512xi32, #tpu.memory_space<vmem>> -> memref<1x512xi32, #tpu.memory_space<vmem>>
    %dma_wait3A_355 = tpu.memref_squeeze %dma_wait3A_354 : memref<1x512xi32, #tpu.memory_space<vmem>> -> memref<512xi32, #tpu.memory_space<vmem>>
    %dma_wait3A_356 = tpu.memref_slice %arg5[%add3A_347] : memref<163840xi32, #tpu.memory_space<hbm>> -> memref<512xi32, #tpu.memory_space<hbm>>
    tpu.wait_dma2 semaphore(%arg20 : memref<!tpu.dma_semaphore, #tpu.memory_space<semaphore_mem>>) src(%dma_wait3A_356 : memref<512xi32, #tpu.memory_space<hbm>>) dst(%dma_wait3A_355 : memref<512xi32, #tpu.memory_space<vmem>>)
    %add3A_357 = arith.constant 3072 : i32
    %add3A_358 = arith.addi %mul3A_6, %add3A_357 : i32
    %dma_wait3A_359 = arith.constant 6 : i32
    %dma_wait3A_360 = arith.constant 0 : i32
    %dma_wait3A_361 = tpu.memref_slice %arg10[%dma_wait3A_359, %dma_wait3A_360] : memref<10x512xi32, #tpu.memory_space<vmem>> -> memref<1x512xi32, #tpu.memory_space<vmem>>
    %dma_wait3A_362 = tpu.memref_squeeze %dma_wait3A_361 : memref<1x512xi32, #tpu.memory_space<vmem>> -> memref<512xi32, #tpu.memory_space<vmem>>
    %dma_wait3A_363 = tpu.memref_slice %arg4[%add3A_358] : memref<163840xi32, #tpu.memory_space<hbm>> -> memref<512xi32, #tpu.memory_space<hbm>>
    %dma_wait3A_364 = arith.constant 0 : i32
    %dma_wait3A_365 = tpu.memref_slice %arg10[%dma_wait3A_359, %dma_wait3A_364] : memref<10x512xi32, #tpu.memory_space<vmem>> -> memref<1x512xi32, #tpu.memory_space<vmem>>
    %dma_wait3A_366 = tpu.memref_squeeze %dma_wait3A_365 : memref<1x512xi32, #tpu.memory_space<vmem>> -> memref<512xi32, #tpu.memory_space<vmem>>
    %dma_wait3A_367 = tpu.memref_slice %arg4[%add3A_358] : memref<163840xi32, #tpu.memory_space<hbm>> -> memref<512xi32, #tpu.memory_space<hbm>>
    tpu.wait_dma2 semaphore(%arg20 : memref<!tpu.dma_semaphore, #tpu.memory_space<semaphore_mem>>) src(%dma_wait3A_367 : memref<512xi32, #tpu.memory_space<hbm>>) dst(%dma_wait3A_366 : memref<512xi32, #tpu.memory_space<vmem>>)
    %add3A_368 = arith.constant 3072 : i32
    %add3A_369 = arith.addi %mul3A_6, %add3A_368 : i32
    %dma_wait3A_370 = arith.constant 6 : i32
    %dma_wait3A_371 = arith.constant 0 : i32
    %dma_wait3A_372 = tpu.memref_slice %arg11[%dma_wait3A_370, %dma_wait3A_371] : memref<10x512xi32, #tpu.memory_space<vmem>> -> memref<1x512xi32, #tpu.memory_space<vmem>>
    %dma_wait3A_373 = tpu.memref_squeeze %dma_wait3A_372 : memref<1x512xi32, #tpu.memory_space<vmem>> -> memref<512xi32, #tpu.memory_space<vmem>>
    %dma_wait3A_374 = tpu.memref_slice %arg5[%add3A_369] : memref<163840xi32, #tpu.memory_space<hbm>> -> memref<512xi32, #tpu.memory_space<hbm>>
    %dma_wait3A_375 = arith.constant 0 : i32
    %dma_wait3A_376 = tpu.memref_slice %arg11[%dma_wait3A_370, %dma_wait3A_375] : memref<10x512xi32, #tpu.memory_space<vmem>> -> memref<1x512xi32, #tpu.memory_space<vmem>>
    %dma_wait3A_377 = tpu.memref_squeeze %dma_wait3A_376 : memref<1x512xi32, #tpu.memory_space<vmem>> -> memref<512xi32, #tpu.memory_space<vmem>>
    %dma_wait3A_378 = tpu.memref_slice %arg5[%add3A_369] : memref<163840xi32, #tpu.memory_space<hbm>> -> memref<512xi32, #tpu.memory_space<hbm>>
    tpu.wait_dma2 semaphore(%arg20 : memref<!tpu.dma_semaphore, #tpu.memory_space<semaphore_mem>>) src(%dma_wait3A_378 : memref<512xi32, #tpu.memory_space<hbm>>) dst(%dma_wait3A_377 : memref<512xi32, #tpu.memory_space<vmem>>)
    %add3A_379 = arith.constant 3584 : i32
    %add3A_380 = arith.addi %mul3A_6, %add3A_379 : i32
    %dma_wait3A_381 = arith.constant 7 : i32
    %dma_wait3A_382 = arith.constant 0 : i32
    %dma_wait3A_383 = tpu.memref_slice %arg10[%dma_wait3A_381, %dma_wait3A_382] : memref<10x512xi32, #tpu.memory_space<vmem>> -> memref<1x512xi32, #tpu.memory_space<vmem>>
    %dma_wait3A_384 = tpu.memref_squeeze %dma_wait3A_383 : memref<1x512xi32, #tpu.memory_space<vmem>> -> memref<512xi32, #tpu.memory_space<vmem>>
    %dma_wait3A_385 = tpu.memref_slice %arg4[%add3A_380] : memref<163840xi32, #tpu.memory_space<hbm>> -> memref<512xi32, #tpu.memory_space<hbm>>
    %dma_wait3A_386 = arith.constant 0 : i32
    %dma_wait3A_387 = tpu.memref_slice %arg10[%dma_wait3A_381, %dma_wait3A_386] : memref<10x512xi32, #tpu.memory_space<vmem>> -> memref<1x512xi32, #tpu.memory_space<vmem>>
    %dma_wait3A_388 = tpu.memref_squeeze %dma_wait3A_387 : memref<1x512xi32, #tpu.memory_space<vmem>> -> memref<512xi32, #tpu.memory_space<vmem>>
    %dma_wait3A_389 = tpu.memref_slice %arg4[%add3A_380] : memref<163840xi32, #tpu.memory_space<hbm>> -> memref<512xi32, #tpu.memory_space<hbm>>
    tpu.wait_dma2 semaphore(%arg20 : memref<!tpu.dma_semaphore, #tpu.memory_space<semaphore_mem>>) src(%dma_wait3A_389 : memref<512xi32, #tpu.memory_space<hbm>>) dst(%dma_wait3A_388 : memref<512xi32, #tpu.memory_space<vmem>>)
    %add3A_390 = arith.constant 3584 : i32
    %add3A_391 = arith.addi %mul3A_6, %add3A_390 : i32
    %dma_wait3A_392 = arith.constant 7 : i32
    %dma_wait3A_393 = arith.constant 0 : i32
    %dma_wait3A_394 = tpu.memref_slice %arg11[%dma_wait3A_392, %dma_wait3A_393] : memref<10x512xi32, #tpu.memory_space<vmem>> -> memref<1x512xi32, #tpu.memory_space<vmem>>
    %dma_wait3A_395 = tpu.memref_squeeze %dma_wait3A_394 : memref<1x512xi32, #tpu.memory_space<vmem>> -> memref<512xi32, #tpu.memory_space<vmem>>
    %dma_wait3A_396 = tpu.memref_slice %arg5[%add3A_391] : memref<163840xi32, #tpu.memory_space<hbm>> -> memref<512xi32, #tpu.memory_space<hbm>>
    %dma_wait3A_397 = arith.constant 0 : i32
    %dma_wait3A_398 = tpu.memref_slice %arg11[%dma_wait3A_392, %dma_wait3A_397] : memref<10x512xi32, #tpu.memory_space<vmem>> -> memref<1x512xi32, #tpu.memory_space<vmem>>
    %dma_wait3A_399 = tpu.memref_squeeze %dma_wait3A_398 : memref<1x512xi32, #tpu.memory_space<vmem>> -> memref<512xi32, #tpu.memory_space<vmem>>
    %dma_wait3A_400 = tpu.memref_slice %arg5[%add3A_391] : memref<163840xi32, #tpu.memory_space<hbm>> -> memref<512xi32, #tpu.memory_space<hbm>>
    tpu.wait_dma2 semaphore(%arg20 : memref<!tpu.dma_semaphore, #tpu.memory_space<semaphore_mem>>) src(%dma_wait3A_400 : memref<512xi32, #tpu.memory_space<hbm>>) dst(%dma_wait3A_399 : memref<512xi32, #tpu.memory_space<vmem>>)
    %add3A_401 = arith.constant 4096 : i32
    %add3A_402 = arith.addi %mul3A_6, %add3A_401 : i32
    %dma_wait3A_403 = arith.constant 8 : i32
    %dma_wait3A_404 = arith.constant 0 : i32
    %dma_wait3A_405 = tpu.memref_slice %arg10[%dma_wait3A_403, %dma_wait3A_404] : memref<10x512xi32, #tpu.memory_space<vmem>> -> memref<1x512xi32, #tpu.memory_space<vmem>>
    %dma_wait3A_406 = tpu.memref_squeeze %dma_wait3A_405 : memref<1x512xi32, #tpu.memory_space<vmem>> -> memref<512xi32, #tpu.memory_space<vmem>>
    %dma_wait3A_407 = tpu.memref_slice %arg4[%add3A_402] : memref<163840xi32, #tpu.memory_space<hbm>> -> memref<512xi32, #tpu.memory_space<hbm>>
    %dma_wait3A_408 = arith.constant 0 : i32
    %dma_wait3A_409 = tpu.memref_slice %arg10[%dma_wait3A_403, %dma_wait3A_408] : memref<10x512xi32, #tpu.memory_space<vmem>> -> memref<1x512xi32, #tpu.memory_space<vmem>>
    %dma_wait3A_410 = tpu.memref_squeeze %dma_wait3A_409 : memref<1x512xi32, #tpu.memory_space<vmem>> -> memref<512xi32, #tpu.memory_space<vmem>>
    %dma_wait3A_411 = tpu.memref_slice %arg4[%add3A_402] : memref<163840xi32, #tpu.memory_space<hbm>> -> memref<512xi32, #tpu.memory_space<hbm>>
    tpu.wait_dma2 semaphore(%arg20 : memref<!tpu.dma_semaphore, #tpu.memory_space<semaphore_mem>>) src(%dma_wait3A_411 : memref<512xi32, #tpu.memory_space<hbm>>) dst(%dma_wait3A_410 : memref<512xi32, #tpu.memory_space<vmem>>)
    %add3A_412 = arith.constant 4096 : i32
    %add3A_413 = arith.addi %mul3A_6, %add3A_412 : i32
    %dma_wait3A_414 = arith.constant 8 : i32
    %dma_wait3A_415 = arith.constant 0 : i32
    %dma_wait3A_416 = tpu.memref_slice %arg11[%dma_wait3A_414, %dma_wait3A_415] : memref<10x512xi32, #tpu.memory_space<vmem>> -> memref<1x512xi32, #tpu.memory_space<vmem>>
    %dma_wait3A_417 = tpu.memref_squeeze %dma_wait3A_416 : memref<1x512xi32, #tpu.memory_space<vmem>> -> memref<512xi32, #tpu.memory_space<vmem>>
    %dma_wait3A_418 = tpu.memref_slice %arg5[%add3A_413] : memref<163840xi32, #tpu.memory_space<hbm>> -> memref<512xi32, #tpu.memory_space<hbm>>
    %dma_wait3A_419 = arith.constant 0 : i32
    %dma_wait3A_420 = tpu.memref_slice %arg11[%dma_wait3A_414, %dma_wait3A_419] : memref<10x512xi32, #tpu.memory_space<vmem>> -> memref<1x512xi32, #tpu.memory_space<vmem>>
    %dma_wait3A_421 = tpu.memref_squeeze %dma_wait3A_420 : memref<1x512xi32, #tpu.memory_space<vmem>> -> memref<512xi32, #tpu.memory_space<vmem>>
    %dma_wait3A_422 = tpu.memref_slice %arg5[%add3A_413] : memref<163840xi32, #tpu.memory_space<hbm>> -> memref<512xi32, #tpu.memory_space<hbm>>
    tpu.wait_dma2 semaphore(%arg20 : memref<!tpu.dma_semaphore, #tpu.memory_space<semaphore_mem>>) src(%dma_wait3A_422 : memref<512xi32, #tpu.memory_space<hbm>>) dst(%dma_wait3A_421 : memref<512xi32, #tpu.memory_space<vmem>>)
    %add3A_423 = arith.constant 4608 : i32
    %add3A_424 = arith.addi %mul3A_6, %add3A_423 : i32
    %dma_wait3A_425 = arith.constant 9 : i32
    %dma_wait3A_426 = arith.constant 0 : i32
    %dma_wait3A_427 = tpu.memref_slice %arg10[%dma_wait3A_425, %dma_wait3A_426] : memref<10x512xi32, #tpu.memory_space<vmem>> -> memref<1x512xi32, #tpu.memory_space<vmem>>
    %dma_wait3A_428 = tpu.memref_squeeze %dma_wait3A_427 : memref<1x512xi32, #tpu.memory_space<vmem>> -> memref<512xi32, #tpu.memory_space<vmem>>
    %dma_wait3A_429 = tpu.memref_slice %arg4[%add3A_424] : memref<163840xi32, #tpu.memory_space<hbm>> -> memref<512xi32, #tpu.memory_space<hbm>>
    %dma_wait3A_430 = arith.constant 0 : i32
    %dma_wait3A_431 = tpu.memref_slice %arg10[%dma_wait3A_425, %dma_wait3A_430] : memref<10x512xi32, #tpu.memory_space<vmem>> -> memref<1x512xi32, #tpu.memory_space<vmem>>
    %dma_wait3A_432 = tpu.memref_squeeze %dma_wait3A_431 : memref<1x512xi32, #tpu.memory_space<vmem>> -> memref<512xi32, #tpu.memory_space<vmem>>
    %dma_wait3A_433 = tpu.memref_slice %arg4[%add3A_424] : memref<163840xi32, #tpu.memory_space<hbm>> -> memref<512xi32, #tpu.memory_space<hbm>>
    tpu.wait_dma2 semaphore(%arg20 : memref<!tpu.dma_semaphore, #tpu.memory_space<semaphore_mem>>) src(%dma_wait3A_433 : memref<512xi32, #tpu.memory_space<hbm>>) dst(%dma_wait3A_432 : memref<512xi32, #tpu.memory_space<vmem>>)
    %add3A_434 = arith.constant 4608 : i32
    %add3A_435 = arith.addi %mul3A_6, %add3A_434 : i32
    %dma_wait3A_436 = arith.constant 9 : i32
    %dma_wait3A_437 = arith.constant 0 : i32
    %dma_wait3A_438 = tpu.memref_slice %arg11[%dma_wait3A_436, %dma_wait3A_437] : memref<10x512xi32, #tpu.memory_space<vmem>> -> memref<1x512xi32, #tpu.memory_space<vmem>>
    %dma_wait3A_439 = tpu.memref_squeeze %dma_wait3A_438 : memref<1x512xi32, #tpu.memory_space<vmem>> -> memref<512xi32, #tpu.memory_space<vmem>>
    %dma_wait3A_440 = tpu.memref_slice %arg5[%add3A_435] : memref<163840xi32, #tpu.memory_space<hbm>> -> memref<512xi32, #tpu.memory_space<hbm>>
    %dma_wait3A_441 = arith.constant 0 : i32
    %dma_wait3A_442 = tpu.memref_slice %arg11[%dma_wait3A_436, %dma_wait3A_441] : memref<10x512xi32, #tpu.memory_space<vmem>> -> memref<1x512xi32, #tpu.memory_space<vmem>>
    %dma_wait3A_443 = tpu.memref_squeeze %dma_wait3A_442 : memref<1x512xi32, #tpu.memory_space<vmem>> -> memref<512xi32, #tpu.memory_space<vmem>>
    %dma_wait3A_444 = tpu.memref_slice %arg5[%add3A_435] : memref<163840xi32, #tpu.memory_space<hbm>> -> memref<512xi32, #tpu.memory_space<hbm>>
    tpu.wait_dma2 semaphore(%arg20 : memref<!tpu.dma_semaphore, #tpu.memory_space<semaphore_mem>>) src(%dma_wait3A_444 : memref<512xi32, #tpu.memory_space<hbm>>) dst(%dma_wait3A_443 : memref<512xi32, #tpu.memory_space<vmem>>)
    %barrier3A = arith.constant 0 : index
    tpu.barrier barrier_id(%barrier3A)
    %iota3A = tpu.iota {dimensions = array<i32: 0>} : vector<16xi32>
    %mul3A_445 = arith.constant 5120 : i32
    %mul3A_446 = arith.muli %add3A, %mul3A_445 : i32
    %scan3A = arith.constant 0 : i32
    %scan3A_447 = arith.constant 0 : i32
    %scan3A_448 = arith.constant 10 : i32
    %scan3A_449 = arith.addi %scan3A_447, %scan3A_448 : i32
    %scan3A_450 = arith.constant 1 : i32
    scf.for %scan3A_469 = %scan3A_447 to %scan3A_449 step %scan3A_450  : i32 {
      %dma_start3A_470 = arith.constant 0 : i32
      %dma_start3A_471 = tpu.memref_slice %arg10[%scan3A_469, %dma_start3A_470] : memref<10x512xi32, #tpu.memory_space<vmem>> -> memref<1x512xi32, #tpu.memory_space<vmem>>
      %dma_start3A_472 = tpu.memref_squeeze %dma_start3A_471 : memref<1x512xi32, #tpu.memory_space<vmem>> -> memref<512xi32, #tpu.memory_space<vmem>>
      %dma_start3A_473 = arith.constant 0 : i32
      %dma_start3A_474 = arith.constant 0 : i32
      %dma_start3A_475 = tpu.memref_slice %arg2[%dma_start3A_473, %dma_start3A_474] : memref<10000x32xf32, #tpu.memory_space<hbm>> -> memref<10000x32xf32, #tpu.memory_space<hbm>>
      tpu.enqueue_indirect_dma source(%dma_start3A_475 : memref<10000x32xf32, #tpu.memory_space<hbm>>) target(%arg12 : memref<512x32xf32, #tpu.memory_space<vmem>>) offsets(%dma_start3A_472 : memref<512xi32, #tpu.memory_space<vmem>>) semaphore(%arg20 : memref<!tpu.dma_semaphore, #tpu.memory_space<semaphore_mem>>)
      %dma_start3A_476 = arith.constant 0 : i32
      %dma_start3A_477 = tpu.memref_slice %arg11[%scan3A_469, %dma_start3A_476] : memref<10x512xi32, #tpu.memory_space<vmem>> -> memref<1x512xi32, #tpu.memory_space<vmem>>
      %dma_start3A_478 = tpu.memref_squeeze %dma_start3A_477 : memref<1x512xi32, #tpu.memory_space<vmem>> -> memref<512xi32, #tpu.memory_space<vmem>>
      %dma_start3A_479 = arith.constant 0 : i32
      %dma_start3A_480 = arith.constant 0 : i32
      %dma_start3A_481 = tpu.memref_slice %arg3[%dma_start3A_479, %dma_start3A_480] : memref<10000x64xf32, #tpu.memory_space<hbm>> -> memref<10000x64xf32, #tpu.memory_space<hbm>>
      tpu.enqueue_indirect_dma source(%dma_start3A_481 : memref<10000x64xf32, #tpu.memory_space<hbm>>) target(%arg13 : memref<512x64xf32, #tpu.memory_space<vmem>>) offsets(%dma_start3A_478 : memref<512xi32, #tpu.memory_space<vmem>>) semaphore(%arg20 : memref<!tpu.dma_semaphore, #tpu.memory_space<semaphore_mem>>)
      %dma_wait3A_482 = arith.constant 0 : i32
      %dma_wait3A_483 = tpu.memref_slice %arg10[%scan3A_469, %dma_wait3A_482] : memref<10x512xi32, #tpu.memory_space<vmem>> -> memref<1x512xi32, #tpu.memory_space<vmem>>
      %dma_wait3A_484 = tpu.memref_squeeze %dma_wait3A_483 : memref<1x512xi32, #tpu.memory_space<vmem>> -> memref<512xi32, #tpu.memory_space<vmem>>
      %dma_wait3A_485 = arith.constant 0 : i32
      %dma_wait3A_486 = arith.constant 0 : i32
      %dma_wait3A_487 = tpu.memref_slice %arg2[%dma_wait3A_485, %dma_wait3A_486] : memref<10000x32xf32, #tpu.memory_space<hbm>> -> memref<10000x32xf32, #tpu.memory_space<hbm>>
      tpu.wait_indirect_dma semaphore(%arg20 : memref<!tpu.dma_semaphore, #tpu.memory_space<semaphore_mem>>) src(%dma_wait3A_487 : memref<10000x32xf32, #tpu.memory_space<hbm>>) dst(%arg12 : memref<512x32xf32, #tpu.memory_space<vmem>>)
      %dma_wait3A_488 = arith.constant 0 : i32
      %dma_wait3A_489 = tpu.memref_slice %arg11[%scan3A_469, %dma_wait3A_488] : memref<10x512xi32, #tpu.memory_space<vmem>> -> memref<1x512xi32, #tpu.memory_space<vmem>>
      %dma_wait3A_490 = tpu.memref_squeeze %dma_wait3A_489 : memref<1x512xi32, #tpu.memory_space<vmem>> -> memref<512xi32, #tpu.memory_space<vmem>>
      %dma_wait3A_491 = arith.constant 0 : i32
      %dma_wait3A_492 = arith.constant 0 : i32
      %dma_wait3A_493 = tpu.memref_slice %arg3[%dma_wait3A_491, %dma_wait3A_492] : memref<10000x64xf32, #tpu.memory_space<hbm>> -> memref<10000x64xf32, #tpu.memory_space<hbm>>
      tpu.wait_indirect_dma semaphore(%arg20 : memref<!tpu.dma_semaphore, #tpu.memory_space<semaphore_mem>>) src(%dma_wait3A_493 : memref<10000x64xf32, #tpu.memory_space<hbm>>) dst(%arg13 : memref<512x64xf32, #tpu.memory_space<vmem>>)
      %mul3A_494 = arith.constant 512 : i32
      %mul3A_495 = arith.muli %scan3A_469, %mul3A_494 : i32
      %add3A_496 = arith.addi %mul3A_446, %mul3A_495 : i32
      %scan3A_497 = arith.constant 0 : i32
      %scan3A_498 = arith.constant 0 : i32
      %scan3A_499 = arith.constant 512 : i32
      %scan3A_500 = arith.addi %scan3A_498, %scan3A_499 : i32
      %scan3A_501 = arith.constant 16 : i32
      scf.for %scan3A_515 = %scan3A_498 to %scan3A_500 step %scan3A_501  : i32 {
        %get3A = arith.index_cast %scan3A_515 : i32 to index
        %get3A_516 = arith.constant 0 : index
        %get3A_517 = tpu.vector_load %arg12[%get3A, %get3A_516] {strides = array<i32>} : memref<512x32xf32, #tpu.memory_space<vmem>>, vector<16xf32>,
        %get3A_518 = arith.index_cast %scan3A_515 : i32 to index
        %get3A_519 = arith.constant 0 : index
        %get3A_520 = tpu.vector_load %arg13[%get3A_518, %get3A_519] {strides = array<i32>} : memref<512x64xf32, #tpu.memory_space<vmem>>, vector<16xf32>,
        %mul3A_521 = arith.mulf %get3A_517, %get3A_520 : vector<16xf32>
        %mul3A_522 = arith.constant 33 : i32
        %mul3A_523 = arith.muli %scan3A_515, %mul3A_522 : i32
        %swap3A = arith.index_cast %mul3A_523 : i32 to index
        %swap3A_524 = tpu.vector_load %arg15[%swap3A] {strides = array<i32>} : memref<16912xf32, #tpu.memory_space<vmem>>, vector<16xf32>,
        tpu.vector_store %arg15[%swap3A], %mul3A_521 {strides = array<i32>} : memref<16912xf32, #tpu.memory_space<vmem>>, vector<16xf32>,
        %get3A_525 = arith.index_cast %scan3A_515 : i32 to index
        %get3A_526 = arith.constant 16 : index
        %get3A_527 = tpu.vector_load %arg12[%get3A_525, %get3A_526] {strides = array<i32>} : memref<512x32xf32, #tpu.memory_space<vmem>>, vector<16xf32>,
        %get3A_528 = arith.index_cast %scan3A_515 : i32 to index
        %get3A_529 = arith.constant 16 : index
        %get3A_530 = tpu.vector_load %arg13[%get3A_528, %get3A_529] {strides = array<i32>} : memref<512x64xf32, #tpu.memory_space<vmem>>, vector<16xf32>,
        %mul3A_531 = arith.mulf %get3A_527, %get3A_530 : vector<16xf32>
        %mul3A_532 = arith.constant 33 : i32
        %mul3A_533 = arith.muli %scan3A_515, %mul3A_532 : i32
        %add3A_534 = arith.constant 16 : i32
        %add3A_535 = arith.addi %mul3A_533, %add3A_534 : i32
        %swap3A_536 = arith.index_cast %add3A_535 : i32 to index
        %swap3A_537 = tpu.vector_load %arg15[%swap3A_536] {strides = array<i32>} : memref<16912xf32, #tpu.memory_space<vmem>>, vector<16xf32>,
        tpu.vector_store %arg15[%swap3A_536], %mul3A_531 {strides = array<i32>} : memref<16912xf32, #tpu.memory_space<vmem>>, vector<16xf32>,
        %scan3A_538 = arith.constant 1 : i32
        %scan3A_539 = arith.addi %scan3A_515, %scan3A_538 : i32
        %get3A_540 = arith.index_cast %scan3A_539 : i32 to index
        %get3A_541 = arith.constant 0 : index
        %get3A_542 = tpu.vector_load %arg12[%get3A_540, %get3A_541] {strides = array<i32>} : memref<512x32xf32, #tpu.memory_space<vmem>>, vector<16xf32>,
        %get3A_543 = arith.index_cast %scan3A_539 : i32 to index
        %get3A_544 = arith.constant 0 : index
        %get3A_545 = tpu.vector_load %arg13[%get3A_543, %get3A_544] {strides = array<i32>} : memref<512x64xf32, #tpu.memory_space<vmem>>, vector<16xf32>,
        %mul3A_546 = arith.mulf %get3A_542, %get3A_545 : vector<16xf32>
        %mul3A_547 = arith.constant 33 : i32
        %mul3A_548 = arith.muli %scan3A_539, %mul3A_547 : i32
        %swap3A_549 = arith.index_cast %mul3A_548 : i32 to index
        %swap3A_550 = tpu.vector_load %arg15[%swap3A_549] {strides = array<i32>} : memref<16912xf32, #tpu.memory_space<vmem>>, vector<16xf32>,
        tpu.vector_store %arg15[%swap3A_549], %mul3A_546 {strides = array<i32>} : memref<16912xf32, #tpu.memory_space<vmem>>, vector<16xf32>,
        %get3A_551 = arith.index_cast %scan3A_539 : i32 to index
        %get3A_552 = arith.constant 16 : index
        %get3A_553 = tpu.vector_load %arg12[%get3A_551, %get3A_552] {strides = array<i32>} : memref<512x32xf32, #tpu.memory_space<vmem>>, vector<16xf32>,
        %get3A_554 = arith.index_cast %scan3A_539 : i32 to index
        %get3A_555 = arith.constant 16 : index
        %get3A_556 = tpu.vector_load %arg13[%get3A_554, %get3A_555] {strides = array<i32>} : memref<512x64xf32, #tpu.memory_space<vmem>>, vector<16xf32>,
        %mul3A_557 = arith.mulf %get3A_553, %get3A_556 : vector<16xf32>
        %mul3A_558 = arith.constant 33 : i32
        %mul3A_559 = arith.muli %scan3A_539, %mul3A_558 : i32
        %add3A_560 = arith.constant 16 : i32
        %add3A_561 = arith.addi %mul3A_559, %add3A_560 : i32
        %swap3A_562 = arith.index_cast %add3A_561 : i32 to index
        %swap3A_563 = tpu.vector_load %arg15[%swap3A_562] {strides = array<i32>} : memref<16912xf32, #tpu.memory_space<vmem>>, vector<16xf32>,
        tpu.vector_store %arg15[%swap3A_562], %mul3A_557 {strides = array<i32>} : memref<16912xf32, #tpu.memory_space<vmem>>, vector<16xf32>,
        %scan3A_564 = arith.constant 2 : i32
        %scan3A_565 = arith.addi %scan3A_515, %scan3A_564 : i32
        %get3A_566 = arith.index_cast %scan3A_565 : i32 to index
        %get3A_567 = arith.constant 0 : index
        %get3A_568 = tpu.vector_load %arg12[%get3A_566, %get3A_567] {strides = array<i32>} : memref<512x32xf32, #tpu.memory_space<vmem>>, vector<16xf32>,
        %get3A_569 = arith.index_cast %scan3A_565 : i32 to index
        %get3A_570 = arith.constant 0 : index
        %get3A_571 = tpu.vector_load %arg13[%get3A_569, %get3A_570] {strides = array<i32>} : memref<512x64xf32, #tpu.memory_space<vmem>>, vector<16xf32>,
        %mul3A_572 = arith.mulf %get3A_568, %get3A_571 : vector<16xf32>
        %mul3A_573 = arith.constant 33 : i32
        %mul3A_574 = arith.muli %scan3A_565, %mul3A_573 : i32
        %swap3A_575 = arith.index_cast %mul3A_574 : i32 to index
        %swap3A_576 = tpu.vector_load %arg15[%swap3A_575] {strides = array<i32>} : memref<16912xf32, #tpu.memory_space<vmem>>, vector<16xf32>,
        tpu.vector_store %arg15[%swap3A_575], %mul3A_572 {strides = array<i32>} : memref<16912xf32, #tpu.memory_space<vmem>>, vector<16xf32>,
        %get3A_577 = arith.index_cast %scan3A_565 : i32 to index
        %get3A_578 = arith.constant 16 : index
        %get3A_579 = tpu.vector_load %arg12[%get3A_577, %get3A_578] {strides = array<i32>} : memref<512x32xf32, #tpu.memory_space<vmem>>, vector<16xf32>,
        %get3A_580 = arith.index_cast %scan3A_565 : i32 to index
        %get3A_581 = arith.constant 16 : index
        %get3A_582 = tpu.vector_load %arg13[%get3A_580, %get3A_581] {strides = array<i32>} : memref<512x64xf32, #tpu.memory_space<vmem>>, vector<16xf32>,
        %mul3A_583 = arith.mulf %get3A_579, %get3A_582 : vector<16xf32>
        %mul3A_584 = arith.constant 33 : i32
        %mul3A_585 = arith.muli %scan3A_565, %mul3A_584 : i32
        %add3A_586 = arith.constant 16 : i32
        %add3A_587 = arith.addi %mul3A_585, %add3A_586 : i32
        %swap3A_588 = arith.index_cast %add3A_587 : i32 to index
        %swap3A_589 = tpu.vector_load %arg15[%swap3A_588] {strides = array<i32>} : memref<16912xf32, #tpu.memory_space<vmem>>, vector<16xf32>,
        tpu.vector_store %arg15[%swap3A_588], %mul3A_583 {strides = array<i32>} : memref<16912xf32, #tpu.memory_space<vmem>>, vector<16xf32>,
        %scan3A_590 = arith.constant 3 : i32
        %scan3A_591 = arith.addi %scan3A_515, %scan3A_590 : i32
        %get3A_592 = arith.index_cast %scan3A_591 : i32 to index
        %get3A_593 = arith.constant 0 : index
        %get3A_594 = tpu.vector_load %arg12[%get3A_592, %get3A_593] {strides = array<i32>} : memref<512x32xf32, #tpu.memory_space<vmem>>, vector<16xf32>,
        %get3A_595 = arith.index_cast %scan3A_591 : i32 to index
        %get3A_596 = arith.constant 0 : index
        %get3A_597 = tpu.vector_load %arg13[%get3A_595, %get3A_596] {strides = array<i32>} : memref<512x64xf32, #tpu.memory_space<vmem>>, vector<16xf32>,
        %mul3A_598 = arith.mulf %get3A_594, %get3A_597 : vector<16xf32>
        %mul3A_599 = arith.constant 33 : i32
        %mul3A_600 = arith.muli %scan3A_591, %mul3A_599 : i32
        %swap3A_601 = arith.index_cast %mul3A_600 : i32 to index
        %swap3A_602 = tpu.vector_load %arg15[%swap3A_601] {strides = array<i32>} : memref<16912xf32, #tpu.memory_space<vmem>>, vector<16xf32>,
        tpu.vector_store %arg15[%swap3A_601], %mul3A_598 {strides = array<i32>} : memref<16912xf32, #tpu.memory_space<vmem>>, vector<16xf32>,
        %get3A_603 = arith.index_cast %scan3A_591 : i32 to index
        %get3A_604 = arith.constant 16 : index
        %get3A_605 = tpu.vector_load %arg12[%get3A_603, %get3A_604] {strides = array<i32>} : memref<512x32xf32, #tpu.memory_space<vmem>>, vector<16xf32>,
        %get3A_606 = arith.index_cast %scan3A_591 : i32 to index
        %get3A_607 = arith.constant 16 : index
        %get3A_608 = tpu.vector_load %arg13[%get3A_606, %get3A_607] {strides = array<i32>} : memref<512x64xf32, #tpu.memory_space<vmem>>, vector<16xf32>,
        %mul3A_609 = arith.mulf %get3A_605, %get3A_608 : vector<16xf32>
        %mul3A_610 = arith.constant 33 : i32
        %mul3A_611 = arith.muli %scan3A_591, %mul3A_610 : i32
        %add3A_612 = arith.constant 16 : i32
        %add3A_613 = arith.addi %mul3A_611, %add3A_612 : i32
        %swap3A_614 = arith.index_cast %add3A_613 : i32 to index
        %swap3A_615 = tpu.vector_load %arg15[%swap3A_614] {strides = array<i32>} : memref<16912xf32, #tpu.memory_space<vmem>>, vector<16xf32>,
        tpu.vector_store %arg15[%swap3A_614], %mul3A_609 {strides = array<i32>} : memref<16912xf32, #tpu.memory_space<vmem>>, vector<16xf32>,
        %scan3A_616 = arith.constant 4 : i32
        %scan3A_617 = arith.addi %scan3A_515, %scan3A_616 : i32
        %get3A_618 = arith.index_cast %scan3A_617 : i32 to index
        %get3A_619 = arith.constant 0 : index
        %get3A_620 = tpu.vector_load %arg12[%get3A_618, %get3A_619] {strides = array<i32>} : memref<512x32xf32, #tpu.memory_space<vmem>>, vector<16xf32>,
        %get3A_621 = arith.index_cast %scan3A_617 : i32 to index
        %get3A_622 = arith.constant 0 : index
        %get3A_623 = tpu.vector_load %arg13[%get3A_621, %get3A_622] {strides = array<i32>} : memref<512x64xf32, #tpu.memory_space<vmem>>, vector<16xf32>,
        %mul3A_624 = arith.mulf %get3A_620, %get3A_623 : vector<16xf32>
        %mul3A_625 = arith.constant 33 : i32
        %mul3A_626 = arith.muli %scan3A_617, %mul3A_625 : i32
        %swap3A_627 = arith.index_cast %mul3A_626 : i32 to index
        %swap3A_628 = tpu.vector_load %arg15[%swap3A_627] {strides = array<i32>} : memref<16912xf32, #tpu.memory_space<vmem>>, vector<16xf32>,
        tpu.vector_store %arg15[%swap3A_627], %mul3A_624 {strides = array<i32>} : memref<16912xf32, #tpu.memory_space<vmem>>, vector<16xf32>,
        %get3A_629 = arith.index_cast %scan3A_617 : i32 to index
        %get3A_630 = arith.constant 16 : index
        %get3A_631 = tpu.vector_load %arg12[%get3A_629, %get3A_630] {strides = array<i32>} : memref<512x32xf32, #tpu.memory_space<vmem>>, vector<16xf32>,
        %get3A_632 = arith.index_cast %scan3A_617 : i32 to index
        %get3A_633 = arith.constant 16 : index
        %get3A_634 = tpu.vector_load %arg13[%get3A_632, %get3A_633] {strides = array<i32>} : memref<512x64xf32, #tpu.memory_space<vmem>>, vector<16xf32>,
        %mul3A_635 = arith.mulf %get3A_631, %get3A_634 : vector<16xf32>
        %mul3A_636 = arith.constant 33 : i32
        %mul3A_637 = arith.muli %scan3A_617, %mul3A_636 : i32
        %add3A_638 = arith.constant 16 : i32
        %add3A_639 = arith.addi %mul3A_637, %add3A_638 : i32
        %swap3A_640 = arith.index_cast %add3A_639 : i32 to index
        %swap3A_641 = tpu.vector_load %arg15[%swap3A_640] {strides = array<i32>} : memref<16912xf32, #tpu.memory_space<vmem>>, vector<16xf32>,
        tpu.vector_store %arg15[%swap3A_640], %mul3A_635 {strides = array<i32>} : memref<16912xf32, #tpu.memory_space<vmem>>, vector<16xf32>,
        %scan3A_642 = arith.constant 5 : i32
        %scan3A_643 = arith.addi %scan3A_515, %scan3A_642 : i32
        %get3A_644 = arith.index_cast %scan3A_643 : i32 to index
        %get3A_645 = arith.constant 0 : index
        %get3A_646 = tpu.vector_load %arg12[%get3A_644, %get3A_645] {strides = array<i32>} : memref<512x32xf32, #tpu.memory_space<vmem>>, vector<16xf32>,
        %get3A_647 = arith.index_cast %scan3A_643 : i32 to index
        %get3A_648 = arith.constant 0 : index
        %get3A_649 = tpu.vector_load %arg13[%get3A_647, %get3A_648] {strides = array<i32>} : memref<512x64xf32, #tpu.memory_space<vmem>>, vector<16xf32>,
        %mul3A_650 = arith.mulf %get3A_646, %get3A_649 : vector<16xf32>
        %mul3A_651 = arith.constant 33 : i32
        %mul3A_652 = arith.muli %scan3A_643, %mul3A_651 : i32
        %swap3A_653 = arith.index_cast %mul3A_652 : i32 to index
        %swap3A_654 = tpu.vector_load %arg15[%swap3A_653] {strides = array<i32>} : memref<16912xf32, #tpu.memory_space<vmem>>, vector<16xf32>,
        tpu.vector_store %arg15[%swap3A_653], %mul3A_650 {strides = array<i32>} : memref<16912xf32, #tpu.memory_space<vmem>>, vector<16xf32>,
        %get3A_655 = arith.index_cast %scan3A_643 : i32 to index
        %get3A_656 = arith.constant 16 : index
        %get3A_657 = tpu.vector_load %arg12[%get3A_655, %get3A_656] {strides = array<i32>} : memref<512x32xf32, #tpu.memory_space<vmem>>, vector<16xf32>,
        %get3A_658 = arith.index_cast %scan3A_643 : i32 to index
        %get3A_659 = arith.constant 16 : index
        %get3A_660 = tpu.vector_load %arg13[%get3A_658, %get3A_659] {strides = array<i32>} : memref<512x64xf32, #tpu.memory_space<vmem>>, vector<16xf32>,
        %mul3A_661 = arith.mulf %get3A_657, %get3A_660 : vector<16xf32>
        %mul3A_662 = arith.constant 33 : i32
        %mul3A_663 = arith.muli %scan3A_643, %mul3A_662 : i32
        %add3A_664 = arith.constant 16 : i32
        %add3A_665 = arith.addi %mul3A_663, %add3A_664 : i32
        %swap3A_666 = arith.index_cast %add3A_665 : i32 to index
        %swap3A_667 = tpu.vector_load %arg15[%swap3A_666] {strides = array<i32>} : memref<16912xf32, #tpu.memory_space<vmem>>, vector<16xf32>,
        tpu.vector_store %arg15[%swap3A_666], %mul3A_661 {strides = array<i32>} : memref<16912xf32, #tpu.memory_space<vmem>>, vector<16xf32>,
        %scan3A_668 = arith.constant 6 : i32
        %scan3A_669 = arith.addi %scan3A_515, %scan3A_668 : i32
        %get3A_670 = arith.index_cast %scan3A_669 : i32 to index
        %get3A_671 = arith.constant 0 : index
        %get3A_672 = tpu.vector_load %arg12[%get3A_670, %get3A_671] {strides = array<i32>} : memref<512x32xf32, #tpu.memory_space<vmem>>, vector<16xf32>,
        %get3A_673 = arith.index_cast %scan3A_669 : i32 to index
        %get3A_674 = arith.constant 0 : index
        %get3A_675 = tpu.vector_load %arg13[%get3A_673, %get3A_674] {strides = array<i32>} : memref<512x64xf32, #tpu.memory_space<vmem>>, vector<16xf32>,
        %mul3A_676 = arith.mulf %get3A_672, %get3A_675 : vector<16xf32>
        %mul3A_677 = arith.constant 33 : i32
        %mul3A_678 = arith.muli %scan3A_669, %mul3A_677 : i32
        %swap3A_679 = arith.index_cast %mul3A_678 : i32 to index
        %swap3A_680 = tpu.vector_load %arg15[%swap3A_679] {strides = array<i32>} : memref<16912xf32, #tpu.memory_space<vmem>>, vector<16xf32>,
        tpu.vector_store %arg15[%swap3A_679], %mul3A_676 {strides = array<i32>} : memref<16912xf32, #tpu.memory_space<vmem>>, vector<16xf32>,
        %get3A_681 = arith.index_cast %scan3A_669 : i32 to index
        %get3A_682 = arith.constant 16 : index
        %get3A_683 = tpu.vector_load %arg12[%get3A_681, %get3A_682] {strides = array<i32>} : memref<512x32xf32, #tpu.memory_space<vmem>>, vector<16xf32>,
        %get3A_684 = arith.index_cast %scan3A_669 : i32 to index
        %get3A_685 = arith.constant 16 : index
        %get3A_686 = tpu.vector_load %arg13[%get3A_684, %get3A_685] {strides = array<i32>} : memref<512x64xf32, #tpu.memory_space<vmem>>, vector<16xf32>,
        %mul3A_687 = arith.mulf %get3A_683, %get3A_686 : vector<16xf32>
        %mul3A_688 = arith.constant 33 : i32
        %mul3A_689 = arith.muli %scan3A_669, %mul3A_688 : i32
        %add3A_690 = arith.constant 16 : i32
        %add3A_691 = arith.addi %mul3A_689, %add3A_690 : i32
        %swap3A_692 = arith.index_cast %add3A_691 : i32 to index
        %swap3A_693 = tpu.vector_load %arg15[%swap3A_692] {strides = array<i32>} : memref<16912xf32, #tpu.memory_space<vmem>>, vector<16xf32>,
        tpu.vector_store %arg15[%swap3A_692], %mul3A_687 {strides = array<i32>} : memref<16912xf32, #tpu.memory_space<vmem>>, vector<16xf32>,
        %scan3A_694 = arith.constant 7 : i32
        %scan3A_695 = arith.addi %scan3A_515, %scan3A_694 : i32
        %get3A_696 = arith.index_cast %scan3A_695 : i32 to index
        %get3A_697 = arith.constant 0 : index
        %get3A_698 = tpu.vector_load %arg12[%get3A_696, %get3A_697] {strides = array<i32>} : memref<512x32xf32, #tpu.memory_space<vmem>>, vector<16xf32>,
        %get3A_699 = arith.index_cast %scan3A_695 : i32 to index
        %get3A_700 = arith.constant 0 : index
        %get3A_701 = tpu.vector_load %arg13[%get3A_699, %get3A_700] {strides = array<i32>} : memref<512x64xf32, #tpu.memory_space<vmem>>, vector<16xf32>,
        %mul3A_702 = arith.mulf %get3A_698, %get3A_701 : vector<16xf32>
        %mul3A_703 = arith.constant 33 : i32
        %mul3A_704 = arith.muli %scan3A_695, %mul3A_703 : i32
        %swap3A_705 = arith.index_cast %mul3A_704 : i32 to index
        %swap3A_706 = tpu.vector_load %arg15[%swap3A_705] {strides = array<i32>} : memref<16912xf32, #tpu.memory_space<vmem>>, vector<16xf32>,
        tpu.vector_store %arg15[%swap3A_705], %mul3A_702 {strides = array<i32>} : memref<16912xf32, #tpu.memory_space<vmem>>, vector<16xf32>,
        %get3A_707 = arith.index_cast %scan3A_695 : i32 to index
        %get3A_708 = arith.constant 16 : index
        %get3A_709 = tpu.vector_load %arg12[%get3A_707, %get3A_708] {strides = array<i32>} : memref<512x32xf32, #tpu.memory_space<vmem>>, vector<16xf32>,
        %get3A_710 = arith.index_cast %scan3A_695 : i32 to index
        %get3A_711 = arith.constant 16 : index
        %get3A_712 = tpu.vector_load %arg13[%get3A_710, %get3A_711] {strides = array<i32>} : memref<512x64xf32, #tpu.memory_space<vmem>>, vector<16xf32>,
        %mul3A_713 = arith.mulf %get3A_709, %get3A_712 : vector<16xf32>
        %mul3A_714 = arith.constant 33 : i32
        %mul3A_715 = arith.muli %scan3A_695, %mul3A_714 : i32
        %add3A_716 = arith.constant 16 : i32
        %add3A_717 = arith.addi %mul3A_715, %add3A_716 : i32
        %swap3A_718 = arith.index_cast %add3A_717 : i32 to index
        %swap3A_719 = tpu.vector_load %arg15[%swap3A_718] {strides = array<i32>} : memref<16912xf32, #tpu.memory_space<vmem>>, vector<16xf32>,
        tpu.vector_store %arg15[%swap3A_718], %mul3A_713 {strides = array<i32>} : memref<16912xf32, #tpu.memory_space<vmem>>, vector<16xf32>,
        %scan3A_720 = arith.constant 8 : i32
        %scan3A_721 = arith.addi %scan3A_515, %scan3A_720 : i32
        %get3A_722 = arith.index_cast %scan3A_721 : i32 to index
        %get3A_723 = arith.constant 0 : index
        %get3A_724 = tpu.vector_load %arg12[%get3A_722, %get3A_723] {strides = array<i32>} : memref<512x32xf32, #tpu.memory_space<vmem>>, vector<16xf32>,
        %get3A_725 = arith.index_cast %scan3A_721 : i32 to index
        %get3A_726 = arith.constant 0 : index
        %get3A_727 = tpu.vector_load %arg13[%get3A_725, %get3A_726] {strides = array<i32>} : memref<512x64xf32, #tpu.memory_space<vmem>>, vector<16xf32>,
        %mul3A_728 = arith.mulf %get3A_724, %get3A_727 : vector<16xf32>
        %mul3A_729 = arith.constant 33 : i32
        %mul3A_730 = arith.muli %scan3A_721, %mul3A_729 : i32
        %swap3A_731 = arith.index_cast %mul3A_730 : i32 to index
        %swap3A_732 = tpu.vector_load %arg15[%swap3A_731] {strides = array<i32>} : memref<16912xf32, #tpu.memory_space<vmem>>, vector<16xf32>,
        tpu.vector_store %arg15[%swap3A_731], %mul3A_728 {strides = array<i32>} : memref<16912xf32, #tpu.memory_space<vmem>>, vector<16xf32>,
        %get3A_733 = arith.index_cast %scan3A_721 : i32 to index
        %get3A_734 = arith.constant 16 : index
        %get3A_735 = tpu.vector_load %arg12[%get3A_733, %get3A_734] {strides = array<i32>} : memref<512x32xf32, #tpu.memory_space<vmem>>, vector<16xf32>,
        %get3A_736 = arith.index_cast %scan3A_721 : i32 to index
        %get3A_737 = arith.constant 16 : index
        %get3A_738 = tpu.vector_load %arg13[%get3A_736, %get3A_737] {strides = array<i32>} : memref<512x64xf32, #tpu.memory_space<vmem>>, vector<16xf32>,
        %mul3A_739 = arith.mulf %get3A_735, %get3A_738 : vector<16xf32>
        %mul3A_740 = arith.constant 33 : i32
        %mul3A_741 = arith.muli %scan3A_721, %mul3A_740 : i32
        %add3A_742 = arith.constant 16 : i32
        %add3A_743 = arith.addi %mul3A_741, %add3A_742 : i32
        %swap3A_744 = arith.index_cast %add3A_743 : i32 to index
        %swap3A_745 = tpu.vector_load %arg15[%swap3A_744] {strides = array<i32>} : memref<16912xf32, #tpu.memory_space<vmem>>, vector<16xf32>,
        tpu.vector_store %arg15[%swap3A_744], %mul3A_739 {strides = array<i32>} : memref<16912xf32, #tpu.memory_space<vmem>>, vector<16xf32>,
        %scan3A_746 = arith.constant 9 : i32
        %scan3A_747 = arith.addi %scan3A_515, %scan3A_746 : i32
        %get3A_748 = arith.index_cast %scan3A_747 : i32 to index
        %get3A_749 = arith.constant 0 : index
        %get3A_750 = tpu.vector_load %arg12[%get3A_748, %get3A_749] {strides = array<i32>} : memref<512x32xf32, #tpu.memory_space<vmem>>, vector<16xf32>,
        %get3A_751 = arith.index_cast %scan3A_747 : i32 to index
        %get3A_752 = arith.constant 0 : index
        %get3A_753 = tpu.vector_load %arg13[%get3A_751, %get3A_752] {strides = array<i32>} : memref<512x64xf32, #tpu.memory_space<vmem>>, vector<16xf32>,
        %mul3A_754 = arith.mulf %get3A_750, %get3A_753 : vector<16xf32>
        %mul3A_755 = arith.constant 33 : i32
        %mul3A_756 = arith.muli %scan3A_747, %mul3A_755 : i32
        %swap3A_757 = arith.index_cast %mul3A_756 : i32 to index
        %swap3A_758 = tpu.vector_load %arg15[%swap3A_757] {strides = array<i32>} : memref<16912xf32, #tpu.memory_space<vmem>>, vector<16xf32>,
        tpu.vector_store %arg15[%swap3A_757], %mul3A_754 {strides = array<i32>} : memref<16912xf32, #tpu.memory_space<vmem>>, vector<16xf32>,
        %get3A_759 = arith.index_cast %scan3A_747 : i32 to index
        %get3A_760 = arith.constant 16 : index
        %get3A_761 = tpu.vector_load %arg12[%get3A_759, %get3A_760] {strides = array<i32>} : memref<512x32xf32, #tpu.memory_space<vmem>>, vector<16xf32>,
        %get3A_762 = arith.index_cast %scan3A_747 : i32 to index
        %get3A_763 = arith.constant 16 : index
        %get3A_764 = tpu.vector_load %arg13[%get3A_762, %get3A_763] {strides = array<i32>} : memref<512x64xf32, #tpu.memory_space<vmem>>, vector<16xf32>,
        %mul3A_765 = arith.mulf %get3A_761, %get3A_764 : vector<16xf32>
        %mul3A_766 = arith.constant 33 : i32
        %mul3A_767 = arith.muli %scan3A_747, %mul3A_766 : i32
        %add3A_768 = arith.constant 16 : i32
        %add3A_769 = arith.addi %mul3A_767, %add3A_768 : i32
        %swap3A_770 = arith.index_cast %add3A_769 : i32 to index
        %swap3A_771 = tpu.vector_load %arg15[%swap3A_770] {strides = array<i32>} : memref<16912xf32, #tpu.memory_space<vmem>>, vector<16xf32>,
        tpu.vector_store %arg15[%swap3A_770], %mul3A_765 {strides = array<i32>} : memref<16912xf32, #tpu.memory_space<vmem>>, vector<16xf32>,
        %scan3A_772 = arith.constant 10 : i32
        %scan3A_773 = arith.addi %scan3A_515, %scan3A_772 : i32
        %get3A_774 = arith.index_cast %scan3A_773 : i32 to index
        %get3A_775 = arith.constant 0 : index
        %get3A_776 = tpu.vector_load %arg12[%get3A_774, %get3A_775] {strides = array<i32>} : memref<512x32xf32, #tpu.memory_space<vmem>>, vector<16xf32>,
        %get3A_777 = arith.index_cast %scan3A_773 : i32 to index
        %get3A_778 = arith.constant 0 : index
        %get3A_779 = tpu.vector_load %arg13[%get3A_777, %get3A_778] {strides = array<i32>} : memref<512x64xf32, #tpu.memory_space<vmem>>, vector<16xf32>,
        %mul3A_780 = arith.mulf %get3A_776, %get3A_779 : vector<16xf32>
        %mul3A_781 = arith.constant 33 : i32
        %mul3A_782 = arith.muli %scan3A_773, %mul3A_781 : i32
        %swap3A_783 = arith.index_cast %mul3A_782 : i32 to index
        %swap3A_784 = tpu.vector_load %arg15[%swap3A_783] {strides = array<i32>} : memref<16912xf32, #tpu.memory_space<vmem>>, vector<16xf32>,
        tpu.vector_store %arg15[%swap3A_783], %mul3A_780 {strides = array<i32>} : memref<16912xf32, #tpu.memory_space<vmem>>, vector<16xf32>,
        %get3A_785 = arith.index_cast %scan3A_773 : i32 to index
        %get3A_786 = arith.constant 16 : index
        %get3A_787 = tpu.vector_load %arg12[%get3A_785, %get3A_786] {strides = array<i32>} : memref<512x32xf32, #tpu.memory_space<vmem>>, vector<16xf32>,
        %get3A_788 = arith.index_cast %scan3A_773 : i32 to index
        %get3A_789 = arith.constant 16 : index
        %get3A_790 = tpu.vector_load %arg13[%get3A_788, %get3A_789] {strides = array<i32>} : memref<512x64xf32, #tpu.memory_space<vmem>>, vector<16xf32>,
        %mul3A_791 = arith.mulf %get3A_787, %get3A_790 : vector<16xf32>
        %mul3A_792 = arith.constant 33 : i32
        %mul3A_793 = arith.muli %scan3A_773, %mul3A_792 : i32
        %add3A_794 = arith.constant 16 : i32
        %add3A_795 = arith.addi %mul3A_793, %add3A_794 : i32
        %swap3A_796 = arith.index_cast %add3A_795 : i32 to index
        %swap3A_797 = tpu.vector_load %arg15[%swap3A_796] {strides = array<i32>} : memref<16912xf32, #tpu.memory_space<vmem>>, vector<16xf32>,
        tpu.vector_store %arg15[%swap3A_796], %mul3A_791 {strides = array<i32>} : memref<16912xf32, #tpu.memory_space<vmem>>, vector<16xf32>,
        %scan3A_798 = arith.constant 11 : i32
        %scan3A_799 = arith.addi %scan3A_515, %scan3A_798 : i32
        %get3A_800 = arith.index_cast %scan3A_799 : i32 to index
        %get3A_801 = arith.constant 0 : index
        %get3A_802 = tpu.vector_load %arg12[%get3A_800, %get3A_801] {strides = array<i32>} : memref<512x32xf32, #tpu.memory_space<vmem>>, vector<16xf32>,
        %get3A_803 = arith.index_cast %scan3A_799 : i32 to index
        %get3A_804 = arith.constant 0 : index
        %get3A_805 = tpu.vector_load %arg13[%get3A_803, %get3A_804] {strides = array<i32>} : memref<512x64xf32, #tpu.memory_space<vmem>>, vector<16xf32>,
        %mul3A_806 = arith.mulf %get3A_802, %get3A_805 : vector<16xf32>
        %mul3A_807 = arith.constant 33 : i32
        %mul3A_808 = arith.muli %scan3A_799, %mul3A_807 : i32
        %swap3A_809 = arith.index_cast %mul3A_808 : i32 to index
        %swap3A_810 = tpu.vector_load %arg15[%swap3A_809] {strides = array<i32>} : memref<16912xf32, #tpu.memory_space<vmem>>, vector<16xf32>,
        tpu.vector_store %arg15[%swap3A_809], %mul3A_806 {strides = array<i32>} : memref<16912xf32, #tpu.memory_space<vmem>>, vector<16xf32>,
        %get3A_811 = arith.index_cast %scan3A_799 : i32 to index
        %get3A_812 = arith.constant 16 : index
        %get3A_813 = tpu.vector_load %arg12[%get3A_811, %get3A_812] {strides = array<i32>} : memref<512x32xf32, #tpu.memory_space<vmem>>, vector<16xf32>,
        %get3A_814 = arith.index_cast %scan3A_799 : i32 to index
        %get3A_815 = arith.constant 16 : index
        %get3A_816 = tpu.vector_load %arg13[%get3A_814, %get3A_815] {strides = array<i32>} : memref<512x64xf32, #tpu.memory_space<vmem>>, vector<16xf32>,
        %mul3A_817 = arith.mulf %get3A_813, %get3A_816 : vector<16xf32>
        %mul3A_818 = arith.constant 33 : i32
        %mul3A_819 = arith.muli %scan3A_799, %mul3A_818 : i32
        %add3A_820 = arith.constant 16 : i32
        %add3A_821 = arith.addi %mul3A_819, %add3A_820 : i32
        %swap3A_822 = arith.index_cast %add3A_821 : i32 to index
        %swap3A_823 = tpu.vector_load %arg15[%swap3A_822] {strides = array<i32>} : memref<16912xf32, #tpu.memory_space<vmem>>, vector<16xf32>,
        tpu.vector_store %arg15[%swap3A_822], %mul3A_817 {strides = array<i32>} : memref<16912xf32, #tpu.memory_space<vmem>>, vector<16xf32>,
        %scan3A_824 = arith.constant 12 : i32
        %scan3A_825 = arith.addi %scan3A_515, %scan3A_824 : i32
        %get3A_826 = arith.index_cast %scan3A_825 : i32 to index
        %get3A_827 = arith.constant 0 : index
        %get3A_828 = tpu.vector_load %arg12[%get3A_826, %get3A_827] {strides = array<i32>} : memref<512x32xf32, #tpu.memory_space<vmem>>, vector<16xf32>,
        %get3A_829 = arith.index_cast %scan3A_825 : i32 to index
        %get3A_830 = arith.constant 0 : index
        %get3A_831 = tpu.vector_load %arg13[%get3A_829, %get3A_830] {strides = array<i32>} : memref<512x64xf32, #tpu.memory_space<vmem>>, vector<16xf32>,
        %mul3A_832 = arith.mulf %get3A_828, %get3A_831 : vector<16xf32>
        %mul3A_833 = arith.constant 33 : i32
        %mul3A_834 = arith.muli %scan3A_825, %mul3A_833 : i32
        %swap3A_835 = arith.index_cast %mul3A_834 : i32 to index
        %swap3A_836 = tpu.vector_load %arg15[%swap3A_835] {strides = array<i32>} : memref<16912xf32, #tpu.memory_space<vmem>>, vector<16xf32>,
        tpu.vector_store %arg15[%swap3A_835], %mul3A_832 {strides = array<i32>} : memref<16912xf32, #tpu.memory_space<vmem>>, vector<16xf32>,
        %get3A_837 = arith.index_cast %scan3A_825 : i32 to index
        %get3A_838 = arith.constant 16 : index
        %get3A_839 = tpu.vector_load %arg12[%get3A_837, %get3A_838] {strides = array<i32>} : memref<512x32xf32, #tpu.memory_space<vmem>>, vector<16xf32>,
        %get3A_840 = arith.index_cast %scan3A_825 : i32 to index
        %get3A_841 = arith.constant 16 : index
        %get3A_842 = tpu.vector_load %arg13[%get3A_840, %get3A_841] {strides = array<i32>} : memref<512x64xf32, #tpu.memory_space<vmem>>, vector<16xf32>,
        %mul3A_843 = arith.mulf %get3A_839, %get3A_842 : vector<16xf32>
        %mul3A_844 = arith.constant 33 : i32
        %mul3A_845 = arith.muli %scan3A_825, %mul3A_844 : i32
        %add3A_846 = arith.constant 16 : i32
        %add3A_847 = arith.addi %mul3A_845, %add3A_846 : i32
        %swap3A_848 = arith.index_cast %add3A_847 : i32 to index
        %swap3A_849 = tpu.vector_load %arg15[%swap3A_848] {strides = array<i32>} : memref<16912xf32, #tpu.memory_space<vmem>>, vector<16xf32>,
        tpu.vector_store %arg15[%swap3A_848], %mul3A_843 {strides = array<i32>} : memref<16912xf32, #tpu.memory_space<vmem>>, vector<16xf32>,
        %scan3A_850 = arith.constant 13 : i32
        %scan3A_851 = arith.addi %scan3A_515, %scan3A_850 : i32
        %get3A_852 = arith.index_cast %scan3A_851 : i32 to index
        %get3A_853 = arith.constant 0 : index
        %get3A_854 = tpu.vector_load %arg12[%get3A_852, %get3A_853] {strides = array<i32>} : memref<512x32xf32, #tpu.memory_space<vmem>>, vector<16xf32>,
        %get3A_855 = arith.index_cast %scan3A_851 : i32 to index
        %get3A_856 = arith.constant 0 : index
        %get3A_857 = tpu.vector_load %arg13[%get3A_855, %get3A_856] {strides = array<i32>} : memref<512x64xf32, #tpu.memory_space<vmem>>, vector<16xf32>,
        %mul3A_858 = arith.mulf %get3A_854, %get3A_857 : vector<16xf32>
        %mul3A_859 = arith.constant 33 : i32
        %mul3A_860 = arith.muli %scan3A_851, %mul3A_859 : i32
        %swap3A_861 = arith.index_cast %mul3A_860 : i32 to index
        %swap3A_862 = tpu.vector_load %arg15[%swap3A_861] {strides = array<i32>} : memref<16912xf32, #tpu.memory_space<vmem>>, vector<16xf32>,
        tpu.vector_store %arg15[%swap3A_861], %mul3A_858 {strides = array<i32>} : memref<16912xf32, #tpu.memory_space<vmem>>, vector<16xf32>,
        %get3A_863 = arith.index_cast %scan3A_851 : i32 to index
        %get3A_864 = arith.constant 16 : index
        %get3A_865 = tpu.vector_load %arg12[%get3A_863, %get3A_864] {strides = array<i32>} : memref<512x32xf32, #tpu.memory_space<vmem>>, vector<16xf32>,
        %get3A_866 = arith.index_cast %scan3A_851 : i32 to index
        %get3A_867 = arith.constant 16 : index
        %get3A_868 = tpu.vector_load %arg13[%get3A_866, %get3A_867] {strides = array<i32>} : memref<512x64xf32, #tpu.memory_space<vmem>>, vector<16xf32>,
        %mul3A_869 = arith.mulf %get3A_865, %get3A_868 : vector<16xf32>
        %mul3A_870 = arith.constant 33 : i32
        %mul3A_871 = arith.muli %scan3A_851, %mul3A_870 : i32
        %add3A_872 = arith.constant 16 : i32
        %add3A_873 = arith.addi %mul3A_871, %add3A_872 : i32
        %swap3A_874 = arith.index_cast %add3A_873 : i32 to index
        %swap3A_875 = tpu.vector_load %arg15[%swap3A_874] {strides = array<i32>} : memref<16912xf32, #tpu.memory_space<vmem>>, vector<16xf32>,
        tpu.vector_store %arg15[%swap3A_874], %mul3A_869 {strides = array<i32>} : memref<16912xf32, #tpu.memory_space<vmem>>, vector<16xf32>,
        %scan3A_876 = arith.constant 14 : i32
        %scan3A_877 = arith.addi %scan3A_515, %scan3A_876 : i32
        %get3A_878 = arith.index_cast %scan3A_877 : i32 to index
        %get3A_879 = arith.constant 0 : index
        %get3A_880 = tpu.vector_load %arg12[%get3A_878, %get3A_879] {strides = array<i32>} : memref<512x32xf32, #tpu.memory_space<vmem>>, vector<16xf32>,
        %get3A_881 = arith.index_cast %scan3A_877 : i32 to index
        %get3A_882 = arith.constant 0 : index
        %get3A_883 = tpu.vector_load %arg13[%get3A_881, %get3A_882] {strides = array<i32>} : memref<512x64xf32, #tpu.memory_space<vmem>>, vector<16xf32>,
        %mul3A_884 = arith.mulf %get3A_880, %get3A_883 : vector<16xf32>
        %mul3A_885 = arith.constant 33 : i32
        %mul3A_886 = arith.muli %scan3A_877, %mul3A_885 : i32
        %swap3A_887 = arith.index_cast %mul3A_886 : i32 to index
        %swap3A_888 = tpu.vector_load %arg15[%swap3A_887] {strides = array<i32>} : memref<16912xf32, #tpu.memory_space<vmem>>, vector<16xf32>,
        tpu.vector_store %arg15[%swap3A_887], %mul3A_884 {strides = array<i32>} : memref<16912xf32, #tpu.memory_space<vmem>>, vector<16xf32>,
        %get3A_889 = arith.index_cast %scan3A_877 : i32 to index
        %get3A_890 = arith.constant 16 : index
        %get3A_891 = tpu.vector_load %arg12[%get3A_889, %get3A_890] {strides = array<i32>} : memref<512x32xf32, #tpu.memory_space<vmem>>, vector<16xf32>,
        %get3A_892 = arith.index_cast %scan3A_877 : i32 to index
        %get3A_893 = arith.constant 16 : index
        %get3A_894 = tpu.vector_load %arg13[%get3A_892, %get3A_893] {strides = array<i32>} : memref<512x64xf32, #tpu.memory_space<vmem>>, vector<16xf32>,
        %mul3A_895 = arith.mulf %get3A_891, %get3A_894 : vector<16xf32>
        %mul3A_896 = arith.constant 33 : i32
        %mul3A_897 = arith.muli %scan3A_877, %mul3A_896 : i32
        %add3A_898 = arith.constant 16 : i32
        %add3A_899 = arith.addi %mul3A_897, %add3A_898 : i32
        %swap3A_900 = arith.index_cast %add3A_899 : i32 to index
        %swap3A_901 = tpu.vector_load %arg15[%swap3A_900] {strides = array<i32>} : memref<16912xf32, #tpu.memory_space<vmem>>, vector<16xf32>,
        tpu.vector_store %arg15[%swap3A_900], %mul3A_895 {strides = array<i32>} : memref<16912xf32, #tpu.memory_space<vmem>>, vector<16xf32>,
        %scan3A_902 = arith.constant 15 : i32
        %scan3A_903 = arith.addi %scan3A_515, %scan3A_902 : i32
        %get3A_904 = arith.index_cast %scan3A_903 : i32 to index
        %get3A_905 = arith.constant 0 : index
        %get3A_906 = tpu.vector_load %arg12[%get3A_904, %get3A_905] {strides = array<i32>} : memref<512x32xf32, #tpu.memory_space<vmem>>, vector<16xf32>,
        %get3A_907 = arith.index_cast %scan3A_903 : i32 to index
        %get3A_908 = arith.constant 0 : index
        %get3A_909 = tpu.vector_load %arg13[%get3A_907, %get3A_908] {strides = array<i32>} : memref<512x64xf32, #tpu.memory_space<vmem>>, vector<16xf32>,
        %mul3A_910 = arith.mulf %get3A_906, %get3A_909 : vector<16xf32>
        %mul3A_911 = arith.constant 33 : i32
        %mul3A_912 = arith.muli %scan3A_903, %mul3A_911 : i32
        %swap3A_913 = arith.index_cast %mul3A_912 : i32 to index
        %swap3A_914 = tpu.vector_load %arg15[%swap3A_913] {strides = array<i32>} : memref<16912xf32, #tpu.memory_space<vmem>>, vector<16xf32>,
        tpu.vector_store %arg15[%swap3A_913], %mul3A_910 {strides = array<i32>} : memref<16912xf32, #tpu.memory_space<vmem>>, vector<16xf32>,
        %get3A_915 = arith.index_cast %scan3A_903 : i32 to index
        %get3A_916 = arith.constant 16 : index
        %get3A_917 = tpu.vector_load %arg12[%get3A_915, %get3A_916] {strides = array<i32>} : memref<512x32xf32, #tpu.memory_space<vmem>>, vector<16xf32>,
        %get3A_918 = arith.index_cast %scan3A_903 : i32 to index
        %get3A_919 = arith.constant 16 : index
        %get3A_920 = tpu.vector_load %arg13[%get3A_918, %get3A_919] {strides = array<i32>} : memref<512x64xf32, #tpu.memory_space<vmem>>, vector<16xf32>,
        %mul3A_921 = arith.mulf %get3A_917, %get3A_920 : vector<16xf32>
        %mul3A_922 = arith.constant 33 : i32
        %mul3A_923 = arith.muli %scan3A_903, %mul3A_922 : i32
        %add3A_924 = arith.constant 16 : i32
        %add3A_925 = arith.addi %mul3A_923, %add3A_924 : i32
        %swap3A_926 = arith.index_cast %add3A_925 : i32 to index
        %swap3A_927 = tpu.vector_load %arg15[%swap3A_926] {strides = array<i32>} : memref<16912xf32, #tpu.memory_space<vmem>>, vector<16xf32>,
        tpu.vector_store %arg15[%swap3A_926], %mul3A_921 {strides = array<i32>} : memref<16912xf32, #tpu.memory_space<vmem>>, vector<16xf32>,
      }
      %scan3A_502 = arith.constant 512 : i32
      %scan3A_503 = arith.constant 0 : i32
      %scan3A_504 = arith.constant 0 : i32
      %scan3A_505 = arith.constant 32 : i32
      %scan3A_506 = arith.addi %scan3A_504, %scan3A_505 : i32
      %scan3A_507 = arith.constant 2 : i32
      scf.for %scan3A_515 = %scan3A_504 to %scan3A_506 step %scan3A_507  : i32 {
        %mul3A_516 = arith.constant 16 : i32
        %mul3A_517 = arith.muli %scan3A_515, %mul3A_516 : i32
        %add3A_518 = vector.broadcast %mul3A_517 : i32 to vector<16xi32>
        %add3A_519 = arith.addi %add3A_518, %iota3A : vector<16xi32>
        %mul3A_520 = arith.constant 33 : i32
        %mul3A_521 = vector.broadcast %mul3A_520 : i32 to vector<16xi32>
        %mul3A_522 = arith.muli %add3A_519, %mul3A_521 : vector<16xi32>
        %broadcast_in_dim3A = arith.constant 0.000000e+00 : f32
        %broadcast_in_dim3A_523 = vector.broadcast %broadcast_in_dim3A : f32 to vector<16xf32>
        %broadcast_in_dim3A_524 = arith.constant 0.000000e+00 : f32
        %broadcast_in_dim3A_525 = vector.broadcast %broadcast_in_dim3A_524 : f32 to vector<16xf32>
        %broadcast_in_dim3A_526 = arith.constant 0.000000e+00 : f32
        %broadcast_in_dim3A_527 = vector.broadcast %broadcast_in_dim3A_526 : f32 to vector<16xf32>
        %broadcast_in_dim3A_528 = arith.constant 0.000000e+00 : f32
        %broadcast_in_dim3A_529 = vector.broadcast %broadcast_in_dim3A_528 : f32 to vector<16xf32>
        %add3A_530 = arith.constant 0 : i32
        %add3A_531 = vector.broadcast %add3A_530 : i32 to vector<16xi32>
        %add3A_532 = arith.addi %mul3A_522, %add3A_531 : vector<16xi32>
        %gather3A = tpu.vector_load_idx %arg15[%add3A_532] : memref<16912xf32, #tpu.memory_space<vmem>>[vector<16xi32>], vector<16xf32>,
        %add3A_533 = arith.addf %broadcast_in_dim3A_523, %gather3A : vector<16xf32>
        %add3A_534 = arith.constant 1 : i32
        %add3A_535 = vector.broadcast %add3A_534 : i32 to vector<16xi32>
        %add3A_536 = arith.addi %mul3A_522, %add3A_535 : vector<16xi32>
        %gather3A_537 = tpu.vector_load_idx %arg15[%add3A_536] : memref<16912xf32, #tpu.memory_space<vmem>>[vector<16xi32>], vector<16xf32>,
        %add3A_538 = arith.addf %broadcast_in_dim3A_525, %gather3A_537 : vector<16xf32>
        %add3A_539 = arith.constant 2 : i32
        %add3A_540 = vector.broadcast %add3A_539 : i32 to vector<16xi32>
        %add3A_541 = arith.addi %mul3A_522, %add3A_540 : vector<16xi32>
        %gather3A_542 = tpu.vector_load_idx %arg15[%add3A_541] : memref<16912xf32, #tpu.memory_space<vmem>>[vector<16xi32>], vector<16xf32>,
        %add3A_543 = arith.addf %broadcast_in_dim3A_527, %gather3A_542 : vector<16xf32>
        %add3A_544 = arith.constant 3 : i32
        %add3A_545 = vector.broadcast %add3A_544 : i32 to vector<16xi32>
        %add3A_546 = arith.addi %mul3A_522, %add3A_545 : vector<16xi32>
        %gather3A_547 = tpu.vector_load_idx %arg15[%add3A_546] : memref<16912xf32, #tpu.memory_space<vmem>>[vector<16xi32>], vector<16xf32>,
        %add3A_548 = arith.addf %broadcast_in_dim3A_529, %gather3A_547 : vector<16xf32>
        %add3A_549 = arith.constant 4 : i32
        %add3A_550 = vector.broadcast %add3A_549 : i32 to vector<16xi32>
        %add3A_551 = arith.addi %mul3A_522, %add3A_550 : vector<16xi32>
        %gather3A_552 = tpu.vector_load_idx %arg15[%add3A_551] : memref<16912xf32, #tpu.memory_space<vmem>>[vector<16xi32>], vector<16xf32>,
        %add3A_553 = arith.addf %add3A_533, %gather3A_552 : vector<16xf32>
        %add3A_554 = arith.constant 5 : i32
        %add3A_555 = vector.broadcast %add3A_554 : i32 to vector<16xi32>
        %add3A_556 = arith.addi %mul3A_522, %add3A_555 : vector<16xi32>
        %gather3A_557 = tpu.vector_load_idx %arg15[%add3A_556] : memref<16912xf32, #tpu.memory_space<vmem>>[vector<16xi32>], vector<16xf32>,
        %add3A_558 = arith.addf %add3A_538, %gather3A_557 : vector<16xf32>
        %add3A_559 = arith.constant 6 : i32
        %add3A_560 = vector.broadcast %add3A_559 : i32 to vector<16xi32>
        %add3A_561 = arith.addi %mul3A_522, %add3A_560 : vector<16xi32>
        %gather3A_562 = tpu.vector_load_idx %arg15[%add3A_561] : memref<16912xf32, #tpu.memory_space<vmem>>[vector<16xi32>], vector<16xf32>,
        %add3A_563 = arith.addf %add3A_543, %gather3A_562 : vector<16xf32>
        %add3A_564 = arith.constant 7 : i32
        %add3A_565 = vector.broadcast %add3A_564 : i32 to vector<16xi32>
        %add3A_566 = arith.addi %mul3A_522, %add3A_565 : vector<16xi32>
        %gather3A_567 = tpu.vector_load_idx %arg15[%add3A_566] : memref<16912xf32, #tpu.memory_space<vmem>>[vector<16xi32>], vector<16xf32>,
        %add3A_568 = arith.addf %add3A_548, %gather3A_567 : vector<16xf32>
        %add3A_569 = arith.constant 8 : i32
        %add3A_570 = vector.broadcast %add3A_569 : i32 to vector<16xi32>
        %add3A_571 = arith.addi %mul3A_522, %add3A_570 : vector<16xi32>
        %gather3A_572 = tpu.vector_load_idx %arg15[%add3A_571] : memref<16912xf32, #tpu.memory_space<vmem>>[vector<16xi32>], vector<16xf32>,
        %add3A_573 = arith.addf %add3A_553, %gather3A_572 : vector<16xf32>
        %add3A_574 = arith.constant 9 : i32
        %add3A_575 = vector.broadcast %add3A_574 : i32 to vector<16xi32>
        %add3A_576 = arith.addi %mul3A_522, %add3A_575 : vector<16xi32>
        %gather3A_577 = tpu.vector_load_idx %arg15[%add3A_576] : memref<16912xf32, #tpu.memory_space<vmem>>[vector<16xi32>], vector<16xf32>,
        %add3A_578 = arith.addf %add3A_558, %gather3A_577 : vector<16xf32>
        %add3A_579 = arith.constant 10 : i32
        %add3A_580 = vector.broadcast %add3A_579 : i32 to vector<16xi32>
        %add3A_581 = arith.addi %mul3A_522, %add3A_580 : vector<16xi32>
        %gather3A_582 = tpu.vector_load_idx %arg15[%add3A_581] : memref<16912xf32, #tpu.memory_space<vmem>>[vector<16xi32>], vector<16xf32>,
        %add3A_583 = arith.addf %add3A_563, %gather3A_582 : vector<16xf32>
        %add3A_584 = arith.constant 11 : i32
        %add3A_585 = vector.broadcast %add3A_584 : i32 to vector<16xi32>
        %add3A_586 = arith.addi %mul3A_522, %add3A_585 : vector<16xi32>
        %gather3A_587 = tpu.vector_load_idx %arg15[%add3A_586] : memref<16912xf32, #tpu.memory_space<vmem>>[vector<16xi32>], vector<16xf32>,
        %add3A_588 = arith.addf %add3A_568, %gather3A_587 : vector<16xf32>
        %add3A_589 = arith.constant 12 : i32
        %add3A_590 = vector.broadcast %add3A_589 : i32 to vector<16xi32>
        %add3A_591 = arith.addi %mul3A_522, %add3A_590 : vector<16xi32>
        %gather3A_592 = tpu.vector_load_idx %arg15[%add3A_591] : memref<16912xf32, #tpu.memory_space<vmem>>[vector<16xi32>], vector<16xf32>,
        %add3A_593 = arith.addf %add3A_573, %gather3A_592 : vector<16xf32>
        %add3A_594 = arith.constant 13 : i32
        %add3A_595 = vector.broadcast %add3A_594 : i32 to vector<16xi32>
        %add3A_596 = arith.addi %mul3A_522, %add3A_595 : vector<16xi32>
        %gather3A_597 = tpu.vector_load_idx %arg15[%add3A_596] : memref<16912xf32, #tpu.memory_space<vmem>>[vector<16xi32>], vector<16xf32>,
        %add3A_598 = arith.addf %add3A_578, %gather3A_597 : vector<16xf32>
        %add3A_599 = arith.constant 14 : i32
        %add3A_600 = vector.broadcast %add3A_599 : i32 to vector<16xi32>
        %add3A_601 = arith.addi %mul3A_522, %add3A_600 : vector<16xi32>
        %gather3A_602 = tpu.vector_load_idx %arg15[%add3A_601] : memref<16912xf32, #tpu.memory_space<vmem>>[vector<16xi32>], vector<16xf32>,
        %add3A_603 = arith.addf %add3A_583, %gather3A_602 : vector<16xf32>
        %add3A_604 = arith.constant 15 : i32
        %add3A_605 = vector.broadcast %add3A_604 : i32 to vector<16xi32>
        %add3A_606 = arith.addi %mul3A_522, %add3A_605 : vector<16xi32>
        %gather3A_607 = tpu.vector_load_idx %arg15[%add3A_606] : memref<16912xf32, #tpu.memory_space<vmem>>[vector<16xi32>], vector<16xf32>,
        %add3A_608 = arith.addf %add3A_588, %gather3A_607 : vector<16xf32>
        %add3A_609 = arith.constant 16 : i32
        %add3A_610 = vector.broadcast %add3A_609 : i32 to vector<16xi32>
        %add3A_611 = arith.addi %mul3A_522, %add3A_610 : vector<16xi32>
        %gather3A_612 = tpu.vector_load_idx %arg15[%add3A_611] : memref<16912xf32, #tpu.memory_space<vmem>>[vector<16xi32>], vector<16xf32>,
        %add3A_613 = arith.addf %add3A_593, %gather3A_612 : vector<16xf32>
        %add3A_614 = arith.constant 17 : i32
        %add3A_615 = vector.broadcast %add3A_614 : i32 to vector<16xi32>
        %add3A_616 = arith.addi %mul3A_522, %add3A_615 : vector<16xi32>
        %gather3A_617 = tpu.vector_load_idx %arg15[%add3A_616] : memref<16912xf32, #tpu.memory_space<vmem>>[vector<16xi32>], vector<16xf32>,
        %add3A_618 = arith.addf %add3A_598, %gather3A_617 : vector<16xf32>
        %add3A_619 = arith.constant 18 : i32
        %add3A_620 = vector.broadcast %add3A_619 : i32 to vector<16xi32>
        %add3A_621 = arith.addi %mul3A_522, %add3A_620 : vector<16xi32>
        %gather3A_622 = tpu.vector_load_idx %arg15[%add3A_621] : memref<16912xf32, #tpu.memory_space<vmem>>[vector<16xi32>], vector<16xf32>,
        %add3A_623 = arith.addf %add3A_603, %gather3A_622 : vector<16xf32>
        %add3A_624 = arith.constant 19 : i32
        %add3A_625 = vector.broadcast %add3A_624 : i32 to vector<16xi32>
        %add3A_626 = arith.addi %mul3A_522, %add3A_625 : vector<16xi32>
        %gather3A_627 = tpu.vector_load_idx %arg15[%add3A_626] : memref<16912xf32, #tpu.memory_space<vmem>>[vector<16xi32>], vector<16xf32>,
        %add3A_628 = arith.addf %add3A_608, %gather3A_627 : vector<16xf32>
        %add3A_629 = arith.constant 20 : i32
        %add3A_630 = vector.broadcast %add3A_629 : i32 to vector<16xi32>
        %add3A_631 = arith.addi %mul3A_522, %add3A_630 : vector<16xi32>
        %gather3A_632 = tpu.vector_load_idx %arg15[%add3A_631] : memref<16912xf32, #tpu.memory_space<vmem>>[vector<16xi32>], vector<16xf32>,
        %add3A_633 = arith.addf %add3A_613, %gather3A_632 : vector<16xf32>
        %add3A_634 = arith.constant 21 : i32
        %add3A_635 = vector.broadcast %add3A_634 : i32 to vector<16xi32>
        %add3A_636 = arith.addi %mul3A_522, %add3A_635 : vector<16xi32>
        %gather3A_637 = tpu.vector_load_idx %arg15[%add3A_636] : memref<16912xf32, #tpu.memory_space<vmem>>[vector<16xi32>], vector<16xf32>,
        %add3A_638 = arith.addf %add3A_618, %gather3A_637 : vector<16xf32>
        %add3A_639 = arith.constant 22 : i32
        %add3A_640 = vector.broadcast %add3A_639 : i32 to vector<16xi32>
        %add3A_641 = arith.addi %mul3A_522, %add3A_640 : vector<16xi32>
        %gather3A_642 = tpu.vector_load_idx %arg15[%add3A_641] : memref<16912xf32, #tpu.memory_space<vmem>>[vector<16xi32>], vector<16xf32>,
        %add3A_643 = arith.addf %add3A_623, %gather3A_642 : vector<16xf32>
        %add3A_644 = arith.constant 23 : i32
        %add3A_645 = vector.broadcast %add3A_644 : i32 to vector<16xi32>
        %add3A_646 = arith.addi %mul3A_522, %add3A_645 : vector<16xi32>
        %gather3A_647 = tpu.vector_load_idx %arg15[%add3A_646] : memref<16912xf32, #tpu.memory_space<vmem>>[vector<16xi32>], vector<16xf32>,
        %add3A_648 = arith.addf %add3A_628, %gather3A_647 : vector<16xf32>
        %add3A_649 = arith.constant 24 : i32
        %add3A_650 = vector.broadcast %add3A_649 : i32 to vector<16xi32>
        %add3A_651 = arith.addi %mul3A_522, %add3A_650 : vector<16xi32>
        %gather3A_652 = tpu.vector_load_idx %arg15[%add3A_651] : memref<16912xf32, #tpu.memory_space<vmem>>[vector<16xi32>], vector<16xf32>,
        %add3A_653 = arith.addf %add3A_633, %gather3A_652 : vector<16xf32>
        %add3A_654 = arith.constant 25 : i32
        %add3A_655 = vector.broadcast %add3A_654 : i32 to vector<16xi32>
        %add3A_656 = arith.addi %mul3A_522, %add3A_655 : vector<16xi32>
        %gather3A_657 = tpu.vector_load_idx %arg15[%add3A_656] : memref<16912xf32, #tpu.memory_space<vmem>>[vector<16xi32>], vector<16xf32>,
        %add3A_658 = arith.addf %add3A_638, %gather3A_657 : vector<16xf32>
        %add3A_659 = arith.constant 26 : i32
        %add3A_660 = vector.broadcast %add3A_659 : i32 to vector<16xi32>
        %add3A_661 = arith.addi %mul3A_522, %add3A_660 : vector<16xi32>
        %gather3A_662 = tpu.vector_load_idx %arg15[%add3A_661] : memref<16912xf32, #tpu.memory_space<vmem>>[vector<16xi32>], vector<16xf32>,
        %add3A_663 = arith.addf %add3A_643, %gather3A_662 : vector<16xf32>
        %add3A_664 = arith.constant 27 : i32
        %add3A_665 = vector.broadcast %add3A_664 : i32 to vector<16xi32>
        %add3A_666 = arith.addi %mul3A_522, %add3A_665 : vector<16xi32>
        %gather3A_667 = tpu.vector_load_idx %arg15[%add3A_666] : memref<16912xf32, #tpu.memory_space<vmem>>[vector<16xi32>], vector<16xf32>,
        %add3A_668 = arith.addf %add3A_648, %gather3A_667 : vector<16xf32>
        %add3A_669 = arith.constant 28 : i32
        %add3A_670 = vector.broadcast %add3A_669 : i32 to vector<16xi32>
        %add3A_671 = arith.addi %mul3A_522, %add3A_670 : vector<16xi32>
        %gather3A_672 = tpu.vector_load_idx %arg15[%add3A_671] : memref<16912xf32, #tpu.memory_space<vmem>>[vector<16xi32>], vector<16xf32>,
        %add3A_673 = arith.addf %add3A_653, %gather3A_672 : vector<16xf32>
        %add3A_674 = arith.constant 29 : i32
        %add3A_675 = vector.broadcast %add3A_674 : i32 to vector<16xi32>
        %add3A_676 = arith.addi %mul3A_522, %add3A_675 : vector<16xi32>
        %gather3A_677 = tpu.vector_load_idx %arg15[%add3A_676] : memref<16912xf32, #tpu.memory_space<vmem>>[vector<16xi32>], vector<16xf32>,
        %add3A_678 = arith.addf %add3A_658, %gather3A_677 : vector<16xf32>
        %add3A_679 = arith.constant 30 : i32
        %add3A_680 = vector.broadcast %add3A_679 : i32 to vector<16xi32>
        %add3A_681 = arith.addi %mul3A_522, %add3A_680 : vector<16xi32>
        %gather3A_682 = tpu.vector_load_idx %arg15[%add3A_681] : memref<16912xf32, #tpu.memory_space<vmem>>[vector<16xi32>], vector<16xf32>,
        %add3A_683 = arith.addf %add3A_663, %gather3A_682 : vector<16xf32>
        %add3A_684 = arith.constant 31 : i32
        %add3A_685 = vector.broadcast %add3A_684 : i32 to vector<16xi32>
        %add3A_686 = arith.addi %mul3A_522, %add3A_685 : vector<16xi32>
        %gather3A_687 = tpu.vector_load_idx %arg15[%add3A_686] : memref<16912xf32, #tpu.memory_space<vmem>>[vector<16xi32>], vector<16xf32>,
        %add3A_688 = arith.addf %add3A_668, %gather3A_687 : vector<16xf32>
        %add3A_689 = arith.addf %add3A_673, %add3A_678 : vector<16xf32>
        %add3A_690 = arith.addf %add3A_683, %add3A_688 : vector<16xf32>
        %add3A_691 = arith.addf %add3A_689, %add3A_690 : vector<16xf32>
        %exp3A = math.exp %add3A_691 : vector<16xf32>
        %mul3A_692 = arith.constant 16 : i32
        %mul3A_693 = arith.muli %scan3A_515, %mul3A_692 : i32
        %add3A_694 = arith.addi %add3A_496, %mul3A_693 : i32
        %add3A_695 = vector.broadcast %add3A_694 : i32 to vector<16xi32>
        %add3A_696 = arith.addi %add3A_695, %iota3A : vector<16xi32>
        %lt3A = arith.constant 160000 : i32
        %lt3A_697 = vector.broadcast %lt3A : i32 to vector<16xi32>
        %lt3A_698 = arith.cmpi slt, %add3A_696, %lt3A_697 : vector<16xi32>
        %jit3A = arith.constant 0.000000e+00 : f32
        %broadcast_in_dim3A_699 = vector.broadcast %jit3A : f32 to vector<16xf32>
        %select_n3A = arith.select %lt3A_698, %exp3A, %broadcast_in_dim3A_699 : vector<16xi1>, vector<16xf32>
        %mul3A_700 = arith.constant 16 : i32
        %mul3A_701 = arith.muli %scan3A_515, %mul3A_700 : i32
        %swap3A = arith.index_cast %mul3A_701 : i32 to index
        %swap3A_702 = tpu.vector_load %arg16[%swap3A] {strides = array<i32>} : memref<512xf32, #tpu.memory_space<vmem>>, vector<16xf32>,
        tpu.vector_store %arg16[%swap3A], %select_n3A {strides = array<i32>} : memref<512xf32, #tpu.memory_space<vmem>>, vector<16xf32>,
        %scan3A_703 = arith.constant 1 : i32
        %scan3A_704 = arith.addi %scan3A_515, %scan3A_703 : i32
        %mul3A_705 = arith.constant 16 : i32
        %mul3A_706 = arith.muli %scan3A_704, %mul3A_705 : i32
        %add3A_707 = vector.broadcast %mul3A_706 : i32 to vector<16xi32>
        %add3A_708 = arith.addi %add3A_707, %iota3A : vector<16xi32>
        %mul3A_709 = arith.constant 33 : i32
        %mul3A_710 = vector.broadcast %mul3A_709 : i32 to vector<16xi32>
        %mul3A_711 = arith.muli %add3A_708, %mul3A_710 : vector<16xi32>
        %broadcast_in_dim3A_712 = arith.constant 0.000000e+00 : f32
        %broadcast_in_dim3A_713 = vector.broadcast %broadcast_in_dim3A_712 : f32 to vector<16xf32>
        %broadcast_in_dim3A_714 = arith.constant 0.000000e+00 : f32
        %broadcast_in_dim3A_715 = vector.broadcast %broadcast_in_dim3A_714 : f32 to vector<16xf32>
        %broadcast_in_dim3A_716 = arith.constant 0.000000e+00 : f32
        %broadcast_in_dim3A_717 = vector.broadcast %broadcast_in_dim3A_716 : f32 to vector<16xf32>
        %broadcast_in_dim3A_718 = arith.constant 0.000000e+00 : f32
        %broadcast_in_dim3A_719 = vector.broadcast %broadcast_in_dim3A_718 : f32 to vector<16xf32>
        %add3A_720 = arith.constant 0 : i32
        %add3A_721 = vector.broadcast %add3A_720 : i32 to vector<16xi32>
        %add3A_722 = arith.addi %mul3A_711, %add3A_721 : vector<16xi32>
        %gather3A_723 = tpu.vector_load_idx %arg15[%add3A_722] : memref<16912xf32, #tpu.memory_space<vmem>>[vector<16xi32>], vector<16xf32>,
        %add3A_724 = arith.addf %broadcast_in_dim3A_713, %gather3A_723 : vector<16xf32>
        %add3A_725 = arith.constant 1 : i32
        %add3A_726 = vector.broadcast %add3A_725 : i32 to vector<16xi32>
        %add3A_727 = arith.addi %mul3A_711, %add3A_726 : vector<16xi32>
        %gather3A_728 = tpu.vector_load_idx %arg15[%add3A_727] : memref<16912xf32, #tpu.memory_space<vmem>>[vector<16xi32>], vector<16xf32>,
        %add3A_729 = arith.addf %broadcast_in_dim3A_715, %gather3A_728 : vector<16xf32>
        %add3A_730 = arith.constant 2 : i32
        %add3A_731 = vector.broadcast %add3A_730 : i32 to vector<16xi32>
        %add3A_732 = arith.addi %mul3A_711, %add3A_731 : vector<16xi32>
        %gather3A_733 = tpu.vector_load_idx %arg15[%add3A_732] : memref<16912xf32, #tpu.memory_space<vmem>>[vector<16xi32>], vector<16xf32>,
        %add3A_734 = arith.addf %broadcast_in_dim3A_717, %gather3A_733 : vector<16xf32>
        %add3A_735 = arith.constant 3 : i32
        %add3A_736 = vector.broadcast %add3A_735 : i32 to vector<16xi32>
        %add3A_737 = arith.addi %mul3A_711, %add3A_736 : vector<16xi32>
        %gather3A_738 = tpu.vector_load_idx %arg15[%add3A_737] : memref<16912xf32, #tpu.memory_space<vmem>>[vector<16xi32>], vector<16xf32>,
        %add3A_739 = arith.addf %broadcast_in_dim3A_719, %gather3A_738 : vector<16xf32>
        %add3A_740 = arith.constant 4 : i32
        %add3A_741 = vector.broadcast %add3A_740 : i32 to vector<16xi32>
        %add3A_742 = arith.addi %mul3A_711, %add3A_741 : vector<16xi32>
        %gather3A_743 = tpu.vector_load_idx %arg15[%add3A_742] : memref<16912xf32, #tpu.memory_space<vmem>>[vector<16xi32>], vector<16xf32>,
        %add3A_744 = arith.addf %add3A_724, %gather3A_743 : vector<16xf32>
        %add3A_745 = arith.constant 5 : i32
        %add3A_746 = vector.broadcast %add3A_745 : i32 to vector<16xi32>
        %add3A_747 = arith.addi %mul3A_711, %add3A_746 : vector<16xi32>
        %gather3A_748 = tpu.vector_load_idx %arg15[%add3A_747] : memref<16912xf32, #tpu.memory_space<vmem>>[vector<16xi32>], vector<16xf32>,
        %add3A_749 = arith.addf %add3A_729, %gather3A_748 : vector<16xf32>
        %add3A_750 = arith.constant 6 : i32
        %add3A_751 = vector.broadcast %add3A_750 : i32 to vector<16xi32>
        %add3A_752 = arith.addi %mul3A_711, %add3A_751 : vector<16xi32>
        %gather3A_753 = tpu.vector_load_idx %arg15[%add3A_752] : memref<16912xf32, #tpu.memory_space<vmem>>[vector<16xi32>], vector<16xf32>,
        %add3A_754 = arith.addf %add3A_734, %gather3A_753 : vector<16xf32>
        %add3A_755 = arith.constant 7 : i32
        %add3A_756 = vector.broadcast %add3A_755 : i32 to vector<16xi32>
        %add3A_757 = arith.addi %mul3A_711, %add3A_756 : vector<16xi32>
        %gather3A_758 = tpu.vector_load_idx %arg15[%add3A_757] : memref<16912xf32, #tpu.memory_space<vmem>>[vector<16xi32>], vector<16xf32>,
        %add3A_759 = arith.addf %add3A_739, %gather3A_758 : vector<16xf32>
        %add3A_760 = arith.constant 8 : i32
        %add3A_761 = vector.broadcast %add3A_760 : i32 to vector<16xi32>
        %add3A_762 = arith.addi %mul3A_711, %add3A_761 : vector<16xi32>
        %gather3A_763 = tpu.vector_load_idx %arg15[%add3A_762] : memref<16912xf32, #tpu.memory_space<vmem>>[vector<16xi32>], vector<16xf32>,
        %add3A_764 = arith.addf %add3A_744, %gather3A_763 : vector<16xf32>
        %add3A_765 = arith.constant 9 : i32
        %add3A_766 = vector.broadcast %add3A_765 : i32 to vector<16xi32>
        %add3A_767 = arith.addi %mul3A_711, %add3A_766 : vector<16xi32>
        %gather3A_768 = tpu.vector_load_idx %arg15[%add3A_767] : memref<16912xf32, #tpu.memory_space<vmem>>[vector<16xi32>], vector<16xf32>,
        %add3A_769 = arith.addf %add3A_749, %gather3A_768 : vector<16xf32>
        %add3A_770 = arith.constant 10 : i32
        %add3A_771 = vector.broadcast %add3A_770 : i32 to vector<16xi32>
        %add3A_772 = arith.addi %mul3A_711, %add3A_771 : vector<16xi32>
        %gather3A_773 = tpu.vector_load_idx %arg15[%add3A_772] : memref<16912xf32, #tpu.memory_space<vmem>>[vector<16xi32>], vector<16xf32>,
        %add3A_774 = arith.addf %add3A_754, %gather3A_773 : vector<16xf32>
        %add3A_775 = arith.constant 11 : i32
        %add3A_776 = vector.broadcast %add3A_775 : i32 to vector<16xi32>
        %add3A_777 = arith.addi %mul3A_711, %add3A_776 : vector<16xi32>
        %gather3A_778 = tpu.vector_load_idx %arg15[%add3A_777] : memref<16912xf32, #tpu.memory_space<vmem>>[vector<16xi32>], vector<16xf32>,
        %add3A_779 = arith.addf %add3A_759, %gather3A_778 : vector<16xf32>
        %add3A_780 = arith.constant 12 : i32
        %add3A_781 = vector.broadcast %add3A_780 : i32 to vector<16xi32>
        %add3A_782 = arith.addi %mul3A_711, %add3A_781 : vector<16xi32>
        %gather3A_783 = tpu.vector_load_idx %arg15[%add3A_782] : memref<16912xf32, #tpu.memory_space<vmem>>[vector<16xi32>], vector<16xf32>,
        %add3A_784 = arith.addf %add3A_764, %gather3A_783 : vector<16xf32>
        %add3A_785 = arith.constant 13 : i32
        %add3A_786 = vector.broadcast %add3A_785 : i32 to vector<16xi32>
        %add3A_787 = arith.addi %mul3A_711, %add3A_786 : vector<16xi32>
        %gather3A_788 = tpu.vector_load_idx %arg15[%add3A_787] : memref<16912xf32, #tpu.memory_space<vmem>>[vector<16xi32>], vector<16xf32>,
        %add3A_789 = arith.addf %add3A_769, %gather3A_788 : vector<16xf32>
        %add3A_790 = arith.constant 14 : i32
        %add3A_791 = vector.broadcast %add3A_790 : i32 to vector<16xi32>
        %add3A_792 = arith.addi %mul3A_711, %add3A_791 : vector<16xi32>
        %gather3A_793 = tpu.vector_load_idx %arg15[%add3A_792] : memref<16912xf32, #tpu.memory_space<vmem>>[vector<16xi32>], vector<16xf32>,
        %add3A_794 = arith.addf %add3A_774, %gather3A_793 : vector<16xf32>
        %add3A_795 = arith.constant 15 : i32
        %add3A_796 = vector.broadcast %add3A_795 : i32 to vector<16xi32>
        %add3A_797 = arith.addi %mul3A_711, %add3A_796 : vector<16xi32>
        %gather3A_798 = tpu.vector_load_idx %arg15[%add3A_797] : memref<16912xf32, #tpu.memory_space<vmem>>[vector<16xi32>], vector<16xf32>,
        %add3A_799 = arith.addf %add3A_779, %gather3A_798 : vector<16xf32>
        %add3A_800 = arith.constant 16 : i32
        %add3A_801 = vector.broadcast %add3A_800 : i32 to vector<16xi32>
        %add3A_802 = arith.addi %mul3A_711, %add3A_801 : vector<16xi32>
        %gather3A_803 = tpu.vector_load_idx %arg15[%add3A_802] : memref<16912xf32, #tpu.memory_space<vmem>>[vector<16xi32>], vector<16xf32>,
        %add3A_804 = arith.addf %add3A_784, %gather3A_803 : vector<16xf32>
        %add3A_805 = arith.constant 17 : i32
        %add3A_806 = vector.broadcast %add3A_805 : i32 to vector<16xi32>
        %add3A_807 = arith.addi %mul3A_711, %add3A_806 : vector<16xi32>
        %gather3A_808 = tpu.vector_load_idx %arg15[%add3A_807] : memref<16912xf32, #tpu.memory_space<vmem>>[vector<16xi32>], vector<16xf32>,
        %add3A_809 = arith.addf %add3A_789, %gather3A_808 : vector<16xf32>
        %add3A_810 = arith.constant 18 : i32
        %add3A_811 = vector.broadcast %add3A_810 : i32 to vector<16xi32>
        %add3A_812 = arith.addi %mul3A_711, %add3A_811 : vector<16xi32>
        %gather3A_813 = tpu.vector_load_idx %arg15[%add3A_812] : memref<16912xf32, #tpu.memory_space<vmem>>[vector<16xi32>], vector<16xf32>,
        %add3A_814 = arith.addf %add3A_794, %gather3A_813 : vector<16xf32>
        %add3A_815 = arith.constant 19 : i32
        %add3A_816 = vector.broadcast %add3A_815 : i32 to vector<16xi32>
        %add3A_817 = arith.addi %mul3A_711, %add3A_816 : vector<16xi32>
        %gather3A_818 = tpu.vector_load_idx %arg15[%add3A_817] : memref<16912xf32, #tpu.memory_space<vmem>>[vector<16xi32>], vector<16xf32>,
        %add3A_819 = arith.addf %add3A_799, %gather3A_818 : vector<16xf32>
        %add3A_820 = arith.constant 20 : i32
        %add3A_821 = vector.broadcast %add3A_820 : i32 to vector<16xi32>
        %add3A_822 = arith.addi %mul3A_711, %add3A_821 : vector<16xi32>
        %gather3A_823 = tpu.vector_load_idx %arg15[%add3A_822] : memref<16912xf32, #tpu.memory_space<vmem>>[vector<16xi32>], vector<16xf32>,
        %add3A_824 = arith.addf %add3A_804, %gather3A_823 : vector<16xf32>
        %add3A_825 = arith.constant 21 : i32
        %add3A_826 = vector.broadcast %add3A_825 : i32 to vector<16xi32>
        %add3A_827 = arith.addi %mul3A_711, %add3A_826 : vector<16xi32>
        %gather3A_828 = tpu.vector_load_idx %arg15[%add3A_827] : memref<16912xf32, #tpu.memory_space<vmem>>[vector<16xi32>], vector<16xf32>,
        %add3A_829 = arith.addf %add3A_809, %gather3A_828 : vector<16xf32>
        %add3A_830 = arith.constant 22 : i32
        %add3A_831 = vector.broadcast %add3A_830 : i32 to vector<16xi32>
        %add3A_832 = arith.addi %mul3A_711, %add3A_831 : vector<16xi32>
        %gather3A_833 = tpu.vector_load_idx %arg15[%add3A_832] : memref<16912xf32, #tpu.memory_space<vmem>>[vector<16xi32>], vector<16xf32>,
        %add3A_834 = arith.addf %add3A_814, %gather3A_833 : vector<16xf32>
        %add3A_835 = arith.constant 23 : i32
        %add3A_836 = vector.broadcast %add3A_835 : i32 to vector<16xi32>
        %add3A_837 = arith.addi %mul3A_711, %add3A_836 : vector<16xi32>
        %gather3A_838 = tpu.vector_load_idx %arg15[%add3A_837] : memref<16912xf32, #tpu.memory_space<vmem>>[vector<16xi32>], vector<16xf32>,
        %add3A_839 = arith.addf %add3A_819, %gather3A_838 : vector<16xf32>
        %add3A_840 = arith.constant 24 : i32
        %add3A_841 = vector.broadcast %add3A_840 : i32 to vector<16xi32>
        %add3A_842 = arith.addi %mul3A_711, %add3A_841 : vector<16xi32>
        %gather3A_843 = tpu.vector_load_idx %arg15[%add3A_842] : memref<16912xf32, #tpu.memory_space<vmem>>[vector<16xi32>], vector<16xf32>,
        %add3A_844 = arith.addf %add3A_824, %gather3A_843 : vector<16xf32>
        %add3A_845 = arith.constant 25 : i32
        %add3A_846 = vector.broadcast %add3A_845 : i32 to vector<16xi32>
        %add3A_847 = arith.addi %mul3A_711, %add3A_846 : vector<16xi32>
        %gather3A_848 = tpu.vector_load_idx %arg15[%add3A_847] : memref<16912xf32, #tpu.memory_space<vmem>>[vector<16xi32>], vector<16xf32>,
        %add3A_849 = arith.addf %add3A_829, %gather3A_848 : vector<16xf32>
        %add3A_850 = arith.constant 26 : i32
        %add3A_851 = vector.broadcast %add3A_850 : i32 to vector<16xi32>
        %add3A_852 = arith.addi %mul3A_711, %add3A_851 : vector<16xi32>
        %gather3A_853 = tpu.vector_load_idx %arg15[%add3A_852] : memref<16912xf32, #tpu.memory_space<vmem>>[vector<16xi32>], vector<16xf32>,
        %add3A_854 = arith.addf %add3A_834, %gather3A_853 : vector<16xf32>
        %add3A_855 = arith.constant 27 : i32
        %add3A_856 = vector.broadcast %add3A_855 : i32 to vector<16xi32>
        %add3A_857 = arith.addi %mul3A_711, %add3A_856 : vector<16xi32>
        %gather3A_858 = tpu.vector_load_idx %arg15[%add3A_857] : memref<16912xf32, #tpu.memory_space<vmem>>[vector<16xi32>], vector<16xf32>,
        %add3A_859 = arith.addf %add3A_839, %gather3A_858 : vector<16xf32>
        %add3A_860 = arith.constant 28 : i32
        %add3A_861 = vector.broadcast %add3A_860 : i32 to vector<16xi32>
        %add3A_862 = arith.addi %mul3A_711, %add3A_861 : vector<16xi32>
        %gather3A_863 = tpu.vector_load_idx %arg15[%add3A_862] : memref<16912xf32, #tpu.memory_space<vmem>>[vector<16xi32>], vector<16xf32>,
        %add3A_864 = arith.addf %add3A_844, %gather3A_863 : vector<16xf32>
        %add3A_865 = arith.constant 29 : i32
        %add3A_866 = vector.broadcast %add3A_865 : i32 to vector<16xi32>
        %add3A_867 = arith.addi %mul3A_711, %add3A_866 : vector<16xi32>
        %gather3A_868 = tpu.vector_load_idx %arg15[%add3A_867] : memref<16912xf32, #tpu.memory_space<vmem>>[vector<16xi32>], vector<16xf32>,
        %add3A_869 = arith.addf %add3A_849, %gather3A_868 : vector<16xf32>
        %add3A_870 = arith.constant 30 : i32
        %add3A_871 = vector.broadcast %add3A_870 : i32 to vector<16xi32>
        %add3A_872 = arith.addi %mul3A_711, %add3A_871 : vector<16xi32>
        %gather3A_873 = tpu.vector_load_idx %arg15[%add3A_872] : memref<16912xf32, #tpu.memory_space<vmem>>[vector<16xi32>], vector<16xf32>,
        %add3A_874 = arith.addf %add3A_854, %gather3A_873 : vector<16xf32>
        %add3A_875 = arith.constant 31 : i32
        %add3A_876 = vector.broadcast %add3A_875 : i32 to vector<16xi32>
        %add3A_877 = arith.addi %mul3A_711, %add3A_876 : vector<16xi32>
        %gather3A_878 = tpu.vector_load_idx %arg15[%add3A_877] : memref<16912xf32, #tpu.memory_space<vmem>>[vector<16xi32>], vector<16xf32>,
        %add3A_879 = arith.addf %add3A_859, %gather3A_878 : vector<16xf32>
        %add3A_880 = arith.addf %add3A_864, %add3A_869 : vector<16xf32>
        %add3A_881 = arith.addf %add3A_874, %add3A_879 : vector<16xf32>
        %add3A_882 = arith.addf %add3A_880, %add3A_881 : vector<16xf32>
        %exp3A_883 = math.exp %add3A_882 : vector<16xf32>
        %mul3A_884 = arith.constant 16 : i32
        %mul3A_885 = arith.muli %scan3A_704, %mul3A_884 : i32
        %add3A_886 = arith.addi %add3A_496, %mul3A_885 : i32
        %add3A_887 = vector.broadcast %add3A_886 : i32 to vector<16xi32>
        %add3A_888 = arith.addi %add3A_887, %iota3A : vector<16xi32>
        %lt3A_889 = arith.constant 160000 : i32
        %lt3A_890 = vector.broadcast %lt3A_889 : i32 to vector<16xi32>
        %lt3A_891 = arith.cmpi slt, %add3A_888, %lt3A_890 : vector<16xi32>
        %jit3A_892 = arith.constant 0.000000e+00 : f32
        %broadcast_in_dim3A_893 = vector.broadcast %jit3A_892 : f32 to vector<16xf32>
        %select_n3A_894 = arith.select %lt3A_891, %exp3A_883, %broadcast_in_dim3A_893 : vector<16xi1>, vector<16xf32>
        %mul3A_895 = arith.constant 16 : i32
        %mul3A_896 = arith.muli %scan3A_704, %mul3A_895 : i32
        %swap3A_897 = arith.index_cast %mul3A_896 : i32 to index
        %swap3A_898 = tpu.vector_load %arg16[%swap3A_897] {strides = array<i32>} : memref<512xf32, #tpu.memory_space<vmem>>, vector<16xf32>,
        tpu.vector_store %arg16[%swap3A_897], %select_n3A_894 {strides = array<i32>} : memref<512xf32, #tpu.memory_space<vmem>>, vector<16xf32>,
      }
      %scan3A_508 = arith.constant 32 : i32
      %scan3A_509 = arith.constant 0 : i32
      %scan3A_510 = arith.constant 0 : i32
      %scan3A_511 = arith.constant 512 : i32
      %scan3A_512 = arith.addi %scan3A_510, %scan3A_511 : i32
      %scan3A_513 = arith.constant 16 : i32
      scf.for %scan3A_515 = %scan3A_510 to %scan3A_512 step %scan3A_513  : i32 {
        %broadcast_in_dim3A = vector.broadcast %scan3A_515 : i32 to vector<16xi32>
        %gather3A = tpu.vector_load_idx %arg16[%broadcast_in_dim3A] : memref<512xf32, #tpu.memory_space<vmem>>[vector<16xi32>], vector<16xf32>,
        %get3A = arith.index_cast %scan3A_515 : i32 to index
        %get3A_516 = arith.constant 32 : index
        %get3A_517 = tpu.vector_load %arg13[%get3A, %get3A_516] {strides = array<i32>} : memref<512x64xf32, #tpu.memory_space<vmem>>, vector<16xf32>,
        %mul3A_518 = arith.mulf %get3A_517, %gather3A : vector<16xf32>
        %swap3A = arith.index_cast %scan3A_515 : i32 to index
        %swap3A_519 = arith.constant 0 : index
        %swap3A_520 = tpu.vector_load %arg14[%swap3A, %swap3A_519] {strides = array<i32>} : memref<512x32xf32, #tpu.memory_space<vmem>>, vector<16xf32>,
        tpu.vector_store %arg14[%swap3A, %swap3A_519], %mul3A_518 {strides = array<i32>} : memref<512x32xf32, #tpu.memory_space<vmem>>, vector<16xf32>,
        %get3A_521 = arith.index_cast %scan3A_515 : i32 to index
        %get3A_522 = arith.constant 48 : index
        %get3A_523 = tpu.vector_load %arg13[%get3A_521, %get3A_522] {strides = array<i32>} : memref<512x64xf32, #tpu.memory_space<vmem>>, vector<16xf32>,
        %mul3A_524 = arith.mulf %get3A_523, %gather3A : vector<16xf32>
        %swap3A_525 = arith.index_cast %scan3A_515 : i32 to index
        %swap3A_526 = arith.constant 16 : index
        %swap3A_527 = tpu.vector_load %arg14[%swap3A_525, %swap3A_526] {strides = array<i32>} : memref<512x32xf32, #tpu.memory_space<vmem>>, vector<16xf32>,
        tpu.vector_store %arg14[%swap3A_525, %swap3A_526], %mul3A_524 {strides = array<i32>} : memref<512x32xf32, #tpu.memory_space<vmem>>, vector<16xf32>,
        %scan3A_528 = arith.constant 1 : i32
        %scan3A_529 = arith.addi %scan3A_515, %scan3A_528 : i32
        %broadcast_in_dim3A_530 = vector.broadcast %scan3A_529 : i32 to vector<16xi32>
        %gather3A_531 = tpu.vector_load_idx %arg16[%broadcast_in_dim3A_530] : memref<512xf32, #tpu.memory_space<vmem>>[vector<16xi32>], vector<16xf32>,
        %get3A_532 = arith.index_cast %scan3A_529 : i32 to index
        %get3A_533 = arith.constant 32 : index
        %get3A_534 = tpu.vector_load %arg13[%get3A_532, %get3A_533] {strides = array<i32>} : memref<512x64xf32, #tpu.memory_space<vmem>>, vector<16xf32>,
        %mul3A_535 = arith.mulf %get3A_534, %gather3A_531 : vector<16xf32>
        %swap3A_536 = arith.index_cast %scan3A_529 : i32 to index
        %swap3A_537 = arith.constant 0 : index
        %swap3A_538 = tpu.vector_load %arg14[%swap3A_536, %swap3A_537] {strides = array<i32>} : memref<512x32xf32, #tpu.memory_space<vmem>>, vector<16xf32>,
        tpu.vector_store %arg14[%swap3A_536, %swap3A_537], %mul3A_535 {strides = array<i32>} : memref<512x32xf32, #tpu.memory_space<vmem>>, vector<16xf32>,
        %get3A_539 = arith.index_cast %scan3A_529 : i32 to index
        %get3A_540 = arith.constant 48 : index
        %get3A_541 = tpu.vector_load %arg13[%get3A_539, %get3A_540] {strides = array<i32>} : memref<512x64xf32, #tpu.memory_space<vmem>>, vector<16xf32>,
        %mul3A_542 = arith.mulf %get3A_541, %gather3A_531 : vector<16xf32>
        %swap3A_543 = arith.index_cast %scan3A_529 : i32 to index
        %swap3A_544 = arith.constant 16 : index
        %swap3A_545 = tpu.vector_load %arg14[%swap3A_543, %swap3A_544] {strides = array<i32>} : memref<512x32xf32, #tpu.memory_space<vmem>>, vector<16xf32>,
        tpu.vector_store %arg14[%swap3A_543, %swap3A_544], %mul3A_542 {strides = array<i32>} : memref<512x32xf32, #tpu.memory_space<vmem>>, vector<16xf32>,
        %scan3A_546 = arith.constant 2 : i32
        %scan3A_547 = arith.addi %scan3A_515, %scan3A_546 : i32
        %broadcast_in_dim3A_548 = vector.broadcast %scan3A_547 : i32 to vector<16xi32>
        %gather3A_549 = tpu.vector_load_idx %arg16[%broadcast_in_dim3A_548] : memref<512xf32, #tpu.memory_space<vmem>>[vector<16xi32>], vector<16xf32>,
        %get3A_550 = arith.index_cast %scan3A_547 : i32 to index
        %get3A_551 = arith.constant 32 : index
        %get3A_552 = tpu.vector_load %arg13[%get3A_550, %get3A_551] {strides = array<i32>} : memref<512x64xf32, #tpu.memory_space<vmem>>, vector<16xf32>,
        %mul3A_553 = arith.mulf %get3A_552, %gather3A_549 : vector<16xf32>
        %swap3A_554 = arith.index_cast %scan3A_547 : i32 to index
        %swap3A_555 = arith.constant 0 : index
        %swap3A_556 = tpu.vector_load %arg14[%swap3A_554, %swap3A_555] {strides = array<i32>} : memref<512x32xf32, #tpu.memory_space<vmem>>, vector<16xf32>,
        tpu.vector_store %arg14[%swap3A_554, %swap3A_555], %mul3A_553 {strides = array<i32>} : memref<512x32xf32, #tpu.memory_space<vmem>>, vector<16xf32>,
        %get3A_557 = arith.index_cast %scan3A_547 : i32 to index
        %get3A_558 = arith.constant 48 : index
        %get3A_559 = tpu.vector_load %arg13[%get3A_557, %get3A_558] {strides = array<i32>} : memref<512x64xf32, #tpu.memory_space<vmem>>, vector<16xf32>,
        %mul3A_560 = arith.mulf %get3A_559, %gather3A_549 : vector<16xf32>
        %swap3A_561 = arith.index_cast %scan3A_547 : i32 to index
        %swap3A_562 = arith.constant 16 : index
        %swap3A_563 = tpu.vector_load %arg14[%swap3A_561, %swap3A_562] {strides = array<i32>} : memref<512x32xf32, #tpu.memory_space<vmem>>, vector<16xf32>,
        tpu.vector_store %arg14[%swap3A_561, %swap3A_562], %mul3A_560 {strides = array<i32>} : memref<512x32xf32, #tpu.memory_space<vmem>>, vector<16xf32>,
        %scan3A_564 = arith.constant 3 : i32
        %scan3A_565 = arith.addi %scan3A_515, %scan3A_564 : i32
        %broadcast_in_dim3A_566 = vector.broadcast %scan3A_565 : i32 to vector<16xi32>
        %gather3A_567 = tpu.vector_load_idx %arg16[%broadcast_in_dim3A_566] : memref<512xf32, #tpu.memory_space<vmem>>[vector<16xi32>], vector<16xf32>,
        %get3A_568 = arith.index_cast %scan3A_565 : i32 to index
        %get3A_569 = arith.constant 32 : index
        %get3A_570 = tpu.vector_load %arg13[%get3A_568, %get3A_569] {strides = array<i32>} : memref<512x64xf32, #tpu.memory_space<vmem>>, vector<16xf32>,
        %mul3A_571 = arith.mulf %get3A_570, %gather3A_567 : vector<16xf32>
        %swap3A_572 = arith.index_cast %scan3A_565 : i32 to index
        %swap3A_573 = arith.constant 0 : index
        %swap3A_574 = tpu.vector_load %arg14[%swap3A_572, %swap3A_573] {strides = array<i32>} : memref<512x32xf32, #tpu.memory_space<vmem>>, vector<16xf32>,
        tpu.vector_store %arg14[%swap3A_572, %swap3A_573], %mul3A_571 {strides = array<i32>} : memref<512x32xf32, #tpu.memory_space<vmem>>, vector<16xf32>,
        %get3A_575 = arith.index_cast %scan3A_565 : i32 to index
        %get3A_576 = arith.constant 48 : index
        %get3A_577 = tpu.vector_load %arg13[%get3A_575, %get3A_576] {strides = array<i32>} : memref<512x64xf32, #tpu.memory_space<vmem>>, vector<16xf32>,
        %mul3A_578 = arith.mulf %get3A_577, %gather3A_567 : vector<16xf32>
        %swap3A_579 = arith.index_cast %scan3A_565 : i32 to index
        %swap3A_580 = arith.constant 16 : index
        %swap3A_581 = tpu.vector_load %arg14[%swap3A_579, %swap3A_580] {strides = array<i32>} : memref<512x32xf32, #tpu.memory_space<vmem>>, vector<16xf32>,
        tpu.vector_store %arg14[%swap3A_579, %swap3A_580], %mul3A_578 {strides = array<i32>} : memref<512x32xf32, #tpu.memory_space<vmem>>, vector<16xf32>,
        %scan3A_582 = arith.constant 4 : i32
        %scan3A_583 = arith.addi %scan3A_515, %scan3A_582 : i32
        %broadcast_in_dim3A_584 = vector.broadcast %scan3A_583 : i32 to vector<16xi32>
        %gather3A_585 = tpu.vector_load_idx %arg16[%broadcast_in_dim3A_584] : memref<512xf32, #tpu.memory_space<vmem>>[vector<16xi32>], vector<16xf32>,
        %get3A_586 = arith.index_cast %scan3A_583 : i32 to index
        %get3A_587 = arith.constant 32 : index
        %get3A_588 = tpu.vector_load %arg13[%get3A_586, %get3A_587] {strides = array<i32>} : memref<512x64xf32, #tpu.memory_space<vmem>>, vector<16xf32>,
        %mul3A_589 = arith.mulf %get3A_588, %gather3A_585 : vector<16xf32>
        %swap3A_590 = arith.index_cast %scan3A_583 : i32 to index
        %swap3A_591 = arith.constant 0 : index
        %swap3A_592 = tpu.vector_load %arg14[%swap3A_590, %swap3A_591] {strides = array<i32>} : memref<512x32xf32, #tpu.memory_space<vmem>>, vector<16xf32>,
        tpu.vector_store %arg14[%swap3A_590, %swap3A_591], %mul3A_589 {strides = array<i32>} : memref<512x32xf32, #tpu.memory_space<vmem>>, vector<16xf32>,
        %get3A_593 = arith.index_cast %scan3A_583 : i32 to index
        %get3A_594 = arith.constant 48 : index
        %get3A_595 = tpu.vector_load %arg13[%get3A_593, %get3A_594] {strides = array<i32>} : memref<512x64xf32, #tpu.memory_space<vmem>>, vector<16xf32>,
        %mul3A_596 = arith.mulf %get3A_595, %gather3A_585 : vector<16xf32>
        %swap3A_597 = arith.index_cast %scan3A_583 : i32 to index
        %swap3A_598 = arith.constant 16 : index
        %swap3A_599 = tpu.vector_load %arg14[%swap3A_597, %swap3A_598] {strides = array<i32>} : memref<512x32xf32, #tpu.memory_space<vmem>>, vector<16xf32>,
        tpu.vector_store %arg14[%swap3A_597, %swap3A_598], %mul3A_596 {strides = array<i32>} : memref<512x32xf32, #tpu.memory_space<vmem>>, vector<16xf32>,
        %scan3A_600 = arith.constant 5 : i32
        %scan3A_601 = arith.addi %scan3A_515, %scan3A_600 : i32
        %broadcast_in_dim3A_602 = vector.broadcast %scan3A_601 : i32 to vector<16xi32>
        %gather3A_603 = tpu.vector_load_idx %arg16[%broadcast_in_dim3A_602] : memref<512xf32, #tpu.memory_space<vmem>>[vector<16xi32>], vector<16xf32>,
        %get3A_604 = arith.index_cast %scan3A_601 : i32 to index
        %get3A_605 = arith.constant 32 : index
        %get3A_606 = tpu.vector_load %arg13[%get3A_604, %get3A_605] {strides = array<i32>} : memref<512x64xf32, #tpu.memory_space<vmem>>, vector<16xf32>,
        %mul3A_607 = arith.mulf %get3A_606, %gather3A_603 : vector<16xf32>
        %swap3A_608 = arith.index_cast %scan3A_601 : i32 to index
        %swap3A_609 = arith.constant 0 : index
        %swap3A_610 = tpu.vector_load %arg14[%swap3A_608, %swap3A_609] {strides = array<i32>} : memref<512x32xf32, #tpu.memory_space<vmem>>, vector<16xf32>,
        tpu.vector_store %arg14[%swap3A_608, %swap3A_609], %mul3A_607 {strides = array<i32>} : memref<512x32xf32, #tpu.memory_space<vmem>>, vector<16xf32>,
        %get3A_611 = arith.index_cast %scan3A_601 : i32 to index
        %get3A_612 = arith.constant 48 : index
        %get3A_613 = tpu.vector_load %arg13[%get3A_611, %get3A_612] {strides = array<i32>} : memref<512x64xf32, #tpu.memory_space<vmem>>, vector<16xf32>,
        %mul3A_614 = arith.mulf %get3A_613, %gather3A_603 : vector<16xf32>
        %swap3A_615 = arith.index_cast %scan3A_601 : i32 to index
        %swap3A_616 = arith.constant 16 : index
        %swap3A_617 = tpu.vector_load %arg14[%swap3A_615, %swap3A_616] {strides = array<i32>} : memref<512x32xf32, #tpu.memory_space<vmem>>, vector<16xf32>,
        tpu.vector_store %arg14[%swap3A_615, %swap3A_616], %mul3A_614 {strides = array<i32>} : memref<512x32xf32, #tpu.memory_space<vmem>>, vector<16xf32>,
        %scan3A_618 = arith.constant 6 : i32
        %scan3A_619 = arith.addi %scan3A_515, %scan3A_618 : i32
        %broadcast_in_dim3A_620 = vector.broadcast %scan3A_619 : i32 to vector<16xi32>
        %gather3A_621 = tpu.vector_load_idx %arg16[%broadcast_in_dim3A_620] : memref<512xf32, #tpu.memory_space<vmem>>[vector<16xi32>], vector<16xf32>,
        %get3A_622 = arith.index_cast %scan3A_619 : i32 to index
        %get3A_623 = arith.constant 32 : index
        %get3A_624 = tpu.vector_load %arg13[%get3A_622, %get3A_623] {strides = array<i32>} : memref<512x64xf32, #tpu.memory_space<vmem>>, vector<16xf32>,
        %mul3A_625 = arith.mulf %get3A_624, %gather3A_621 : vector<16xf32>
        %swap3A_626 = arith.index_cast %scan3A_619 : i32 to index
        %swap3A_627 = arith.constant 0 : index
        %swap3A_628 = tpu.vector_load %arg14[%swap3A_626, %swap3A_627] {strides = array<i32>} : memref<512x32xf32, #tpu.memory_space<vmem>>, vector<16xf32>,
        tpu.vector_store %arg14[%swap3A_626, %swap3A_627], %mul3A_625 {strides = array<i32>} : memref<512x32xf32, #tpu.memory_space<vmem>>, vector<16xf32>,
        %get3A_629 = arith.index_cast %scan3A_619 : i32 to index
        %get3A_630 = arith.constant 48 : index
        %get3A_631 = tpu.vector_load %arg13[%get3A_629, %get3A_630] {strides = array<i32>} : memref<512x64xf32, #tpu.memory_space<vmem>>, vector<16xf32>,
        %mul3A_632 = arith.mulf %get3A_631, %gather3A_621 : vector<16xf32>
        %swap3A_633 = arith.index_cast %scan3A_619 : i32 to index
        %swap3A_634 = arith.constant 16 : index
        %swap3A_635 = tpu.vector_load %arg14[%swap3A_633, %swap3A_634] {strides = array<i32>} : memref<512x32xf32, #tpu.memory_space<vmem>>, vector<16xf32>,
        tpu.vector_store %arg14[%swap3A_633, %swap3A_634], %mul3A_632 {strides = array<i32>} : memref<512x32xf32, #tpu.memory_space<vmem>>, vector<16xf32>,
        %scan3A_636 = arith.constant 7 : i32
        %scan3A_637 = arith.addi %scan3A_515, %scan3A_636 : i32
        %broadcast_in_dim3A_638 = vector.broadcast %scan3A_637 : i32 to vector<16xi32>
        %gather3A_639 = tpu.vector_load_idx %arg16[%broadcast_in_dim3A_638] : memref<512xf32, #tpu.memory_space<vmem>>[vector<16xi32>], vector<16xf32>,
        %get3A_640 = arith.index_cast %scan3A_637 : i32 to index
        %get3A_641 = arith.constant 32 : index
        %get3A_642 = tpu.vector_load %arg13[%get3A_640, %get3A_641] {strides = array<i32>} : memref<512x64xf32, #tpu.memory_space<vmem>>, vector<16xf32>,
        %mul3A_643 = arith.mulf %get3A_642, %gather3A_639 : vector<16xf32>
        %swap3A_644 = arith.index_cast %scan3A_637 : i32 to index
        %swap3A_645 = arith.constant 0 : index
        %swap3A_646 = tpu.vector_load %arg14[%swap3A_644, %swap3A_645] {strides = array<i32>} : memref<512x32xf32, #tpu.memory_space<vmem>>, vector<16xf32>,
        tpu.vector_store %arg14[%swap3A_644, %swap3A_645], %mul3A_643 {strides = array<i32>} : memref<512x32xf32, #tpu.memory_space<vmem>>, vector<16xf32>,
        %get3A_647 = arith.index_cast %scan3A_637 : i32 to index
        %get3A_648 = arith.constant 48 : index
        %get3A_649 = tpu.vector_load %arg13[%get3A_647, %get3A_648] {strides = array<i32>} : memref<512x64xf32, #tpu.memory_space<vmem>>, vector<16xf32>,
        %mul3A_650 = arith.mulf %get3A_649, %gather3A_639 : vector<16xf32>
        %swap3A_651 = arith.index_cast %scan3A_637 : i32 to index
        %swap3A_652 = arith.constant 16 : index
        %swap3A_653 = tpu.vector_load %arg14[%swap3A_651, %swap3A_652] {strides = array<i32>} : memref<512x32xf32, #tpu.memory_space<vmem>>, vector<16xf32>,
        tpu.vector_store %arg14[%swap3A_651, %swap3A_652], %mul3A_650 {strides = array<i32>} : memref<512x32xf32, #tpu.memory_space<vmem>>, vector<16xf32>,
        %scan3A_654 = arith.constant 8 : i32
        %scan3A_655 = arith.addi %scan3A_515, %scan3A_654 : i32
        %broadcast_in_dim3A_656 = vector.broadcast %scan3A_655 : i32 to vector<16xi32>
        %gather3A_657 = tpu.vector_load_idx %arg16[%broadcast_in_dim3A_656] : memref<512xf32, #tpu.memory_space<vmem>>[vector<16xi32>], vector<16xf32>,
        %get3A_658 = arith.index_cast %scan3A_655 : i32 to index
        %get3A_659 = arith.constant 32 : index
        %get3A_660 = tpu.vector_load %arg13[%get3A_658, %get3A_659] {strides = array<i32>} : memref<512x64xf32, #tpu.memory_space<vmem>>, vector<16xf32>,
        %mul3A_661 = arith.mulf %get3A_660, %gather3A_657 : vector<16xf32>
        %swap3A_662 = arith.index_cast %scan3A_655 : i32 to index
        %swap3A_663 = arith.constant 0 : index
        %swap3A_664 = tpu.vector_load %arg14[%swap3A_662, %swap3A_663] {strides = array<i32>} : memref<512x32xf32, #tpu.memory_space<vmem>>, vector<16xf32>,
        tpu.vector_store %arg14[%swap3A_662, %swap3A_663], %mul3A_661 {strides = array<i32>} : memref<512x32xf32, #tpu.memory_space<vmem>>, vector<16xf32>,
        %get3A_665 = arith.index_cast %scan3A_655 : i32 to index
        %get3A_666 = arith.constant 48 : index
        %get3A_667 = tpu.vector_load %arg13[%get3A_665, %get3A_666] {strides = array<i32>} : memref<512x64xf32, #tpu.memory_space<vmem>>, vector<16xf32>,
        %mul3A_668 = arith.mulf %get3A_667, %gather3A_657 : vector<16xf32>
        %swap3A_669 = arith.index_cast %scan3A_655 : i32 to index
        %swap3A_670 = arith.constant 16 : index
        %swap3A_671 = tpu.vector_load %arg14[%swap3A_669, %swap3A_670] {strides = array<i32>} : memref<512x32xf32, #tpu.memory_space<vmem>>, vector<16xf32>,
        tpu.vector_store %arg14[%swap3A_669, %swap3A_670], %mul3A_668 {strides = array<i32>} : memref<512x32xf32, #tpu.memory_space<vmem>>, vector<16xf32>,
        %scan3A_672 = arith.constant 9 : i32
        %scan3A_673 = arith.addi %scan3A_515, %scan3A_672 : i32
        %broadcast_in_dim3A_674 = vector.broadcast %scan3A_673 : i32 to vector<16xi32>
        %gather3A_675 = tpu.vector_load_idx %arg16[%broadcast_in_dim3A_674] : memref<512xf32, #tpu.memory_space<vmem>>[vector<16xi32>], vector<16xf32>,
        %get3A_676 = arith.index_cast %scan3A_673 : i32 to index
        %get3A_677 = arith.constant 32 : index
        %get3A_678 = tpu.vector_load %arg13[%get3A_676, %get3A_677] {strides = array<i32>} : memref<512x64xf32, #tpu.memory_space<vmem>>, vector<16xf32>,
        %mul3A_679 = arith.mulf %get3A_678, %gather3A_675 : vector<16xf32>
        %swap3A_680 = arith.index_cast %scan3A_673 : i32 to index
        %swap3A_681 = arith.constant 0 : index
        %swap3A_682 = tpu.vector_load %arg14[%swap3A_680, %swap3A_681] {strides = array<i32>} : memref<512x32xf32, #tpu.memory_space<vmem>>, vector<16xf32>,
        tpu.vector_store %arg14[%swap3A_680, %swap3A_681], %mul3A_679 {strides = array<i32>} : memref<512x32xf32, #tpu.memory_space<vmem>>, vector<16xf32>,
        %get3A_683 = arith.index_cast %scan3A_673 : i32 to index
        %get3A_684 = arith.constant 48 : index
        %get3A_685 = tpu.vector_load %arg13[%get3A_683, %get3A_684] {strides = array<i32>} : memref<512x64xf32, #tpu.memory_space<vmem>>, vector<16xf32>,
        %mul3A_686 = arith.mulf %get3A_685, %gather3A_675 : vector<16xf32>
        %swap3A_687 = arith.index_cast %scan3A_673 : i32 to index
        %swap3A_688 = arith.constant 16 : index
        %swap3A_689 = tpu.vector_load %arg14[%swap3A_687, %swap3A_688] {strides = array<i32>} : memref<512x32xf32, #tpu.memory_space<vmem>>, vector<16xf32>,
        tpu.vector_store %arg14[%swap3A_687, %swap3A_688], %mul3A_686 {strides = array<i32>} : memref<512x32xf32, #tpu.memory_space<vmem>>, vector<16xf32>,
        %scan3A_690 = arith.constant 10 : i32
        %scan3A_691 = arith.addi %scan3A_515, %scan3A_690 : i32
        %broadcast_in_dim3A_692 = vector.broadcast %scan3A_691 : i32 to vector<16xi32>
        %gather3A_693 = tpu.vector_load_idx %arg16[%broadcast_in_dim3A_692] : memref<512xf32, #tpu.memory_space<vmem>>[vector<16xi32>], vector<16xf32>,
        %get3A_694 = arith.index_cast %scan3A_691 : i32 to index
        %get3A_695 = arith.constant 32 : index
        %get3A_696 = tpu.vector_load %arg13[%get3A_694, %get3A_695] {strides = array<i32>} : memref<512x64xf32, #tpu.memory_space<vmem>>, vector<16xf32>,
        %mul3A_697 = arith.mulf %get3A_696, %gather3A_693 : vector<16xf32>
        %swap3A_698 = arith.index_cast %scan3A_691 : i32 to index
        %swap3A_699 = arith.constant 0 : index
        %swap3A_700 = tpu.vector_load %arg14[%swap3A_698, %swap3A_699] {strides = array<i32>} : memref<512x32xf32, #tpu.memory_space<vmem>>, vector<16xf32>,
        tpu.vector_store %arg14[%swap3A_698, %swap3A_699], %mul3A_697 {strides = array<i32>} : memref<512x32xf32, #tpu.memory_space<vmem>>, vector<16xf32>,
        %get3A_701 = arith.index_cast %scan3A_691 : i32 to index
        %get3A_702 = arith.constant 48 : index
        %get3A_703 = tpu.vector_load %arg13[%get3A_701, %get3A_702] {strides = array<i32>} : memref<512x64xf32, #tpu.memory_space<vmem>>, vector<16xf32>,
        %mul3A_704 = arith.mulf %get3A_703, %gather3A_693 : vector<16xf32>
        %swap3A_705 = arith.index_cast %scan3A_691 : i32 to index
        %swap3A_706 = arith.constant 16 : index
        %swap3A_707 = tpu.vector_load %arg14[%swap3A_705, %swap3A_706] {strides = array<i32>} : memref<512x32xf32, #tpu.memory_space<vmem>>, vector<16xf32>,
        tpu.vector_store %arg14[%swap3A_705, %swap3A_706], %mul3A_704 {strides = array<i32>} : memref<512x32xf32, #tpu.memory_space<vmem>>, vector<16xf32>,
        %scan3A_708 = arith.constant 11 : i32
        %scan3A_709 = arith.addi %scan3A_515, %scan3A_708 : i32
        %broadcast_in_dim3A_710 = vector.broadcast %scan3A_709 : i32 to vector<16xi32>
        %gather3A_711 = tpu.vector_load_idx %arg16[%broadcast_in_dim3A_710] : memref<512xf32, #tpu.memory_space<vmem>>[vector<16xi32>], vector<16xf32>,
        %get3A_712 = arith.index_cast %scan3A_709 : i32 to index
        %get3A_713 = arith.constant 32 : index
        %get3A_714 = tpu.vector_load %arg13[%get3A_712, %get3A_713] {strides = array<i32>} : memref<512x64xf32, #tpu.memory_space<vmem>>, vector<16xf32>,
        %mul3A_715 = arith.mulf %get3A_714, %gather3A_711 : vector<16xf32>
        %swap3A_716 = arith.index_cast %scan3A_709 : i32 to index
        %swap3A_717 = arith.constant 0 : index
        %swap3A_718 = tpu.vector_load %arg14[%swap3A_716, %swap3A_717] {strides = array<i32>} : memref<512x32xf32, #tpu.memory_space<vmem>>, vector<16xf32>,
        tpu.vector_store %arg14[%swap3A_716, %swap3A_717], %mul3A_715 {strides = array<i32>} : memref<512x32xf32, #tpu.memory_space<vmem>>, vector<16xf32>,
        %get3A_719 = arith.index_cast %scan3A_709 : i32 to index
        %get3A_720 = arith.constant 48 : index
        %get3A_721 = tpu.vector_load %arg13[%get3A_719, %get3A_720] {strides = array<i32>} : memref<512x64xf32, #tpu.memory_space<vmem>>, vector<16xf32>,
        %mul3A_722 = arith.mulf %get3A_721, %gather3A_711 : vector<16xf32>
        %swap3A_723 = arith.index_cast %scan3A_709 : i32 to index
        %swap3A_724 = arith.constant 16 : index
        %swap3A_725 = tpu.vector_load %arg14[%swap3A_723, %swap3A_724] {strides = array<i32>} : memref<512x32xf32, #tpu.memory_space<vmem>>, vector<16xf32>,
        tpu.vector_store %arg14[%swap3A_723, %swap3A_724], %mul3A_722 {strides = array<i32>} : memref<512x32xf32, #tpu.memory_space<vmem>>, vector<16xf32>,
        %scan3A_726 = arith.constant 12 : i32
        %scan3A_727 = arith.addi %scan3A_515, %scan3A_726 : i32
        %broadcast_in_dim3A_728 = vector.broadcast %scan3A_727 : i32 to vector<16xi32>
        %gather3A_729 = tpu.vector_load_idx %arg16[%broadcast_in_dim3A_728] : memref<512xf32, #tpu.memory_space<vmem>>[vector<16xi32>], vector<16xf32>,
        %get3A_730 = arith.index_cast %scan3A_727 : i32 to index
        %get3A_731 = arith.constant 32 : index
        %get3A_732 = tpu.vector_load %arg13[%get3A_730, %get3A_731] {strides = array<i32>} : memref<512x64xf32, #tpu.memory_space<vmem>>, vector<16xf32>,
        %mul3A_733 = arith.mulf %get3A_732, %gather3A_729 : vector<16xf32>
        %swap3A_734 = arith.index_cast %scan3A_727 : i32 to index
        %swap3A_735 = arith.constant 0 : index
        %swap3A_736 = tpu.vector_load %arg14[%swap3A_734, %swap3A_735] {strides = array<i32>} : memref<512x32xf32, #tpu.memory_space<vmem>>, vector<16xf32>,
        tpu.vector_store %arg14[%swap3A_734, %swap3A_735], %mul3A_733 {strides = array<i32>} : memref<512x32xf32, #tpu.memory_space<vmem>>, vector<16xf32>,
        %get3A_737 = arith.index_cast %scan3A_727 : i32 to index
        %get3A_738 = arith.constant 48 : index
        %get3A_739 = tpu.vector_load %arg13[%get3A_737, %get3A_738] {strides = array<i32>} : memref<512x64xf32, #tpu.memory_space<vmem>>, vector<16xf32>,
        %mul3A_740 = arith.mulf %get3A_739, %gather3A_729 : vector<16xf32>
        %swap3A_741 = arith.index_cast %scan3A_727 : i32 to index
        %swap3A_742 = arith.constant 16 : index
        %swap3A_743 = tpu.vector_load %arg14[%swap3A_741, %swap3A_742] {strides = array<i32>} : memref<512x32xf32, #tpu.memory_space<vmem>>, vector<16xf32>,
        tpu.vector_store %arg14[%swap3A_741, %swap3A_742], %mul3A_740 {strides = array<i32>} : memref<512x32xf32, #tpu.memory_space<vmem>>, vector<16xf32>,
        %scan3A_744 = arith.constant 13 : i32
        %scan3A_745 = arith.addi %scan3A_515, %scan3A_744 : i32
        %broadcast_in_dim3A_746 = vector.broadcast %scan3A_745 : i32 to vector<16xi32>
        %gather3A_747 = tpu.vector_load_idx %arg16[%broadcast_in_dim3A_746] : memref<512xf32, #tpu.memory_space<vmem>>[vector<16xi32>], vector<16xf32>,
        %get3A_748 = arith.index_cast %scan3A_745 : i32 to index
        %get3A_749 = arith.constant 32 : index
        %get3A_750 = tpu.vector_load %arg13[%get3A_748, %get3A_749] {strides = array<i32>} : memref<512x64xf32, #tpu.memory_space<vmem>>, vector<16xf32>,
        %mul3A_751 = arith.mulf %get3A_750, %gather3A_747 : vector<16xf32>
        %swap3A_752 = arith.index_cast %scan3A_745 : i32 to index
        %swap3A_753 = arith.constant 0 : index
        %swap3A_754 = tpu.vector_load %arg14[%swap3A_752, %swap3A_753] {strides = array<i32>} : memref<512x32xf32, #tpu.memory_space<vmem>>, vector<16xf32>,
        tpu.vector_store %arg14[%swap3A_752, %swap3A_753], %mul3A_751 {strides = array<i32>} : memref<512x32xf32, #tpu.memory_space<vmem>>, vector<16xf32>,
        %get3A_755 = arith.index_cast %scan3A_745 : i32 to index
        %get3A_756 = arith.constant 48 : index
        %get3A_757 = tpu.vector_load %arg13[%get3A_755, %get3A_756] {strides = array<i32>} : memref<512x64xf32, #tpu.memory_space<vmem>>, vector<16xf32>,
        %mul3A_758 = arith.mulf %get3A_757, %gather3A_747 : vector<16xf32>
        %swap3A_759 = arith.index_cast %scan3A_745 : i32 to index
        %swap3A_760 = arith.constant 16 : index
        %swap3A_761 = tpu.vector_load %arg14[%swap3A_759, %swap3A_760] {strides = array<i32>} : memref<512x32xf32, #tpu.memory_space<vmem>>, vector<16xf32>,
        tpu.vector_store %arg14[%swap3A_759, %swap3A_760], %mul3A_758 {strides = array<i32>} : memref<512x32xf32, #tpu.memory_space<vmem>>, vector<16xf32>,
        %scan3A_762 = arith.constant 14 : i32
        %scan3A_763 = arith.addi %scan3A_515, %scan3A_762 : i32
        %broadcast_in_dim3A_764 = vector.broadcast %scan3A_763 : i32 to vector<16xi32>
        %gather3A_765 = tpu.vector_load_idx %arg16[%broadcast_in_dim3A_764] : memref<512xf32, #tpu.memory_space<vmem>>[vector<16xi32>], vector<16xf32>,
        %get3A_766 = arith.index_cast %scan3A_763 : i32 to index
        %get3A_767 = arith.constant 32 : index
        %get3A_768 = tpu.vector_load %arg13[%get3A_766, %get3A_767] {strides = array<i32>} : memref<512x64xf32, #tpu.memory_space<vmem>>, vector<16xf32>,
        %mul3A_769 = arith.mulf %get3A_768, %gather3A_765 : vector<16xf32>
        %swap3A_770 = arith.index_cast %scan3A_763 : i32 to index
        %swap3A_771 = arith.constant 0 : index
        %swap3A_772 = tpu.vector_load %arg14[%swap3A_770, %swap3A_771] {strides = array<i32>} : memref<512x32xf32, #tpu.memory_space<vmem>>, vector<16xf32>,
        tpu.vector_store %arg14[%swap3A_770, %swap3A_771], %mul3A_769 {strides = array<i32>} : memref<512x32xf32, #tpu.memory_space<vmem>>, vector<16xf32>,
        %get3A_773 = arith.index_cast %scan3A_763 : i32 to index
        %get3A_774 = arith.constant 48 : index
        %get3A_775 = tpu.vector_load %arg13[%get3A_773, %get3A_774] {strides = array<i32>} : memref<512x64xf32, #tpu.memory_space<vmem>>, vector<16xf32>,
        %mul3A_776 = arith.mulf %get3A_775, %gather3A_765 : vector<16xf32>
        %swap3A_777 = arith.index_cast %scan3A_763 : i32 to index
        %swap3A_778 = arith.constant 16 : index
        %swap3A_779 = tpu.vector_load %arg14[%swap3A_777, %swap3A_778] {strides = array<i32>} : memref<512x32xf32, #tpu.memory_space<vmem>>, vector<16xf32>,
        tpu.vector_store %arg14[%swap3A_777, %swap3A_778], %mul3A_776 {strides = array<i32>} : memref<512x32xf32, #tpu.memory_space<vmem>>, vector<16xf32>,
        %scan3A_780 = arith.constant 15 : i32
        %scan3A_781 = arith.addi %scan3A_515, %scan3A_780 : i32
        %broadcast_in_dim3A_782 = vector.broadcast %scan3A_781 : i32 to vector<16xi32>
        %gather3A_783 = tpu.vector_load_idx %arg16[%broadcast_in_dim3A_782] : memref<512xf32, #tpu.memory_space<vmem>>[vector<16xi32>], vector<16xf32>,
        %get3A_784 = arith.index_cast %scan3A_781 : i32 to index
        %get3A_785 = arith.constant 32 : index
        %get3A_786 = tpu.vector_load %arg13[%get3A_784, %get3A_785] {strides = array<i32>} : memref<512x64xf32, #tpu.memory_space<vmem>>, vector<16xf32>,
        %mul3A_787 = arith.mulf %get3A_786, %gather3A_783 : vector<16xf32>
        %swap3A_788 = arith.index_cast %scan3A_781 : i32 to index
        %swap3A_789 = arith.constant 0 : index
        %swap3A_790 = tpu.vector_load %arg14[%swap3A_788, %swap3A_789] {strides = array<i32>} : memref<512x32xf32, #tpu.memory_space<vmem>>, vector<16xf32>,
        tpu.vector_store %arg14[%swap3A_788, %swap3A_789], %mul3A_787 {strides = array<i32>} : memref<512x32xf32, #tpu.memory_space<vmem>>, vector<16xf32>,
        %get3A_791 = arith.index_cast %scan3A_781 : i32 to index
        %get3A_792 = arith.constant 48 : index
        %get3A_793 = tpu.vector_load %arg13[%get3A_791, %get3A_792] {strides = array<i32>} : memref<512x64xf32, #tpu.memory_space<vmem>>, vector<16xf32>,
        %mul3A_794 = arith.mulf %get3A_793, %gather3A_783 : vector<16xf32>
        %swap3A_795 = arith.index_cast %scan3A_781 : i32 to index
        %swap3A_796 = arith.constant 16 : index
        %swap3A_797 = tpu.vector_load %arg14[%swap3A_795, %swap3A_796] {strides = array<i32>} : memref<512x32xf32, #tpu.memory_space<vmem>>, vector<16xf32>,
        tpu.vector_store %arg14[%swap3A_795, %swap3A_796], %mul3A_794 {strides = array<i32>} : memref<512x32xf32, #tpu.memory_space<vmem>>, vector<16xf32>,
      }
      %scan3A_514 = arith.constant 512 : i32
      "tpu.region"() ({
        %run_scoped3A = tpu.sem_alloc : memref<!tpu.dma_semaphore, #tpu.memory_space<semaphore_mem>>
        %dma_start3A_515 = arith.constant 0 : i32
        %dma_start3A_516 = tpu.memref_slice %arg10[%scan3A_469, %dma_start3A_515] : memref<10x512xi32, #tpu.memory_space<vmem>> -> memref<1x512xi32, #tpu.memory_space<vmem>>
        %dma_start3A_517 = tpu.memref_squeeze %dma_start3A_516 : memref<1x512xi32, #tpu.memory_space<vmem>> -> memref<512xi32, #tpu.memory_space<vmem>>
        %dma_start3A_518 = arith.constant 0 : i32
        %dma_start3A_519 = arith.constant 0 : i32
        %dma_start3A_520 = tpu.memref_slice %arg18[%dma_start3A_518, %dma_start3A_519] : memref<10112x32xf32, #tpu.memory_space<vmem_shared>> -> memref<10112x32xf32, #tpu.memory_space<vmem_shared>>
        tpu.enqueue_indirect_dma source(%arg14 : memref<512x32xf32, #tpu.memory_space<vmem>>) target(%dma_start3A_520 : memref<10112x32xf32, #tpu.memory_space<vmem_shared>>) offsets(%dma_start3A_517 : memref<512xi32, #tpu.memory_space<vmem>>) semaphore(%run_scoped3A : memref<!tpu.dma_semaphore, #tpu.memory_space<semaphore_mem>>) {add = true}
        %dma_wait3A_521 = arith.constant 0 : i32
        %dma_wait3A_522 = tpu.memref_slice %arg10[%scan3A_469, %dma_wait3A_521] : memref<10x512xi32, #tpu.memory_space<vmem>> -> memref<1x512xi32, #tpu.memory_space<vmem>>
        %dma_wait3A_523 = tpu.memref_squeeze %dma_wait3A_522 : memref<1x512xi32, #tpu.memory_space<vmem>> -> memref<512xi32, #tpu.memory_space<vmem>>
        %dma_wait3A_524 = arith.constant 0 : i32
        %dma_wait3A_525 = arith.constant 0 : i32
        %dma_wait3A_526 = tpu.memref_slice %arg18[%dma_wait3A_524, %dma_wait3A_525] : memref<10112x32xf32, #tpu.memory_space<vmem_shared>> -> memref<10112x32xf32, #tpu.memory_space<vmem_shared>>
        tpu.wait_indirect_dma semaphore(%run_scoped3A : memref<!tpu.dma_semaphore, #tpu.memory_space<semaphore_mem>>) src(%arg14 : memref<512x32xf32, #tpu.memory_space<vmem>>) dst(%dma_wait3A_526 : memref<10112x32xf32, #tpu.memory_space<vmem_shared>>)
        tpu.yield
      }) : () -> ()
      "tpu.region"() ({
        %run_scoped3A = tpu.sem_alloc : memref<!tpu.dma_semaphore, #tpu.memory_space<semaphore_mem>>
        %dma_start3A_515 = arith.constant 0 : i32
        %dma_start3A_516 = tpu.memref_slice %arg10[%scan3A_469, %dma_start3A_515] : memref<10x512xi32, #tpu.memory_space<vmem>> -> memref<1x512xi32, #tpu.memory_space<vmem>>
        %dma_start3A_517 = tpu.memref_squeeze %dma_start3A_516 : memref<1x512xi32, #tpu.memory_space<vmem>> -> memref<512xi32, #tpu.memory_space<vmem>>
        %dma_start3A_518 = arith.constant 0 : i32
        %dma_start3A_519 = tpu.memref_slice %arg19[%dma_start3A_518] : memref<10112xf32, #tpu.memory_space<vmem_shared>> -> memref<10112xf32, #tpu.memory_space<vmem_shared>>
        tpu.enqueue_indirect_dma source(%arg16 : memref<512xf32, #tpu.memory_space<vmem>>) target(%dma_start3A_519 : memref<10112xf32, #tpu.memory_space<vmem_shared>>) offsets(%dma_start3A_517 : memref<512xi32, #tpu.memory_space<vmem>>) semaphore(%run_scoped3A : memref<!tpu.dma_semaphore, #tpu.memory_space<semaphore_mem>>) {add = true}
        %dma_wait3A_520 = arith.constant 0 : i32
        %dma_wait3A_521 = tpu.memref_slice %arg10[%scan3A_469, %dma_wait3A_520] : memref<10x512xi32, #tpu.memory_space<vmem>> -> memref<1x512xi32, #tpu.memory_space<vmem>>
        %dma_wait3A_522 = tpu.memref_squeeze %dma_wait3A_521 : memref<1x512xi32, #tpu.memory_space<vmem>> -> memref<512xi32, #tpu.memory_space<vmem>>
        %dma_wait3A_523 = arith.constant 0 : i32
        %dma_wait3A_524 = tpu.memref_slice %arg19[%dma_wait3A_523] : memref<10112xf32, #tpu.memory_space<vmem_shared>> -> memref<10112xf32, #tpu.memory_space<vmem_shared>>
        tpu.wait_indirect_dma semaphore(%run_scoped3A : memref<!tpu.dma_semaphore, #tpu.memory_space<semaphore_mem>>) src(%arg16 : memref<512xf32, #tpu.memory_space<vmem>>) dst(%dma_wait3A_524 : memref<10112xf32, #tpu.memory_space<vmem_shared>>)
        tpu.yield
      }) : () -> ()
    }
    %scan3A_451 = arith.constant 10 : i32
    %barrier3A_452 = arith.constant 0 : index
    tpu.barrier barrier_id(%barrier3A_452)
    "tpu.region"() ({
      %run_scoped3A = tpu.sem_alloc : memref<!tpu.dma_semaphore, #tpu.memory_space<semaphore_mem>>
      %dma_start3A_469 = arith.constant 0 : i32
      %dma_start3A_470 = tpu.memref_slice %arg8[%arg0, %mul3A_2, %dma_start3A_469] : memref<2x10112x32xf32, #tpu.memory_space<hbm>> -> memref<1x632x32xf32, #tpu.memory_space<hbm>>
      %dma_start3A_471 = tpu.memref_squeeze %dma_start3A_470 : memref<1x632x32xf32, #tpu.memory_space<hbm>> -> memref<632x32xf32, #tpu.memory_space<hbm>>
      %dma_start3A_472 = arith.constant 0 : i32
      %dma_start3A_473 = tpu.memref_slice %arg18[%mul3A_2, %dma_start3A_472] : memref<10112x32xf32, #tpu.memory_space<vmem_shared>> -> memref<632x32xf32, #tpu.memory_space<vmem_shared>>
      tpu.enqueue_dma source(%dma_start3A_473 : memref<632x32xf32, #tpu.memory_space<vmem_shared>>) target(%dma_start3A_471 : memref<632x32xf32, #tpu.memory_space<hbm>>) target_semaphore(%run_scoped3A : memref<!tpu.dma_semaphore, #tpu.memory_space<semaphore_mem>>)
      %dma_wait3A_474 = arith.constant 0 : i32
      %dma_wait3A_475 = tpu.memref_slice %arg8[%arg0, %mul3A_2, %dma_wait3A_474] : memref<2x10112x32xf32, #tpu.memory_space<hbm>> -> memref<1x632x32xf32, #tpu.memory_space<hbm>>
      %dma_wait3A_476 = tpu.memref_squeeze %dma_wait3A_475 : memref<1x632x32xf32, #tpu.memory_space<hbm>> -> memref<632x32xf32, #tpu.memory_space<hbm>>
      %dma_wait3A_477 = arith.constant 0 : i32
      %dma_wait3A_478 = tpu.memref_slice %arg18[%mul3A_2, %dma_wait3A_477] : memref<10112x32xf32, #tpu.memory_space<vmem_shared>> -> memref<632x32xf32, #tpu.memory_space<vmem_shared>>
      tpu.wait_dma2 semaphore(%run_scoped3A : memref<!tpu.dma_semaphore, #tpu.memory_space<semaphore_mem>>) src(%dma_wait3A_478 : memref<632x32xf32, #tpu.memory_space<vmem_shared>>) dst(%dma_wait3A_476 : memref<632x32xf32, #tpu.memory_space<hbm>>)
      tpu.yield
    }) : () -> ()
    "tpu.region"() ({
      %run_scoped3A = tpu.sem_alloc : memref<!tpu.dma_semaphore, #tpu.memory_space<semaphore_mem>>
      %dma_start3A_469 = arith.constant 0 : i32
      %dma_start3A_470 = tpu.memref_slice %arg17[%dma_start3A_469] : memref<640xf32, #tpu.memory_space<vmem>> -> memref<632xf32, #tpu.memory_space<vmem>>
      %dma_start3A_471 = tpu.memref_slice %arg19[%mul3A_2] : memref<10112xf32, #tpu.memory_space<vmem_shared>> -> memref<632xf32, #tpu.memory_space<vmem_shared>>
      %dma_start3A_472 = arith.constant 0 : i32
      %dma_start3A_473 = tpu.memref_slice %arg17[%dma_start3A_472] : memref<640xf32, #tpu.memory_space<vmem>> -> memref<632xf32, #tpu.memory_space<vmem>>
      %dma_start3A_474 = tpu.memref_slice %arg19[%mul3A_2] : memref<10112xf32, #tpu.memory_space<vmem_shared>> -> memref<632xf32, #tpu.memory_space<vmem_shared>>
      tpu.enqueue_dma source(%dma_start3A_474 : memref<632xf32, #tpu.memory_space<vmem_shared>>) target(%dma_start3A_473 : memref<632xf32, #tpu.memory_space<vmem>>) target_semaphore(%run_scoped3A : memref<!tpu.dma_semaphore, #tpu.memory_space<semaphore_mem>>)
      %dma_wait3A_475 = arith.constant 0 : i32
      %dma_wait3A_476 = tpu.memref_slice %arg17[%dma_wait3A_475] : memref<640xf32, #tpu.memory_space<vmem>> -> memref<632xf32, #tpu.memory_space<vmem>>
      %dma_wait3A_477 = tpu.memref_slice %arg19[%mul3A_2] : memref<10112xf32, #tpu.memory_space<vmem_shared>> -> memref<632xf32, #tpu.memory_space<vmem_shared>>
      %dma_wait3A_478 = arith.constant 0 : i32
      %dma_wait3A_479 = tpu.memref_slice %arg17[%dma_wait3A_478] : memref<640xf32, #tpu.memory_space<vmem>> -> memref<632xf32, #tpu.memory_space<vmem>>
      %dma_wait3A_480 = tpu.memref_slice %arg19[%mul3A_2] : memref<10112xf32, #tpu.memory_space<vmem_shared>> -> memref<632xf32, #tpu.memory_space<vmem_shared>>
      tpu.wait_dma2 semaphore(%run_scoped3A : memref<!tpu.dma_semaphore, #tpu.memory_space<semaphore_mem>>) src(%dma_wait3A_480 : memref<632xf32, #tpu.memory_space<vmem_shared>>) dst(%dma_wait3A_479 : memref<632xf32, #tpu.memory_space<vmem>>)
      tpu.yield
    }) : () -> ()
    %scan3A_453 = arith.constant 0 : i32
    %scan3A_454 = arith.constant 0 : i32
    %scan3A_455 = arith.constant 320 : i32
    %scan3A_456 = arith.addi %scan3A_454, %scan3A_455 : i32
    %scan3A_457 = arith.constant 8 : i32
    scf.for %scan3A_469 = %scan3A_454 to %scan3A_456 step %scan3A_457  : i32 {
      %broadcast_in_dim3A = arith.constant 0 : i32
      %broadcast_in_dim3A_470 = vector.broadcast %broadcast_in_dim3A : i32 to vector<16xi32>
      %add3A_471 = vector.broadcast %scan3A_469 : i32 to vector<16xi32>
      %add3A_472 = arith.addi %broadcast_in_dim3A_470, %add3A_471 : vector<16xi32>
      %gather3A = tpu.vector_load_idx %arg17[%add3A_472] : memref<640xf32, #tpu.memory_space<vmem>>[vector<16xi32>], vector<16xf32>,
      %swap3A = arith.index_cast %scan3A_469 : i32 to index
      %swap3A_473 = arith.constant 0 : index
      %swap3A_474 = tpu.vector_load %arg14[%swap3A, %swap3A_473] {strides = array<i32>} : memref<512x32xf32, #tpu.memory_space<vmem>>, vector<16xf32>,
      tpu.vector_store %arg14[%swap3A, %swap3A_473], %gather3A {strides = array<i32>} : memref<512x32xf32, #tpu.memory_space<vmem>>, vector<16xf32>,
      %swap3A_475 = arith.index_cast %scan3A_469 : i32 to index
      %swap3A_476 = arith.constant 16 : index
      %swap3A_477 = tpu.vector_load %arg14[%swap3A_475, %swap3A_476] {strides = array<i32>} : memref<512x32xf32, #tpu.memory_space<vmem>>, vector<16xf32>,
      tpu.vector_store %arg14[%swap3A_475, %swap3A_476], %gather3A {strides = array<i32>} : memref<512x32xf32, #tpu.memory_space<vmem>>, vector<16xf32>,
      %scan3A_478 = arith.constant 1 : i32
      %scan3A_479 = arith.addi %scan3A_469, %scan3A_478 : i32
      %broadcast_in_dim3A_480 = arith.constant 0 : i32
      %broadcast_in_dim3A_481 = vector.broadcast %broadcast_in_dim3A_480 : i32 to vector<16xi32>
      %add3A_482 = vector.broadcast %scan3A_479 : i32 to vector<16xi32>
      %add3A_483 = arith.addi %broadcast_in_dim3A_481, %add3A_482 : vector<16xi32>
      %gather3A_484 = tpu.vector_load_idx %arg17[%add3A_483] : memref<640xf32, #tpu.memory_space<vmem>>[vector<16xi32>], vector<16xf32>,
      %swap3A_485 = arith.index_cast %scan3A_479 : i32 to index
      %swap3A_486 = arith.constant 0 : index
      %swap3A_487 = tpu.vector_load %arg14[%swap3A_485, %swap3A_486] {strides = array<i32>} : memref<512x32xf32, #tpu.memory_space<vmem>>, vector<16xf32>,
      tpu.vector_store %arg14[%swap3A_485, %swap3A_486], %gather3A_484 {strides = array<i32>} : memref<512x32xf32, #tpu.memory_space<vmem>>, vector<16xf32>,
      %swap3A_488 = arith.index_cast %scan3A_479 : i32 to index
      %swap3A_489 = arith.constant 16 : index
      %swap3A_490 = tpu.vector_load %arg14[%swap3A_488, %swap3A_489] {strides = array<i32>} : memref<512x32xf32, #tpu.memory_space<vmem>>, vector<16xf32>,
      tpu.vector_store %arg14[%swap3A_488, %swap3A_489], %gather3A_484 {strides = array<i32>} : memref<512x32xf32, #tpu.memory_space<vmem>>, vector<16xf32>,
      %scan3A_491 = arith.constant 2 : i32
      %scan3A_492 = arith.addi %scan3A_469, %scan3A_491 : i32
      %broadcast_in_dim3A_493 = arith.constant 0 : i32
      %broadcast_in_dim3A_494 = vector.broadcast %broadcast_in_dim3A_493 : i32 to vector<16xi32>
      %add3A_495 = vector.broadcast %scan3A_492 : i32 to vector<16xi32>
      %add3A_496 = arith.addi %broadcast_in_dim3A_494, %add3A_495 : vector<16xi32>
      %gather3A_497 = tpu.vector_load_idx %arg17[%add3A_496] : memref<640xf32, #tpu.memory_space<vmem>>[vector<16xi32>], vector<16xf32>,
      %swap3A_498 = arith.index_cast %scan3A_492 : i32 to index
      %swap3A_499 = arith.constant 0 : index
      %swap3A_500 = tpu.vector_load %arg14[%swap3A_498, %swap3A_499] {strides = array<i32>} : memref<512x32xf32, #tpu.memory_space<vmem>>, vector<16xf32>,
      tpu.vector_store %arg14[%swap3A_498, %swap3A_499], %gather3A_497 {strides = array<i32>} : memref<512x32xf32, #tpu.memory_space<vmem>>, vector<16xf32>,
      %swap3A_501 = arith.index_cast %scan3A_492 : i32 to index
      %swap3A_502 = arith.constant 16 : index
      %swap3A_503 = tpu.vector_load %arg14[%swap3A_501, %swap3A_502] {strides = array<i32>} : memref<512x32xf32, #tpu.memory_space<vmem>>, vector<16xf32>,
      tpu.vector_store %arg14[%swap3A_501, %swap3A_502], %gather3A_497 {strides = array<i32>} : memref<512x32xf32, #tpu.memory_space<vmem>>, vector<16xf32>,
      %scan3A_504 = arith.constant 3 : i32
      %scan3A_505 = arith.addi %scan3A_469, %scan3A_504 : i32
      %broadcast_in_dim3A_506 = arith.constant 0 : i32
      %broadcast_in_dim3A_507 = vector.broadcast %broadcast_in_dim3A_506 : i32 to vector<16xi32>
      %add3A_508 = vector.broadcast %scan3A_505 : i32 to vector<16xi32>
      %add3A_509 = arith.addi %broadcast_in_dim3A_507, %add3A_508 : vector<16xi32>
      %gather3A_510 = tpu.vector_load_idx %arg17[%add3A_509] : memref<640xf32, #tpu.memory_space<vmem>>[vector<16xi32>], vector<16xf32>,
      %swap3A_511 = arith.index_cast %scan3A_505 : i32 to index
      %swap3A_512 = arith.constant 0 : index
      %swap3A_513 = tpu.vector_load %arg14[%swap3A_511, %swap3A_512] {strides = array<i32>} : memref<512x32xf32, #tpu.memory_space<vmem>>, vector<16xf32>,
      tpu.vector_store %arg14[%swap3A_511, %swap3A_512], %gather3A_510 {strides = array<i32>} : memref<512x32xf32, #tpu.memory_space<vmem>>, vector<16xf32>,
      %swap3A_514 = arith.index_cast %scan3A_505 : i32 to index
      %swap3A_515 = arith.constant 16 : index
      %swap3A_516 = tpu.vector_load %arg14[%swap3A_514, %swap3A_515] {strides = array<i32>} : memref<512x32xf32, #tpu.memory_space<vmem>>, vector<16xf32>,
      tpu.vector_store %arg14[%swap3A_514, %swap3A_515], %gather3A_510 {strides = array<i32>} : memref<512x32xf32, #tpu.memory_space<vmem>>, vector<16xf32>,
      %scan3A_517 = arith.constant 4 : i32
      %scan3A_518 = arith.addi %scan3A_469, %scan3A_517 : i32
      %broadcast_in_dim3A_519 = arith.constant 0 : i32
      %broadcast_in_dim3A_520 = vector.broadcast %broadcast_in_dim3A_519 : i32 to vector<16xi32>
      %add3A_521 = vector.broadcast %scan3A_518 : i32 to vector<16xi32>
      %add3A_522 = arith.addi %broadcast_in_dim3A_520, %add3A_521 : vector<16xi32>
      %gather3A_523 = tpu.vector_load_idx %arg17[%add3A_522] : memref<640xf32, #tpu.memory_space<vmem>>[vector<16xi32>], vector<16xf32>,
      %swap3A_524 = arith.index_cast %scan3A_518 : i32 to index
      %swap3A_525 = arith.constant 0 : index
      %swap3A_526 = tpu.vector_load %arg14[%swap3A_524, %swap3A_525] {strides = array<i32>} : memref<512x32xf32, #tpu.memory_space<vmem>>, vector<16xf32>,
      tpu.vector_store %arg14[%swap3A_524, %swap3A_525], %gather3A_523 {strides = array<i32>} : memref<512x32xf32, #tpu.memory_space<vmem>>, vector<16xf32>,
      %swap3A_527 = arith.index_cast %scan3A_518 : i32 to index
      %swap3A_528 = arith.constant 16 : index
      %swap3A_529 = tpu.vector_load %arg14[%swap3A_527, %swap3A_528] {strides = array<i32>} : memref<512x32xf32, #tpu.memory_space<vmem>>, vector<16xf32>,
      tpu.vector_store %arg14[%swap3A_527, %swap3A_528], %gather3A_523 {strides = array<i32>} : memref<512x32xf32, #tpu.memory_space<vmem>>, vector<16xf32>,
      %scan3A_530 = arith.constant 5 : i32
      %scan3A_531 = arith.addi %scan3A_469, %scan3A_530 : i32
      %broadcast_in_dim3A_532 = arith.constant 0 : i32
      %broadcast_in_dim3A_533 = vector.broadcast %broadcast_in_dim3A_532 : i32 to vector<16xi32>
      %add3A_534 = vector.broadcast %scan3A_531 : i32 to vector<16xi32>
      %add3A_535 = arith.addi %broadcast_in_dim3A_533, %add3A_534 : vector<16xi32>
      %gather3A_536 = tpu.vector_load_idx %arg17[%add3A_535] : memref<640xf32, #tpu.memory_space<vmem>>[vector<16xi32>], vector<16xf32>,
      %swap3A_537 = arith.index_cast %scan3A_531 : i32 to index
      %swap3A_538 = arith.constant 0 : index
      %swap3A_539 = tpu.vector_load %arg14[%swap3A_537, %swap3A_538] {strides = array<i32>} : memref<512x32xf32, #tpu.memory_space<vmem>>, vector<16xf32>,
      tpu.vector_store %arg14[%swap3A_537, %swap3A_538], %gather3A_536 {strides = array<i32>} : memref<512x32xf32, #tpu.memory_space<vmem>>, vector<16xf32>,
      %swap3A_540 = arith.index_cast %scan3A_531 : i32 to index
      %swap3A_541 = arith.constant 16 : index
      %swap3A_542 = tpu.vector_load %arg14[%swap3A_540, %swap3A_541] {strides = array<i32>} : memref<512x32xf32, #tpu.memory_space<vmem>>, vector<16xf32>,
      tpu.vector_store %arg14[%swap3A_540, %swap3A_541], %gather3A_536 {strides = array<i32>} : memref<512x32xf32, #tpu.memory_space<vmem>>, vector<16xf32>,
      %scan3A_543 = arith.constant 6 : i32
      %scan3A_544 = arith.addi %scan3A_469, %scan3A_543 : i32
      %broadcast_in_dim3A_545 = arith.constant 0 : i32
      %broadcast_in_dim3A_546 = vector.broadcast %broadcast_in_dim3A_545 : i32 to vector<16xi32>
      %add3A_547 = vector.broadcast %scan3A_544 : i32 to vector<16xi32>
      %add3A_548 = arith.addi %broadcast_in_dim3A_546, %add3A_547 : vector<16xi32>
      %gather3A_549 = tpu.vector_load_idx %arg17[%add3A_548] : memref<640xf32, #tpu.memory_space<vmem>>[vector<16xi32>], vector<16xf32>,
      %swap3A_550 = arith.index_cast %scan3A_544 : i32 to index
      %swap3A_551 = arith.constant 0 : index
      %swap3A_552 = tpu.vector_load %arg14[%swap3A_550, %swap3A_551] {strides = array<i32>} : memref<512x32xf32, #tpu.memory_space<vmem>>, vector<16xf32>,
      tpu.vector_store %arg14[%swap3A_550, %swap3A_551], %gather3A_549 {strides = array<i32>} : memref<512x32xf32, #tpu.memory_space<vmem>>, vector<16xf32>,
      %swap3A_553 = arith.index_cast %scan3A_544 : i32 to index
      %swap3A_554 = arith.constant 16 : index
      %swap3A_555 = tpu.vector_load %arg14[%swap3A_553, %swap3A_554] {strides = array<i32>} : memref<512x32xf32, #tpu.memory_space<vmem>>, vector<16xf32>,
      tpu.vector_store %arg14[%swap3A_553, %swap3A_554], %gather3A_549 {strides = array<i32>} : memref<512x32xf32, #tpu.memory_space<vmem>>, vector<16xf32>,
      %scan3A_556 = arith.constant 7 : i32
      %scan3A_557 = arith.addi %scan3A_469, %scan3A_556 : i32
      %broadcast_in_dim3A_558 = arith.constant 0 : i32
      %broadcast_in_dim3A_559 = vector.broadcast %broadcast_in_dim3A_558 : i32 to vector<16xi32>
      %add3A_560 = vector.broadcast %scan3A_557 : i32 to vector<16xi32>
      %add3A_561 = arith.addi %broadcast_in_dim3A_559, %add3A_560 : vector<16xi32>
      %gather3A_562 = tpu.vector_load_idx %arg17[%add3A_561] : memref<640xf32, #tpu.memory_space<vmem>>[vector<16xi32>], vector<16xf32>,
      %swap3A_563 = arith.index_cast %scan3A_557 : i32 to index
      %swap3A_564 = arith.constant 0 : index
      %swap3A_565 = tpu.vector_load %arg14[%swap3A_563, %swap3A_564] {strides = array<i32>} : memref<512x32xf32, #tpu.memory_space<vmem>>, vector<16xf32>,
      tpu.vector_store %arg14[%swap3A_563, %swap3A_564], %gather3A_562 {strides = array<i32>} : memref<512x32xf32, #tpu.memory_space<vmem>>, vector<16xf32>,
      %swap3A_566 = arith.index_cast %scan3A_557 : i32 to index
      %swap3A_567 = arith.constant 16 : index
      %swap3A_568 = tpu.vector_load %arg14[%swap3A_566, %swap3A_567] {strides = array<i32>} : memref<512x32xf32, #tpu.memory_space<vmem>>, vector<16xf32>,
      tpu.vector_store %arg14[%swap3A_566, %swap3A_567], %gather3A_562 {strides = array<i32>} : memref<512x32xf32, #tpu.memory_space<vmem>>, vector<16xf32>,
    }
    %scan3A_458 = arith.constant 320 : i32
    %add3A_459 = arith.constant 0 : i32
    %add3A_460 = arith.addi %mul3A_2, %add3A_459 : i32
    "tpu.region"() ({
      %run_scoped3A = tpu.sem_alloc : memref<!tpu.dma_semaphore, #tpu.memory_space<semaphore_mem>>
      %dma_start3A_469 = arith.constant 0 : i32
      %dma_start3A_470 = arith.constant 0 : i32
      %dma_start3A_471 = tpu.memref_slice %arg14[%dma_start3A_469, %dma_start3A_470] : memref<512x32xf32, #tpu.memory_space<vmem>> -> memref<320x32xf32, #tpu.memory_space<vmem>>
      %dma_start3A_472 = arith.constant 0 : i32
      %dma_start3A_473 = tpu.memref_slice %arg9[%arg0, %add3A_460, %dma_start3A_472] : memref<2x10112x32xf32, #tpu.memory_space<hbm>> -> memref<1x320x32xf32, #tpu.memory_space<hbm>>
      %dma_start3A_474 = tpu.memref_squeeze %dma_start3A_473 : memref<1x320x32xf32, #tpu.memory_space<hbm>> -> memref<320x32xf32, #tpu.memory_space<hbm>>
      %dma_start3A_475 = arith.constant 0 : i32
      %dma_start3A_476 = tpu.memref_slice %arg9[%arg0, %add3A_460, %dma_start3A_475] : memref<2x10112x32xf32, #tpu.memory_space<hbm>> -> memref<1x320x32xf32, #tpu.memory_space<hbm>>
      %dma_start3A_477 = tpu.memref_squeeze %dma_start3A_476 : memref<1x320x32xf32, #tpu.memory_space<hbm>> -> memref<320x32xf32, #tpu.memory_space<hbm>>
      %dma_start3A_478 = arith.constant 0 : i32
      %dma_start3A_479 = arith.constant 0 : i32
      %dma_start3A_480 = tpu.memref_slice %arg14[%dma_start3A_478, %dma_start3A_479] : memref<512x32xf32, #tpu.memory_space<vmem>> -> memref<320x32xf32, #tpu.memory_space<vmem>>
      tpu.enqueue_dma source(%dma_start3A_480 : memref<320x32xf32, #tpu.memory_space<vmem>>) target(%dma_start3A_477 : memref<320x32xf32, #tpu.memory_space<hbm>>) target_semaphore(%run_scoped3A : memref<!tpu.dma_semaphore, #tpu.memory_space<semaphore_mem>>)
      %dma_wait3A_481 = arith.constant 0 : i32
      %dma_wait3A_482 = arith.constant 0 : i32
      %dma_wait3A_483 = tpu.memref_slice %arg14[%dma_wait3A_481, %dma_wait3A_482] : memref<512x32xf32, #tpu.memory_space<vmem>> -> memref<320x32xf32, #tpu.memory_space<vmem>>
      %dma_wait3A_484 = arith.constant 0 : i32
      %dma_wait3A_485 = tpu.memref_slice %arg9[%arg0, %add3A_460, %dma_wait3A_484] : memref<2x10112x32xf32, #tpu.memory_space<hbm>> -> memref<1x320x32xf32, #tpu.memory_space<hbm>>
      %dma_wait3A_486 = tpu.memref_squeeze %dma_wait3A_485 : memref<1x320x32xf32, #tpu.memory_space<hbm>> -> memref<320x32xf32, #tpu.memory_space<hbm>>
      %dma_wait3A_487 = arith.constant 0 : i32
      %dma_wait3A_488 = tpu.memref_slice %arg9[%arg0, %add3A_460, %dma_wait3A_487] : memref<2x10112x32xf32, #tpu.memory_space<hbm>> -> memref<1x320x32xf32, #tpu.memory_space<hbm>>
      %dma_wait3A_489 = tpu.memref_squeeze %dma_wait3A_488 : memref<1x320x32xf32, #tpu.memory_space<hbm>> -> memref<320x32xf32, #tpu.memory_space<hbm>>
      %dma_wait3A_490 = arith.constant 0 : i32
      %dma_wait3A_491 = arith.constant 0 : i32
      %dma_wait3A_492 = tpu.memref_slice %arg14[%dma_wait3A_490, %dma_wait3A_491] : memref<512x32xf32, #tpu.memory_space<vmem>> -> memref<320x32xf32, #tpu.memory_space<vmem>>
      tpu.wait_dma2 semaphore(%run_scoped3A : memref<!tpu.dma_semaphore, #tpu.memory_space<semaphore_mem>>) src(%dma_wait3A_492 : memref<320x32xf32, #tpu.memory_space<vmem>>) dst(%dma_wait3A_489 : memref<320x32xf32, #tpu.memory_space<hbm>>)
      tpu.yield
    }) : () -> ()
    %scan3A_461 = arith.constant 0 : i32
    %scan3A_462 = arith.constant 0 : i32
    %scan3A_463 = arith.constant 312 : i32
    %scan3A_464 = arith.addi %scan3A_462, %scan3A_463 : i32
    %scan3A_465 = arith.constant 8 : i32
    scf.for %scan3A_469 = %scan3A_462 to %scan3A_464 step %scan3A_465  : i32 {
      %broadcast_in_dim3A = arith.constant 320 : i32
      %broadcast_in_dim3A_470 = vector.broadcast %broadcast_in_dim3A : i32 to vector<16xi32>
      %add3A_471 = vector.broadcast %scan3A_469 : i32 to vector<16xi32>
      %add3A_472 = arith.addi %broadcast_in_dim3A_470, %add3A_471 : vector<16xi32>
      %gather3A = tpu.vector_load_idx %arg17[%add3A_472] : memref<640xf32, #tpu.memory_space<vmem>>[vector<16xi32>], vector<16xf32>,
      %swap3A = arith.index_cast %scan3A_469 : i32 to index
      %swap3A_473 = arith.constant 0 : index
      %swap3A_474 = tpu.vector_load %arg14[%swap3A, %swap3A_473] {strides = array<i32>} : memref<512x32xf32, #tpu.memory_space<vmem>>, vector<16xf32>,
      tpu.vector_store %arg14[%swap3A, %swap3A_473], %gather3A {strides = array<i32>} : memref<512x32xf32, #tpu.memory_space<vmem>>, vector<16xf32>,
      %swap3A_475 = arith.index_cast %scan3A_469 : i32 to index
      %swap3A_476 = arith.constant 16 : index
      %swap3A_477 = tpu.vector_load %arg14[%swap3A_475, %swap3A_476] {strides = array<i32>} : memref<512x32xf32, #tpu.memory_space<vmem>>, vector<16xf32>,
      tpu.vector_store %arg14[%swap3A_475, %swap3A_476], %gather3A {strides = array<i32>} : memref<512x32xf32, #tpu.memory_space<vmem>>, vector<16xf32>,
      %scan3A_478 = arith.constant 1 : i32
      %scan3A_479 = arith.addi %scan3A_469, %scan3A_478 : i32
      %broadcast_in_dim3A_480 = arith.constant 320 : i32
      %broadcast_in_dim3A_481 = vector.broadcast %broadcast_in_dim3A_480 : i32 to vector<16xi32>
      %add3A_482 = vector.broadcast %scan3A_479 : i32 to vector<16xi32>
      %add3A_483 = arith.addi %broadcast_in_dim3A_481, %add3A_482 : vector<16xi32>
      %gather3A_484 = tpu.vector_load_idx %arg17[%add3A_483] : memref<640xf32, #tpu.memory_space<vmem>>[vector<16xi32>], vector<16xf32>,
      %swap3A_485 = arith.index_cast %scan3A_479 : i32 to index
      %swap3A_486 = arith.constant 0 : index
      %swap3A_487 = tpu.vector_load %arg14[%swap3A_485, %swap3A_486] {strides = array<i32>} : memref<512x32xf32, #tpu.memory_space<vmem>>, vector<16xf32>,
      tpu.vector_store %arg14[%swap3A_485, %swap3A_486], %gather3A_484 {strides = array<i32>} : memref<512x32xf32, #tpu.memory_space<vmem>>, vector<16xf32>,
      %swap3A_488 = arith.index_cast %scan3A_479 : i32 to index
      %swap3A_489 = arith.constant 16 : index
      %swap3A_490 = tpu.vector_load %arg14[%swap3A_488, %swap3A_489] {strides = array<i32>} : memref<512x32xf32, #tpu.memory_space<vmem>>, vector<16xf32>,
      tpu.vector_store %arg14[%swap3A_488, %swap3A_489], %gather3A_484 {strides = array<i32>} : memref<512x32xf32, #tpu.memory_space<vmem>>, vector<16xf32>,
      %scan3A_491 = arith.constant 2 : i32
      %scan3A_492 = arith.addi %scan3A_469, %scan3A_491 : i32
      %broadcast_in_dim3A_493 = arith.constant 320 : i32
      %broadcast_in_dim3A_494 = vector.broadcast %broadcast_in_dim3A_493 : i32 to vector<16xi32>
      %add3A_495 = vector.broadcast %scan3A_492 : i32 to vector<16xi32>
      %add3A_496 = arith.addi %broadcast_in_dim3A_494, %add3A_495 : vector<16xi32>
      %gather3A_497 = tpu.vector_load_idx %arg17[%add3A_496] : memref<640xf32, #tpu.memory_space<vmem>>[vector<16xi32>], vector<16xf32>,
      %swap3A_498 = arith.index_cast %scan3A_492 : i32 to index
      %swap3A_499 = arith.constant 0 : index
      %swap3A_500 = tpu.vector_load %arg14[%swap3A_498, %swap3A_499] {strides = array<i32>} : memref<512x32xf32, #tpu.memory_space<vmem>>, vector<16xf32>,
      tpu.vector_store %arg14[%swap3A_498, %swap3A_499], %gather3A_497 {strides = array<i32>} : memref<512x32xf32, #tpu.memory_space<vmem>>, vector<16xf32>,
      %swap3A_501 = arith.index_cast %scan3A_492 : i32 to index
      %swap3A_502 = arith.constant 16 : index
      %swap3A_503 = tpu.vector_load %arg14[%swap3A_501, %swap3A_502] {strides = array<i32>} : memref<512x32xf32, #tpu.memory_space<vmem>>, vector<16xf32>,
      tpu.vector_store %arg14[%swap3A_501, %swap3A_502], %gather3A_497 {strides = array<i32>} : memref<512x32xf32, #tpu.memory_space<vmem>>, vector<16xf32>,
      %scan3A_504 = arith.constant 3 : i32
      %scan3A_505 = arith.addi %scan3A_469, %scan3A_504 : i32
      %broadcast_in_dim3A_506 = arith.constant 320 : i32
      %broadcast_in_dim3A_507 = vector.broadcast %broadcast_in_dim3A_506 : i32 to vector<16xi32>
      %add3A_508 = vector.broadcast %scan3A_505 : i32 to vector<16xi32>
      %add3A_509 = arith.addi %broadcast_in_dim3A_507, %add3A_508 : vector<16xi32>
      %gather3A_510 = tpu.vector_load_idx %arg17[%add3A_509] : memref<640xf32, #tpu.memory_space<vmem>>[vector<16xi32>], vector<16xf32>,
      %swap3A_511 = arith.index_cast %scan3A_505 : i32 to index
      %swap3A_512 = arith.constant 0 : index
      %swap3A_513 = tpu.vector_load %arg14[%swap3A_511, %swap3A_512] {strides = array<i32>} : memref<512x32xf32, #tpu.memory_space<vmem>>, vector<16xf32>,
      tpu.vector_store %arg14[%swap3A_511, %swap3A_512], %gather3A_510 {strides = array<i32>} : memref<512x32xf32, #tpu.memory_space<vmem>>, vector<16xf32>,
      %swap3A_514 = arith.index_cast %scan3A_505 : i32 to index
      %swap3A_515 = arith.constant 16 : index
      %swap3A_516 = tpu.vector_load %arg14[%swap3A_514, %swap3A_515] {strides = array<i32>} : memref<512x32xf32, #tpu.memory_space<vmem>>, vector<16xf32>,
      tpu.vector_store %arg14[%swap3A_514, %swap3A_515], %gather3A_510 {strides = array<i32>} : memref<512x32xf32, #tpu.memory_space<vmem>>, vector<16xf32>,
      %scan3A_517 = arith.constant 4 : i32
      %scan3A_518 = arith.addi %scan3A_469, %scan3A_517 : i32
      %broadcast_in_dim3A_519 = arith.constant 320 : i32
      %broadcast_in_dim3A_520 = vector.broadcast %broadcast_in_dim3A_519 : i32 to vector<16xi32>
      %add3A_521 = vector.broadcast %scan3A_518 : i32 to vector<16xi32>
      %add3A_522 = arith.addi %broadcast_in_dim3A_520, %add3A_521 : vector<16xi32>
      %gather3A_523 = tpu.vector_load_idx %arg17[%add3A_522] : memref<640xf32, #tpu.memory_space<vmem>>[vector<16xi32>], vector<16xf32>,
      %swap3A_524 = arith.index_cast %scan3A_518 : i32 to index
      %swap3A_525 = arith.constant 0 : index
      %swap3A_526 = tpu.vector_load %arg14[%swap3A_524, %swap3A_525] {strides = array<i32>} : memref<512x32xf32, #tpu.memory_space<vmem>>, vector<16xf32>,
      tpu.vector_store %arg14[%swap3A_524, %swap3A_525], %gather3A_523 {strides = array<i32>} : memref<512x32xf32, #tpu.memory_space<vmem>>, vector<16xf32>,
      %swap3A_527 = arith.index_cast %scan3A_518 : i32 to index
      %swap3A_528 = arith.constant 16 : index
      %swap3A_529 = tpu.vector_load %arg14[%swap3A_527, %swap3A_528] {strides = array<i32>} : memref<512x32xf32, #tpu.memory_space<vmem>>, vector<16xf32>,
      tpu.vector_store %arg14[%swap3A_527, %swap3A_528], %gather3A_523 {strides = array<i32>} : memref<512x32xf32, #tpu.memory_space<vmem>>, vector<16xf32>,
      %scan3A_530 = arith.constant 5 : i32
      %scan3A_531 = arith.addi %scan3A_469, %scan3A_530 : i32
      %broadcast_in_dim3A_532 = arith.constant 320 : i32
      %broadcast_in_dim3A_533 = vector.broadcast %broadcast_in_dim3A_532 : i32 to vector<16xi32>
      %add3A_534 = vector.broadcast %scan3A_531 : i32 to vector<16xi32>
      %add3A_535 = arith.addi %broadcast_in_dim3A_533, %add3A_534 : vector<16xi32>
      %gather3A_536 = tpu.vector_load_idx %arg17[%add3A_535] : memref<640xf32, #tpu.memory_space<vmem>>[vector<16xi32>], vector<16xf32>,
      %swap3A_537 = arith.index_cast %scan3A_531 : i32 to index
      %swap3A_538 = arith.constant 0 : index
      %swap3A_539 = tpu.vector_load %arg14[%swap3A_537, %swap3A_538] {strides = array<i32>} : memref<512x32xf32, #tpu.memory_space<vmem>>, vector<16xf32>,
      tpu.vector_store %arg14[%swap3A_537, %swap3A_538], %gather3A_536 {strides = array<i32>} : memref<512x32xf32, #tpu.memory_space<vmem>>, vector<16xf32>,
      %swap3A_540 = arith.index_cast %scan3A_531 : i32 to index
      %swap3A_541 = arith.constant 16 : index
      %swap3A_542 = tpu.vector_load %arg14[%swap3A_540, %swap3A_541] {strides = array<i32>} : memref<512x32xf32, #tpu.memory_space<vmem>>, vector<16xf32>,
      tpu.vector_store %arg14[%swap3A_540, %swap3A_541], %gather3A_536 {strides = array<i32>} : memref<512x32xf32, #tpu.memory_space<vmem>>, vector<16xf32>,
      %scan3A_543 = arith.constant 6 : i32
      %scan3A_544 = arith.addi %scan3A_469, %scan3A_543 : i32
      %broadcast_in_dim3A_545 = arith.constant 320 : i32
      %broadcast_in_dim3A_546 = vector.broadcast %broadcast_in_dim3A_545 : i32 to vector<16xi32>
      %add3A_547 = vector.broadcast %scan3A_544 : i32 to vector<16xi32>
      %add3A_548 = arith.addi %broadcast_in_dim3A_546, %add3A_547 : vector<16xi32>
      %gather3A_549 = tpu.vector_load_idx %arg17[%add3A_548] : memref<640xf32, #tpu.memory_space<vmem>>[vector<16xi32>], vector<16xf32>,
      %swap3A_550 = arith.index_cast %scan3A_544 : i32 to index
      %swap3A_551 = arith.constant 0 : index
      %swap3A_552 = tpu.vector_load %arg14[%swap3A_550, %swap3A_551] {strides = array<i32>} : memref<512x32xf32, #tpu.memory_space<vmem>>, vector<16xf32>,
      tpu.vector_store %arg14[%swap3A_550, %swap3A_551], %gather3A_549 {strides = array<i32>} : memref<512x32xf32, #tpu.memory_space<vmem>>, vector<16xf32>,
      %swap3A_553 = arith.index_cast %scan3A_544 : i32 to index
      %swap3A_554 = arith.constant 16 : index
      %swap3A_555 = tpu.vector_load %arg14[%swap3A_553, %swap3A_554] {strides = array<i32>} : memref<512x32xf32, #tpu.memory_space<vmem>>, vector<16xf32>,
      tpu.vector_store %arg14[%swap3A_553, %swap3A_554], %gather3A_549 {strides = array<i32>} : memref<512x32xf32, #tpu.memory_space<vmem>>, vector<16xf32>,
      %scan3A_556 = arith.constant 7 : i32
      %scan3A_557 = arith.addi %scan3A_469, %scan3A_556 : i32
      %broadcast_in_dim3A_558 = arith.constant 320 : i32
      %broadcast_in_dim3A_559 = vector.broadcast %broadcast_in_dim3A_558 : i32 to vector<16xi32>
      %add3A_560 = vector.broadcast %scan3A_557 : i32 to vector<16xi32>
      %add3A_561 = arith.addi %broadcast_in_dim3A_559, %add3A_560 : vector<16xi32>
      %gather3A_562 = tpu.vector_load_idx %arg17[%add3A_561] : memref<640xf32, #tpu.memory_space<vmem>>[vector<16xi32>], vector<16xf32>,
      %swap3A_563 = arith.index_cast %scan3A_557 : i32 to index
      %swap3A_564 = arith.constant 0 : index
      %swap3A_565 = tpu.vector_load %arg14[%swap3A_563, %swap3A_564] {strides = array<i32>} : memref<512x32xf32, #tpu.memory_space<vmem>>, vector<16xf32>,
      tpu.vector_store %arg14[%swap3A_563, %swap3A_564], %gather3A_562 {strides = array<i32>} : memref<512x32xf32, #tpu.memory_space<vmem>>, vector<16xf32>,
      %swap3A_566 = arith.index_cast %scan3A_557 : i32 to index
      %swap3A_567 = arith.constant 16 : index
      %swap3A_568 = tpu.vector_load %arg14[%swap3A_566, %swap3A_567] {strides = array<i32>} : memref<512x32xf32, #tpu.memory_space<vmem>>, vector<16xf32>,
      tpu.vector_store %arg14[%swap3A_566, %swap3A_567], %gather3A_562 {strides = array<i32>} : memref<512x32xf32, #tpu.memory_space<vmem>>, vector<16xf32>,
    }
    %scan3A_466 = arith.constant 312 : i32
    %add3A_467 = arith.constant 320 : i32
    %add3A_468 = arith.addi %mul3A_2, %add3A_467 : i32
    "tpu.region"() ({
      %run_scoped3A = tpu.sem_alloc : memref<!tpu.dma_semaphore, #tpu.memory_space<semaphore_mem>>
      %dma_start3A_469 = arith.constant 0 : i32
      %dma_start3A_470 = arith.constant 0 : i32
      %dma_start3A_471 = tpu.memref_slice %arg14[%dma_start3A_469, %dma_start3A_470] : memref<512x32xf32, #tpu.memory_space<vmem>> -> memref<312x32xf32, #tpu.memory_space<vmem>>
      %dma_start3A_472 = arith.constant 0 : i32
      %dma_start3A_473 = tpu.memref_slice %arg9[%arg0, %add3A_468, %dma_start3A_472] : memref<2x10112x32xf32, #tpu.memory_space<hbm>> -> memref<1x312x32xf32, #tpu.memory_space<hbm>>
      %dma_start3A_474 = tpu.memref_squeeze %dma_start3A_473 : memref<1x312x32xf32, #tpu.memory_space<hbm>> -> memref<312x32xf32, #tpu.memory_space<hbm>>
      %dma_start3A_475 = arith.constant 0 : i32
      %dma_start3A_476 = tpu.memref_slice %arg9[%arg0, %add3A_468, %dma_start3A_475] : memref<2x10112x32xf32, #tpu.memory_space<hbm>> -> memref<1x312x32xf32, #tpu.memory_space<hbm>>
      %dma_start3A_477 = tpu.memref_squeeze %dma_start3A_476 : memref<1x312x32xf32, #tpu.memory_space<hbm>> -> memref<312x32xf32, #tpu.memory_space<hbm>>
      %dma_start3A_478 = arith.constant 0 : i32
      %dma_start3A_479 = arith.constant 0 : i32
      %dma_start3A_480 = tpu.memref_slice %arg14[%dma_start3A_478, %dma_start3A_479] : memref<512x32xf32, #tpu.memory_space<vmem>> -> memref<312x32xf32, #tpu.memory_space<vmem>>
      tpu.enqueue_dma source(%dma_start3A_480 : memref<312x32xf32, #tpu.memory_space<vmem>>) target(%dma_start3A_477 : memref<312x32xf32, #tpu.memory_space<hbm>>) target_semaphore(%run_scoped3A : memref<!tpu.dma_semaphore, #tpu.memory_space<semaphore_mem>>)
      %dma_wait3A_481 = arith.constant 0 : i32
      %dma_wait3A_482 = arith.constant 0 : i32
      %dma_wait3A_483 = tpu.memref_slice %arg14[%dma_wait3A_481, %dma_wait3A_482] : memref<512x32xf32, #tpu.memory_space<vmem>> -> memref<312x32xf32, #tpu.memory_space<vmem>>
      %dma_wait3A_484 = arith.constant 0 : i32
      %dma_wait3A_485 = tpu.memref_slice %arg9[%arg0, %add3A_468, %dma_wait3A_484] : memref<2x10112x32xf32, #tpu.memory_space<hbm>> -> memref<1x312x32xf32, #tpu.memory_space<hbm>>
      %dma_wait3A_486 = tpu.memref_squeeze %dma_wait3A_485 : memref<1x312x32xf32, #tpu.memory_space<hbm>> -> memref<312x32xf32, #tpu.memory_space<hbm>>
      %dma_wait3A_487 = arith.constant 0 : i32
      %dma_wait3A_488 = tpu.memref_slice %arg9[%arg0, %add3A_468, %dma_wait3A_487] : memref<2x10112x32xf32, #tpu.memory_space<hbm>> -> memref<1x312x32xf32, #tpu.memory_space<hbm>>
      %dma_wait3A_489 = tpu.memref_squeeze %dma_wait3A_488 : memref<1x312x32xf32, #tpu.memory_space<hbm>> -> memref<312x32xf32, #tpu.memory_space<hbm>>
      %dma_wait3A_490 = arith.constant 0 : i32
      %dma_wait3A_491 = arith.constant 0 : i32
      %dma_wait3A_492 = tpu.memref_slice %arg14[%dma_wait3A_490, %dma_wait3A_491] : memref<512x32xf32, #tpu.memory_space<vmem>> -> memref<312x32xf32, #tpu.memory_space<vmem>>
      tpu.wait_dma2 semaphore(%run_scoped3A : memref<!tpu.dma_semaphore, #tpu.memory_space<semaphore_mem>>) src(%dma_wait3A_492 : memref<312x32xf32, #tpu.memory_space<vmem>>) dst(%dma_wait3A_489 : memref<312x32xf32, #tpu.memory_space<hbm>>)
      tpu.yield
    }) : () -> ()
    return
  }
}

module attributes {stable_mosaic.version = 14 : i64} {
  func.func @_proj_body(%arg0: i32, %arg1: memref<1000x256xf32, #tpu.memory_space<vmem>>, %arg2: memref<256x32xf32, #tpu.memory_space<vmem>>, %arg3: memref<256x64xf32, #tpu.memory_space<vmem>>, %arg4: memref<1000x32xf32, #tpu.memory_space<vmem>>, %arg5: memref<1000x64xf32, #tpu.memory_space<vmem>>) attributes {dimension_semantics = [#tpu.dimension_semantics<arbitrary>], iteration_bounds = array<i64: 10>, scalar_prefetch = 0 : i64, scratch_operands = 0 : i64, tpu.core_type = #tpu.core_type<tc>, window_params = [{transform_indices = @transform_0, window_bounds = array<i64: 1000, 256>}, {pipeline_mode = #tpu.pipeline_mode<synchronous>, transform_indices = @transform_1, window_bounds = array<i64: 256, 32>}, {pipeline_mode = #tpu.pipeline_mode<synchronous>, transform_indices = @transform_2, window_bounds = array<i64: 256, 64>}, {transform_indices = @transform_3, window_bounds = array<i64: 1000, 32>}, {transform_indices = @transform_4, window_bounds = array<i64: 1000, 64>}]} {
    %get3A = arith.constant 0 : index
    %get3A_0 = arith.constant 0 : index
    %get3A_1 = vector.load %arg1[%get3A, %get3A_0] : memref<1000x256xf32, #tpu.memory_space<vmem>>, vector<1000x256xf32>
    %get3A_2 = arith.constant 0 : index
    %get3A_3 = arith.constant 0 : index
    %get3A_4 = vector.load %arg2[%get3A_2, %get3A_3] : memref<256x32xf32, #tpu.memory_space<vmem>>, vector<256x32xf32>
    %dot_general3A = arith.constant dense<0.000000e+00> : vector<1000x32xf32>
    %dot_general3A_5 = tpu.matmul %get3A_1, %get3A_4, %dot_general3A {dimension_numbers = #tpu.dot_dimension_numbers<[1], [0], [0], [1], [0, 0, 1, 1], [], []>, transpose_lhs_hint = false} : vector<1000x256xf32>, vector<256x32xf32>, vector<1000x32xf32> -> vector<1000x32xf32>
    %mul3A = arith.constant 0.176776692 : f32
    %mul3A_6 = vector.broadcast %mul3A : f32 to vector<1000x32xf32>
    %mul3A_7 = arith.mulf %dot_general3A_5, %mul3A_6 : vector<1000x32xf32>
    %swap3A = arith.constant 0 : index
    %swap3A_8 = arith.constant 0 : index
    %swap3A_9 = vector.load %arg4[%swap3A, %swap3A_8] : memref<1000x32xf32, #tpu.memory_space<vmem>>, vector<1000x32xf32>
    tpu.vector_store %arg4[%swap3A, %swap3A_8], %mul3A_7 {strides = array<i32>} : memref<1000x32xf32, #tpu.memory_space<vmem>>, vector<1000x32xf32>,
    %get3A_10 = arith.constant 0 : index
    %get3A_11 = arith.constant 0 : index
    %get3A_12 = vector.load %arg3[%get3A_10, %get3A_11] : memref<256x64xf32, #tpu.memory_space<vmem>>, vector<256x64xf32>
    %dot_general3A_13 = arith.constant dense<0.000000e+00> : vector<1000x64xf32>
    %dot_general3A_14 = tpu.matmul %get3A_1, %get3A_12, %dot_general3A_13 {dimension_numbers = #tpu.dot_dimension_numbers<[1], [0], [0], [1], [0, 0, 1, 1], [], []>, transpose_lhs_hint = false} : vector<1000x256xf32>, vector<256x64xf32>, vector<1000x64xf32> -> vector<1000x64xf32>
    %swap3A_15 = arith.constant 0 : index
    %swap3A_16 = arith.constant 0 : index
    %swap3A_17 = vector.load %arg5[%swap3A_15, %swap3A_16] : memref<1000x64xf32, #tpu.memory_space<vmem>>, vector<1000x64xf32>
    tpu.vector_store %arg5[%swap3A_15, %swap3A_16], %dot_general3A_14 {strides = array<i32>} : memref<1000x64xf32, #tpu.memory_space<vmem>>, vector<1000x64xf32>,
    return
  }
  func.func @transform_0(%arg0: i32) -> (i32, i32) {
    %c0_i32 = arith.constant 0 : i32
    %c0_i32_0 = arith.constant 0 : i32
    return %arg0, %c0_i32 : i32, i32
  }
  func.func @transform_1(%arg0: i32) -> (i32, i32) {
    %c0_i32 = arith.constant 0 : i32
    %c0_i32_0 = arith.constant 0 : i32
    %c0_i32_1 = arith.constant 0 : i32
    return %c0_i32, %c0_i32_0 : i32, i32
  }
  func.func @transform_2(%arg0: i32) -> (i32, i32) {
    %c0_i32 = arith.constant 0 : i32
    %c0_i32_0 = arith.constant 0 : i32
    %c0_i32_1 = arith.constant 0 : i32
    return %c0_i32, %c0_i32_0 : i32, i32
  }
  func.func @transform_3(%arg0: i32) -> (i32, i32) {
    %c0_i32 = arith.constant 0 : i32
    %c0_i32_0 = arith.constant 0 : i32
    return %arg0, %c0_i32 : i32, i32
  }
  func.func @transform_4(%arg0: i32) -> (i32, i32) {
    %c0_i32 = arith.constant 0 : i32
    %c0_i32_0 = arith.constant 0 : i32
    return %arg0, %c0_i32 : i32, i32
  }
}

module attributes {stable_mosaic.version = 14 : i64} {
  func.func @_combine_body(%arg0: i32, %arg1: memref<2x1000x32xf32, #tpu.memory_space<vmem>>, %arg2: memref<2x1000x32xf32, #tpu.memory_space<vmem>>, %arg3: memref<1000x32xf32, #tpu.memory_space<vmem>>) attributes {dimension_semantics = [#tpu.dimension_semantics<arbitrary>], iteration_bounds = array<i64: 10>, scalar_prefetch = 0 : i64, scratch_operands = 0 : i64, tpu.core_type = #tpu.core_type<tc>, window_params = [{transform_indices = @transform_0, window_bounds = array<i64: 2, 1000, 32>}, {transform_indices = @transform_1, window_bounds = array<i64: 2, 1000, 32>}, {transform_indices = @transform_2, window_bounds = array<i64: 1000, 32>}]} {
    %get3A = arith.constant 0 : index
    %get3A_0 = arith.constant 0 : index
    %get3A_1 = arith.constant 0 : index
    %get3A_2 = vector.load %arg1[%get3A, %get3A_0, %get3A_1] : memref<2x1000x32xf32, #tpu.memory_space<vmem>>, vector<2x1000x32xf32>
    %get3A_3 = arith.constant 0 : index
    %get3A_4 = arith.constant 0 : index
    %get3A_5 = arith.constant 0 : index
    %get3A_6 = vector.load %arg2[%get3A_3, %get3A_4, %get3A_5] : memref<2x1000x32xf32, #tpu.memory_space<vmem>>, vector<2x1000x32xf32>
    %slice3A = vector.extract_strided_slice %get3A_2 {offsets = [0, 0, 0], sizes = [1, 1000, 32], strides = [1, 1, 1]} : vector<2x1000x32xf32> to vector<1x1000x32xf32>
    %squeeze3A = vector.shape_cast %slice3A : vector<1x1000x32xf32> to vector<1000x32xf32>
    %slice3A_7 = vector.extract_strided_slice %get3A_2 {offsets = [1, 0, 0], sizes = [1, 1000, 32], strides = [1, 1, 1]} : vector<2x1000x32xf32> to vector<1x1000x32xf32>
    %squeeze3A_8 = vector.shape_cast %slice3A_7 : vector<1x1000x32xf32> to vector<1000x32xf32>
    %add3A = arith.addf %squeeze3A, %squeeze3A_8 : vector<1000x32xf32>
    %slice3A_9 = vector.extract_strided_slice %get3A_6 {offsets = [0, 0, 0], sizes = [1, 1000, 32], strides = [1, 1, 1]} : vector<2x1000x32xf32> to vector<1x1000x32xf32>
    %squeeze3A_10 = vector.shape_cast %slice3A_9 : vector<1x1000x32xf32> to vector<1000x32xf32>
    %slice3A_11 = vector.extract_strided_slice %get3A_6 {offsets = [1, 0, 0], sizes = [1, 1000, 32], strides = [1, 1, 1]} : vector<2x1000x32xf32> to vector<1x1000x32xf32>
    %squeeze3A_12 = vector.shape_cast %slice3A_11 : vector<1x1000x32xf32> to vector<1000x32xf32>
    %add3A_13 = arith.addf %squeeze3A_10, %squeeze3A_12 : vector<1000x32xf32>
    %gt3A = arith.constant 0.000000e+00 : f32
    %gt3A_14 = vector.broadcast %gt3A : f32 to vector<1000x32xf32>
    %gt3A_15 = arith.cmpf ogt, %add3A_13, %gt3A_14 : vector<1000x32xf32>
    %jit3A = arith.constant 1.000000e+00 : f32
    %broadcast_in_dim3A = vector.broadcast %jit3A : f32 to vector<1000x32xf32>
    %select_n3A = arith.select %gt3A_15, %add3A_13, %broadcast_in_dim3A : vector<1000x32xi1>, vector<1000x32xf32>
    %div3A = arith.divf %add3A, %select_n3A : vector<1000x32xf32>
    %jit3A_16 = arith.constant 0.000000e+00 : f32
    %broadcast_in_dim3A_17 = vector.broadcast %jit3A_16 : f32 to vector<1000x32xf32>
    %select_n3A_18 = arith.select %gt3A_15, %div3A, %broadcast_in_dim3A_17 : vector<1000x32xi1>, vector<1000x32xf32>
    %swap3A = arith.constant 0 : index
    %swap3A_19 = arith.constant 0 : index
    %swap3A_20 = vector.load %arg3[%swap3A, %swap3A_19] : memref<1000x32xf32, #tpu.memory_space<vmem>>, vector<1000x32xf32>
    tpu.vector_store %arg3[%swap3A, %swap3A_19], %select_n3A_18 {strides = array<i32>} : memref<1000x32xf32, #tpu.memory_space<vmem>>, vector<1000x32xf32>,
    return
  }
  func.func @transform_0(%arg0: i32) -> (i32, i32, i32) {
    %c0_i32 = arith.constant 0 : i32
    %c0_i32_0 = arith.constant 0 : i32
    %c0_i32_1 = arith.constant 0 : i32
    return %c0_i32, %arg0, %c0_i32_0 : i32, i32, i32
  }
  func.func @transform_1(%arg0: i32) -> (i32, i32, i32) {
    %c0_i32 = arith.constant 0 : i32
    %c0_i32_0 = arith.constant 0 : i32
    %c0_i32_1 = arith.constant 0 : i32
    return %c0_i32, %arg0, %c0_i32_0 : i32, i32, i32
  }
  func.func @transform_2(%arg0: i32) -> (i32, i32) {
    %c0_i32 = arith.constant 0 : i32
    %c0_i32_0 = arith.constant 0 : i32
    return %arg0, %c0_i32 : i32, i32
  }
}

</mosaic_0001>

<sc_bundles>
// kernel: kernel.5.cloned.1.call-start
scs
__scs_entry_jumppad:
0x0: {  	(pc) =	sbr.rel $0x88, $3  }
0x1: {  	(tag) =	ssettag $0x0;
	lr =	simm.s32 $0x1  }
0x2: {  	[smem:$0x3F9C] =	sst lr;
	_ =	strace $0xD0000000  }
0x3: {  	_ = 	snop  }
0x4: {  	_ = 	snop  }
0x5: {  	_ = 	snop  }
0x6: {  	_ = 	snop  }
0x7: {  	_ = 	snop  }
__scs_overlays_trampoline_lowered:
0x8: {  	[smem:$0x3FAB] =	sst s0  }
0x9: {  	[smem:$0x3FAC] =	sst s1  }
0xa: {  	[smem:$0x3FAD] =	sst s2  }
0xb: {  	[smem:$0x3FAE] =	sst s3  }
0xc: {  	[smem:$0x3FAF] =	sst s4  }
0xd: {  	[smem:$0x3FB0] =	sst s5  }
0xe: {  	[smem:$0x3FB1] =	sst s6  }
0xf: {  	[smem:$0x3FB2] =	sst s7  }
0x10: {  	[smem:$0x3FB3] =	sst s8  }
0x11: {  	[smem:$0x3FB4] =	sst s9;
	s0 =	simm.s32 @!p0 $0x0  }
0x12: {  	s1 =	sld [smem:$0x3F9A];
	s0 =	simm.s32 @p0 $0x1  }
0x13: {  	[smem:$0x3FB5] =	sst s0;
	s0 =	simm.s32 @!p1 $0x0  }
0x14: {  	s2 =	sld [smem:$0x3F99];
	s0 =	simm.s32 @p1 $0x1  }
0x15: {  	[smem:$0x3FB6] =	sst s0;
	s0 =	simm.s32 @!p2 $0x0  }
0x16: {  	s3 =	sld [smem:$0x3FDB];
	s0 =	simm.s32 @p2 $0x1  }
0x17: {  	s4 =	simm.s32 $0x1BF5;
	[smem:$0x3FB8] =	sst s0  }
0x18: {  	s0 =	sld [smem:$0x3F9B];
	_ =	swait.ge [sflag:s4], $0x0  }
0x19: {  	s7 =	sld [smem:$0x3F9C]  }
0x1a: {  	s8 =	sadd.s32 $0xFFFFE003, lr  }
0x1b: {  	s9 =	sadd.s32 $0xFFFFFEF7, lr;
	s5 =	simm.s32 $0xFFFFFFFF;
	p2 =	slt.u32 s8, $0xFFFFF086  }
0x1c: {  	p1 =	slt.u32 s9, $0xF7A;
	s5 =	simm.s32 @!p2 $0x0  }
0x1d: {  	s5 =	simm.s32 @p1 $0x1;
	p0 =	seq.s32 s7, s2  }
0x1e: {  	s7 =	smul.u32 @!p0 $0xF7A, s2;
	p2 =	seq.s32 @!p0 s5, $0x0  }
0x1f: {  	s9 =	smul.u32 $0xF7A, s1;
	s8 =	simm.s32 @!p0 $0x1BF5;
	p2 =	por !p2, p0  }
0x20: {  	[sflag:s8] =	ssyncset.s32 @!p0 $0xFFFFF086;
	s6 =	sadd.s32 @!p0 s3, s7;
	s7 =	simm.s32 @!p0 $0x108  }
0x21: {  	s3 =	sadd.s32 s3, s9;
	s6 =	sadd.s32 @!p0 $0x88, s6;
	s7 =	simm.s32 @p2 $0x1082  }
0x22: {  	[simem:s7], [sflag:s8] =	dma.local @!p0 [hbm:s6], $0xF7A  }
0x23: {  	s9 =	sor.u32 $0xD0000000, s2;
	s6 =	simm.s32 $0x108;
	_ =	swait.ge @!p0 [sflag:s8], $0x0  }
0x24: {  	s3 =	sadd.s32 $0x88, s3;
	s6 =	simm.s32 @!p1 $0x1082;
	[sflag:s4] =	ssyncset.s32 $0xFFFFF086  }
0x25: {  	[simem:s6], [sflag:s4] =	dma.local [hbm:s3], $0xF7A  }
0x26: {  	[smem:$0x3F9C] =	sst s1;
	(tag) =	ssettag s2;
	_ =	strace s9  }
0x27: {  	s1 =	sld [smem:$0x3FAC]  }
0x28: {  	s2 =	sld [smem:$0x3FAD]  }
0x29: {  	s4 =	sld [smem:$0x3FAF]  }
0x2a: {  	p0 =	seq.s32 s5, $0x0;
	s5 =	sld [smem:$0x3FB0]  }
0x2b: {  	s6 =	sld [smem:$0x3FB1]  }
0x2c: {  	s7 =	sld [smem:$0x3FB2]  }
0x2d: {  	s3 =	simm.s32 $0x108;
	s8 =	sld [smem:$0x3FB3]  }
0x2e: {  	s3 =	simm.s32 @!p0 $0x1082;
	s9 =	sld [smem:$0x3FB4]  }
0x2f: {  	lr =	sadd.s32 s0, s3;
	s0 =	sld [smem:$0x3FAB]  }
0x30: {  	s3 =	sld [smem:$0x3FAE]  }
0x31: {  	[smem:$0x3FB7] =	sst s10  }
0x32: {  	s10 =	sld [smem:$0x3FB5];
	_ =	sdelay $0x3  }
0x33: {  	p0 =	seq.s32 s10, $0x1;
	s10 =	sld [smem:$0x3FB7];
	_ =	sdelay $0x3  }
0x34: {  	[smem:$0x3FB7] =	sst s10  }
0x35: {  	s10 =	sld [smem:$0x3FB6];
	_ =	sdelay $0x3  }
0x36: {  	p1 =	seq.s32 s10, $0x1;
	s10 =	sld [smem:$0x3FB7];
	_ =	sdelay $0x3  }
0x37: {  	[smem:$0x3FB7] =	sst s10  }
0x38: {  	s10 =	sld [smem:$0x3FB8]  }
0x39: {  	_ = 	snop;
	(pc) =	sbr.ind lr, $3  }
0x3a: {  	_ = 	snop  }
0x3b: {  	_ = 	snop  }
0x3c: {  	p2 =	seq.s32 s10, $0x1;
	s10 =	sld [smem:$0x3FB7]  }
0x3d: {  	_ =	shalt  }
0x3e: {  	_ =	shalt  }
0x3f: {  	_ =	shalt  }
0x40: {  	_ =	shalt  }
0x41: {  	_ =	shalt  }
0x42: {  	_ =	shalt  }
0x43: {  	_ =	shalt  }
0x44: {  	_ =	shalt  }
0x45: {  	_ =	shalt  }
0x46: {  	_ =	shalt  }
0x47: {  	_ =	shalt  }
0x48: {  	_ =	shalt  }
0x49: {  	_ =	shalt  }
0x4a: {  	_ =	shalt  }
0x4b: {  	_ =	shalt  }
0x4c: {  	_ =	shalt  }
0x4d: {  	_ =	shalt  }
0x4e: {  	_ =	shalt  }
0x4f: {  	_ =	shalt  }
0x50: {  	_ =	shalt  }
0x51: {  	_ =	shalt  }
0x52: {  	_ =	shalt  }
0x53: {  	_ =	shalt  }
0x54: {  	_ =	shalt  }
0x55: {  	_ =	shalt  }
0x56: {  	_ =	shalt  }
0x57: {  	_ =	shalt  }
0x58: {  	_ =	shalt  }
0x59: {  	_ =	shalt  }
0x5a: {  	_ =	shalt  }
0x5b: {  	_ =	shalt  }
0x5c: {  	_ =	shalt  }
0x5d: {  	_ =	shalt  }
0x5e: {  	_ =	shalt  }
0x5f: {  	_ =	shalt  }
0x60: {  	_ =	shalt  }
0x61: {  	_ =	shalt  }
0x62: {  	_ =	shalt  }
0x63: {  	_ =	shalt  }
0x64: {  	_ =	shalt  }
0x65: {  	_ =	shalt  }
0x66: {  	_ =	shalt  }
0x67: {  	_ =	shalt  }
0x68: {  	_ =	shalt  }
0x69: {  	_ =	shalt  }
0x6a: {  	_ =	shalt  }
0x6b: {  	_ =	shalt  }
0x6c: {  	_ =	shalt  }
0x6d: {  	_ =	shalt  }
0x6e: {  	_ =	shalt  }
0x6f: {  	_ =	shalt  }
0x70: {  	_ =	shalt  }
0x71: {  	_ =	shalt  }
0x72: {  	_ =	shalt  }
0x73: {  	_ =	shalt  }
0x74: {  	_ =	shalt  }
0x75: {  	_ =	shalt  }
0x76: {  	_ =	shalt  }
0x77: {  	_ =	shalt  }
0x78: {  	_ =	shalt  }
0x79: {  	_ =	shalt  }
0x7a: {  	_ =	shalt  }
0x7b: {  	_ =	shalt  }
0x7c: {  	_ =	shalt  }
0x7d: {  	_ =	shalt  }
0x7e: {  	_ =	shalt  }
0x7f: {  	_ =	shalt  }
0x80: {  	_ =	shalt  }
0x81: {  	_ =	shalt  }
0x82: {  	_ =	shalt  }
0x83: {  	_ =	shalt  }
0x84: {  	_ =	shalt  }
0x85: {  	_ =	shalt  }
0x86: {  	_ =	shalt  }
0x87: {  	_ =	shalt  }
.Lfunc_end0:
.L_simem_size_0:
called_computation_lowered:
.L_overlay_start_0:
0x88: {  	s2 =	sld [smem:$0x3FD9]  }
0x89: {  	s3 =	sld [smem:$0x3FFE];
	_ =	sdelay $0x1  }
0x8a: {  	s1 =	srdreg.scid  }
0x8b: {  	s0 =	sand.u32 $0x1, s1  }
0x8c: {  	s17 =	sshll.u32 s0, $0xA;
	s2 =	sadd.s32 s3, s2  }
0x8d: {  	s2 =	sadd.s32 s2, s17  }
0x8e: {  	[smem:$0x3FC3] =	sst s2  }
0x8f: {  	_ = 	snop  }
0x90: {  	s2 =	sld [smem:$0x3FD0];
	(tm) =	ssettm $0x1  }
0x91: {  	s18 =	sld [smem:$0x3FFB];
	_ =	sdelay $0x3  }
0x92: {  	_ =	strace s18  }
0x93: {  	s3 =	sld [smem:$0x3FFC];
	_ =	sdelay $0x3  }
0x94: {  	_ =	strace s3  }
0x95: {  	s3 =	sld [smem:$0x3FFD];
	_ =	sdelay $0x3  }
0x96: {  	_ =	strace s3  }
0x97: {  	_ =	strace $0x8FFFFFFF  }
0x98: {  	s19 =	sld [smem:$0x3FDB];
	_ =	sdelay $0x1  }
0x99: {  	s4 =	simm.s32 $_scs_section_size  }
0x9a: {  	s5 =	simm.s32 $_size__tile_overlayer_lowered;
	s6 =	simm.s32 $_tile_overlayer_lowered  }
0x9b: {  	s22 =	simm.s32 $0x1BFF;
	s21 =	sshll.u32 s6, $0x1;
	s3 =	sadd.s32 s4, s19  }
0x9c: {  	s7 =	simm.s32 $0x0;
	s20 =	sshll.u32 s5, $0x1;
	s5 =	sadd.s32 s21, s3  }
0x9d: {  	[timem:s7], [sflag:s22] =	dma.local [hbm:s5], s20  }
0x9e: {  	_ =	swait.ge [sflag:s22], s20  }
0x9f: {  	s4 =	ssub.s32 $0x0, s20;
	[sflag:s22] =	ssyncset.done $0x0  }
0xa0: {  	[sflag:s22] =	ssyncadd.s32 s4;
	_ =	sdelay $0x1  }
0xa1: {  	s23 =	simm.s32 $0x1B8B  }
0xa2: {  	_ =	swait.ge [sflag:s23], $0x1  }
0xa3: {  	[sflag:s23] =	ssyncset.done $0x0  }
0xa4: {  	s25 =	simm.s32 $0x1B8E;
	s24 =	sld [smem:$0x3FFE];
	[sflag:s23] =	ssyncadd.s32 $0xFFFFFFFF  }
0xa5: {  	s26 =	simm.s32 $execute0_lowered;
	[smem:$0x3FD2] =	sst s25  }
0xa6: {  	s5 =	sshll.u32 s26, $0x1;
	_ =	strace $0x80000046;
	[dreg:$0x1] =	wrdreg $0xFFFFFFFF  }
0xa7: {  	s28 =	simm.s32 $_size_execute0_lowered;
	s3 =	sadd.s32 s3, s5;
	[dreg:$0x0] =	wrdreg $0x0  }
0xa8: {  	s5 =	sshll.u32 s28, $0x1;
	[dreg:$0x2] =	wrdreg s3  }
0xa9: {  	[dreg:$0x3] =	wrdreg s5  }
0xaa: {  	[dreg:$0x4] =	wrdreg $0xC0  }
0xab: {  	_ =	task [dreg:s7], $0x5FFFF  }
0xac: {  	[dreg:$0x1] =	wrdreg $0xFFFFFFFF  }
0xad: {  	[dreg:$0x0] =	wrdreg $0x60  }
0xae: {  	[dreg:$0x2] =	wrdreg s2  }
0xaf: {  	[dreg:$0x3] =	wrdreg s24  }
0xb0: {  	[dreg:$0x4] =	wrdreg $0x16E900  }
0xb1: {  	[dreg:$0x5] =	wrdreg $0x1BD900  }
0xb2: {  	[dreg:$0x6] =	wrdreg $0x9  }
0xb3: {  	_ =	task.clear_ibuf [dreg:s7], $0x7FFFF;
	_ =	strace $0x90000046  }
0xb4: {  	s29 =	simm.s32 $0x9;
	_ =	strace $0x80000048  }
0xb5: {  	_ =	swait.ge [sflag:s29], $0x1  }
0xb6: {  	[sflag:s29] =	ssyncadd.s32 $0xFFFFFFFF  }
0xb7: {  	_ =	strace $0x90000048  }
0xb8: {  	_ =	sfence  }
0xb9: {  	s30 =	sld [smem:$0x0];
	_ =	sdelay $0x2  }
0xba: {  	s31 =	sshll.u32 s1, $0xD;
	s1 =	sshrl.u32 s1, $0x2  }
0xbb: {  	s3 =	sand.u32 $0x4000, s31;
	s1 =	sadd.s32 s1, s30  }
0xbc: {  	s0 =	sor.u32 s3, s0;
	s1 =	sshll.u32 s1, $0x11  }
0xbd: {  	s0 =	sor.u32 s1, s0  }
0xbe: {  	s0 =	sadd.s32 $0x8F2B, s0  }
0xbf: {  	[sflag:s0] =	ssyncadd.remote.s32 $0x1  }
0xc0: {  	_ =	sfence.sel $0xFFFF  }
0xc1: {  	[dreg:$0x0] =	wrdreg $0xFFFFFFFF;
	(pc) =	sbr.abs _section_cstart, $3  }
0xc2: {  	[dreg:$0x1] =	wrdreg $0xFFFFFFFF  }
0xc3: {  	_ =	task.clear_ibuf [dreg:s7], $0x2FFFF;
	_ =	strace $0x9FFFFFFF  }
0xc4: {  	(tm) =	ssettm $0x7FFFFFFF  }
0xc5: {  	_ =	shalt  }
tec
execute0_lowered:
.L_overlay_start_1:
0x0: {  	(tag) =	ssettag $0x1  }
0x1: {  	s0 =	srdreg.scid  }
0x2: {  	s4 =	sand.u32 $0x1, s0  }
0x3: {  	s11 =	stileid.u32;
	s0 =	sshll.u32 s4, $0x4  }
0x4: {  	s1 =	rddreg [dreg:$0x0];
	s2 =	simm.s32 $0x0;
	s3 =	sor.u32 s11, s0  }
0x5: {  	[smem:$0x7FF] =	sst s2;
	s3 =	smul.u32 $0x1400, s3  }
0x6: {  	s7 =	ssub.s32 $0x2, s4;
	s0 =	rddreg [dreg:$0x1]  }
0x7: {  	s14 =	sshrl.u32 s7, $0x1;
	s5 =	sadd.s32 $0x19200, s0;
	s8 =	sshrl.u32 s3, $0x3  }
0x8: {  	s6 =	sadd.s32 $0x14200, s0;
	s3 =	ssub.s32 s7, s14;
	s13 =	sadd.s32 s5, s8  }
0x9: {  	s10 =	sor.u32 $0x40, s8;
	s14 =	sadd.s32 s6, s8;
	[dreg:$0x15] =	wrdreg s13  }
0xa: {  	s15 =	sadd.s32 s5, s10;
	[dreg:$0x16] =	wrdreg s14  }
0xb: {  	s16 =	sadd.s32 $0x80, s8;
	s10 =	sadd.s32 s6, s10;
	[dreg:$0x5] =	wrdreg s15  }
0xc: {  	s17 =	sadd.s32 s5, s16;
	[dreg:$0x6] =	wrdreg s10  }
0xd: {  	s18 =	sadd.s32 $0xC0, s8;
	s7 =	sadd.s32 s6, s16;
	[dreg:$0x7] =	wrdreg s17  }
0xe: {  	s20 =	sadd.s32 $0x100, s8;
	s19 =	sadd.s32 s5, s18;
	[dreg:$0x8] =	wrdreg s7  }
0xf: {  	s22 =	sadd.s32 $0x140, s8;
	s21 =	sadd.s32 s5, s20;
	[dreg:$0x9] =	wrdreg s19  }
0x10: {  	s24 =	sadd.s32 $0x180, s8;
	s23 =	sadd.s32 s5, s22;
	[dreg:$0xb] =	wrdreg s21  }
0x11: {  	s26 =	sadd.s32 $0x1C0, s8;
	s25 =	sadd.s32 s5, s24;
	[dreg:$0xd] =	wrdreg s23  }
0x12: {  	s30 =	sadd.s32 $0x200, s8;
	s29 =	sadd.s32 s5, s26;
	[dreg:$0xf] =	wrdreg s25  }
0x13: {  	s12 =	sadd.s32 s5, s30;
	[dreg:$0x11] =	wrdreg s29  }
0x14: {  	[dreg:$0x13] =	wrdreg s12  }
0x15: {  	s10 =	sadd.s32 s6, s18;
	s21 =	rddreg [dreg:$0x2]  }
0x16: {  	s7 =	sadd.s32 s6, s20;
	[dreg:$0xa] =	wrdreg s10  }
0x17: {  	v2 =	vimm.s32 $0x7654321;
	[dreg:$0xc] =	wrdreg s7;
	s10 =	sadd.s32 s6, s22  }
0x18: {  	v1 =	vlaneseq.u32;
	v3 =	vimm.s32 $0x10765432;
	v9 =	vimm.s32 $0x32107654;
	s15 =	sadd.s32 $0x240, s8;
	s7 =	sadd.s32 s6, s24;
	[dreg:$0xe] =	wrdreg s10  }
0x19: {  	v10 =	vimm.s32 $0x43210765;
	v12 =	vimm.s32 $0x65432107;
	v40 =	vimm.s32 $0x0;
	s9 =	smul.u32 $0x4F000, s4;
	s5 =	sadd.s32 s5, s15;
	[dreg:$0x10] =	wrdreg s7  }
0x1a: {  	vm0 =	vcmask $0x300;
	v63 =	vmul.u32 $0x21, v1;
	v4 =	vunpack.c.l.s4.s8 v2;
	s4 =	smul.u32 $0x14000, s4;
	s10 =	sadd.s32 s6, s26;
	[dreg:$0x17] =	wrdreg s5  }
0x1b: {  	v5 =	vunpack.c.l.s4.s8 v3;
	v11 =	vunpack.c.l.s4.s8 v10;
	v10 =	vimm.s32 $0x54321076;
	s17 =	smul.u32 $0x1400, s11;
	s7 =	sadd.s32 s6, s30;
	[dreg:$0x12] =	wrdreg s10  }
0x1c: {  	v3 =	vimm.s32 $0x21076543;
	v39 =	vand.u32 $0x7, v1;
	v9 =	vunpack.c.l.s4.s8 v9;
	s6 =	sadd.s32 s6, s15;
	[dreg:$0x14] =	wrdreg s7  }
0x1d: {  	v15 =	vunpack.c.l.s4.s8 v12;
	v40 =	vsel vm0, $0x3, v40;
	v0 =	vadd.s32 $0x4, v63;
	s4 =	sadd.s32 s17, s4;
	[dreg:$0x18] =	wrdreg s6  }
0x1e: {  	v7 =	vunpack.c.l.s4.s8 v3;
	v13 =	vunpack.c.l.s4.s8 v10;
	v10 =	vmovc v0;
	v0 =	vadd.s32 $0x8, v63;
	[dreg:$0x19] =	wrdreg s4  }
0x1f: {  	s31 =	simm.s32 $0x0;
	v8 =	vadd.s32 $0x1, v63;
	v1 =	vunpack.c.0.s8.s32 v4;
	v19 =	vadd.s32 $0x9, v63;
	s23 =	rddreg [dreg:$0x3];
	_ =	strace $0x80000047;
	[tilespmem:$0x1FF40] =	vst v0  }
0x20: {  	v14 =	vadd.s32 $0x2, v63;
	v3 =	vunpack.c.0.s8.s32 v5;
	v16 =	vadd.s32 $0x3, v63;
	s28 =	sadd.s32 $0x800, s0;
	s16 =	smul.u32 $0x4F00, s11;
	s13 =	simm.s32 $0x16A10;
	[tilespmem:$0x1FF80] =	vst v19  }
0x21: {  	v12 =	vadd.s32 $0x5, v63;
	v17 =	vadd.s32 $0x6, v63;
	v33 =	vadd.s32 $0x1D, v63;
	s14 =	simm.s32 $0xE800;
	s20 =	smul.u32 $0x9E0, s11;
	s8 =	simm.s32 $0x200;
	[tilespmem:$0x1FF90] =	vst v63  }
0x22: {  	v18 =	vadd.s32 $0x7, v63;
	v20 =	vadd.s32 $0xA, v63;
	v26 =	vadd.s32 $0x10, v63;
	s12 =	simm.s32 $0x12800;
	s18 =	sadd.s32 s16, s9;
	s22 =	sadd.s32 $0x1E400, s0;
	[tilespmem:$0x1FFA0] =	vst v33  }
0x23: {  	v21 =	vadd.s32 $0xB, v63;
	v25 =	vadd.s32 $0xC, v63;
	v45 =	vadd.s32 $0x14, v63;
	s24 =	sshll.u32 s11, $0x6;
	s25 =	sadd.s32 s16, s21;
	s9 =	simm.s32 $0x1;
	[tilespmem:$0x1FFB0] =	vst v26  }
0x24: {  	v27 =	vadd.s32 $0xE, v63;
	v29 =	vadd.s32 $0x11, v63;
	v48 =	vadd.s32 $0x18, v63;
	s11 =	simm.s32 $0x6800;
	s16 =	simm.s32 $0x0;
	s19 =	sshrl.u32 s18, $0x3;
	[tilespmem:$0x1FFC0] =	vst v45  }
0x25: {  	v31 =	vadd.s32 $0x12, v63;
	v28 =	vadd.s32 $0x13, v63;
	v30 =	vadd.s32 $0x1C, v63;
	s4 =	sadd.s32 s19, s0;
	s0 =	sadd.s32 $0x1E200, s0;
	[dreg:$0x1a] =	wrdreg s22;
	[tilespmem:$0x1FFD0] =	vst v48  }
0x26: {  	v32 =	vadd.s32 $0x15, v63;
	v34 =	vadd.s32 $0x16, v63;
	v35 =	vadd.s32 $0x17, v63;
	s24 =	sor.u32 $0x1C02, s24;
	s26 =	sshrl.u32 s20, $0x2;
	[dreg:$0x1b] =	wrdreg s0;
	[tilespmem:$0x1FFE0] =	vst v30  }
0x27: {  	v36 =	vadd.s32 $0x19, v63;
	v38 =	vadd.s32 $0x1A, v63;
	s15 =	simm.s32 $0x16C10;
	[dreg:$0x1c] =	wrdreg s25;
	s29 =	sadd.s32 $0x32A00, s4;
	v0 =	vadd.s32 $0xD, v63;
	[tilespmem:$0x1FFF0] =	vst v29  }
0x28: {  	v37 =	vadd.s32 $0x1F, v63;
	v5 =	vunpack.c.0.s8.s32 v7;
	s6 =	smax.u32 s3, $0x1;
	s30 =	sadd.s32 $0x1EE00, s4;
	[dreg:$0x1d] =	wrdreg s29;
	[tilespmem:$0x1FF50] =	vst v0;
	v0 =	vadd.s32 $0xF, v63  }
0x29: {  	v7 =	vunpack.c.0.s8.s32 v9;
	v9 =	vunpack.c.0.s8.s32 v11;
	s7 =	simm.s32 $0x2;
	s4 =	sadd.s32 $0x1F300, s4;
	[dreg:$0x1e] =	wrdreg s30;
	[tilespmem:$0x1FF60] =	vst v0;
	v0 =	vadd.s32 $0x1E, v63  }
0x2a: {  	v11 =	vunpack.c.0.s8.s32 v13;
	v13 =	vunpack.c.0.s8.s32 v15;
	v15 =	vadd.s32 $0x1B, v63;
	s10 =	simm.s32 $0x2800;
	s0 =	sadd.s32 s26, s23;
	[dreg:$0x1f] =	wrdreg s4;
	[tilespmem:$0x1FF70] =	vst v0  }
.LBB2_1:
0x2b: {  	s3 =	rddreg [dreg:$0x1c]  }
0x2c: {  	s4 =	rddreg [dreg:$0x1a];
	s17 =	sshrl.u32 s3, $0x3  }
0x2d: {  	[spmem:s17], [sflag:s24] =	dma.local [hbm:s4], $0x9E0  }
0x2e: {  	_ =	swait.ge [sflag:s7], $0x9E0  }
0x2f: {  	[sflag:s7] =	ssyncset.done $0x0  }
0x30: {  	s5 =	sshrl.u32 s0, $0x3;
	s4 =	rddreg [dreg:$0x1b];
	[sflag:s7] =	ssyncadd.s32 $0xFFFFF620  }
0x31: {  	[spmem:s5], [sflag:s24] =	dma.local [hbm:s4], $0x4F  }
0x32: {  	_ =	swait.ge [sflag:s7], $0x4F  }
0x33: {  	[sflag:s7] =	ssyncset.done $0x0  }
0x34: {  	s18 =	rddreg [dreg:$0x15];
	[sflag:s7] =	ssyncadd.s32 $0xFFFFFFB1  }
0x35: {  	[tilespmem:s2], [sflag:$0x1] =	stream.linear.gather [hbm4b:s18+s2], $0x200, $0x38;
	[tilespmem:$0x1C008] =	vst v63  }
0x36: {  	s20 =	simm.s32 $0x1400;
	s19 =	rddreg [dreg:$0x16]  }
0x37: {  	[tilespmem:s20], [sflag:$0x1] =	stream.linear.gather [hbm4b:s19+s2], $0x200, $0x38;
	[tilespmem:$0x1C008] =	vst v63  }
0x38: {  	s22 =	rddreg [dreg:$0x5]  }
0x39: {  	[tilespmem:s8], [sflag:$0x1] =	stream.linear.gather [hbm4b:s22+s2], $0x200, $0x38;
	[tilespmem:$0x1C008] =	vst v63  }
0x3a: {  	s26 =	simm.s32 $0x1600;
	s25 =	rddreg [dreg:$0x6]  }
0x3b: {  	[tilespmem:s26], [sflag:$0x1] =	stream.linear.gather [hbm4b:s25+s2], $0x200, $0x38;
	[tilespmem:$0x1C008] =	vst v63  }
0x3c: {  	s30 =	simm.s32 $0x400;
	s29 =	rddreg [dreg:$0x7]  }
0x3d: {  	[tilespmem:s30], [sflag:$0x1] =	stream.linear.gather [hbm4b:s29+s2], $0x200, $0x38;
	[tilespmem:$0x1C008] =	vst v63  }
0x3e: {  	s5 =	simm.s32 $0x1800;
	s4 =	rddreg [dreg:$0x8]  }
0x3f: {  	[tilespmem:s5], [sflag:$0x1] =	stream.linear.gather [hbm4b:s4+s2], $0x200, $0x38;
	[tilespmem:$0x1C008] =	vst v63  }
0x40: {  	s18 =	rddreg [dreg:$0x9];
	s19 =	simm.s32 $0x600  }
0x41: {  	[tilespmem:s19], [sflag:$0x1] =	stream.linear.gather [hbm4b:s18+s2], $0x200, $0x38;
	[tilespmem:$0x1C008] =	vst v63  }
0x42: {  	s20 =	rddreg [dreg:$0xa];
	s22 =	simm.s32 $0x1A00  }
0x43: {  	[tilespmem:s22], [sflag:$0x1] =	stream.linear.gather [hbm4b:s20+s2], $0x200, $0x38;
	[tilespmem:$0x1C008] =	vst v63  }
0x44: {  	s25 =	rddreg [dreg:$0xb];
	s26 =	simm.s32 $0x800  }
0x45: {  	[tilespmem:s26], [sflag:$0x1] =	stream.linear.gather [hbm4b:s25+s2], $0x200, $0x38;
	[tilespmem:$0x1C008] =	vst v63  }
0x46: {  	s29 =	rddreg [dreg:$0xc];
	s30 =	simm.s32 $0x1C00  }
0x47: {  	[tilespmem:s30], [sflag:$0x1] =	stream.linear.gather [hbm4b:s29+s2], $0x200, $0x38;
	[tilespmem:$0x1C008] =	vst v63  }
0x48: {  	s4 =	rddreg [dreg:$0xd];
	s5 =	simm.s32 $0xA00  }
0x49: {  	[tilespmem:s5], [sflag:$0x1] =	stream.linear.gather [hbm4b:s4+s2], $0x200, $0x38;
	[tilespmem:$0x1C008] =	vst v63  }
0x4a: {  	s18 =	rddreg [dreg:$0xe];
	s19 =	simm.s32 $0x1E00  }
0x4b: {  	[tilespmem:s19], [sflag:$0x1] =	stream.linear.gather [hbm4b:s18+s2], $0x200, $0x38;
	[tilespmem:$0x1C008] =	vst v63  }
0x4c: {  	s20 =	rddreg [dreg:$0xf];
	s22 =	simm.s32 $0xC00  }
0x4d: {  	[tilespmem:s22], [sflag:$0x1] =	stream.linear.gather [hbm4b:s20+s2], $0x200, $0x38;
	[tilespmem:$0x1C008] =	vst v63  }
0x4e: {  	s25 =	rddreg [dreg:$0x10];
	s26 =	simm.s32 $0x2000  }
0x4f: {  	[tilespmem:s26], [sflag:$0x1] =	stream.linear.gather [hbm4b:s25+s2], $0x200, $0x38;
	[tilespmem:$0x1C008] =	vst v63  }
0x50: {  	s29 =	rddreg [dreg:$0x11];
	s30 =	simm.s32 $0xE00  }
0x51: {  	[tilespmem:s30], [sflag:$0x1] =	stream.linear.gather [hbm4b:s29+s2], $0x200, $0x38;
	[tilespmem:$0x1C008] =	vst v63  }
0x52: {  	s4 =	rddreg [dreg:$0x12];
	s5 =	simm.s32 $0x2200  }
0x53: {  	[tilespmem:s5], [sflag:$0x1] =	stream.linear.gather [hbm4b:s4+s2], $0x200, $0x38;
	[tilespmem:$0x1C008] =	vst v63  }
0x54: {  	s18 =	rddreg [dreg:$0x13];
	s19 =	simm.s32 $0x1000  }
0x55: {  	[tilespmem:s19], [sflag:$0x1] =	stream.linear.gather [hbm4b:s18+s2], $0x200, $0x38;
	[tilespmem:$0x1C008] =	vst v63  }
0x56: {  	s20 =	rddreg [dreg:$0x14];
	s22 =	simm.s32 $0x2400  }
0x57: {  	[tilespmem:s22], [sflag:$0x1] =	stream.linear.gather [hbm4b:s20+s2], $0x200, $0x38;
	[tilespmem:$0x1C008] =	vst v63  }
0x58: {  	s25 =	rddreg [dreg:$0x17];
	s26 =	simm.s32 $0x1200  }
0x59: {  	[tilespmem:s26], [sflag:$0x1] =	stream.linear.gather [hbm4b:s25+s2], $0x200, $0x38;
	[tilespmem:$0x1C008] =	vst v63  }
0x5a: {  	s29 =	rddreg [dreg:$0x18];
	s30 =	simm.s32 $0x2600  }
0x5b: {  	[tilespmem:s30], [sflag:$0x1] =	stream.linear.gather [hbm4b:s29+s2], $0x200, $0x38;
	[tilespmem:$0x1C008] =	vst v63  }
0x5c: {  	_ =	swait.ge [sflag:s9], $0x200  }
0x5d: {  	[sflag:s9] =	ssyncset.done $0x0  }
0x5e: {  	[sflag:s9] =	ssyncadd.s32 $0xFFFFFE00  }
0x5f: {  	_ =	swait.ge [sflag:s9], $0x200  }
0x60: {  	[sflag:s9] =	ssyncset.done $0x0  }
0x61: {  	[sflag:s9] =	ssyncadd.s32 $0xFFFFFE00  }
0x62: {  	_ =	swait.ge [sflag:s9], $0x200  }
0x63: {  	[sflag:s9] =	ssyncset.done $0x0  }
0x64: {  	[sflag:s9] =	ssyncadd.s32 $0xFFFFFE00  }
0x65: {  	_ =	swait.ge [sflag:s9], $0x200  }
0x66: {  	[sflag:s9] =	ssyncset.done $0x0  }
0x67: {  	[sflag:s9] =	ssyncadd.s32 $0xFFFFFE00  }
0x68: {  	_ =	swait.ge [sflag:s9], $0x200  }
0x69: {  	[sflag:s9] =	ssyncset.done $0x0  }
0x6a: {  	[sflag:s9] =	ssyncadd.s32 $0xFFFFFE00  }
0x6b: {  	_ =	swait.ge [sflag:s9], $0x200  }
0x6c: {  	[sflag:s9] =	ssyncset.done $0x0  }
0x6d: {  	[sflag:s9] =	ssyncadd.s32 $0xFFFFFE00  }
0x6e: {  	_ =	swait.ge [sflag:s9], $0x200  }
0x6f: {  	[sflag:s9] =	ssyncset.done $0x0  }
0x70: {  	[sflag:s9] =	ssyncadd.s32 $0xFFFFFE00  }
0x71: {  	_ =	swait.ge [sflag:s9], $0x200  }
0x72: {  	[sflag:s9] =	ssyncset.done $0x0  }
0x73: {  	[sflag:s9] =	ssyncadd.s32 $0xFFFFFE00  }
0x74: {  	_ =	swait.ge [sflag:s9], $0x200  }
0x75: {  	[sflag:s9] =	ssyncset.done $0x0  }
0x76: {  	[sflag:s9] =	ssyncadd.s32 $0xFFFFFE00  }
0x77: {  	_ =	swait.ge [sflag:s9], $0x200  }
0x78: {  	[sflag:s9] =	ssyncset.done $0x0  }
0x79: {  	[sflag:s9] =	ssyncadd.s32 $0xFFFFFE00  }
0x7a: {  	_ =	swait.ge [sflag:s9], $0x200  }
0x7b: {  	[sflag:s9] =	ssyncset.done $0x0  }
0x7c: {  	[sflag:s9] =	ssyncadd.s32 $0xFFFFFE00  }
0x7d: {  	_ =	swait.ge [sflag:s9], $0x200  }
0x7e: {  	[sflag:s9] =	ssyncset.done $0x0  }
0x7f: {  	[sflag:s9] =	ssyncadd.s32 $0xFFFFFE00  }
0x80: {  	_ =	swait.ge [sflag:s9], $0x200  }
0x81: {  	[sflag:s9] =	ssyncset.done $0x0  }
0x82: {  	[sflag:s9] =	ssyncadd.s32 $0xFFFFFE00  }
0x83: {  	_ =	swait.ge [sflag:s9], $0x200  }
0x84: {  	[sflag:s9] =	ssyncset.done $0x0  }
0x85: {  	[sflag:s9] =	ssyncadd.s32 $0xFFFFFE00  }
0x86: {  	_ =	swait.ge [sflag:s9], $0x200  }
0x87: {  	[sflag:s9] =	ssyncset.done $0x0  }
0x88: {  	[sflag:s9] =	ssyncadd.s32 $0xFFFFFE00  }
0x89: {  	_ =	swait.ge [sflag:s9], $0x200  }
0x8a: {  	[sflag:s9] =	ssyncset.done $0x0  }
0x8b: {  	[sflag:s9] =	ssyncadd.s32 $0xFFFFFE00  }
0x8c: {  	_ =	swait.ge [sflag:s9], $0x200  }
0x8d: {  	[sflag:s9] =	ssyncset.done $0x0  }
0x8e: {  	[sflag:s9] =	ssyncadd.s32 $0xFFFFFE00  }
0x8f: {  	_ =	swait.ge [sflag:s9], $0x200  }
0x90: {  	[sflag:s9] =	ssyncset.done $0x0  }
0x91: {  	[sflag:s9] =	ssyncadd.s32 $0xFFFFFE00  }
0x92: {  	_ =	swait.ge [sflag:s9], $0x200  }
0x93: {  	[sflag:s9] =	ssyncset.done $0x0  }
0x94: {  	[sflag:s9] =	ssyncadd.s32 $0xFFFFFE00  }
0x95: {  	_ =	swait.ge [sflag:s9], $0x200  }
0x96: {  	[sflag:s9] =	ssyncset.done $0x0  }
0x97: {  	[sflag:s9] =	ssyncadd.s32 $0xFFFFFE00  }
0x98: {  	[bflag:$0x0] =	sbarrier.arrive $0xFFFF  }
0x99: {  	s19 =	simm.s32 $0x0;
	s26 =	rddreg [dreg:$0x19]  }
.LBB2_2:
0x9a: {  	s20 =	sshll.u32 s19, $0x9  }
0x9b: {  	[tilespmem:s10], [sflag:$0x1] =	stream.indirect.gather [hbm4b:s1+s8], $0x20, s20, s8, $0xb8;
	[tilespmem:$0x1C008] =	vst v63  }
0x9c: {  	s3 =	sadd.s32 $0x1400, s20  }
0x9d: {  	[tilespmem:s11], [sflag:$0x1] =	stream.indirect.gather [hbm4b:s28+s8], $0x40, s3, s8, $0xb8;
	[tilespmem:$0x1C008] =	vst v63  }
0x9e: {  	_ =	swait.ge [sflag:s9], $0x4000  }
0x9f: {  	[sflag:s9] =	ssyncset.done $0x0  }
0xa0: {  	[sflag:s9] =	ssyncadd.s32 $0xFFFFC000  }
0xa1: {  	_ =	swait.ge [sflag:s9], $0x8000  }
0xa2: {  	[sflag:s9] =	ssyncset.done $0x0  }
0xa3: {  	s22 =	simm.s32 $0x2900;
	[sflag:s9] =	ssyncadd.s32 $0xFFFF8000  }
0xa4: {  	s25 =	simm.s32 $0x6A00;
	v41 =	vld [tilespmem:s22+$0xFFFFFF00]  }
0xa5: {  	v42 =	vld [tilespmem:s25+$0xFFFFFE00];
	_ =	sdelay $0x4  }
0xa6: {  	v41 =	vmul.f32 v42, v41  }
0xa7: {  	s29 =	simm.s32 $0x12908  }
0xa8: {  	[tilespmem:s29+$0xFFFFFEF8] =	vst v41  }
0xa9: {  	v41 =	vld [tilespmem:s25+$0xFFFFFE10]  }
0xaa: {  	v52 =	vld [tilespmem:s22+$0xFFFFFF10];
	_ =	sdelay $0x4  }
0xab: {  	v41 =	vmul.f32 v41, v52;
	_ =	sdelay $0x1  }
0xac: {  	[tilespmem:s29+$0xFFFFFF08] =	vst v41  }
0xad: {  	v41 =	vld [tilespmem:s22+$0xFFFFFF20]  }
0xae: {  	v53 =	vld [tilespmem:s25+$0xFFFFFE40];
	_ =	sdelay $0x4  }
0xaf: {  	v41 =	vmul.f32 v53, v41;
	_ =	sdelay $0x1  }
0xb0: {  	[tilespmem:s29+$0xFFFFFF19] =	vst v41  }
0xb1: {  	v41 =	vld [tilespmem:s22+$0xFFFFFF30]  }
0xb2: {  	v54 =	vld [tilespmem:s25+$0xFFFFFE50];
	_ =	sdelay $0x4  }
0xb3: {  	v41 =	vmul.f32 v54, v41;
	_ =	sdelay $0x1  }
0xb4: {  	[tilespmem:s29+$0xFFFFFF29] =	vst v41  }
0xb5: {  	v41 =	vld [tilespmem:s22+$0xFFFFFF40]  }
0xb6: {  	v55 =	vld [tilespmem:s25+$0xFFFFFE80];
	_ =	sdelay $0x4  }
0xb7: {  	v41 =	vmul.f32 v55, v41;
	_ =	sdelay $0x1  }
0xb8: {  	[tilespmem:s29+$0xFFFFFF3A] =	vst v41  }
0xb9: {  	v41 =	vld [tilespmem:s22+$0xFFFFFF50]  }
0xba: {  	v56 =	vld [tilespmem:s25+$0xFFFFFE90];
	_ =	sdelay $0x4  }
0xbb: {  	v41 =	vmul.f32 v56, v41;
	_ =	sdelay $0x1  }
0xbc: {  	[tilespmem:s29+$0xFFFFFF4A] =	vst v41  }
0xbd: {  	v41 =	vld [tilespmem:s22+$0xFFFFFF60]  }
0xbe: {  	v57 =	vld [tilespmem:s25+$0xFFFFFEC0];
	_ =	sdelay $0x4  }
0xbf: {  	v41 =	vmul.f32 v57, v41;
	_ =	sdelay $0x1  }
0xc0: {  	[tilespmem:s29+$0xFFFFFF5B] =	vst v41  }
0xc1: {  	v41 =	vld [tilespmem:s22+$0xFFFFFF70]  }
0xc2: {  	v58 =	vld [tilespmem:s25+$0xFFFFFED0];
	_ =	sdelay $0x4  }
0xc3: {  	v41 =	vmul.f32 v58, v41;
	_ =	sdelay $0x1  }
0xc4: {  	[tilespmem:s29+$0xFFFFFF6B] =	vst v41  }
0xc5: {  	v41 =	vld [tilespmem:s22+$0xFFFFFF80]  }
0xc6: {  	v59 =	vld [tilespmem:s25+$0xFFFFFF00];
	_ =	sdelay $0x4  }
0xc7: {  	v41 =	vmul.f32 v59, v41;
	_ =	sdelay $0x1  }
0xc8: {  	[tilespmem:s29+$0xFFFFFF7C] =	vst v41  }
0xc9: {  	v41 =	vld [tilespmem:s22+$0xFFFFFF90]  }
0xca: {  	v60 =	vld [tilespmem:s25+$0xFFFFFF10];
	_ =	sdelay $0x4  }
0xcb: {  	v41 =	vmul.f32 v60, v41;
	_ =	sdelay $0x1  }
0xcc: {  	[tilespmem:s29+$0xFFFFFF8C] =	vst v41  }
0xcd: {  	v41 =	vld [tilespmem:s22+$0xFFFFFFA0]  }
0xce: {  	v61 =	vld [tilespmem:s25+$0xFFFFFF40];
	_ =	sdelay $0x4  }
0xcf: {  	v41 =	vmul.f32 v61, v41;
	_ =	sdelay $0x1  }
0xd0: {  	[tilespmem:s29+$0xFFFFFF9D] =	vst v41  }
0xd1: {  	v41 =	vld [tilespmem:s22+$0xFFFFFFB0]  }
0xd2: {  	v62 =	vld [tilespmem:s25+$0xFFFFFF50];
	_ =	sdelay $0x4  }
0xd3: {  	v41 =	vmul.f32 v62, v41;
	_ =	sdelay $0x1  }
0xd4: {  	[tilespmem:s29+$0xFFFFFFAD] =	vst v41  }
0xd5: {  	v41 =	vld [tilespmem:s22+$0xFFFFFFC0]  }
0xd6: {  	v46 =	vld [tilespmem:s25+$0xFFFFFF80];
	_ =	sdelay $0x4  }
0xd7: {  	v41 =	vmul.f32 v46, v41;
	_ =	sdelay $0x1  }
0xd8: {  	[tilespmem:s29+$0xFFFFFFBE] =	vst v41  }
0xd9: {  	v41 =	vld [tilespmem:s22+$0xFFFFFFD0]  }
0xda: {  	v47 =	vld [tilespmem:s25+$0xFFFFFF90];
	_ =	sdelay $0x4  }
0xdb: {  	v41 =	vmul.f32 v47, v41;
	_ =	sdelay $0x1  }
0xdc: {  	[tilespmem:s29+$0xFFFFFFCE] =	vst v41  }
0xdd: {  	v41 =	vld [tilespmem:s22+$0xFFFFFFE0]  }
0xde: {  	v49 =	vld [tilespmem:s25+$0xFFFFFFC0];
	_ =	sdelay $0x4  }
0xdf: {  	v41 =	vmul.f32 v49, v41;
	_ =	sdelay $0x1  }
0xe0: {  	[tilespmem:s29+$0xFFFFFFDF] =	vst v41  }
0xe1: {  	v41 =	vld [tilespmem:s22+$0xFFFFFFF0]  }
0xe2: {  	v50 =	vld [tilespmem:s25+$0xFFFFFFD0];
	_ =	sdelay $0x4  }
0xe3: {  	v41 =	vmul.f32 v50, v41;
	_ =	sdelay $0x1  }
0xe4: {  	[tilespmem:s29+$0xFFFFFFEF] =	vst v41  }
0xe5: {  	v41 =	vld [tilespmem:s22+$0x0]  }
0xe6: {  	v51 =	vld [tilespmem:s25+$0x0];
	_ =	sdelay $0x4  }
0xe7: {  	v41 =	vmul.f32 v51, v41;
	_ =	sdelay $0x1  }
0xe8: {  	[tilespmem:s29+$0x0] =	vst v41  }
0xe9: {  	v41 =	vld [tilespmem:s22+$0x10]  }
0xea: {  	v52 =	vld [tilespmem:s25+$0x10];
	_ =	sdelay $0x4  }
0xeb: {  	v41 =	vmul.f32 v52, v41;
	_ =	sdelay $0x1  }
0xec: {  	[tilespmem:s29+$0x10] =	vst v41  }
0xed: {  	v41 =	vld [tilespmem:s22+$0x20]  }
0xee: {  	v53 =	vld [tilespmem:s25+$0x40];
	_ =	sdelay $0x4  }
0xef: {  	v41 =	vmul.f32 v53, v41;
	_ =	sdelay $0x1  }
0xf0: {  	[tilespmem:s29+$0x21] =	vst v41  }
0xf1: {  	v41 =	vld [tilespmem:s22+$0x30]  }
0xf2: {  	v54 =	vld [tilespmem:s25+$0x50];
	_ =	sdelay $0x4  }
0xf3: {  	v41 =	vmul.f32 v54, v41;
	_ =	sdelay $0x1  }
0xf4: {  	[tilespmem:s29+$0x31] =	vst v41  }
0xf5: {  	v41 =	vld [tilespmem:s22+$0x40]  }
0xf6: {  	v55 =	vld [tilespmem:s25+$0x80];
	_ =	sdelay $0x4  }
0xf7: {  	v41 =	vmul.f32 v55, v41;
	_ =	sdelay $0x1  }
0xf8: {  	[tilespmem:s29+$0x42] =	vst v41  }
0xf9: {  	v41 =	vld [tilespmem:s22+$0x50]  }
0xfa: {  	v56 =	vld [tilespmem:s25+$0x90];
	_ =	sdelay $0x4  }
0xfb: {  	v41 =	vmul.f32 v56, v41;
	_ =	sdelay $0x1  }
0xfc: {  	[tilespmem:s29+$0x52] =	vst v41  }
0xfd: {  	v41 =	vld [tilespmem:s22+$0x60]  }
0xfe: {  	v57 =	vld [tilespmem:s25+$0xC0];
	_ =	sdelay $0x4  }
0xff: {  	v41 =	vmul.f32 v57, v41;
	_ =	sdelay $0x1  }
0x100: {  	[tilespmem:s29+$0x63] =	vst v41  }
0x101: {  	v41 =	vld [tilespmem:s22+$0x70]  }
0x102: {  	v58 =	vld [tilespmem:s25+$0xD0];
	_ =	sdelay $0x4  }
0x103: {  	v41 =	vmul.f32 v58, v41;
	_ =	sdelay $0x1  }
0x104: {  	[tilespmem:s29+$0x73] =	vst v41  }
0x105: {  	v41 =	vld [tilespmem:s22+$0x80]  }
0x106: {  	v59 =	vld [tilespmem:s25+$0x100];
	_ =	sdelay $0x4  }
0x107: {  	v41 =	vmul.f32 v59, v41;
	_ =	sdelay $0x1  }
0x108: {  	[tilespmem:s29+$0x84] =	vst v41  }
0x109: {  	v41 =	vld [tilespmem:s22+$0x90]  }
0x10a: {  	v60 =	vld [tilespmem:s25+$0x110];
	_ =	sdelay $0x4  }
0x10b: {  	v41 =	vmul.f32 v60, v41;
	_ =	sdelay $0x1  }
0x10c: {  	[tilespmem:s29+$0x94] =	vst v41  }
0x10d: {  	v41 =	vld [tilespmem:s22+$0xA0]  }
0x10e: {  	v61 =	vld [tilespmem:s25+$0x140];
	_ =	sdelay $0x4  }
0x10f: {  	v41 =	vmul.f32 v61, v41;
	_ =	sdelay $0x1  }
0x110: {  	[tilespmem:s29+$0xA5] =	vst v41  }
0x111: {  	v41 =	vld [tilespmem:s22+$0xB0]  }
0x112: {  	v62 =	vld [tilespmem:s25+$0x150];
	_ =	sdelay $0x4  }
0x113: {  	v41 =	vmul.f32 v62, v41;
	_ =	sdelay $0x1  }
0x114: {  	v4 =	vld [tilespmem:$0x1FF40];
	[tilespmem:s29+$0xB5] =	vst v41  }
0x115: {  	v41 =	vld [tilespmem:s22+$0xC0]  }
0x116: {  	v42 =	vld [tilespmem:s25+$0x180]  }
0x117: {  	s18 =	simm.s32 $0x0;
	s30 =	simm.s32 $0x16A20;
	v0 =	vld [tilespmem:$0x1FF60]  }
0x118: {  	s5 =	simm.s32 $0x2B00;
	s4 =	simm.s32 $0x6A00;
	s3 =	simm.s32 $0x12908;
	v2 =	vld [tilespmem:$0x1FF70]  }
.LBB2_3:
0x119: {  	s18 =	sadd.s32 $0x10, s18;
	s29 =	sadd.s32 $0x210, s29;
	s25 =	sadd.s32 $0x400, s25  }
0x11a: {  	p0 =	slt.u32 s18, $0x1F0  }
0x11b: {  	v41 =	vmul.f32 v42, v41;
	_ =	sdelay $0x1  }
0x11c: {  	[tilespmem:s3+$0xC6] =	vst v41  }
0x11d: {  	v41 =	vld [tilespmem:s22+$0xD0]  }
0x11e: {  	v42 =	vld [tilespmem:s4+$0x190];
	_ =	sdelay $0x4  }
0x11f: {  	v41 =	vmul.f32 v42, v41;
	_ =	sdelay $0x1  }
0x120: {  	[tilespmem:s3+$0xD6] =	vst v41  }
0x121: {  	v41 =	vld [tilespmem:s22+$0xE0]  }
0x122: {  	v42 =	vld [tilespmem:s4+$0x1C0];
	_ =	sdelay $0x4  }
0x123: {  	v41 =	vmul.f32 v42, v41;
	_ =	sdelay $0x1  }
0x124: {  	[tilespmem:s3+$0xE7] =	vst v41  }
0x125: {  	v41 =	vld [tilespmem:s22+$0xF0];
	s22 =	smov.u32 s5  }
0x126: {  	v42 =	vld [tilespmem:s4+$0x1D0];
	s4 =	smov.u32 s25;
	_ =	sdelay $0x4  }
0x127: {  	v41 =	vmul.f32 v42, v41;
	_ =	sdelay $0x1  }
0x128: {  	[tilespmem:s3+$0xF7] =	vst v41;
	s3 =	smov.u32 s29  }
0x129: {  	v41 =	vld [tilespmem:s5+$0xFFFFFF00]  }
0x12a: {  	v42 =	vld [tilespmem:s25+$0xFFFFFE00];
	_ =	sdelay $0x4  }
0x12b: {  	v41 =	vmul.f32 v42, v41;
	_ =	sdelay $0x1  }
0x12c: {  	[tilespmem:s29+$0xFFFFFEF8] =	vst v41  }
0x12d: {  	v41 =	vld [tilespmem:s25+$0xFFFFFE10]  }
0x12e: {  	v42 =	vld [tilespmem:s5+$0xFFFFFF10];
	_ =	sdelay $0x4  }
0x12f: {  	v41 =	vmul.f32 v41, v42;
	_ =	sdelay $0x1  }
0x130: {  	[tilespmem:s29+$0xFFFFFF08] =	vst v41  }
0x131: {  	v41 =	vld [tilespmem:s5+$0xFFFFFF20]  }
0x132: {  	v42 =	vld [tilespmem:s25+$0xFFFFFE40];
	_ =	sdelay $0x4  }
0x133: {  	v41 =	vmul.f32 v42, v41;
	_ =	sdelay $0x1  }
0x134: {  	[tilespmem:s29+$0xFFFFFF19] =	vst v41  }
0x135: {  	v41 =	vld [tilespmem:s5+$0xFFFFFF30]  }
0x136: {  	v42 =	vld [tilespmem:s25+$0xFFFFFE50];
	_ =	sdelay $0x4  }
0x137: {  	v41 =	vmul.f32 v42, v41;
	_ =	sdelay $0x1  }
0x138: {  	[tilespmem:s29+$0xFFFFFF29] =	vst v41  }
0x139: {  	v41 =	vld [tilespmem:s5+$0xFFFFFF40]  }
0x13a: {  	v42 =	vld [tilespmem:s25+$0xFFFFFE80];
	_ =	sdelay $0x4  }
0x13b: {  	v41 =	vmul.f32 v42, v41;
	_ =	sdelay $0x1  }
0x13c: {  	[tilespmem:s29+$0xFFFFFF3A] =	vst v41  }
0x13d: {  	v41 =	vld [tilespmem:s5+$0xFFFFFF50]  }
0x13e: {  	v42 =	vld [tilespmem:s25+$0xFFFFFE90];
	_ =	sdelay $0x4  }
0x13f: {  	v41 =	vmul.f32 v42, v41;
	_ =	sdelay $0x1  }
0x140: {  	[tilespmem:s29+$0xFFFFFF4A] =	vst v41  }
0x141: {  	v41 =	vld [tilespmem:s5+$0xFFFFFF60]  }
0x142: {  	v42 =	vld [tilespmem:s25+$0xFFFFFEC0];
	_ =	sdelay $0x4  }
0x143: {  	v41 =	vmul.f32 v42, v41;
	_ =	sdelay $0x1  }
0x144: {  	[tilespmem:s29+$0xFFFFFF5B] =	vst v41  }
0x145: {  	v41 =	vld [tilespmem:s5+$0xFFFFFF70]  }
0x146: {  	v42 =	vld [tilespmem:s25+$0xFFFFFED0];
	_ =	sdelay $0x4  }
0x147: {  	v41 =	vmul.f32 v42, v41;
	_ =	sdelay $0x1  }
0x148: {  	[tilespmem:s29+$0xFFFFFF6B] =	vst v41  }
0x149: {  	v41 =	vld [tilespmem:s5+$0xFFFFFF80]  }
0x14a: {  	v42 =	vld [tilespmem:s25+$0xFFFFFF00];
	_ =	sdelay $0x4  }
0x14b: {  	v41 =	vmul.f32 v42, v41;
	_ =	sdelay $0x1  }
0x14c: {  	[tilespmem:s29+$0xFFFFFF7C] =	vst v41  }
0x14d: {  	v41 =	vld [tilespmem:s5+$0xFFFFFF90]  }
0x14e: {  	v42 =	vld [tilespmem:s25+$0xFFFFFF10];
	_ =	sdelay $0x4  }
0x14f: {  	v41 =	vmul.f32 v42, v41;
	_ =	sdelay $0x1  }
0x150: {  	[tilespmem:s29+$0xFFFFFF8C] =	vst v41  }
0x151: {  	v41 =	vld [tilespmem:s5+$0xFFFFFFA0]  }
0x152: {  	v42 =	vld [tilespmem:s25+$0xFFFFFF40];
	_ =	sdelay $0x4  }
0x153: {  	v41 =	vmul.f32 v42, v41;
	_ =	sdelay $0x1  }
0x154: {  	[tilespmem:s29+$0xFFFFFF9D] =	vst v41  }
0x155: {  	v41 =	vld [tilespmem:s5+$0xFFFFFFB0]  }
0x156: {  	v42 =	vld [tilespmem:s25+$0xFFFFFF50];
	_ =	sdelay $0x4  }
0x157: {  	v41 =	vmul.f32 v42, v41;
	_ =	sdelay $0x1  }
0x158: {  	[tilespmem:s29+$0xFFFFFFAD] =	vst v41  }
0x159: {  	v41 =	vld [tilespmem:s5+$0xFFFFFFC0]  }
0x15a: {  	v42 =	vld [tilespmem:s25+$0xFFFFFF80];
	_ =	sdelay $0x4  }
0x15b: {  	v41 =	vmul.f32 v42, v41;
	_ =	sdelay $0x1  }
0x15c: {  	[tilespmem:s29+$0xFFFFFFBE] =	vst v41  }
0x15d: {  	v41 =	vld [tilespmem:s5+$0xFFFFFFD0]  }
0x15e: {  	v42 =	vld [tilespmem:s25+$0xFFFFFF90];
	_ =	sdelay $0x4  }
0x15f: {  	v41 =	vmul.f32 v42, v41;
	_ =	sdelay $0x1  }
0x160: {  	[tilespmem:s29+$0xFFFFFFCE] =	vst v41  }
0x161: {  	v41 =	vld [tilespmem:s5+$0xFFFFFFE0]  }
0x162: {  	v42 =	vld [tilespmem:s25+$0xFFFFFFC0];
	_ =	sdelay $0x4  }
0x163: {  	v41 =	vmul.f32 v42, v41;
	_ =	sdelay $0x1  }
0x164: {  	[tilespmem:s29+$0xFFFFFFDF] =	vst v41  }
0x165: {  	v41 =	vld [tilespmem:s5+$0xFFFFFFF0]  }
0x166: {  	v42 =	vld [tilespmem:s25+$0xFFFFFFD0];
	_ =	sdelay $0x4  }
0x167: {  	v41 =	vmul.f32 v42, v41;
	_ =	sdelay $0x1  }
0x168: {  	[tilespmem:s29+$0xFFFFFFEF] =	vst v41  }
0x169: {  	v41 =	vld [tilespmem:s5+$0x0]  }
0x16a: {  	v42 =	vld [tilespmem:s25+$0x0];
	_ =	sdelay $0x4  }
0x16b: {  	v41 =	vmul.f32 v42, v41;
	_ =	sdelay $0x1  }
0x16c: {  	[tilespmem:s29+$0x0] =	vst v41  }
0x16d: {  	v41 =	vld [tilespmem:s5+$0x10]  }
0x16e: {  	v42 =	vld [tilespmem:s25+$0x10];
	_ =	sdelay $0x4  }
0x16f: {  	v41 =	vmul.f32 v42, v41;
	_ =	sdelay $0x1  }
0x170: {  	[tilespmem:s29+$0x10] =	vst v41  }
0x171: {  	v41 =	vld [tilespmem:s5+$0x20]  }
0x172: {  	v42 =	vld [tilespmem:s25+$0x40];
	_ =	sdelay $0x4  }
0x173: {  	v41 =	vmul.f32 v42, v41;
	_ =	sdelay $0x1  }
0x174: {  	[tilespmem:s29+$0x21] =	vst v41  }
0x175: {  	v41 =	vld [tilespmem:s5+$0x30]  }
0x176: {  	v42 =	vld [tilespmem:s25+$0x50];
	_ =	sdelay $0x4  }
0x177: {  	v41 =	vmul.f32 v42, v41;
	_ =	sdelay $0x1  }
0x178: {  	[tilespmem:s29+$0x31] =	vst v41  }
0x179: {  	v41 =	vld [tilespmem:s5+$0x40]  }
0x17a: {  	v42 =	vld [tilespmem:s25+$0x80];
	_ =	sdelay $0x4  }
0x17b: {  	v41 =	vmul.f32 v42, v41;
	_ =	sdelay $0x1  }
0x17c: {  	[tilespmem:s29+$0x42] =	vst v41  }
0x17d: {  	v41 =	vld [tilespmem:s5+$0x50]  }
0x17e: {  	v42 =	vld [tilespmem:s25+$0x90];
	_ =	sdelay $0x4  }
0x17f: {  	v41 =	vmul.f32 v42, v41;
	_ =	sdelay $0x1  }
0x180: {  	[tilespmem:s29+$0x52] =	vst v41  }
0x181: {  	v41 =	vld [tilespmem:s5+$0x60]  }
0x182: {  	v42 =	vld [tilespmem:s25+$0xC0];
	_ =	sdelay $0x4  }
0x183: {  	v41 =	vmul.f32 v42, v41;
	_ =	sdelay $0x1  }
0x184: {  	[tilespmem:s29+$0x63] =	vst v41  }
0x185: {  	v41 =	vld [tilespmem:s5+$0x70]  }
0x186: {  	v42 =	vld [tilespmem:s25+$0xD0];
	_ =	sdelay $0x4  }
0x187: {  	v41 =	vmul.f32 v42, v41;
	_ =	sdelay $0x1  }
0x188: {  	[tilespmem:s29+$0x73] =	vst v41  }
0x189: {  	v41 =	vld [tilespmem:s5+$0x80]  }
0x18a: {  	v42 =	vld [tilespmem:s25+$0x100];
	_ =	sdelay $0x4  }
0x18b: {  	v41 =	vmul.f32 v42, v41;
	_ =	sdelay $0x1  }
0x18c: {  	[tilespmem:s29+$0x84] =	vst v41  }
0x18d: {  	v41 =	vld [tilespmem:s5+$0x90]  }
0x18e: {  	v42 =	vld [tilespmem:s25+$0x110];
	_ =	sdelay $0x4  }
0x18f: {  	v41 =	vmul.f32 v42, v41;
	_ =	sdelay $0x1  }
0x190: {  	[tilespmem:s29+$0x94] =	vst v41  }
0x191: {  	v41 =	vld [tilespmem:s5+$0xA0]  }
0x192: {  	v42 =	vld [tilespmem:s25+$0x140];
	_ =	sdelay $0x4  }
0x193: {  	v41 =	vmul.f32 v42, v41;
	_ =	sdelay $0x1  }
0x194: {  	[tilespmem:s29+$0xA5] =	vst v41  }
0x195: {  	v41 =	vld [tilespmem:s5+$0xB0]  }
0x196: {  	v42 =	vld [tilespmem:s25+$0x150];
	_ =	sdelay $0x4  }
0x197: {  	v41 =	vmul.f32 v42, v41;
	_ =	sdelay $0x1  }
.Ltmp0:
0x198: {  	[tilespmem:s29+$0xB5] =	vst v41;
	(pc) =	sbr.rel @p0 .LBB2_3-.Ltmp0, $3  }
0x199: {  	v41 =	vld [tilespmem:s5+$0xC0]  }
0x19a: {  	v42 =	vld [tilespmem:s25+$0x180];
	_ =	sdelay $0x1  }
0x19b: {  	s5 =	sadd.s32 $0x200, s5  }
0x19c: {  	_ =	sdelay $0x1  }
0x19d: {  	v41 =	vmul.f32 v42, v41;
	_ =	sdelay $0x1  }
0x19e: {  	[tilespmem:s3+$0xC6] =	vst v41  }
0x19f: {  	v41 =	vld [tilespmem:s22+$0xD0]  }
0x1a0: {  	v60 =	vld [tilespmem:s4+$0x190];
	_ =	sdelay $0x4  }
0x1a1: {  	v41 =	vmul.f32 v60, v41;
	_ =	sdelay $0x1  }
0x1a2: {  	[tilespmem:s3+$0xD6] =	vst v41  }
0x1a3: {  	v41 =	vld [tilespmem:s22+$0xE0]  }
0x1a4: {  	v61 =	vld [tilespmem:s4+$0x1C0];
	_ =	sdelay $0x4  }
0x1a5: {  	v43 =	vmov s31;
	v41 =	vmul.f32 v61, v41  }
0x1a6: {  	v43 =	vmul.u32 $0x21, v43  }
0x1a7: {  	[tilespmem:s3+$0xE7] =	vst v41  }
0x1a8: {  	v43 =	vbroadcast v43, $0x0;
	v41 =	vld [tilespmem:s22+$0xF0]  }
0x1a9: {  	v62 =	vld [tilespmem:s4+$0x1D0]  }
0x1aa: {  	v63 =	vadd.s32 v63, v43  }
0x1ab: {  	v42 =	vand.u32 $0xFFFFFFF8, v63  }
0x1ac: {  	v42 =	vor.u32 v39, v42;
	_ =	sdelay $0x1  }
0x1ad: {  	v41 =	vmul.f32 v62, v41  }
0x1ae: {  	v54 =	vadd.s32 v20, v43  }
0x1af: {  	v19 =	vadd.s32 v34, v43;
	v54 =	vand.u32 $0xFFFFFFF8, v54;
	[tilespmem:s3+$0xF7] =	vst v41  }
0x1b0: {  	[tilespmem:$0x1FEF0] =	vst v19;
	v54 =	vor.u32 v3, v54;
	v19 =	vld.idx.msk [tilespmem:v42+s12+$0x0], $0xffff  }
0x1b1: {  	v6 =	vadd.s32 v37, v43  }
0x1b2: {  	[tilespmem:$0x1FEE0] =	vst v6;
	v6 =	vadd.s32 v15, v43  }
0x1b3: {  	[tilespmem:$0x1FED0] =	vst v6;
	v6 =	vadd.s32 v33, v43;
	v33 =	vadd.s32 v26, v43  }
0x1b4: {  	v41 =	vand.u32 $0xFFFFFFF8, v33  }
0x1b5: {  	v41 =	vor.u32 v39, v41;
	[tilespmem:$0x1FF00] =	vst v19;
	v19 =	vld.idx.msk [tilespmem:v54+s12+$0x0], $0xffff;
	_ =	sdelay $0x2  }
0x1b6: {  	v56 =	vadd.s32 v27, v43  }
0x1b7: {  	v44 =	vadd.s32 v8, v43;
	v56 =	vand.u32 $0xFFFFFFF8, v56  }
0x1b8: {  	v53 =	vadd.s32 v25, v43;
	v44 =	vand.u32 $0xFFFFFFF8, v44;
	v56 =	vor.u32 v11, v56;
	[tilespmem:$0x1FF10] =	vst v19;
	v19 =	vld.idx.msk [tilespmem:v41+s12+$0x0], $0xffff  }
0x1b9: {  	v46 =	vadd.s32 v16, v43;
	v53 =	vand.u32 $0xFFFFFFF8, v53;
	v44 =	vor.u32 v1, v44  }
0x1ba: {  	v46 =	vand.u32 $0xFFFFFFF8, v46;
	v53 =	vor.u32 v7, v53;
	v60 =	vadd.s32 v12, v43  }
0x1bb: {  	v24 =	vld [tilespmem:$0x1FF80];
	v55 =	vadd.s32 v14, v43;
	v46 =	vor.u32 v5, v46;
	v60 =	vand.u32 $0xFFFFFFF8, v60  }
0x1bc: {  	v22 =	vmovc v18;
	v60 =	vor.u32 v9, v60;
	v61 =	vadd.s32 v18, v43;
	v18 =	vmovc v16;
	v16 =	vmov v8;
	v8 =	vld [tilespmem:$0x1FF50]  }
0x1bd: {  	v49 =	vadd.s32 v10, v43;
	v51 =	vadd.s32 v17, v43;
	v55 =	vand.u32 $0xFFFFFFF8, v55;
	[tilespmem:$0x1FF30] =	vst v19;
	v19 =	vld.idx.msk [tilespmem:v56+s12+$0x0], $0xffff  }
0x1be: {  	v55 =	vor.u32 v3, v55;
	v61 =	vand.u32 $0xFFFFFFF8, v61;
	v62 =	vadd.s32 v21, v43;
	v47 =	vld.idx.msk [tilespmem:v44+s12+$0x0], $0xffff  }
0x1bf: {  	v61 =	vor.u32 v13, v61;
	v62 =	vand.u32 $0xFFFFFFF8, v62;
	v33 =	vld.idx.msk [tilespmem:v53+s12+$0x0], $0xffff;
	v53 =	vadd.s32 v0, v43  }
0x1c0: {  	v57 =	vadd.s32 v45, v43;
	v62 =	vor.u32 v5, v62;
	v46 =	vld.idx.msk [tilespmem:v46+s12+$0x0], $0xffff;
	v54 =	vand.u32 $0xFFFFFFF8, v53  }
0x1c1: {  	v58 =	vadd.s32 v31, v43;
	v59 =	vadd.s32 v48, v43;
	v60 =	vld.idx.msk [tilespmem:v60+s12+$0x0], $0xffff;
	v45 =	vor.u32 v13, v54  }
0x1c2: {  	v50 =	vadd.s32 v24, v43;
	v49 =	vand.u32 $0xFFFFFFF8, v49;
	v51 =	vand.u32 $0xFFFFFFF8, v51;
	[tilespmem:$0x1FF20] =	vst v19;
	v19 =	vmovc v12;
	v12 =	vld [tilespmem:$0x1FED0]  }
0x1c3: {  	v57 =	vand.u32 $0xFFFFFFF8, v57;
	v58 =	vand.u32 $0xFFFFFFF8, v58;
	v51 =	vor.u32 v11, v51;
	v55 =	vld.idx.msk [tilespmem:v55+s12+$0x0], $0xffff  }
0x1c4: {  	v59 =	vand.u32 $0xFFFFFFF8, v59;
	v63 =	vand.u32 $0xFFFFFFF8, v50;
	v57 =	vor.u32 v7, v57;
	v61 =	vld.idx.msk [tilespmem:v61+s12+$0x0], $0xffff  }
0x1c5: {  	v50 =	vadd.s32 v28, v43;
	v58 =	vor.u32 v3, v58;
	v62 =	vld.idx.msk [tilespmem:v62+s12+$0x0], $0xffff;
	v47 =	vadd.f32 $0.0e+00, v47  }
0x1c6: {  	v59 =	vor.u32 v39, v59;
	v42 =	vand.u32 $0xFFFFFFF8, v50;
	v54 =	vld.idx.msk [tilespmem:v45+s12+$0x0], $0xffff;
	v45 =	vadd.s32 v32, v43  }
0x1c7: {  	v50 =	vadd.f32 v60, v47;
	v60 =	vand.u32 $0xFFFFFFF8, v45;
	v45 =	vand.u32 $0xFFFFFFF8, v12;
	v12 =	vld [tilespmem:$0x1FEE0]  }
0x1c8: {  	v63 =	vor.u32 v1, v63;
	v48 =	vadd.s32 v8, v43;
	v51 =	vld.idx.msk [tilespmem:v51+s12+$0x0], $0xffff;
	v46 =	vadd.f32 $0.0e+00, v46  }
0x1c9: {  	v52 =	vadd.s32 v4, v43;
	v49 =	vor.u32 v7, v49;
	v57 =	vld.idx.msk [tilespmem:v57+s12+$0x0], $0xffff;
	v41 =	vand.u32 $0xFFFFFFF8, v48  }
0x1ca: {  	v52 =	vand.u32 $0xFFFFFFF8, v52;
	v58 =	vld.idx.msk [tilespmem:v58+s12+$0x0], $0xffff;
	v46 =	vadd.f32 v61, v46;
	v41 =	vor.u32 v9, v41  }
0x1cb: {  	v44 =	vadd.s32 v35, v43;
	v59 =	vld.idx.msk [tilespmem:v59+s12+$0x0], $0xffff;
	v55 =	vadd.f32 $0.0e+00, v55;
	v47 =	vadd.s32 v36, v43  }
0x1cc: {  	v61 =	vand.u32 $0xFFFFFFF8, v47;
	v47 =	vadd.f32 v62, v46;
	v46 =	vand.u32 $0xFFFFFFF8, v12;
	v12 =	vld [tilespmem:$0x1FEF0]  }
0x1cd: {  	v52 =	vor.u32 v39, v52;
	v63 =	vld.idx.msk [tilespmem:v63+s12+$0x0], $0xffff;
	v44 =	vand.u32 $0xFFFFFFF8, v44  }
0x1ce: {  	v49 =	vld.idx.msk [tilespmem:v49+s12+$0x0], $0xffff;
	v44 =	vor.u32 v13, v44;
	v56 =	vadd.f32 v51, v55;
	v51 =	vadd.s32 v29, v43  }
0x1cf: {  	v61 =	vor.u32 v1, v61;
	v55 =	vand.u32 $0xFFFFFFF8, v51;
	v51 =	vld.idx.msk [tilespmem:v41+s12+$0x0], $0xffff  }
0x1d0: {  	v41 =	vand.u32 $0xFFFFFFF8, v6;
	v6 =	vld [tilespmem:$0x1FF10]  }
0x1d1: {  	v48 =	vor.u32 v5, v42;
	v42 =	vand.u32 $0xFFFFFFF8, v12;
	v12 =	vld [tilespmem:$0x1FF00]  }
0x1d2: {  	v52 =	vld.idx.msk [tilespmem:v52+s12+$0x0], $0xffff;
	v60 =	vor.u32 v9, v60  }
0x1d3: {  	v53 =	vld.idx.msk [tilespmem:v44+s12+$0x0], $0xffff;
	v55 =	vor.u32 v1, v55  }
0x1d4: {  	v61 =	vld.idx.msk [tilespmem:v61+s12+$0x0], $0xffff;
	v41 =	vor.u32 v9, v41  }
0x1d5: {  	v62 =	vadd.s32 v38, v43;
	v56 =	vadd.f32 v6, v56;
	v6 =	vld [tilespmem:$0x1FF20]  }
0x1d6: {  	v62 =	vand.u32 $0xFFFFFFF8, v62;
	v48 =	vld.idx.msk [tilespmem:v48+s12+$0x0], $0xffff;
	v45 =	vor.u32 v5, v45;
	v44 =	vadd.f32 $0.0e+00, v12  }
0x1d7: {  	v50 =	vadd.f32 v63, v50;
	v62 =	vor.u32 v3, v62;
	v60 =	vld.idx.msk [tilespmem:v60+s12+$0x0], $0xffff;
	v42 =	vor.u32 v11, v42  }
0x1d8: {  	v55 =	vld.idx.msk [tilespmem:v55+s12+$0x0], $0xffff;
	v46 =	vor.u32 v13, v46;
	v44 =	vadd.f32 v49, v44;
	v49 =	vadd.s32 v2, v43  }
0x1d9: {  	v47 =	vadd.f32 v54, v47;
	v41 =	vld.idx.msk [tilespmem:v41+s12+$0x0], $0xffff;
	v43 =	vadd.s32 v30, v43;
	v49 =	vand.u32 $0xFFFFFFF8, v49  }
0x1da: {  	v54 =	vadd.f32 v6, v56;
	v6 =	vld [tilespmem:$0x1FF30];
	v43 =	vand.u32 $0xFFFFFFF8, v43;
	v49 =	vor.u32 v11, v49  }
0x1db: {  	v45 =	vld.idx.msk [tilespmem:v45+s12+$0x0], $0xffff;
	v44 =	vadd.f32 v52, v44;
	v43 =	vor.u32 v7, v43  }
0x1dc: {  	v50 =	vadd.f32 v51, v50;
	v42 =	vld.idx.msk [tilespmem:v42+s12+$0x0], $0xffff  }
0x1dd: {  	v46 =	vld.idx.msk [tilespmem:v46+s12+$0x0], $0xffff;
	v44 =	vadd.f32 v33, v44  }
0x1de: {  	v47 =	vadd.f32 v48, v47;
	v56 =	vadd.f32 v55, v50;
	v33 =	vld.idx.msk [tilespmem:v62+s12+$0x0], $0xffff  }
0x1df: {  	v51 =	vadd.f32 v58, v54;
	v44 =	vadd.f32 v6, v44;
	v49 =	vld.idx.msk [tilespmem:v49+s12+$0x0], $0xffff  }
0x1e0: {  	v47 =	vadd.f32 v53, v47;
	v48 =	vadd.f32 v60, v56;
	v43 =	vld.idx.msk [tilespmem:v43+s12+$0x0], $0xffff  }
0x1e1: {  	v42 =	vadd.f32 v42, v51;
	v44 =	vadd.f32 v57, v44  }
0x1e2: {  	v48 =	vadd.f32 v61, v48;
	v45 =	vadd.f32 v45, v47  }
0x1e3: {  	v42 =	vadd.f32 v33, v42;
	v44 =	vadd.f32 v59, v44  }
0x1e4: {  	v41 =	vadd.f32 v41, v48;
	v45 =	vadd.f32 v46, v45  }
0x1e5: {  	v43 =	vadd.f32 v43, v44;
	v42 =	vadd.f32 v49, v42;
	_ =	sdelay $0x1  }
0x1e6: {  	v41 =	vadd.f32 v41, v43;
	v42 =	vadd.f32 v45, v42;
	_ =	sdelay $0x1  }
0x1e7: {  	v41 =	vadd.f32 v42, v41;
	_ =	sdelay $0x1  }
0x1e8: {  	v41 =	vmul.f32 $1.442695020e+00, v41;
	_ =	sdelay $0x1  }
0x1e9: {  	(erf) = vpow2.f32 v41  }
0x1ea: {  	s22 =	simm.s32 $0x10  }
0x1eb: {  	v51 =	vmov s22  }
0x1ec: {  	v41 =	vmul.u32 $0x21, v51;
	_ =	sdelay $0x1  }
0x1ed: {  	v41 =	vbroadcast v41, $0x0;
	_ =	sdelay $0x1  }
0x1ee: {  	v52 =	vadd.s32 v25, v41  }
0x1ef: {  	s25 =	sadd.s32 $0x0, s26;
	v53 =	vadd.s32 v2, v41  }
0x1f0: {  	p0 =	slt.u32 s25, $0x27100;
	v54 =	vadd.s32 v14, v41;
	v55 =	vpop (erf)  }
0x1f1: {  	v26 =	vmovc v21;
	v21 =	vmov v17;
	v56 =	vadd.s32 v34, v41;
	v45 =	vpsel !p0, $0x0, v55  }
0x1f2: {  	v63 =	vld [tilespmem:$0x1FF90];
	v57 =	vadd.s32 v21, v41;
	[tilespmem:s30+$0xFFFFFFF0] =	vst v45  }
0x1f3: {  	v58 =	vadd.s32 v20, v41;
	v42 =	vld.idx.msk [tilespmem:v52+s12+$0x0], $0xffff  }
0x1f4: {  	v59 =	vadd.s32 v31, v41;
	v43 =	vld.idx.msk [tilespmem:v53+s12+$0x0], $0xffff  }
0x1f5: {  	v33 =	vadd.s32 v26, v41;
	v49 =	vld.idx.msk [tilespmem:v54+s12+$0x0], $0xffff  }
0x1f6: {  	v60 =	vadd.s32 v27, v41;
	v44 =	vld.idx.msk [tilespmem:v56+s12+$0x0], $0xffff  }
0x1f7: {  	v62 =	vadd.s32 v18, v41;
	v45 =	vld.idx.msk [tilespmem:v57+s12+$0x0], $0xffff  }
0x1f8: {  	v61 =	vadd.s32 v0, v41;
	v53 =	vld.idx.msk [tilespmem:v58+s12+$0x0], $0xffff  }
0x1f9: {  	v55 =	vadd.s32 v22, v41;
	v59 =	vld.idx.msk [tilespmem:v59+s12+$0x0], $0xffff  }
0x1fa: {  	v54 =	vadd.s32 v28, v41;
	v48 =	vld.idx.msk [tilespmem:v33+s12+$0x0], $0xffff  }
0x1fb: {  	v51 =	vld.idx.msk [tilespmem:v60+s12+$0x0], $0xffff;
	v33 =	vadd.s32 v63, v41  }
0x1fc: {  	v60 =	vld.idx.msk [tilespmem:v62+s12+$0x0], $0xffff  }
0x1fd: {  	v47 =	vld.idx.msk [tilespmem:v61+s12+$0x0], $0xffff;
	v49 =	vadd.f32 $0.0e+00, v49  }
0x1fe: {  	v23 =	vmovc v20;
	v17 =	vmovc v14;
	v29 =	vmov v0;
	v30 =	vmov v15;
	v50 =	vadd.s32 v19, v41;
	v52 =	vld.idx.msk [tilespmem:v55+s12+$0x0], $0xffff  }
0x1ff: {  	v57 =	vadd.s32 v38, v41;
	v61 =	vadd.s32 v24, v41;
	v46 =	vld.idx.msk [tilespmem:v54+s12+$0x0], $0xffff;
	v45 =	vadd.f32 v45, v49  }
0x200: {  	v56 =	vadd.s32 v16, v41;
	v58 =	vadd.s32 v10, v41;
	v55 =	vadd.s32 v35, v41;
	v54 =	vld.idx.msk [tilespmem:v33+s12+$0x0], $0xffff  }
0x201: {  	v60 =	vadd.f32 $0.0e+00, v60;
	v33 =	vmovc v2;
	v53 =	vadd.f32 v53, v45;
	v45 =	vadd.s32 v15, v41;
	v15 =	vmovc v13  }
0x202: {  	v13 =	vmovc v11;
	v11 =	vmovc v9;
	v9 =	vmov v7;
	v7 =	vmov v5;
	v5 =	vmov v3  }
0x203: {  	v49 =	vld.idx.msk [tilespmem:v50+s12+$0x0], $0xffff;
	v3 =	vmovc v1;
	v1 =	vmovc v39;
	v39 =	vmov v38;
	v38 =	vmov v36;
	v53 =	vadd.f32 v51, v53  }
0x204: {  	s29 =	simm.s32 $0x6A20;
	s5 =	simm.s32 $0x0;
	s18 =	sadd.s32 $0x10, s25;
	v50 =	vld.idx.msk [tilespmem:v61+s12+$0x0], $0xffff;
	v36 =	vmovc v35;
	v35 =	vmovc v34;
	v34 =	vmov v32;
	v32 =	vmov v28;
	v28 =	vmov v31  }
0x205: {  	s25 =	simm.s32 $0xE900;
	s4 =	simm.s32 $0x0;
	s3 =	simm.s32 $0x16A20;
	v51 =	vld.idx.msk [tilespmem:v57+s12+$0x0], $0xffff;
	v57 =	vadd.s32 v4, v41;
	v53 =	vadd.f32 v59, v53;
	v59 =	vadd.s32 v37, v41  }
.LBB2_5:
0x206: {  	_ =	sdelay $0x1  }
0x207: {  	v56 =	vld.idx.msk [tilespmem:v56+s12+$0x0], $0xffff  }
0x208: {  	v58 =	vld.idx.msk [tilespmem:v58+s12+$0x0], $0xffff  }
0x209: {  	v2 =	vld [tilespmem:$0x1FFB0]  }
0x20a: {  	v55 =	vld.idx.msk [tilespmem:v55+s12+$0x0], $0xffff  }
0x20b: {  	v14 =	vld [tilespmem:$0x1FFF0]  }
0x20c: {  	v6 =	vld [tilespmem:$0x1FFC0]  }
0x20d: {  	v57 =	vld.idx.msk [tilespmem:v57+s12+$0x0], $0xffff  }
0x20e: {  	v12 =	vld [tilespmem:$0x1FFD0];
	v52 =	vadd.f32 v52, v60;
	v60 =	vadd.s32 v8, v41  }
0x20f: {  	v59 =	vld.idx.msk [tilespmem:v59+s12+$0x0], $0xffff;
	v44 =	vadd.f32 v44, v53;
	v53 =	vadd.s32 v2, v41  }
0x210: {  	v0 =	vld [tilespmem:$0x1FFA0];
	v48 =	vadd.f32 v48, v52;
	v52 =	vadd.s32 v14, v41  }
0x211: {  	v31 =	vld [tilespmem:$0x1FFE0];
	v44 =	vadd.f32 v51, v44;
	v54 =	vadd.f32 $0.0e+00, v54;
	v51 =	vadd.s32 v6, v41  }
0x212: {  	v45 =	vld.idx.msk [tilespmem:v45+s12+$0x0], $0xffff;
	v56 =	vadd.f32 $0.0e+00, v56;
	v47 =	vadd.f32 v47, v48;
	v48 =	vadd.s32 v34, v41  }
0x213: {  	v61 =	vadd.s32 v12, v41;
	v58 =	vadd.f32 v58, v54;
	v60 =	vld.idx.msk [tilespmem:v60+s12+$0x0], $0xffff  }
0x214: {  	v49 =	vadd.f32 v49, v56;
	v53 =	vld.idx.msk [tilespmem:v53+s12+$0x0], $0xffff;
	v46 =	vadd.f32 v46, v47;
	v47 =	vadd.s32 v38, v41  }
0x215: {  	v62 =	vadd.s32 v0, v41;
	v43 =	vadd.f32 v43, v44;
	v52 =	vld.idx.msk [tilespmem:v52+s12+$0x0], $0xffff  }
0x216: {  	v44 =	vadd.f32 v57, v58;
	v57 =	vadd.s32 v31, v41;
	v49 =	vadd.f32 v50, v49;
	v51 =	vld.idx.msk [tilespmem:v51+s12+$0x0], $0xffff  }
0x217: {  	v46 =	vadd.f32 v55, v46;
	v48 =	vld.idx.msk [tilespmem:v48+s12+$0x0], $0xffff  }
0x218: {  	v42 =	vadd.f32 v42, v44;
	v58 =	vld.idx.msk [tilespmem:v61+s12+$0x0], $0xffff;
	v60 =	vadd.f32 v60, v49  }
0x219: {  	v45 =	vadd.f32 v45, v46;
	v47 =	vld.idx.msk [tilespmem:v47+s12+$0x0], $0xffff  }
0x21a: {  	v61 =	vld.idx.msk [tilespmem:v62+s12+$0x0], $0xffff;
	v42 =	vadd.f32 v53, v42;
	v46 =	vadd.f32 v52, v60  }
0x21b: {  	v41 =	vld.idx.msk [tilespmem:v57+s12+$0x0], $0xffff  }
0x21c: {  	v42 =	vadd.f32 v51, v42;
	v62 =	vadd.f32 v48, v46;
	_ =	sdelay $0x1  }
0x21d: {  	v42 =	vadd.f32 v58, v42;
	v48 =	vadd.f32 v47, v62  }
0x21e: {  	v45 =	vadd.f32 v59, v45  }
0x21f: {  	v41 =	vadd.f32 v41, v42;
	v49 =	vadd.f32 v61, v48;
	_ =	sdelay $0x1  }
0x220: {  	v43 =	vadd.f32 v45, v43;
	v41 =	vadd.f32 v49, v41;
	_ =	sdelay $0x1  }
0x221: {  	s5 =	sadd.s32 $0x20, s5;
	v41 =	vadd.f32 v43, v41  }
0x222: {  	v50 =	vmov s5  }
0x223: {  	v42 =	vmul.u32 $0x21, v50;
	v41 =	vmul.f32 $1.442695020e+00, v41;
	_ =	sdelay $0x1  }
0x224: {  	(erf) = vpow2.f32 v41;
	v41 =	vbroadcast v42, $0x0;
	_ =	sdelay $0x1  }
0x225: {  	v51 =	vadd.s32 v63, v41  }
0x226: {  	v52 =	vadd.s32 v16, v41;
	v42 =	vadd.s32 v37, v41;
	v53 =	vadd.s32 v18, v41  }
0x227: {  	v45 =	vadd.s32 v30, v41;
	v55 =	vadd.s32 v10, v41;
	v44 =	vadd.s32 v35, v41  }
0x228: {  	v56 =	vadd.s32 v21, v41;
	v57 =	vadd.s32 v23, v41;
	v58 =	vadd.s32 v25, v41  }
0x229: {  	v60 =	vadd.s32 v2, v41;
	v61 =	vadd.s32 v27, v41;
	v62 =	vadd.s32 v6, v41  }
0x22a: {  	v63 =	vadd.s32 v28, v41;
	v2 =	vadd.s32 v29, v41;
	v6 =	vadd.s32 v8, v41  }
0x22b: {  	v20 =	vmovc v10;
	v8 =	vadd.s32 v32, v41;
	v10 =	vadd.s32 v14, v41;
	v54 =	vand.u32 $0xFFFFFFF8, v52  }
0x22c: {  	v14 =	vadd.s32 v39, v41;
	v46 =	vand.u32 $0xFFFFFFF8, v53;
	v48 =	vor.u32 v3, v54  }
0x22d: {  	v43 =	vand.u32 $0xFFFFFFF8, v51;
	v49 =	vand.u32 $0xFFFFFFF8, v55;
	v46 =	vor.u32 v7, v46  }
0x22e: {  	p1 =	slt.u32 s18, $0x27100;
	v51 =	vadd.s32 v4, v41;
	v50 =	vand.u32 $0xFFFFFFF8, v56;
	v47 =	vor.u32 v1, v43;
	v59 =	vpop (erf)  }
0x22f: {  	v50 =	vor.u32 v13, v50;
	v54 =	vand.u32 $0xFFFFFFF8, v58;
	v55 =	vpsel !p1, $0x0, v59  }
0x230: {  	v52 =	vadd.s32 v38, v41;
	v53 =	vand.u32 $0xFFFFFFF8, v57;
	v54 =	vor.u32 v9, v54;
	[tilespmem:s3+$0x0] =	vst v55  }
0x231: {  	v56 =	vand.u32 $0xFFFFFFF8, v60;
	v57 =	vand.u32 $0xFFFFFFF8, v62;
	v53 =	vor.u32 v5, v53;
	v48 =	vld.idx.msk [tilespmem:v48+s12+$0x0], $0xffff  }
0x232: {  	v60 =	vadd.s32 v17, v41;
	v62 =	vadd.s32 v19, v41;
	v56 =	vor.u32 v1, v56;
	v46 =	vld.idx.msk [tilespmem:v46+s12+$0x0], $0xffff  }
0x233: {  	v2 =	vand.u32 $0xFFFFFFF8, v2;
	v58 =	vand.u32 $0xFFFFFFF8, v63;
	v57 =	vor.u32 v9, v57;
	v47 =	vld.idx.msk [tilespmem:v47+s12+$0x0], $0xffff  }
0x234: {  	v4 =	vadd.s32 v36, v41;
	v60 =	vand.u32 $0xFFFFFFF8, v60;
	v58 =	vor.u32 v5, v58;
	v50 =	vld.idx.msk [tilespmem:v50+s12+$0x0], $0xffff  }
0x235: {  	v62 =	vand.u32 $0xFFFFFFF8, v62;
	v63 =	vadd.s32 v26, v41;
	v60 =	vor.u32 v5, v60;
	v54 =	vld.idx.msk [tilespmem:v54+s12+$0x0], $0xffff  }
0x236: {  	v43 =	vadd.s32 v0, v41;
	v62 =	vor.u32 v11, v62;
	v63 =	vand.u32 $0xFFFFFFF8, v63;
	v53 =	vld.idx.msk [tilespmem:v53+s12+$0x0], $0xffff  }
0x237: {  	v63 =	vor.u32 v7, v63;
	v55 =	vand.u32 $0xFFFFFFF8, v61;
	v61 =	vadd.s32 v22, v41;
	v56 =	vld.idx.msk [tilespmem:v56+s12+$0x0], $0xffff  }
0x238: {  	v0 =	vadd.s32 v24, v41;
	v2 =	vor.u32 v15, v2;
	v61 =	vand.u32 $0xFFFFFFF8, v61;
	v57 =	vld.idx.msk [tilespmem:v57+s12+$0x0], $0xffff  }
0x239: {  	v6 =	vand.u32 $0xFFFFFFF8, v6;
	v0 =	vand.u32 $0xFFFFFFF8, v0;
	v58 =	vld.idx.msk [tilespmem:v58+s12+$0x0], $0xffff;
	v61 =	vor.u32 v15, v61  }
0x23a: {  	v8 =	vand.u32 $0xFFFFFFF8, v8;
	v10 =	vand.u32 $0xFFFFFFF8, v10;
	v0 =	vor.u32 v3, v0;
	v60 =	vld.idx.msk [tilespmem:v60+s12+$0x0], $0xffff  }
0x23b: {  	v14 =	vand.u32 $0xFFFFFFF8, v14;
	v4 =	vand.u32 $0xFFFFFFF8, v4;
	v6 =	vor.u32 v11, v6;
	v62 =	vld.idx.msk [tilespmem:v62+s12+$0x0], $0xffff  }
0x23c: {  	v45 =	vand.u32 $0xFFFFFFF8, v45;
	v42 =	vand.u32 $0xFFFFFFF8, v42;
	v4 =	vor.u32 v15, v4;
	v63 =	vld.idx.msk [tilespmem:v63+s12+$0x0], $0xffff  }
0x23d: {  	v44 =	vand.u32 $0xFFFFFFF8, v44;
	v49 =	vor.u32 v9, v49;
	v55 =	vor.u32 v13, v55;
	v2 =	vld.idx.msk [tilespmem:v2+s12+$0x0], $0xffff  }
0x23e: {  	v8 =	vor.u32 v7, v8;
	v10 =	vor.u32 v3, v10;
	v51 =	vand.u32 $0xFFFFFFF8, v51;
	v61 =	vld.idx.msk [tilespmem:v61+s12+$0x0], $0xffff  }
0x23f: {  	v14 =	vor.u32 v5, v14;
	v52 =	vand.u32 $0xFFFFFFF8, v52;
	v45 =	vor.u32 v7, v45;
	v0 =	vld.idx.msk [tilespmem:v0+s12+$0x0], $0xffff  }
0x240: {  	v51 =	vor.u32 v1, v51;
	v59 =	vadd.s32 v12, v41;
	v12 =	vadd.s32 v34, v41;
	v6 =	vld.idx.msk [tilespmem:v6+s12+$0x0], $0xffff  }
0x241: {  	v12 =	vand.u32 $0xFFFFFFF8, v12;
	v4 =	vld.idx.msk [tilespmem:v4+s12+$0x0], $0xffff;
	v60 =	vadd.f32 $0.0e+00, v60;
	v46 =	vadd.f32 $0.0e+00, v46  }
0x242: {  	v42 =	vor.u32 v15, v42;
	v12 =	vor.u32 v11, v12;
	v55 =	vld.idx.msk [tilespmem:v55+s12+$0x0], $0xffff;
	v48 =	vadd.f32 $0.0e+00, v48  }
0x243: {  	v44 =	vor.u32 v13, v44;
	v8 =	vld.idx.msk [tilespmem:v8+s12+$0x0], $0xffff;
	v50 =	vadd.f32 v50, v60;
	v46 =	vadd.f32 v61, v46  }
0x244: {  	v52 =	vor.u32 v3, v52;
	v43 =	vand.u32 $0xFFFFFFF8, v43;
	v49 =	vld.idx.msk [tilespmem:v49+s12+$0x0], $0xffff;
	v48 =	vadd.f32 v62, v48  }
0x245: {  	v43 =	vor.u32 v11, v43;
	v10 =	vld.idx.msk [tilespmem:v10+s12+$0x0], $0xffff;
	v50 =	vadd.f32 v53, v50;
	v46 =	vadd.f32 v63, v46  }
0x246: {  	v59 =	vand.u32 $0xFFFFFFF8, v59;
	v51 =	vld.idx.msk [tilespmem:v51+s12+$0x0], $0xffff;
	v47 =	vadd.f32 $0.0e+00, v47;
	v0 =	vadd.f32 v0, v48  }
0x247: {  	v59 =	vor.u32 v1, v59;
	v12 =	vld.idx.msk [tilespmem:v12+s12+$0x0], $0xffff;
	v50 =	vadd.f32 v55, v50;
	v2 =	vadd.f32 v2, v46  }
0x248: {  	v45 =	vld.idx.msk [tilespmem:v45+s12+$0x0], $0xffff;
	v55 =	vadd.s32 v31, v41;
	v41 =	vadd.s32 v33, v41;
	v0 =	vadd.f32 v6, v0  }
0x249: {  	v47 =	vadd.f32 v49, v47;
	v6 =	vld.idx.msk [tilespmem:v52+s12+$0x0], $0xffff;
	v41 =	vand.u32 $0xFFFFFFF8, v41;
	v2 =	vadd.f32 v8, v2  }
0x24a: {  	v42 =	vld.idx.msk [tilespmem:v42+s12+$0x0], $0xffff;
	v0 =	vadd.f32 v10, v0;
	v41 =	vor.u32 v13, v41;
	v8 =	vand.u32 $0xFFFFFFF8, v55  }
0x24b: {  	v10 =	vld.idx.msk [tilespmem:v43+s12+$0x0], $0xffff;
	v2 =	vadd.f32 v4, v2;
	v4 =	vor.u32 v9, v8;
	v8 =	vadd.f32 v51, v47  }
0x24c: {  	v0 =	vadd.f32 v12, v0;
	v12 =	vld.idx.msk [tilespmem:v44+s12+$0x0], $0xffff  }
0x24d: {  	v59 =	vld.idx.msk [tilespmem:v59+s12+$0x0], $0xffff;
	v8 =	vadd.f32 v54, v8  }
0x24e: {  	v0 =	vadd.f32 v6, v0;
	v6 =	vld.idx.msk [tilespmem:v14+s12+$0x0], $0xffff  }
0x24f: {  	v58 =	vadd.f32 v58, v50;
	v14 =	vld.idx.msk [tilespmem:v41+s12+$0x0], $0xffff;
	v8 =	vadd.f32 v56, v8  }
0x250: {  	v0 =	vadd.f32 v10, v0;
	v4 =	vld.idx.msk [tilespmem:v4+s12+$0x0], $0xffff  }
0x251: {  	v10 =	vadd.f32 v12, v58;
	v8 =	vadd.f32 v57, v8  }
0x252: {  	v2 =	vadd.f32 v45, v2  }
0x253: {  	v6 =	vadd.f32 v6, v10;
	v8 =	vadd.f32 v59, v8  }
0x254: {  	v2 =	vadd.f32 v42, v2  }
0x255: {  	v6 =	vadd.f32 v14, v6;
	v4 =	vadd.f32 v4, v8;
	_ =	sdelay $0x1  }
0x256: {  	v2 =	vadd.f32 v2, v6;
	v0 =	vadd.f32 v0, v4;
	_ =	sdelay $0x1  }
0x257: {  	v0 =	vadd.f32 v2, v0;
	_ =	sdelay $0x1  }
0x258: {  	v0 =	vmul.f32 $1.442695020e+00, v0;
	_ =	sdelay $0x1  }
0x259: {  	(erf) = vpow2.f32 v0  }
0x25a: {  	s18 =	sadd.s32 $0x10, s5  }
0x25b: {  	v0 =	vmov s18  }
0x25c: {  	v0 =	vmul.u32 $0x21, v0;
	_ =	sdelay $0x1  }
0x25d: {  	v41 =	vbroadcast v0, $0x0;
	_ =	sdelay $0x1  }
0x25e: {  	v0 =	vadd.s32 v25, v41  }
0x25f: {  	s18 =	sadd.s32 s5, s26;
	v2 =	vadd.s32 v33, v41  }
0x260: {  	p6 =	slt.u32 s18, $0x27100;
	v4 =	vadd.s32 v17, v41;
	v6 =	vpop (erf)  }
0x261: {  	s30 =	sadd.s32 $0x20, s30;
	v8 =	vadd.s32 v35, v41;
	v6 =	vpsel !p6, $0x0, v6  }
0x262: {  	v63 =	vld [tilespmem:$0x1FF90];
	v10 =	vadd.s32 v23, v41;
	[tilespmem:s30+$0xFFFFFFF0] =	vst v6  }
0x263: {  	v12 =	vadd.s32 v27, v41;
	v42 =	vld.idx.msk [tilespmem:v0+s12+$0x0], $0xffff  }
0x264: {  	v6 =	vadd.s32 v21, v41;
	v43 =	vld.idx.msk [tilespmem:v2+s12+$0x0], $0xffff  }
0x265: {  	v2 =	vld.idx.msk [tilespmem:v4+s12+$0x0], $0xffff;
	v4 =	vadd.s32 v26, v41  }
0x266: {  	v14 =	vadd.s32 v18, v41;
	v44 =	vld.idx.msk [tilespmem:v8+s12+$0x0], $0xffff  }
0x267: {  	v60 =	vadd.s32 v32, v41;
	v10 =	vld.idx.msk [tilespmem:v10+s12+$0x0], $0xffff  }
0x268: {  	v0 =	vadd.s32 v28, v41;
	v12 =	vld.idx.msk [tilespmem:v12+s12+$0x0], $0xffff  }
0x269: {  	v8 =	vadd.s32 v29, v41;
	v6 =	vld.idx.msk [tilespmem:v6+s12+$0x0], $0xffff  }
0x26a: {  	v48 =	vld.idx.msk [tilespmem:v4+s12+$0x0], $0xffff;
	v4 =	vadd.s32 v19, v41  }
0x26b: {  	v14 =	vld.idx.msk [tilespmem:v14+s12+$0x0], $0xffff  }
0x26c: {  	v61 =	vadd.s32 v22, v41;
	v46 =	vld.idx.msk [tilespmem:v60+s12+$0x0], $0xffff  }
0x26d: {  	v62 =	vadd.s32 v63, v41;
	v0 =	vld.idx.msk [tilespmem:v0+s12+$0x0], $0xffff;
	v2 =	vadd.f32 $0.0e+00, v2  }
0x26e: {  	v47 =	vld.idx.msk [tilespmem:v8+s12+$0x0], $0xffff;
	v8 =	vadd.s32 v39, v41  }
0x26f: {  	s4 =	sadd.s32 $0x2, s4;
	v2 =	vadd.f32 v6, v2;
	v49 =	vld.idx.msk [tilespmem:v4+s12+$0x0], $0xffff  }
0x270: {  	p0 =	slt.u32 s4, $0x1E;
	v6 =	vadd.s32 v24, v41;
	v4 =	vld [tilespmem:$0x1FF40]  }
.Ltmp1:
0x271: {  	v52 =	vld.idx.msk [tilespmem:v61+s12+$0x0], $0xffff;
	v2 =	vadd.f32 v10, v2;
	(pc) =	sbr.rel @p0 .LBB2_5-.Ltmp1, $4  }
0x272: {  	v54 =	vld.idx.msk [tilespmem:v62+s12+$0x0], $0xffff  }
0x273: {  	v45 =	vadd.s32 v30, v41;
	v56 =	vadd.s32 v16, v41;
	v51 =	vld.idx.msk [tilespmem:v8+s12+$0x0], $0xffff;
	v2 =	vadd.f32 v12, v2  }
0x274: {  	v58 =	vadd.s32 v20, v41;
	v55 =	vadd.s32 v36, v41;
	v59 =	vadd.s32 v37, v41;
	v8 =	vld [tilespmem:$0x1FF50]  }
0x275: {  	s3 =	smov.u32 s30;
	s18 =	sadd.s32 $0x10, s18;
	v60 =	vadd.f32 $0.0e+00, v14;
	v10 =	vmovc v20;
	v50 =	vld.idx.msk [tilespmem:v6+s12+$0x0], $0xffff;
	v57 =	vadd.s32 v4, v41;
	v53 =	vadd.f32 v0, v2  }
0x276: {  	_ =	sdelay $0x3  }
0x277: {  	v0 =	vld.idx.msk [tilespmem:v56+s12+$0x0], $0xffff  }
0x278: {  	v2 =	vld.idx.msk [tilespmem:v58+s12+$0x0], $0xffff  }
0x279: {  	v24 =	vmov v26;
	v26 =	vld [tilespmem:$0x1FFB0]  }
0x27a: {  	v10 =	vld.idx.msk [tilespmem:v57+s12+$0x0], $0xffff  }
0x27b: {  	v29 =	vld [tilespmem:$0x1FFF0]  }
0x27c: {  	v61 =	vmov v30;
	v30 =	vld [tilespmem:$0x1FFC0]  }
0x27d: {  	v45 =	vld.idx.msk [tilespmem:v45+s12+$0x0], $0xffff  }
0x27e: {  	v58 =	vmov v34;
	v56 =	vadd.s32 v34, v41;
	v34 =	vld [tilespmem:$0x1FFD0];
	v4 =	vadd.s32 v8, v41  }
0x27f: {  	v33 =	vld [tilespmem:$0x1FFA0];
	v6 =	vadd.s32 v26, v41  }
0x280: {  	v62 =	vmov v37;
	v37 =	vld [tilespmem:$0x1FFE0];
	v12 =	vadd.s32 v29, v41  }
0x281: {  	v8 =	vld.idx.msk [tilespmem:v55+s12+$0x0], $0xffff;
	v14 =	vadd.s32 v30, v41  }
0x282: {  	v54 =	vadd.f32 $0.0e+00, v54;
	v55 =	vld.idx.msk [tilespmem:v59+s12+$0x0], $0xffff;
	v0 =	vadd.f32 $0.0e+00, v0  }
0x283: {  	v52 =	vadd.f32 v52, v60;
	v60 =	vadd.s32 v38, v41;
	v4 =	vld.idx.msk [tilespmem:v4+s12+$0x0], $0xffff  }
0x284: {  	v57 =	vadd.s32 v34, v41;
	v2 =	vadd.f32 v2, v54;
	v0 =	vadd.f32 v49, v0;
	v6 =	vld.idx.msk [tilespmem:v6+s12+$0x0], $0xffff  }
0x285: {  	v48 =	vadd.f32 v48, v52;
	v52 =	vadd.s32 v33, v41;
	v12 =	vld.idx.msk [tilespmem:v12+s12+$0x0], $0xffff  }
0x286: {  	v2 =	vadd.f32 v10, v2;
	v0 =	vadd.f32 v50, v0;
	v10 =	vld.idx.msk [tilespmem:v14+s12+$0x0], $0xffff;
	v14 =	vadd.s32 v37, v41  }
0x287: {  	v56 =	vld.idx.msk [tilespmem:v56+s12+$0x0], $0xffff;
	v50 =	vadd.f32 v47, v48  }
0x288: {  	v60 =	vld.idx.msk [tilespmem:v60+s12+$0x0], $0xffff;
	v2 =	vadd.f32 v42, v2;
	v0 =	vadd.f32 v4, v0  }
0x289: {  	v59 =	vld.idx.msk [tilespmem:v57+s12+$0x0], $0xffff;
	v4 =	vadd.f32 v46, v50  }
0x28a: {  	v2 =	vadd.f32 v6, v2;
	v6 =	vld.idx.msk [tilespmem:v52+s12+$0x0], $0xffff;
	v0 =	vadd.f32 v12, v0  }
0x28b: {  	v12 =	vadd.f32 v44, v53;
	v4 =	vadd.f32 v8, v4;
	v8 =	vld.idx.msk [tilespmem:v14+s12+$0x0], $0xffff  }
0x28c: {  	v2 =	vadd.f32 v10, v2;
	v0 =	vadd.f32 v56, v0  }
0x28d: {  	v10 =	vadd.f32 v51, v12;
	v4 =	vadd.f32 v45, v4  }
0x28e: {  	v2 =	vadd.f32 v59, v2;
	v0 =	vadd.f32 v60, v0  }
0x28f: {  	v10 =	vadd.f32 v43, v10;
	v4 =	vadd.f32 v55, v4  }
0x290: {  	v2 =	vadd.f32 v8, v2;
	v0 =	vadd.f32 v6, v0;
	_ =	sdelay $0x1  }
0x291: {  	v4 =	vadd.f32 v4, v10;
	v0 =	vadd.f32 v0, v2;
	_ =	sdelay $0x1  }
0x292: {  	v0 =	vadd.f32 v4, v0;
	_ =	sdelay $0x1  }
0x293: {  	v0 =	vmul.f32 $1.442695020e+00, v0;
	_ =	sdelay $0x1  }
0x294: {  	(erf) = vpow2.f32 v0;
	_ =	sdelay $0x2  }
0x295: {  	v0 =	vmov s31  }
0x296: {  	v0 =	vshrl.u32 v0, $0x3  }
0x297: {  	v0 =	vshll.u32 v0, v40  }
0x298: {  	v0 =	vbroadcast v0, $0x0;
	_ =	sdelay $0x2  }
0x299: {  	p0 =	slt.u32 s18, $0x27100;
	v2 =	vpop (erf)  }
0x29a: {  	v2 =	vpsel !p0, $0x0, v2  }
0x29b: {  	[tilespmem:s3+$0x0] =	vst v2  }
0x29c: {  	v0 =	vld.idx.msk [tilespmem:v0+s13+$0x0], $0xffff  }
0x29d: {  	v2 =	vld [tilespmem:s29+$0xFFFFFE00];
	_ =	sdelay $0x4  }
0x29e: {  	s5 =	simm.s32 $0x1;
	v2 =	vmul.f32 v2, v0  }
0x29f: {  	v4 =	vmov s5  }
0x2a0: {  	[tilespmem:s25+$0xFFFFFF00] =	vst v2;
	v2 =	vshrl.u32 v4, $0x3  }
0x2a1: {  	v4 =	vld [tilespmem:s29+$0xFFFFFE10];
	v2 =	vshll.u32 v2, v40  }
0x2a2: {  	v2 =	vadd.s32 $0x1, v2  }
0x2a3: {  	v2 =	vbroadcast v2, $0x0;
	_ =	sdelay $0x2  }
0x2a4: {  	v0 =	vmul.f32 v4, v0;
	_ =	sdelay $0x1  }
0x2a5: {  	[tilespmem:s25+$0xFFFFFF10] =	vst v0  }
0x2a6: {  	v0 =	vld.idx.msk [tilespmem:v2+s13+$0x0], $0xffff  }
0x2a7: {  	v2 =	vld [tilespmem:s29+$0xFFFFFE40];
	_ =	sdelay $0x4  }
0x2a8: {  	s18 =	simm.s32 $0x2;
	v2 =	vmul.f32 v2, v0  }
0x2a9: {  	v4 =	vmov s18  }
0x2aa: {  	[tilespmem:s25+$0xFFFFFF20] =	vst v2;
	v2 =	vshrl.u32 v4, $0x3  }
0x2ab: {  	v4 =	vld [tilespmem:s29+$0xFFFFFE50];
	v2 =	vshll.u32 v2, v40  }
0x2ac: {  	v2 =	vadd.s32 $0x2, v2  }
0x2ad: {  	v2 =	vbroadcast v2, $0x0;
	_ =	sdelay $0x2  }
0x2ae: {  	v0 =	vmul.f32 v4, v0;
	_ =	sdelay $0x1  }
0x2af: {  	[tilespmem:s25+$0xFFFFFF30] =	vst v0  }
0x2b0: {  	v0 =	vld.idx.msk [tilespmem:v2+s13+$0x0], $0xffff  }
0x2b1: {  	v2 =	vld [tilespmem:s29+$0xFFFFFE80];
	_ =	sdelay $0x4  }
0x2b2: {  	s30 =	simm.s32 $0x3;
	v2 =	vmul.f32 v2, v0  }
0x2b3: {  	v4 =	vmov s30  }
0x2b4: {  	[tilespmem:s25+$0xFFFFFF40] =	vst v2;
	v2 =	vshrl.u32 v4, $0x3  }
0x2b5: {  	v4 =	vld [tilespmem:s29+$0xFFFFFE90];
	v2 =	vshll.u32 v2, v40  }
0x2b6: {  	v2 =	vadd.s32 $0x3, v2  }
0x2b7: {  	v2 =	vbroadcast v2, $0x0;
	_ =	sdelay $0x2  }
0x2b8: {  	v0 =	vmul.f32 v4, v0;
	_ =	sdelay $0x1  }
0x2b9: {  	[tilespmem:s25+$0xFFFFFF50] =	vst v0  }
0x2ba: {  	v0 =	vld.idx.msk [tilespmem:v2+s13+$0x0], $0xffff  }
0x2bb: {  	v2 =	vld [tilespmem:s29+$0xFFFFFEC0];
	_ =	sdelay $0x4  }
0x2bc: {  	s4 =	simm.s32 $0x4;
	v2 =	vmul.f32 v2, v0  }
0x2bd: {  	v4 =	vmov s4  }
0x2be: {  	[tilespmem:s25+$0xFFFFFF60] =	vst v2;
	v2 =	vshrl.u32 v4, $0x3  }
0x2bf: {  	v4 =	vld [tilespmem:s29+$0xFFFFFED0];
	v2 =	vshll.u32 v2, v40  }
0x2c0: {  	v2 =	vadd.s32 $0x4, v2  }
0x2c1: {  	v2 =	vbroadcast v2, $0x0;
	_ =	sdelay $0x2  }
0x2c2: {  	v0 =	vmul.f32 v4, v0;
	_ =	sdelay $0x1  }
0x2c3: {  	[tilespmem:s25+$0xFFFFFF70] =	vst v0  }
0x2c4: {  	v0 =	vld.idx.msk [tilespmem:v2+s13+$0x0], $0xffff  }
0x2c5: {  	v2 =	vld [tilespmem:s29+$0xFFFFFF00];
	_ =	sdelay $0x4  }
0x2c6: {  	s5 =	simm.s32 $0x5;
	v2 =	vmul.f32 v2, v0  }
0x2c7: {  	v4 =	vmov s5  }
0x2c8: {  	[tilespmem:s25+$0xFFFFFF80] =	vst v2;
	v2 =	vshrl.u32 v4, $0x3  }
0x2c9: {  	v4 =	vld [tilespmem:s29+$0xFFFFFF10];
	v2 =	vshll.u32 v2, v40  }
0x2ca: {  	v2 =	vadd.s32 $0x5, v2  }
0x2cb: {  	v2 =	vbroadcast v2, $0x0;
	_ =	sdelay $0x2  }
0x2cc: {  	v0 =	vmul.f32 v4, v0;
	_ =	sdelay $0x1  }
0x2cd: {  	[tilespmem:s25+$0xFFFFFF90] =	vst v0  }
0x2ce: {  	v0 =	vld.idx.msk [tilespmem:v2+s13+$0x0], $0xffff  }
0x2cf: {  	v2 =	vld [tilespmem:s29+$0xFFFFFF40];
	_ =	sdelay $0x4  }
0x2d0: {  	s18 =	simm.s32 $0x6;
	v2 =	vmul.f32 v2, v0  }
0x2d1: {  	v4 =	vmov s18  }
0x2d2: {  	[tilespmem:s25+$0xFFFFFFA0] =	vst v2;
	v2 =	vshrl.u32 v4, $0x3  }
0x2d3: {  	v4 =	vld [tilespmem:s29+$0xFFFFFF50];
	v2 =	vshll.u32 v2, v40  }
0x2d4: {  	v2 =	vadd.s32 $0x6, v2  }
0x2d5: {  	v2 =	vbroadcast v2, $0x0;
	_ =	sdelay $0x2  }
0x2d6: {  	v0 =	vmul.f32 v4, v0;
	_ =	sdelay $0x1  }
0x2d7: {  	[tilespmem:s25+$0xFFFFFFB0] =	vst v0  }
0x2d8: {  	v0 =	vld.idx.msk [tilespmem:v2+s13+$0x0], $0xffff  }
0x2d9: {  	v2 =	vld [tilespmem:s29+$0xFFFFFF80];
	_ =	sdelay $0x4  }
0x2da: {  	s30 =	simm.s32 $0x7;
	v2 =	vmul.f32 v2, v0  }
0x2db: {  	v4 =	vmov s30  }
0x2dc: {  	[tilespmem:s25+$0xFFFFFFC0] =	vst v2;
	v2 =	vshrl.u32 v4, $0x3  }
0x2dd: {  	v4 =	vld [tilespmem:s29+$0xFFFFFF90];
	v2 =	vshll.u32 v2, v40  }
0x2de: {  	v2 =	vadd.s32 $0x7, v2  }
0x2df: {  	v2 =	vbroadcast v2, $0x0;
	_ =	sdelay $0x2  }
0x2e0: {  	v0 =	vmul.f32 v4, v0;
	_ =	sdelay $0x1  }
0x2e1: {  	[tilespmem:s25+$0xFFFFFFD0] =	vst v0  }
0x2e2: {  	v0 =	vld.idx.msk [tilespmem:v2+s13+$0x0], $0xffff  }
0x2e3: {  	v2 =	vld [tilespmem:s29+$0xFFFFFFC0];
	_ =	sdelay $0x4  }
0x2e4: {  	v2 =	vmul.f32 v2, v0  }
0x2e5: {  	s4 =	simm.s32 $0x8  }
0x2e6: {  	[tilespmem:s25+$0xFFFFFFE0] =	vst v2;
	v2 =	vmov s4  }
0x2e7: {  	v4 =	vld [tilespmem:s29+$0xFFFFFFD0];
	v2 =	vshrl.u32 v2, $0x3  }
0x2e8: {  	v2 =	vshll.u32 v2, v40  }
0x2e9: {  	v2 =	vbroadcast v2, $0x0;
	_ =	sdelay $0x2  }
0x2ea: {  	v0 =	vmul.f32 v4, v0;
	_ =	sdelay $0x1  }
0x2eb: {  	[tilespmem:s25+$0xFFFFFFF0] =	vst v0  }
0x2ec: {  	v0 =	vld.idx.msk [tilespmem:v2+s13+$0x0], $0xffff  }
0x2ed: {  	v2 =	vld [tilespmem:s29+$0x0];
	_ =	sdelay $0x4  }
0x2ee: {  	s5 =	simm.s32 $0x9;
	v2 =	vmul.f32 v2, v0  }
0x2ef: {  	v4 =	vmov s5  }
0x2f0: {  	[tilespmem:s25+$0x0] =	vst v2;
	v2 =	vshrl.u32 v4, $0x3  }
0x2f1: {  	v4 =	vld [tilespmem:s29+$0x10];
	v2 =	vshll.u32 v2, v40  }
0x2f2: {  	v2 =	vadd.s32 $0x1, v2  }
0x2f3: {  	v2 =	vbroadcast v2, $0x0;
	_ =	sdelay $0x2  }
0x2f4: {  	v0 =	vmul.f32 v4, v0;
	_ =	sdelay $0x1  }
0x2f5: {  	[tilespmem:s25+$0x10] =	vst v0  }
0x2f6: {  	v0 =	vld.idx.msk [tilespmem:v2+s13+$0x0], $0xffff  }
0x2f7: {  	v2 =	vld [tilespmem:s29+$0x40];
	_ =	sdelay $0x4  }
0x2f8: {  	s18 =	simm.s32 $0xA;
	v2 =	vmul.f32 v2, v0  }
0x2f9: {  	v4 =	vmov s18  }
0x2fa: {  	[tilespmem:s25+$0x20] =	vst v2;
	v2 =	vshrl.u32 v4, $0x3  }
0x2fb: {  	v4 =	vld [tilespmem:s29+$0x50];
	v2 =	vshll.u32 v2, v40  }
0x2fc: {  	v2 =	vadd.s32 $0x2, v2  }
0x2fd: {  	v2 =	vbroadcast v2, $0x0;
	_ =	sdelay $0x2  }
0x2fe: {  	v0 =	vmul.f32 v4, v0;
	_ =	sdelay $0x1  }
0x2ff: {  	[tilespmem:s25+$0x30] =	vst v0  }
0x300: {  	v0 =	vld.idx.msk [tilespmem:v2+s13+$0x0], $0xffff  }
0x301: {  	v2 =	vld [tilespmem:s29+$0x80];
	_ =	sdelay $0x4  }
0x302: {  	s30 =	simm.s32 $0xB;
	v2 =	vmul.f32 v2, v0  }
0x303: {  	v4 =	vmov s30  }
0x304: {  	[tilespmem:s25+$0x40] =	vst v2;
	v2 =	vshrl.u32 v4, $0x3  }
0x305: {  	v4 =	vld [tilespmem:s29+$0x90];
	v2 =	vshll.u32 v2, v40  }
0x306: {  	v2 =	vadd.s32 $0x3, v2  }
0x307: {  	v2 =	vbroadcast v2, $0x0;
	_ =	sdelay $0x2  }
0x308: {  	v0 =	vmul.f32 v4, v0;
	_ =	sdelay $0x1  }
0x309: {  	[tilespmem:s25+$0x50] =	vst v0  }
0x30a: {  	v0 =	vld.idx.msk [tilespmem:v2+s13+$0x0], $0xffff  }
0x30b: {  	v2 =	vld [tilespmem:s29+$0xC0];
	_ =	sdelay $0x4  }
0x30c: {  	s4 =	simm.s32 $0xC;
	v2 =	vmul.f32 v2, v0  }
0x30d: {  	v4 =	vmov s4  }
0x30e: {  	[tilespmem:s25+$0x60] =	vst v2;
	v2 =	vshrl.u32 v4, $0x3  }
0x30f: {  	v4 =	vld [tilespmem:s29+$0xD0];
	v2 =	vshll.u32 v2, v40  }
0x310: {  	v2 =	vadd.s32 $0x4, v2  }
0x311: {  	v2 =	vbroadcast v2, $0x0;
	_ =	sdelay $0x2  }
0x312: {  	v0 =	vmul.f32 v4, v0;
	_ =	sdelay $0x1  }
0x313: {  	[tilespmem:s25+$0x70] =	vst v0  }
0x314: {  	v0 =	vld.idx.msk [tilespmem:v2+s13+$0x0], $0xffff  }
0x315: {  	v2 =	vld [tilespmem:s29+$0x100];
	_ =	sdelay $0x4  }
0x316: {  	s5 =	simm.s32 $0xD;
	v2 =	vmul.f32 v2, v0  }
0x317: {  	v4 =	vmov s5  }
0x318: {  	[tilespmem:s25+$0x80] =	vst v2;
	v2 =	vshrl.u32 v4, $0x3  }
0x319: {  	v4 =	vld [tilespmem:s29+$0x110];
	v2 =	vshll.u32 v2, v40  }
0x31a: {  	v2 =	vadd.s32 $0x5, v2  }
0x31b: {  	v2 =	vbroadcast v2, $0x0;
	_ =	sdelay $0x2  }
0x31c: {  	v0 =	vmul.f32 v4, v0;
	_ =	sdelay $0x1  }
0x31d: {  	[tilespmem:s25+$0x90] =	vst v0  }
0x31e: {  	v0 =	vld.idx.msk [tilespmem:v2+s13+$0x0], $0xffff  }
0x31f: {  	v2 =	vld [tilespmem:s29+$0x140];
	_ =	sdelay $0x4  }
0x320: {  	s18 =	simm.s32 $0xE;
	v2 =	vmul.f32 v2, v0  }
0x321: {  	v4 =	vmov s18  }
0x322: {  	[tilespmem:s25+$0xA0] =	vst v2;
	v2 =	vshrl.u32 v4, $0x3  }
0x323: {  	v4 =	vld [tilespmem:s29+$0x150];
	v2 =	vshll.u32 v2, v40  }
0x324: {  	v2 =	vadd.s32 $0x6, v2  }
0x325: {  	v2 =	vbroadcast v2, $0x0;
	_ =	sdelay $0x2  }
0x326: {  	v0 =	vmul.f32 v4, v0;
	_ =	sdelay $0x1  }
0x327: {  	[tilespmem:s25+$0xB0] =	vst v0  }
0x328: {  	v0 =	vld.idx.msk [tilespmem:v2+s13+$0x0], $0xffff  }
0x329: {  	v2 =	vld [tilespmem:s29+$0x180];
	_ =	sdelay $0x4  }
0x32a: {  	s30 =	simm.s32 $0xF;
	v2 =	vmul.f32 v2, v0  }
0x32b: {  	v4 =	vmov s30  }
0x32c: {  	[tilespmem:s25+$0xC0] =	vst v2;
	v2 =	vshrl.u32 v4, $0x3  }
0x32d: {  	v4 =	vld [tilespmem:s29+$0x190];
	v2 =	vshll.u32 v2, v40  }
0x32e: {  	v2 =	vadd.s32 $0x7, v2  }
0x32f: {  	v2 =	vbroadcast v2, $0x0;
	_ =	sdelay $0x2  }
0x330: {  	v0 =	vmul.f32 v4, v0;
	_ =	sdelay $0x1  }
0x331: {  	[tilespmem:s25+$0xD0] =	vst v0  }
0x332: {  	v0 =	vld.idx.msk [tilespmem:v2+s13+$0x0], $0xffff  }
0x333: {  	v2 =	vld [tilespmem:s29+$0x1C0];
	_ =	sdelay $0x4  }
0x334: {  	v2 =	vmul.f32 v2, v0;
	_ =	sdelay $0x1  }
0x335: {  	v4 =	vmov s22;
	[tilespmem:s25+$0xE0] =	vst v2  }
0x336: {  	v4 =	vshrl.u32 v4, $0x3;
	v2 =	vld [tilespmem:s29+$0x1D0]  }
0x337: {  	v4 =	vshll.u32 v4, v40  }
0x338: {  	v41 =	vbroadcast v4, $0x0;
	_ =	sdelay $0x2  }
0x339: {  	v54 =	vmovc v38;
	v48 =	vmovc v34;
	v45 =	vmov v30;
	v30 =	vmov v37;
	s4 =	simm.s32 $0x20;
	v42 =	vmul.f32 v2, v0  }
.LBB2_7:
0x33a: {  	s29 =	sadd.s32 $0x400, s29  }
0x33b: {  	s3 =	smov.u32 s4;
	s30 =	sadd.s32 $0x10, s4;
	[tilespmem:s25+$0xF0] =	vst v42;
	s25 =	sadd.s32 $0x200, s25  }
0x33c: {  	p0 =	slt.u32 s4, $0x1F0;
	v0 =	vld.idx.msk [tilespmem:v41+s13+$0x0], $0xffff  }
0x33d: {  	v2 =	vld [tilespmem:s29+$0xFFFFFE00];
	_ =	sdelay $0x4  }
0x33e: {  	s4 =	sadd.s32 $0x1, s22;
	v2 =	vmul.f32 v2, v0  }
0x33f: {  	v4 =	vmov s4  }
0x340: {  	[tilespmem:s25+$0xFFFFFF00] =	vst v2;
	v2 =	vshrl.u32 v4, $0x3  }
0x341: {  	v4 =	vld [tilespmem:s29+$0xFFFFFE10];
	v2 =	vshll.u32 v2, v40  }
0x342: {  	v2 =	vadd.s32 $0x1, v2  }
0x343: {  	v2 =	vbroadcast v2, $0x0;
	_ =	sdelay $0x2  }
0x344: {  	v0 =	vmul.f32 v4, v0;
	_ =	sdelay $0x1  }
0x345: {  	[tilespmem:s25+$0xFFFFFF10] =	vst v0  }
0x346: {  	v0 =	vld.idx.msk [tilespmem:v2+s13+$0x0], $0xffff  }
0x347: {  	v2 =	vld [tilespmem:s29+$0xFFFFFE40];
	_ =	sdelay $0x4  }
0x348: {  	s4 =	sadd.s32 $0x2, s22;
	v2 =	vmul.f32 v2, v0  }
0x349: {  	v4 =	vmov s4  }
0x34a: {  	[tilespmem:s25+$0xFFFFFF20] =	vst v2;
	v2 =	vshrl.u32 v4, $0x3  }
0x34b: {  	v4 =	vld [tilespmem:s29+$0xFFFFFE50];
	v2 =	vshll.u32 v2, v40  }
0x34c: {  	v2 =	vadd.s32 $0x2, v2  }
0x34d: {  	v2 =	vbroadcast v2, $0x0;
	_ =	sdelay $0x2  }
0x34e: {  	v0 =	vmul.f32 v4, v0;
	_ =	sdelay $0x1  }
0x34f: {  	[tilespmem:s25+$0xFFFFFF30] =	vst v0  }
0x350: {  	v0 =	vld.idx.msk [tilespmem:v2+s13+$0x0], $0xffff  }
0x351: {  	v2 =	vld [tilespmem:s29+$0xFFFFFE80];
	_ =	sdelay $0x4  }
0x352: {  	s4 =	sadd.s32 $0x3, s22;
	v2 =	vmul.f32 v2, v0  }
0x353: {  	v4 =	vmov s4  }
0x354: {  	[tilespmem:s25+$0xFFFFFF40] =	vst v2;
	v2 =	vshrl.u32 v4, $0x3  }
0x355: {  	v4 =	vld [tilespmem:s29+$0xFFFFFE90];
	v2 =	vshll.u32 v2, v40  }
0x356: {  	v2 =	vadd.s32 $0x3, v2  }
0x357: {  	v2 =	vbroadcast v2, $0x0;
	_ =	sdelay $0x2  }
0x358: {  	v0 =	vmul.f32 v4, v0;
	_ =	sdelay $0x1  }
0x359: {  	[tilespmem:s25+$0xFFFFFF50] =	vst v0  }
0x35a: {  	v0 =	vld.idx.msk [tilespmem:v2+s13+$0x0], $0xffff  }
0x35b: {  	v2 =	vld [tilespmem:s29+$0xFFFFFEC0];
	_ =	sdelay $0x4  }
0x35c: {  	s4 =	sadd.s32 $0x4, s22;
	v2 =	vmul.f32 v2, v0  }
0x35d: {  	v4 =	vmov s4  }
0x35e: {  	[tilespmem:s25+$0xFFFFFF60] =	vst v2;
	v2 =	vshrl.u32 v4, $0x3  }
0x35f: {  	v4 =	vld [tilespmem:s29+$0xFFFFFED0];
	v2 =	vshll.u32 v2, v40  }
0x360: {  	v2 =	vadd.s32 $0x4, v2  }
0x361: {  	v2 =	vbroadcast v2, $0x0;
	_ =	sdelay $0x2  }
0x362: {  	v0 =	vmul.f32 v4, v0;
	_ =	sdelay $0x1  }
0x363: {  	[tilespmem:s25+$0xFFFFFF70] =	vst v0  }
0x364: {  	v0 =	vld.idx.msk [tilespmem:v2+s13+$0x0], $0xffff  }
0x365: {  	v2 =	vld [tilespmem:s29+$0xFFFFFF00];
	_ =	sdelay $0x4  }
0x366: {  	s4 =	sadd.s32 $0x5, s22;
	v2 =	vmul.f32 v2, v0  }
0x367: {  	v4 =	vmov s4  }
0x368: {  	[tilespmem:s25+$0xFFFFFF80] =	vst v2;
	v2 =	vshrl.u32 v4, $0x3  }
0x369: {  	v4 =	vld [tilespmem:s29+$0xFFFFFF10];
	v2 =	vshll.u32 v2, v40  }
0x36a: {  	v2 =	vadd.s32 $0x5, v2  }
0x36b: {  	v2 =	vbroadcast v2, $0x0;
	_ =	sdelay $0x2  }
0x36c: {  	v0 =	vmul.f32 v4, v0;
	_ =	sdelay $0x1  }
0x36d: {  	[tilespmem:s25+$0xFFFFFF90] =	vst v0  }
0x36e: {  	v0 =	vld.idx.msk [tilespmem:v2+s13+$0x0], $0xffff  }
0x36f: {  	v2 =	vld [tilespmem:s29+$0xFFFFFF40];
	_ =	sdelay $0x4  }
0x370: {  	s4 =	sadd.s32 $0x6, s22;
	v2 =	vmul.f32 v2, v0  }
0x371: {  	v4 =	vmov s4  }
0x372: {  	[tilespmem:s25+$0xFFFFFFA0] =	vst v2;
	v2 =	vshrl.u32 v4, $0x3  }
0x373: {  	v4 =	vld [tilespmem:s29+$0xFFFFFF50];
	v2 =	vshll.u32 v2, v40  }
0x374: {  	v2 =	vadd.s32 $0x6, v2  }
0x375: {  	v2 =	vbroadcast v2, $0x0;
	_ =	sdelay $0x2  }
0x376: {  	v0 =	vmul.f32 v4, v0;
	_ =	sdelay $0x1  }
0x377: {  	[tilespmem:s25+$0xFFFFFFB0] =	vst v0  }
0x378: {  	v0 =	vld.idx.msk [tilespmem:v2+s13+$0x0], $0xffff  }
0x379: {  	v2 =	vld [tilespmem:s29+$0xFFFFFF80];
	_ =	sdelay $0x4  }
0x37a: {  	s4 =	sadd.s32 $0x7, s22;
	v2 =	vmul.f32 v2, v0  }
0x37b: {  	v4 =	vmov s4  }
0x37c: {  	[tilespmem:s25+$0xFFFFFFC0] =	vst v2;
	v2 =	vshrl.u32 v4, $0x3  }
0x37d: {  	v4 =	vld [tilespmem:s29+$0xFFFFFF90];
	v2 =	vshll.u32 v2, v40  }
0x37e: {  	v2 =	vadd.s32 $0x7, v2  }
0x37f: {  	v2 =	vbroadcast v2, $0x0;
	_ =	sdelay $0x2  }
0x380: {  	v0 =	vmul.f32 v4, v0;
	_ =	sdelay $0x1  }
0x381: {  	[tilespmem:s25+$0xFFFFFFD0] =	vst v0  }
0x382: {  	v0 =	vld.idx.msk [tilespmem:v2+s13+$0x0], $0xffff  }
0x383: {  	v2 =	vld [tilespmem:s29+$0xFFFFFFC0];
	_ =	sdelay $0x4  }
0x384: {  	v2 =	vmul.f32 v2, v0  }
0x385: {  	s4 =	sadd.s32 $0x8, s22  }
0x386: {  	[tilespmem:s25+$0xFFFFFFE0] =	vst v2;
	v2 =	vmov s4  }
0x387: {  	v4 =	vld [tilespmem:s29+$0xFFFFFFD0];
	v2 =	vshrl.u32 v2, $0x3  }
0x388: {  	v2 =	vshll.u32 v2, v40  }
0x389: {  	v2 =	vbroadcast v2, $0x0;
	_ =	sdelay $0x2  }
0x38a: {  	v0 =	vmul.f32 v4, v0;
	_ =	sdelay $0x1  }
0x38b: {  	[tilespmem:s25+$0xFFFFFFF0] =	vst v0  }
0x38c: {  	v0 =	vld.idx.msk [tilespmem:v2+s13+$0x0], $0xffff  }
0x38d: {  	v2 =	vld [tilespmem:s29+$0x0];
	_ =	sdelay $0x4  }
0x38e: {  	s4 =	sadd.s32 $0x9, s22;
	v2 =	vmul.f32 v2, v0  }
0x38f: {  	v4 =	vmov s4  }
0x390: {  	[tilespmem:s25+$0x0] =	vst v2;
	v2 =	vshrl.u32 v4, $0x3  }
0x391: {  	v4 =	vld [tilespmem:s29+$0x10];
	v2 =	vshll.u32 v2, v40  }
0x392: {  	v2 =	vadd.s32 $0x1, v2  }
0x393: {  	v2 =	vbroadcast v2, $0x0;
	_ =	sdelay $0x2  }
0x394: {  	v0 =	vmul.f32 v4, v0;
	_ =	sdelay $0x1  }
0x395: {  	[tilespmem:s25+$0x10] =	vst v0  }
0x396: {  	v0 =	vld.idx.msk [tilespmem:v2+s13+$0x0], $0xffff  }
0x397: {  	v2 =	vld [tilespmem:s29+$0x40];
	_ =	sdelay $0x4  }
0x398: {  	s4 =	sadd.s32 $0xA, s22;
	v2 =	vmul.f32 v2, v0  }
0x399: {  	v4 =	vmov s4  }
0x39a: {  	[tilespmem:s25+$0x20] =	vst v2;
	v2 =	vshrl.u32 v4, $0x3  }
0x39b: {  	v4 =	vld [tilespmem:s29+$0x50];
	v2 =	vshll.u32 v2, v40  }
0x39c: {  	v2 =	vadd.s32 $0x2, v2  }
0x39d: {  	v2 =	vbroadcast v2, $0x0;
	_ =	sdelay $0x2  }
0x39e: {  	v0 =	vmul.f32 v4, v0;
	_ =	sdelay $0x1  }
0x39f: {  	[tilespmem:s25+$0x30] =	vst v0  }
0x3a0: {  	v0 =	vld.idx.msk [tilespmem:v2+s13+$0x0], $0xffff  }
0x3a1: {  	v2 =	vld [tilespmem:s29+$0x80];
	_ =	sdelay $0x4  }
0x3a2: {  	s4 =	sadd.s32 $0xB, s22;
	v2 =	vmul.f32 v2, v0  }
0x3a3: {  	v4 =	vmov s4  }
0x3a4: {  	[tilespmem:s25+$0x40] =	vst v2;
	v2 =	vshrl.u32 v4, $0x3  }
0x3a5: {  	v4 =	vld [tilespmem:s29+$0x90];
	v2 =	vshll.u32 v2, v40  }
0x3a6: {  	v2 =	vadd.s32 $0x3, v2  }
0x3a7: {  	v2 =	vbroadcast v2, $0x0;
	_ =	sdelay $0x2  }
0x3a8: {  	v0 =	vmul.f32 v4, v0;
	_ =	sdelay $0x1  }
0x3a9: {  	[tilespmem:s25+$0x50] =	vst v0  }
0x3aa: {  	v0 =	vld.idx.msk [tilespmem:v2+s13+$0x0], $0xffff  }
0x3ab: {  	v2 =	vld [tilespmem:s29+$0xC0];
	_ =	sdelay $0x4  }
0x3ac: {  	s4 =	sadd.s32 $0xC, s22;
	v2 =	vmul.f32 v2, v0  }
0x3ad: {  	v4 =	vmov s4  }
0x3ae: {  	[tilespmem:s25+$0x60] =	vst v2;
	v2 =	vshrl.u32 v4, $0x3  }
0x3af: {  	v4 =	vld [tilespmem:s29+$0xD0];
	v2 =	vshll.u32 v2, v40  }
0x3b0: {  	v2 =	vadd.s32 $0x4, v2  }
0x3b1: {  	v2 =	vbroadcast v2, $0x0;
	_ =	sdelay $0x2  }
0x3b2: {  	v0 =	vmul.f32 v4, v0;
	_ =	sdelay $0x1  }
0x3b3: {  	[tilespmem:s25+$0x70] =	vst v0  }
0x3b4: {  	v0 =	vld.idx.msk [tilespmem:v2+s13+$0x0], $0xffff  }
0x3b5: {  	v2 =	vld [tilespmem:s29+$0x100];
	_ =	sdelay $0x4  }
0x3b6: {  	s4 =	sadd.s32 $0xD, s22;
	v2 =	vmul.f32 v2, v0  }
0x3b7: {  	v4 =	vmov s4  }
0x3b8: {  	[tilespmem:s25+$0x80] =	vst v2;
	v2 =	vshrl.u32 v4, $0x3  }
0x3b9: {  	v4 =	vld [tilespmem:s29+$0x110];
	v2 =	vshll.u32 v2, v40  }
0x3ba: {  	v2 =	vadd.s32 $0x5, v2  }
0x3bb: {  	v2 =	vbroadcast v2, $0x0;
	_ =	sdelay $0x2  }
0x3bc: {  	v0 =	vmul.f32 v4, v0;
	_ =	sdelay $0x1  }
0x3bd: {  	[tilespmem:s25+$0x90] =	vst v0  }
0x3be: {  	v0 =	vld.idx.msk [tilespmem:v2+s13+$0x0], $0xffff  }
0x3bf: {  	v2 =	vld [tilespmem:s29+$0x140];
	_ =	sdelay $0x4  }
0x3c0: {  	s4 =	sadd.s32 $0xE, s22;
	v2 =	vmul.f32 v2, v0  }
0x3c1: {  	v4 =	vmov s4  }
0x3c2: {  	[tilespmem:s25+$0xA0] =	vst v2;
	v2 =	vshrl.u32 v4, $0x3  }
0x3c3: {  	v4 =	vld [tilespmem:s29+$0x150];
	v2 =	vshll.u32 v2, v40  }
0x3c4: {  	v2 =	vadd.s32 $0x6, v2  }
0x3c5: {  	v2 =	vbroadcast v2, $0x0;
	_ =	sdelay $0x2  }
0x3c6: {  	v0 =	vmul.f32 v4, v0;
	_ =	sdelay $0x1  }
0x3c7: {  	[tilespmem:s25+$0xB0] =	vst v0  }
0x3c8: {  	v0 =	vld.idx.msk [tilespmem:v2+s13+$0x0], $0xffff  }
0x3c9: {  	v2 =	vld [tilespmem:s29+$0x180];
	_ =	sdelay $0x4  }
0x3ca: {  	s4 =	sadd.s32 $0xF, s22;
	s22 =	smov.u32 s3;
	v2 =	vmul.f32 v2, v0  }
0x3cb: {  	v4 =	vmov s4  }
0x3cc: {  	[tilespmem:s25+$0xC0] =	vst v2;
	v2 =	vshrl.u32 v4, $0x3  }
0x3cd: {  	v4 =	vld [tilespmem:s29+$0x190];
	v2 =	vshll.u32 v2, v40  }
0x3ce: {  	v2 =	vadd.s32 $0x7, v2  }
0x3cf: {  	v2 =	vbroadcast v2, $0x0;
	_ =	sdelay $0x2  }
0x3d0: {  	v0 =	vmul.f32 v4, v0;
	_ =	sdelay $0x1  }
0x3d1: {  	[tilespmem:s25+$0xD0] =	vst v0  }
0x3d2: {  	v0 =	vld.idx.msk [tilespmem:v2+s13+$0x0], $0xffff  }
0x3d3: {  	v2 =	vld [tilespmem:s29+$0x1C0];
	_ =	sdelay $0x4  }
0x3d4: {  	v2 =	vmul.f32 v2, v0;
	_ =	sdelay $0x1  }
0x3d5: {  	v4 =	vmov s22;
	[tilespmem:s25+$0xE0] =	vst v2  }
0x3d6: {  	v2 =	vshrl.u32 v4, $0x3;
	v4 =	vld [tilespmem:s29+$0x1D0]  }
.Ltmp2:
0x3d7: {  	v2 =	vshll.u32 v2, v40;
	(pc) =	sbr.rel @p0 .LBB2_7-.Ltmp2, $2  }
0x3d8: {  	v41 =	vbroadcast v2, $0x0;
	_ =	sdelay $0x2  }
0x3d9: {  	s4 =	smov.u32 s30;
	v42 =	vmul.f32 v4, v0  }
0x3da: {  	_ =	sdelay $0x2  }
0x3db: {  	[tilespmem:s25+$0xF0] =	vst v42  }
0x3dc: {  	s3 =	sadd.s32 $0x400, s29;
	v0 =	vld.idx.msk [tilespmem:v41+s13+$0x0], $0xffff  }
0x3dd: {  	v2 =	vld [tilespmem:s3+$0xFFFFFE00];
	_ =	sdelay $0x4  }
0x3de: {  	s5 =	sadd.s32 $0x1, s22;
	v2 =	vmul.f32 v2, v0  }
0x3df: {  	s4 =	sadd.s32 $0x200, s25;
	v4 =	vmov s5  }
0x3e0: {  	[tilespmem:s4+$0xFFFFFF00] =	vst v2;
	v2 =	vshrl.u32 v4, $0x3  }
0x3e1: {  	v4 =	vld [tilespmem:s3+$0xFFFFFE10];
	v2 =	vshll.u32 v2, v40  }
0x3e2: {  	v2 =	vadd.s32 $0x1, v2  }
0x3e3: {  	v2 =	vbroadcast v2, $0x0;
	_ =	sdelay $0x2  }
0x3e4: {  	v0 =	vmul.f32 v4, v0;
	_ =	sdelay $0x1  }
0x3e5: {  	[tilespmem:s4+$0xFFFFFF10] =	vst v0  }
0x3e6: {  	v0 =	vld.idx.msk [tilespmem:v2+s13+$0x0], $0xffff  }
0x3e7: {  	v2 =	vld [tilespmem:s3+$0xFFFFFE40];
	_ =	sdelay $0x4  }
0x3e8: {  	s29 =	sadd.s32 $0x2, s22;
	v2 =	vmul.f32 v2, v0  }
0x3e9: {  	v4 =	vmov s29  }
0x3ea: {  	[tilespmem:s4+$0xFFFFFF20] =	vst v2;
	v2 =	vshrl.u32 v4, $0x3  }
0x3eb: {  	v4 =	vld [tilespmem:s3+$0xFFFFFE50];
	v2 =	vshll.u32 v2, v40  }
0x3ec: {  	v2 =	vadd.s32 $0x2, v2  }
0x3ed: {  	v2 =	vbroadcast v2, $0x0;
	_ =	sdelay $0x2  }
0x3ee: {  	v0 =	vmul.f32 v4, v0;
	_ =	sdelay $0x1  }
0x3ef: {  	[tilespmem:s4+$0xFFFFFF30] =	vst v0  }
0x3f0: {  	v0 =	vld.idx.msk [tilespmem:v2+s13+$0x0], $0xffff  }
0x3f1: {  	v2 =	vld [tilespmem:s3+$0xFFFFFE80];
	_ =	sdelay $0x4  }
0x3f2: {  	s30 =	sadd.s32 $0x3, s22;
	v2 =	vmul.f32 v2, v0  }
0x3f3: {  	v4 =	vmov s30  }
0x3f4: {  	[tilespmem:s4+$0xFFFFFF40] =	vst v2;
	v2 =	vshrl.u32 v4, $0x3  }
0x3f5: {  	v4 =	vld [tilespmem:s3+$0xFFFFFE90];
	v2 =	vshll.u32 v2, v40  }
0x3f6: {  	v2 =	vadd.s32 $0x3, v2  }
0x3f7: {  	v2 =	vbroadcast v2, $0x0;
	_ =	sdelay $0x2  }
0x3f8: {  	v0 =	vmul.f32 v4, v0;
	_ =	sdelay $0x1  }
0x3f9: {  	[tilespmem:s4+$0xFFFFFF50] =	vst v0  }
0x3fa: {  	v0 =	vld.idx.msk [tilespmem:v2+s13+$0x0], $0xffff  }
0x3fb: {  	v2 =	vld [tilespmem:s3+$0xFFFFFEC0];
	_ =	sdelay $0x4  }
0x3fc: {  	s18 =	sadd.s32 $0x4, s22;
	v2 =	vmul.f32 v2, v0  }
0x3fd: {  	v4 =	vmov s18  }
0x3fe: {  	[tilespmem:s4+$0xFFFFFF60] =	vst v2;
	v2 =	vshrl.u32 v4, $0x3  }
0x3ff: {  	v4 =	vld [tilespmem:s3+$0xFFFFFED0];
	v2 =	vshll.u32 v2, v40  }
0x400: {  	v2 =	vadd.s32 $0x4, v2  }
0x401: {  	v2 =	vbroadcast v2, $0x0;
	_ =	sdelay $0x2  }
0x402: {  	v0 =	vmul.f32 v4, v0;
	_ =	sdelay $0x1  }
0x403: {  	[tilespmem:s4+$0xFFFFFF70] =	vst v0  }
0x404: {  	v0 =	vld.idx.msk [tilespmem:v2+s13+$0x0], $0xffff  }
0x405: {  	v2 =	vld [tilespmem:s3+$0xFFFFFF00];
	_ =	sdelay $0x4  }
0x406: {  	s25 =	sadd.s32 $0x5, s22;
	v2 =	vmul.f32 v2, v0  }
0x407: {  	v4 =	vmov s25  }
0x408: {  	[tilespmem:s4+$0xFFFFFF80] =	vst v2;
	v2 =	vshrl.u32 v4, $0x3  }
0x409: {  	v4 =	vld [tilespmem:s3+$0xFFFFFF10];
	v2 =	vshll.u32 v2, v40  }
0x40a: {  	v2 =	vadd.s32 $0x5, v2  }
0x40b: {  	v2 =	vbroadcast v2, $0x0;
	_ =	sdelay $0x2  }
0x40c: {  	v0 =	vmul.f32 v4, v0;
	_ =	sdelay $0x1  }
0x40d: {  	[tilespmem:s4+$0xFFFFFF90] =	vst v0  }
0x40e: {  	v0 =	vld.idx.msk [tilespmem:v2+s13+$0x0], $0xffff  }
0x40f: {  	v2 =	vld [tilespmem:s3+$0xFFFFFF40];
	_ =	sdelay $0x4  }
0x410: {  	s29 =	sadd.s32 $0x6, s22;
	v2 =	vmul.f32 v2, v0  }
0x411: {  	v4 =	vmov s29  }
0x412: {  	[tilespmem:s4+$0xFFFFFFA0] =	vst v2;
	v2 =	vshrl.u32 v4, $0x3  }
0x413: {  	v4 =	vld [tilespmem:s3+$0xFFFFFF50];
	v2 =	vshll.u32 v2, v40  }
0x414: {  	v2 =	vadd.s32 $0x6, v2  }
0x415: {  	v2 =	vbroadcast v2, $0x0;
	_ =	sdelay $0x2  }
0x416: {  	v0 =	vmul.f32 v4, v0;
	_ =	sdelay $0x1  }
0x417: {  	[tilespmem:s4+$0xFFFFFFB0] =	vst v0  }
0x418: {  	v0 =	vld.idx.msk [tilespmem:v2+s13+$0x0], $0xffff  }
0x419: {  	v2 =	vld [tilespmem:s3+$0xFFFFFF80];
	_ =	sdelay $0x4  }
0x41a: {  	s30 =	sadd.s32 $0x7, s22;
	v2 =	vmul.f32 v2, v0  }
0x41b: {  	v4 =	vmov s30  }
0x41c: {  	[tilespmem:s4+$0xFFFFFFC0] =	vst v2;
	v2 =	vshrl.u32 v4, $0x3  }
0x41d: {  	v4 =	vld [tilespmem:s3+$0xFFFFFF90];
	v2 =	vshll.u32 v2, v40  }
0x41e: {  	v2 =	vadd.s32 $0x7, v2  }
0x41f: {  	v2 =	vbroadcast v2, $0x0;
	_ =	sdelay $0x2  }
0x420: {  	v0 =	vmul.f32 v4, v0;
	_ =	sdelay $0x1  }
0x421: {  	[tilespmem:s4+$0xFFFFFFD0] =	vst v0  }
0x422: {  	v0 =	vld.idx.msk [tilespmem:v2+s13+$0x0], $0xffff  }
0x423: {  	v2 =	vld [tilespmem:s3+$0xFFFFFFC0];
	_ =	sdelay $0x4  }
0x424: {  	v2 =	vmul.f32 v2, v0  }
0x425: {  	s18 =	sadd.s32 $0x8, s22  }
0x426: {  	[tilespmem:s4+$0xFFFFFFE0] =	vst v2;
	v2 =	vmov s18  }
0x427: {  	v4 =	vld [tilespmem:s3+$0xFFFFFFD0];
	v2 =	vshrl.u32 v2, $0x3  }
0x428: {  	v2 =	vshll.u32 v2, v40  }
0x429: {  	v2 =	vbroadcast v2, $0x0;
	_ =	sdelay $0x2  }
0x42a: {  	v0 =	vmul.f32 v4, v0;
	_ =	sdelay $0x1  }
0x42b: {  	[tilespmem:s4+$0xFFFFFFF0] =	vst v0  }
0x42c: {  	v0 =	vld.idx.msk [tilespmem:v2+s13+$0x0], $0xffff  }
0x42d: {  	v2 =	vld [tilespmem:s3+$0x0];
	_ =	sdelay $0x4  }
0x42e: {  	s25 =	sadd.s32 $0x9, s22;
	v2 =	vmul.f32 v2, v0  }
0x42f: {  	v4 =	vmov s25  }
0x430: {  	[tilespmem:s4+$0x0] =	vst v2;
	v2 =	vshrl.u32 v4, $0x3  }
0x431: {  	v4 =	vld [tilespmem:s3+$0x10];
	v2 =	vshll.u32 v2, v40  }
0x432: {  	v2 =	vadd.s32 $0x1, v2  }
0x433: {  	v2 =	vbroadcast v2, $0x0;
	_ =	sdelay $0x2  }
0x434: {  	v0 =	vmul.f32 v4, v0;
	_ =	sdelay $0x1  }
0x435: {  	[tilespmem:s4+$0x10] =	vst v0  }
0x436: {  	v0 =	vld.idx.msk [tilespmem:v2+s13+$0x0], $0xffff  }
0x437: {  	v2 =	vld [tilespmem:s3+$0x40];
	_ =	sdelay $0x4  }
0x438: {  	s29 =	sadd.s32 $0xA, s22;
	v2 =	vmul.f32 v2, v0  }
0x439: {  	v4 =	vmov s29  }
0x43a: {  	[tilespmem:s4+$0x20] =	vst v2;
	v2 =	vshrl.u32 v4, $0x3  }
0x43b: {  	v4 =	vld [tilespmem:s3+$0x50];
	v2 =	vshll.u32 v2, v40  }
0x43c: {  	v2 =	vadd.s32 $0x2, v2  }
0x43d: {  	v2 =	vbroadcast v2, $0x0;
	_ =	sdelay $0x2  }
0x43e: {  	v0 =	vmul.f32 v4, v0;
	_ =	sdelay $0x1  }
0x43f: {  	[tilespmem:s4+$0x30] =	vst v0  }
0x440: {  	v0 =	vld.idx.msk [tilespmem:v2+s13+$0x0], $0xffff  }
0x441: {  	v2 =	vld [tilespmem:s3+$0x80];
	_ =	sdelay $0x4  }
0x442: {  	s30 =	sadd.s32 $0xB, s22;
	v2 =	vmul.f32 v2, v0  }
0x443: {  	v4 =	vmov s30  }
0x444: {  	[tilespmem:s4+$0x40] =	vst v2;
	v2 =	vshrl.u32 v4, $0x3  }
0x445: {  	v4 =	vld [tilespmem:s3+$0x90];
	v2 =	vshll.u32 v2, v40  }
0x446: {  	v2 =	vadd.s32 $0x3, v2  }
0x447: {  	v2 =	vbroadcast v2, $0x0;
	_ =	sdelay $0x2  }
0x448: {  	v0 =	vmul.f32 v4, v0;
	_ =	sdelay $0x1  }
0x449: {  	[tilespmem:s4+$0x50] =	vst v0  }
0x44a: {  	v0 =	vld.idx.msk [tilespmem:v2+s13+$0x0], $0xffff  }
0x44b: {  	v2 =	vld [tilespmem:s3+$0xC0];
	_ =	sdelay $0x4  }
0x44c: {  	s18 =	sadd.s32 $0xC, s22;
	v2 =	vmul.f32 v2, v0  }
0x44d: {  	v4 =	vmov s18  }
0x44e: {  	[tilespmem:s4+$0x60] =	vst v2;
	v2 =	vshrl.u32 v4, $0x3  }
0x44f: {  	v4 =	vld [tilespmem:s3+$0xD0];
	v2 =	vshll.u32 v2, v40  }
0x450: {  	v2 =	vadd.s32 $0x4, v2  }
0x451: {  	v2 =	vbroadcast v2, $0x0;
	_ =	sdelay $0x2  }
0x452: {  	v0 =	vmul.f32 v4, v0;
	_ =	sdelay $0x1  }
0x453: {  	[tilespmem:s4+$0x70] =	vst v0  }
0x454: {  	v0 =	vld.idx.msk [tilespmem:v2+s13+$0x0], $0xffff  }
0x455: {  	v2 =	vld [tilespmem:s3+$0x100];
	_ =	sdelay $0x4  }
0x456: {  	s25 =	sadd.s32 $0xD, s22;
	v2 =	vmul.f32 v2, v0  }
0x457: {  	v4 =	vmov s25  }
0x458: {  	[tilespmem:s4+$0x80] =	vst v2;
	v2 =	vshrl.u32 v4, $0x3  }
0x459: {  	v4 =	vld [tilespmem:s3+$0x110];
	v2 =	vshll.u32 v2, v40  }
0x45a: {  	v2 =	vadd.s32 $0x5, v2  }
0x45b: {  	v2 =	vbroadcast v2, $0x0;
	_ =	sdelay $0x2  }
0x45c: {  	v0 =	vmul.f32 v4, v0;
	_ =	sdelay $0x1  }
0x45d: {  	[tilespmem:s4+$0x90] =	vst v0  }
0x45e: {  	v0 =	vld.idx.msk [tilespmem:v2+s13+$0x0], $0xffff  }
0x45f: {  	v2 =	vld [tilespmem:s3+$0x140];
	_ =	sdelay $0x4  }
0x460: {  	s29 =	sadd.s32 $0xE, s22;
	v2 =	vmul.f32 v2, v0  }
0x461: {  	v4 =	vmov s29  }
0x462: {  	[tilespmem:s4+$0xA0] =	vst v2;
	v2 =	vshrl.u32 v4, $0x3  }
0x463: {  	v4 =	vld [tilespmem:s3+$0x150];
	v2 =	vshll.u32 v2, v40  }
0x464: {  	v2 =	vadd.s32 $0x6, v2  }
0x465: {  	v2 =	vbroadcast v2, $0x0;
	_ =	sdelay $0x2  }
0x466: {  	v0 =	vmul.f32 v4, v0;
	_ =	sdelay $0x1  }
0x467: {  	[tilespmem:s4+$0xB0] =	vst v0  }
0x468: {  	v0 =	vld.idx.msk [tilespmem:v2+s13+$0x0], $0xffff  }
0x469: {  	v2 =	vld [tilespmem:s3+$0x180];
	_ =	sdelay $0x4  }
0x46a: {  	s30 =	sadd.s32 $0xF, s22;
	v2 =	vmul.f32 v2, v0  }
0x46b: {  	v4 =	vmov s30  }
0x46c: {  	[tilespmem:s4+$0xC0] =	vst v2;
	v2 =	vshrl.u32 v4, $0x3  }
0x46d: {  	v4 =	vld [tilespmem:s3+$0x190];
	v2 =	vshll.u32 v2, v40  }
0x46e: {  	v2 =	vadd.s32 $0x7, v2  }
0x46f: {  	v2 =	vbroadcast v2, $0x0;
	_ =	sdelay $0x2  }
0x470: {  	v0 =	vmul.f32 v4, v0;
	_ =	sdelay $0x1  }
0x471: {  	[tilespmem:s4+$0xD0] =	vst v0  }
0x472: {  	v0 =	vld.idx.msk [tilespmem:v2+s13+$0x0], $0xffff  }
0x473: {  	v2 =	vld [tilespmem:s3+$0x1C0];
	_ =	sdelay $0x4  }
0x474: {  	v2 =	vmul.f32 v2, v0;
	_ =	sdelay $0x1  }
0x475: {  	[tilespmem:s4+$0xE0] =	vst v2  }
0x476: {  	v2 =	vld [tilespmem:s3+$0x1D0];
	_ =	sdelay $0x4  }
0x477: {  	v0 =	vmul.f32 v2, v0;
	_ =	sdelay $0x1  }
0x478: {  	[tilespmem:s4+$0xF0] =	vst v0  }
0x479: {  	[spmem:s21] =	stream.indirect.scatter.add.f32 [tilespmem:s14], [sflag:$0x2], $0x20, s20, s8, $0xb8;
	[tilespmem:$0x1C008] =	vst v63  }
0x47a: {  	s19 =	sadd.s32 $0x1, s19;
	_ =	swait.ge [sflag:s7], $0x4000  }
0x47b: {  	v8 =	vmov v16;
	p0 =	sne.s32 s19, $0xA;
	[sflag:s7] =	ssyncset.done $0x0  }
.Ltmp3:
0x47c: {  	v14 =	vmovc v17;
	v16 =	vmovc v18;
	v10 =	vmov v20;
	v12 =	vmov v19;
	v17 =	vmov v21;
	[sflag:s7] =	ssyncadd.s32 $0xFFFFC000;
	(pc) =	sbr.rel @p0 .LBB2_2-.Ltmp3, $4  }
0x47d: {  	v18 =	vmovc v22;
	v20 =	vmovc v23;
	v21 =	vmov v24;
	v31 =	vmov v28;
	v28 =	vmov v32;
	[spmem:s23] =	stream.indirect.scatter.add.f32 [tilespmem:s13], [sflag:$0x2], $0x1, s20, s8, $0xb8;
	[tilespmem:$0x1C008] =	vst v63  }
0x47e: {  	v32 =	vmovc v58;
	v34 =	vmovc v35;
	v35 =	vmov v36;
	v36 =	vmov v54;
	v38 =	vmov v39;
	_ =	swait.ge [sflag:s7], $0x200  }
0x47f: {  	v39 =	vmovc v1;
	v1 =	vmovc v3;
	v3 =	vmov v5;
	v5 =	vmov v7;
	v7 =	vmov v9;
	[sflag:s7] =	ssyncset.done $0x0  }
0x480: {  	s26 =	sadd.s32 $0x200, s26;
	v9 =	vmovc v11;
	v11 =	vmovc v13;
	v13 =	vmov v15;
	v15 =	vmov v61;
	v37 =	vmov v62;
	[sflag:s7] =	ssyncadd.s32 $0xFFFFFE00  }
0x481: {  	[bflag:$0x0] =	sbarrier.arrive $0xFFFF;
	s3 =	simm.s32 $0x0  }
0x482: {  	s4 =	rddreg [dreg:$0x1d];
	v0 =	vmov s3  }
0x483: {  	[hbm:s4], [sflag:s24] =	dma.local [spmem:s17], $0x9E0;
	v0 =	vshrl.u32 v0, $0x3  }
0x484: {  	_ =	swait.ge [sflag:s7], $0x9E0;
	v0 =	vshll.u32 v0, v40  }
0x485: {  	[sflag:s7] =	ssyncset.done $0x0;
	v0 =	vbroadcast v0, $0x0  }
0x486: {  	s19 =	simm.s32 $0x1;
	[sflag:s7] =	ssyncadd.s32 $0xFFFFF620  }
0x487: {  	[tilespmem:s15], [sflag:$0x2] =	stream.linear.gather [spmem:s0], $0x278, $0x38;
	[tilespmem:$0x1C008] =	vst v63  }
0x488: {  	v2 =	vmov s19;
	_ =	swait.ge [sflag:s7], $0x278  }
0x489: {  	v2 =	vshrl.u32 v2, $0x3;
	[sflag:s7] =	ssyncset.done $0x0  }
0x48a: {  	v2 =	vshll.u32 v2, v40;
	[sflag:s7] =	ssyncadd.s32 $0xFFFFFD88  }
0x48b: {  	v2 =	vadd.s32 $0x1, v2;
	v0 =	vld.idx.msk [tilespmem:v0+s15+$0x0], $0xffff  }
0x48c: {  	v2 =	vbroadcast v2, $0x0;
	_ =	sdelay $0x1  }
0x48d: {  	s20 =	simm.s32 $0x2  }
0x48e: {  	s3 =	simm.s32 $0xE880;
	v4 =	vmov s20  }
0x48f: {  	v4 =	vshrl.u32 v4, $0x3;
	[tilespmem:s3+$0xFFFFFF80] =	vst v0  }
0x490: {  	v4 =	vshll.u32 v4, v40;
	[tilespmem:s3+$0xFFFFFF90] =	vst v0  }
0x491: {  	v0 =	vadd.s32 $0x2, v4;
	v2 =	vld.idx.msk [tilespmem:v2+s15+$0x0], $0xffff  }
0x492: {  	v0 =	vbroadcast v0, $0x0;
	_ =	sdelay $0x1  }
0x493: {  	s22 =	simm.s32 $0x3  }
0x494: {  	v4 =	vmov s22  }
0x495: {  	v4 =	vshrl.u32 v4, $0x3;
	[tilespmem:s3+$0xFFFFFFA0] =	vst v2  }
0x496: {  	v4 =	vshll.u32 v4, v40;
	[tilespmem:s3+$0xFFFFFFB0] =	vst v2  }
0x497: {  	v2 =	vadd.s32 $0x3, v4;
	v0 =	vld.idx.msk [tilespmem:v0+s15+$0x0], $0xffff  }
0x498: {  	v2 =	vbroadcast v2, $0x0;
	_ =	sdelay $0x1  }
0x499: {  	s25 =	simm.s32 $0x4  }
0x49a: {  	v4 =	vmov s25  }
0x49b: {  	v4 =	vshrl.u32 v4, $0x3;
	[tilespmem:s3+$0xFFFFFFC0] =	vst v0  }
0x49c: {  	v4 =	vshll.u32 v4, v40;
	[tilespmem:s3+$0xFFFFFFD0] =	vst v0  }
0x49d: {  	v0 =	vadd.s32 $0x4, v4;
	v2 =	vld.idx.msk [tilespmem:v2+s15+$0x0], $0xffff  }
0x49e: {  	v0 =	vbroadcast v0, $0x0;
	_ =	sdelay $0x1  }
0x49f: {  	s26 =	simm.s32 $0x5  }
0x4a0: {  	v4 =	vmov s26  }
0x4a1: {  	v4 =	vshrl.u32 v4, $0x3;
	[tilespmem:s3+$0xFFFFFFE0] =	vst v2  }
0x4a2: {  	v4 =	vshll.u32 v4, v40;
	[tilespmem:s3+$0xFFFFFFF0] =	vst v2  }
0x4a3: {  	v2 =	vadd.s32 $0x5, v4;
	v0 =	vld.idx.msk [tilespmem:v0+s15+$0x0], $0xffff  }
0x4a4: {  	v2 =	vbroadcast v2, $0x0;
	_ =	sdelay $0x1  }
0x4a5: {  	s29 =	simm.s32 $0x6  }
0x4a6: {  	v4 =	vmov s29  }
0x4a7: {  	v4 =	vshrl.u32 v4, $0x3;
	[tilespmem:s3+$0x0] =	vst v0  }
0x4a8: {  	v4 =	vshll.u32 v4, v40;
	[tilespmem:s3+$0x10] =	vst v0  }
0x4a9: {  	v0 =	vadd.s32 $0x6, v4;
	v2 =	vld.idx.msk [tilespmem:v2+s15+$0x0], $0xffff  }
0x4aa: {  	v0 =	vbroadcast v0, $0x0;
	_ =	sdelay $0x3  }
0x4ab: {  	[tilespmem:s3+$0x20] =	vst v2  }
0x4ac: {  	s30 =	simm.s32 $0x7;
	[tilespmem:s3+$0x30] =	vst v2  }
0x4ad: {  	v42 =	vld.idx.msk [tilespmem:v0+s15+$0x0], $0xffff;
	v0 =	vmov s30  }
0x4ae: {  	v0 =	vshrl.u32 v0, $0x3  }
0x4af: {  	v0 =	vshll.u32 v0, v40  }
0x4b0: {  	v0 =	vadd.s32 $0x7, v0  }
0x4b1: {  	v41 =	vbroadcast v0, $0x0;
	_ =	sdelay $0x2  }
0x4b2: {  	s5 =	simm.s32 $0xE880;
	s4 =	simm.s32 $0x8;
	s17 =	simm.s32 $0x10;
	[tilespmem:s3+$0x40] =	vst v42  }
.LBB2_10:
0x4b3: {  	p0 =	slt.u32 s17, $0x138  }
0x4b4: {  	v0 =	vmov s4;
	[tilespmem:s3+$0x50] =	vst v42;
	s5 =	sadd.s32 $0x100, s5;
	s18 =	smov.u32 s17;
	s17 =	sadd.s32 $0x8, s17  }
0x4b5: {  	v0 =	vshrl.u32 v0, $0x3;
	v2 =	vld.idx.msk [tilespmem:v41+s15+$0x0], $0xffff  }
0x4b6: {  	v0 =	vshll.u32 v0, v40  }
0x4b7: {  	v0 =	vbroadcast v0, $0x0;
	_ =	sdelay $0x1  }
0x4b8: {  	s19 =	sadd.s32 $0x1, s4  }
0x4b9: {  	v4 =	vmov s19  }
0x4ba: {  	v4 =	vshrl.u32 v4, $0x3;
	[tilespmem:s3+$0x60] =	vst v2  }
0x4bb: {  	v4 =	vshll.u32 v4, v40;
	[tilespmem:s3+$0x70] =	vst v2;
	s3 =	smov.u32 s5  }
0x4bc: {  	v2 =	vadd.s32 $0x1, v4;
	v0 =	vld.idx.msk [tilespmem:v0+s15+$0x0], $0xffff  }
0x4bd: {  	v2 =	vbroadcast v2, $0x0;
	_ =	sdelay $0x1  }
0x4be: {  	s19 =	sadd.s32 $0x2, s4  }
0x4bf: {  	v4 =	vmov s19  }
0x4c0: {  	v4 =	vshrl.u32 v4, $0x3  }
0x4c1: {  	v4 =	vshll.u32 v4, v40;
	[tilespmem:s5+$0xFFFFFF80] =	vst v0  }
0x4c2: {  	[tilespmem:s5+$0xFFFFFF90] =	vst v0;
	v0 =	vadd.s32 $0x2, v4  }
0x4c3: {  	v2 =	vld.idx.msk [tilespmem:v2+s15+$0x0], $0xffff;
	v0 =	vbroadcast v0, $0x0;
	_ =	sdelay $0x1  }
0x4c4: {  	s19 =	sadd.s32 $0x3, s4  }
0x4c5: {  	v4 =	vmov s19  }
0x4c6: {  	v4 =	vshrl.u32 v4, $0x3  }
0x4c7: {  	v4 =	vshll.u32 v4, v40  }
0x4c8: {  	v4 =	vadd.s32 $0x3, v4;
	[tilespmem:s5+$0xFFFFFFA0] =	vst v2  }
0x4c9: {  	[tilespmem:s5+$0xFFFFFFB0] =	vst v2;
	v2 =	vbroadcast v4, $0x0  }
0x4ca: {  	v0 =	vld.idx.msk [tilespmem:v0+s15+$0x0], $0xffff  }
0x4cb: {  	s19 =	sadd.s32 $0x4, s4  }
0x4cc: {  	v4 =	vmov s19  }
0x4cd: {  	v4 =	vshrl.u32 v4, $0x3  }
0x4ce: {  	v4 =	vshll.u32 v4, v40  }
0x4cf: {  	v4 =	vadd.s32 $0x4, v4  }
0x4d0: {  	v4 =	vbroadcast v4, $0x0;
	[tilespmem:s5+$0xFFFFFFC0] =	vst v0  }
0x4d1: {  	[tilespmem:s5+$0xFFFFFFD0] =	vst v0  }
0x4d2: {  	s19 =	sadd.s32 $0x5, s4;
	v0 =	vld.idx.msk [tilespmem:v2+s15+$0x0], $0xffff  }
0x4d3: {  	v2 =	vmov s19  }
0x4d4: {  	v2 =	vshrl.u32 v2, $0x3  }
0x4d5: {  	v2 =	vshll.u32 v2, v40  }
0x4d6: {  	v2 =	vadd.s32 $0x5, v2  }
0x4d7: {  	v2 =	vbroadcast v2, $0x0  }
0x4d8: {  	[tilespmem:s5+$0xFFFFFFE0] =	vst v0  }
0x4d9: {  	s19 =	sadd.s32 $0x6, s4;
	[tilespmem:s5+$0xFFFFFFF0] =	vst v0  }
0x4da: {  	v0 =	vld.idx.msk [tilespmem:v4+s15+$0x0], $0xffff;
	v4 =	vmov s19  }
0x4db: {  	v4 =	vshrl.u32 v4, $0x3  }
0x4dc: {  	v4 =	vshll.u32 v4, v40  }
0x4dd: {  	v4 =	vadd.s32 $0x6, v4  }
0x4de: {  	v4 =	vbroadcast v4, $0x0;
	_ =	sdelay $0x1  }
0x4df: {  	s19 =	sadd.s32 $0x7, s4;
	s4 =	smov.u32 s18;
	[tilespmem:s5+$0x0] =	vst v0  }
0x4e0: {  	[tilespmem:s5+$0x10] =	vst v0;
	v0 =	vmov s19  }
0x4e1: {  	v2 =	vld.idx.msk [tilespmem:v2+s15+$0x0], $0xffff;
	v0 =	vshrl.u32 v0, $0x3  }
0x4e2: {  	v0 =	vshll.u32 v0, v40  }
0x4e3: {  	v0 =	vadd.s32 $0x7, v0  }
0x4e4: {  	v41 =	vbroadcast v0, $0x0;
	_ =	sdelay $0x2  }
0x4e5: {  	[tilespmem:s5+$0x20] =	vst v2  }
0x4e6: {  	[tilespmem:s5+$0x30] =	vst v2  }
0x4e7: {  	v42 =	vld.idx.msk [tilespmem:v4+s15+$0x0], $0xffff;
	_ =	sdelay $0x1  }
.Ltmp4:
0x4e8: {  	(pc) =	sbr.rel @p0 .LBB2_10-.Ltmp4, $2  }
0x4e9: {  	_ =	sdelay $0x2  }
0x4ea: {  	[tilespmem:s5+$0x40] =	vst v42  }
0x4eb: {  	_ =	sdelay $0x1  }
0x4ec: {  	v0 =	vmov s4  }
0x4ed: {  	[tilespmem:s3+$0x50] =	vst v42;
	v0 =	vshrl.u32 v0, $0x3  }
0x4ee: {  	v2 =	vld.idx.msk [tilespmem:v41+s15+$0x0], $0xffff;
	v0 =	vshll.u32 v0, v40  }
0x4ef: {  	v0 =	vbroadcast v0, $0x0;
	_ =	sdelay $0x1  }
0x4f0: {  	s17 =	sadd.s32 $0x1, s4  }
0x4f1: {  	v4 =	vmov s17  }
0x4f2: {  	v4 =	vshrl.u32 v4, $0x3;
	[tilespmem:s3+$0x60] =	vst v2  }
0x4f3: {  	v4 =	vshll.u32 v4, v40;
	[tilespmem:s3+$0x70] =	vst v2  }
0x4f4: {  	v2 =	vadd.s32 $0x1, v4;
	v0 =	vld.idx.msk [tilespmem:v0+s15+$0x0], $0xffff  }
0x4f5: {  	v2 =	vbroadcast v2, $0x0;
	_ =	sdelay $0x1  }
0x4f6: {  	s20 =	sadd.s32 $0x2, s4  }
0x4f7: {  	s22 =	sadd.s32 $0x100, s5;
	v4 =	vmov s20  }
0x4f8: {  	v4 =	vshrl.u32 v4, $0x3;
	[tilespmem:s22+$0xFFFFFF80] =	vst v0  }
0x4f9: {  	v4 =	vshll.u32 v4, v40;
	[tilespmem:s22+$0xFFFFFF90] =	vst v0  }
0x4fa: {  	v0 =	vadd.s32 $0x2, v4;
	v2 =	vld.idx.msk [tilespmem:v2+s15+$0x0], $0xffff  }
0x4fb: {  	v0 =	vbroadcast v0, $0x0;
	_ =	sdelay $0x1  }
0x4fc: {  	s25 =	sadd.s32 $0x3, s4  }
0x4fd: {  	v4 =	vmov s25  }
0x4fe: {  	v4 =	vshrl.u32 v4, $0x3;
	[tilespmem:s22+$0xFFFFFFA0] =	vst v2  }
0x4ff: {  	v4 =	vshll.u32 v4, v40;
	[tilespmem:s22+$0xFFFFFFB0] =	vst v2  }
0x500: {  	v2 =	vadd.s32 $0x3, v4;
	v0 =	vld.idx.msk [tilespmem:v0+s15+$0x0], $0xffff  }
0x501: {  	v2 =	vbroadcast v2, $0x0;
	_ =	sdelay $0x1  }
0x502: {  	s26 =	sadd.s32 $0x4, s4  }
0x503: {  	v4 =	vmov s26  }
0x504: {  	v4 =	vshrl.u32 v4, $0x3;
	[tilespmem:s22+$0xFFFFFFC0] =	vst v0  }
0x505: {  	v4 =	vshll.u32 v4, v40;
	[tilespmem:s22+$0xFFFFFFD0] =	vst v0  }
0x506: {  	v0 =	vadd.s32 $0x4, v4;
	v2 =	vld.idx.msk [tilespmem:v2+s15+$0x0], $0xffff  }
0x507: {  	v0 =	vbroadcast v0, $0x0;
	_ =	sdelay $0x1  }
0x508: {  	s29 =	sadd.s32 $0x5, s4  }
0x509: {  	v4 =	vmov s29  }
0x50a: {  	v4 =	vshrl.u32 v4, $0x3;
	[tilespmem:s22+$0xFFFFFFE0] =	vst v2  }
0x50b: {  	v4 =	vshll.u32 v4, v40;
	[tilespmem:s22+$0xFFFFFFF0] =	vst v2  }
0x50c: {  	v2 =	vadd.s32 $0x5, v4;
	v0 =	vld.idx.msk [tilespmem:v0+s15+$0x0], $0xffff  }
0x50d: {  	v2 =	vbroadcast v2, $0x0;
	_ =	sdelay $0x1  }
0x50e: {  	s30 =	sadd.s32 $0x6, s4  }
0x50f: {  	v4 =	vmov s30  }
0x510: {  	v4 =	vshrl.u32 v4, $0x3;
	[tilespmem:s22+$0x0] =	vst v0  }
0x511: {  	v4 =	vshll.u32 v4, v40;
	[tilespmem:s22+$0x10] =	vst v0  }
0x512: {  	v0 =	vadd.s32 $0x6, v4;
	v2 =	vld.idx.msk [tilespmem:v2+s15+$0x0], $0xffff  }
0x513: {  	v0 =	vbroadcast v0, $0x0;
	_ =	sdelay $0x1  }
0x514: {  	s5 =	sadd.s32 $0x7, s4  }
0x515: {  	v4 =	vmov s5  }
0x516: {  	v4 =	vshrl.u32 v4, $0x3;
	[tilespmem:s22+$0x20] =	vst v2  }
0x517: {  	v4 =	vshll.u32 v4, v40;
	[tilespmem:s22+$0x30] =	vst v2  }
0x518: {  	v2 =	vadd.s32 $0x7, v4;
	v0 =	vld.idx.msk [tilespmem:v0+s15+$0x0], $0xffff  }
0x519: {  	v2 =	vbroadcast v2, $0x0;
	_ =	sdelay $0x3  }
0x51a: {  	[tilespmem:s22+$0x40] =	vst v0  }
0x51b: {  	[tilespmem:s22+$0x50] =	vst v0  }
0x51c: {  	s17 =	simm.s32 $0x0;
	v0 =	vld.idx.msk [tilespmem:v2+s15+$0x0], $0xffff  }
0x51d: {  	v2 =	vmov s17  }
0x51e: {  	v2 =	vadd.s32 $0x140, v2  }
0x51f: {  	v2 =	vshrl.u32 v2, $0x3  }
0x520: {  	v2 =	vshll.u32 v2, v40  }
0x521: {  	v2 =	vbroadcast v2, $0x0;
	[tilespmem:s22+$0x60] =	vst v0  }
0x522: {  	s18 =	simm.s32 $0x1;
	s19 =	rddreg [dreg:$0x1e];
	[tilespmem:s22+$0x70] =	vst v0  }
0x523: {  	v0 =	vmov s18;
	[hbm4b:s19+s17] =	stream.linear.scatter [tilespmem:s14], [sflag:$0x2], $0x2800, $0x38;
	[tilespmem:$0x1C008] =	vst v63  }
0x524: {  	v0 =	vadd.s32 $0x140, v0;
	_ =	swait.ge [sflag:s7], $0x2800  }
0x525: {  	v0 =	vshrl.u32 v0, $0x3;
	[sflag:s7] =	ssyncset.done $0x0  }
0x526: {  	v0 =	vshll.u32 v0, v40;
	[sflag:s7] =	ssyncadd.s32 $0xFFFFD800  }
0x527: {  	v0 =	vadd.s32 $0x1, v0;
	v2 =	vld.idx.msk [tilespmem:v2+s15+$0x0], $0xffff  }
0x528: {  	v0 =	vbroadcast v0, $0x0  }
0x529: {  	s20 =	simm.s32 $0x2  }
0x52a: {  	v4 =	vmov s20  }
0x52b: {  	s3 =	simm.s32 $0xE880;
	v4 =	vadd.s32 $0x140, v4  }
0x52c: {  	v4 =	vshrl.u32 v4, $0x3;
	[tilespmem:s3+$0xFFFFFF80] =	vst v2  }
0x52d: {  	v4 =	vshll.u32 v4, v40;
	[tilespmem:s3+$0xFFFFFF90] =	vst v2  }
0x52e: {  	v2 =	vadd.s32 $0x2, v4;
	v0 =	vld.idx.msk [tilespmem:v0+s15+$0x0], $0xffff  }
0x52f: {  	v2 =	vbroadcast v2, $0x0  }
0x530: {  	s22 =	simm.s32 $0x3  }
0x531: {  	v4 =	vmov s22  }
0x532: {  	v4 =	vadd.s32 $0x140, v4  }
0x533: {  	v4 =	vshrl.u32 v4, $0x3;
	[tilespmem:s3+$0xFFFFFFA0] =	vst v0  }
0x534: {  	v4 =	vshll.u32 v4, v40;
	[tilespmem:s3+$0xFFFFFFB0] =	vst v0  }
0x535: {  	v0 =	vadd.s32 $0x3, v4;
	v2 =	vld.idx.msk [tilespmem:v2+s15+$0x0], $0xffff  }
0x536: {  	v0 =	vbroadcast v0, $0x0  }
0x537: {  	s25 =	simm.s32 $0x4  }
0x538: {  	v4 =	vmov s25  }
0x539: {  	v4 =	vadd.s32 $0x140, v4  }
0x53a: {  	v4 =	vshrl.u32 v4, $0x3;
	[tilespmem:s3+$0xFFFFFFC0] =	vst v2  }
0x53b: {  	v4 =	vshll.u32 v4, v40;
	[tilespmem:s3+$0xFFFFFFD0] =	vst v2  }
0x53c: {  	v2 =	vadd.s32 $0x4, v4;
	v0 =	vld.idx.msk [tilespmem:v0+s15+$0x0], $0xffff  }
0x53d: {  	v2 =	vbroadcast v2, $0x0  }
0x53e: {  	s26 =	simm.s32 $0x5  }
0x53f: {  	v4 =	vmov s26  }
0x540: {  	v4 =	vadd.s32 $0x140, v4  }
0x541: {  	v4 =	vshrl.u32 v4, $0x3;
	[tilespmem:s3+$0xFFFFFFE0] =	vst v0  }
0x542: {  	v4 =	vshll.u32 v4, v40;
	[tilespmem:s3+$0xFFFFFFF0] =	vst v0  }
0x543: {  	v0 =	vadd.s32 $0x5, v4;
	v2 =	vld.idx.msk [tilespmem:v2+s15+$0x0], $0xffff  }
0x544: {  	v0 =	vbroadcast v0, $0x0;
	_ =	sdelay $0x2  }
0x545: {  	s29 =	simm.s32 $0x6  }
0x546: {  	v4 =	vmov s29;
	[tilespmem:s3+$0x0] =	vst v2  }
0x547: {  	v4 =	vadd.s32 $0x140, v4;
	[tilespmem:s3+$0x10] =	vst v2  }
0x548: {  	v4 =	vshrl.u32 v4, $0x3;
	v0 =	vld.idx.msk [tilespmem:v0+s15+$0x0], $0xffff  }
0x549: {  	v4 =	vshll.u32 v4, v40  }
0x54a: {  	v2 =	vadd.s32 $0x6, v4  }
0x54b: {  	v2 =	vbroadcast v2, $0x0;
	_ =	sdelay $0x1  }
0x54c: {  	s30 =	simm.s32 $0x7;
	[tilespmem:s3+$0x20] =	vst v0  }
0x54d: {  	[tilespmem:s3+$0x30] =	vst v0;
	v0 =	vmov s30  }
0x54e: {  	v0 =	vadd.s32 $0x140, v0  }
0x54f: {  	v0 =	vshrl.u32 v0, $0x3  }
0x550: {  	v42 =	vld.idx.msk [tilespmem:v2+s15+$0x0], $0xffff;
	v0 =	vshll.u32 v0, v40  }
0x551: {  	v0 =	vadd.s32 $0x7, v0  }
0x552: {  	v41 =	vbroadcast v0, $0x0;
	_ =	sdelay $0x1  }
0x553: {  	s4 =	simm.s32 $0x8  }
0x554: {  	v43 =	vmov s4;
	s5 =	simm.s32 $0xE880;
	s17 =	simm.s32 $0x10;
	[tilespmem:s3+$0x40] =	vst v42  }
.LBB2_12:
0x555: {  	p0 =	slt.u32 s17, $0x130  }
0x556: {  	v0 =	vadd.s32 $0x140, v43;
	[tilespmem:s3+$0x50] =	vst v42;
	s5 =	sadd.s32 $0x100, s5;
	s18 =	smov.u32 s17;
	s17 =	sadd.s32 $0x8, s17  }
0x557: {  	v0 =	vshrl.u32 v0, $0x3;
	v2 =	vld.idx.msk [tilespmem:v41+s15+$0x0], $0xffff  }
0x558: {  	v0 =	vshll.u32 v0, v40  }
0x559: {  	v0 =	vbroadcast v0, $0x0  }
0x55a: {  	s19 =	sadd.s32 $0x1, s4  }
0x55b: {  	v4 =	vmov s19  }
0x55c: {  	v4 =	vadd.s32 $0x140, v4  }
0x55d: {  	v4 =	vshrl.u32 v4, $0x3;
	[tilespmem:s3+$0x60] =	vst v2  }
0x55e: {  	v4 =	vshll.u32 v4, v40;
	[tilespmem:s3+$0x70] =	vst v2;
	s3 =	smov.u32 s5  }
0x55f: {  	v2 =	vadd.s32 $0x1, v4;
	v0 =	vld.idx.msk [tilespmem:v0+s15+$0x0], $0xffff  }
0x560: {  	v2 =	vbroadcast v2, $0x0  }
0x561: {  	s19 =	sadd.s32 $0x2, s4  }
0x562: {  	v4 =	vmov s19  }
0x563: {  	v4 =	vadd.s32 $0x140, v4  }
0x564: {  	v4 =	vshrl.u32 v4, $0x3  }
0x565: {  	v4 =	vshll.u32 v4, v40;
	[tilespmem:s5+$0xFFFFFF80] =	vst v0  }
0x566: {  	[tilespmem:s5+$0xFFFFFF90] =	vst v0;
	v0 =	vadd.s32 $0x2, v4  }
0x567: {  	v2 =	vld.idx.msk [tilespmem:v2+s15+$0x0], $0xffff;
	v0 =	vbroadcast v0, $0x0  }
0x568: {  	s19 =	sadd.s32 $0x3, s4  }
0x569: {  	v4 =	vmov s19  }
0x56a: {  	v4 =	vadd.s32 $0x140, v4  }
0x56b: {  	v4 =	vshrl.u32 v4, $0x3  }
0x56c: {  	v4 =	vshll.u32 v4, v40  }
0x56d: {  	v4 =	vadd.s32 $0x3, v4;
	[tilespmem:s5+$0xFFFFFFA0] =	vst v2  }
0x56e: {  	[tilespmem:s5+$0xFFFFFFB0] =	vst v2;
	v2 =	vbroadcast v4, $0x0  }
0x56f: {  	s19 =	sadd.s32 $0x4, s4;
	v0 =	vld.idx.msk [tilespmem:v0+s15+$0x0], $0xffff  }
0x570: {  	v4 =	vmov s19  }
0x571: {  	v4 =	vadd.s32 $0x140, v4  }
0x572: {  	v4 =	vshrl.u32 v4, $0x3  }
0x573: {  	v4 =	vshll.u32 v4, v40  }
0x574: {  	v4 =	vadd.s32 $0x4, v4  }
0x575: {  	v4 =	vbroadcast v4, $0x0;
	[tilespmem:s5+$0xFFFFFFC0] =	vst v0  }
0x576: {  	s19 =	sadd.s32 $0x5, s4;
	[tilespmem:s5+$0xFFFFFFD0] =	vst v0  }
0x577: {  	v0 =	vld.idx.msk [tilespmem:v2+s15+$0x0], $0xffff;
	v2 =	vmov s19  }
0x578: {  	v2 =	vadd.s32 $0x140, v2  }
0x579: {  	v2 =	vshrl.u32 v2, $0x3  }
0x57a: {  	v2 =	vshll.u32 v2, v40  }
0x57b: {  	v2 =	vadd.s32 $0x5, v2  }
0x57c: {  	v2 =	vbroadcast v2, $0x0  }
0x57d: {  	s19 =	sadd.s32 $0x6, s4;
	[tilespmem:s5+$0xFFFFFFE0] =	vst v0  }
0x57e: {  	[tilespmem:s5+$0xFFFFFFF0] =	vst v0;
	v0 =	vmov s19  }
0x57f: {  	v4 =	vld.idx.msk [tilespmem:v4+s15+$0x0], $0xffff;
	v0 =	vadd.s32 $0x140, v0  }
0x580: {  	v0 =	vshrl.u32 v0, $0x3  }
0x581: {  	v0 =	vshll.u32 v0, v40  }
0x582: {  	v0 =	vadd.s32 $0x6, v0  }
0x583: {  	v0 =	vbroadcast v0, $0x0  }
0x584: {  	s19 =	sadd.s32 $0x7, s4;
	s4 =	smov.u32 s18  }
0x585: {  	v6 =	vmov s19;
	[tilespmem:s5+$0x0] =	vst v4  }
0x586: {  	[tilespmem:s5+$0x10] =	vst v4;
	v4 =	vadd.s32 $0x140, v6  }
0x587: {  	v2 =	vld.idx.msk [tilespmem:v2+s15+$0x0], $0xffff;
	v4 =	vshrl.u32 v4, $0x3  }
0x588: {  	v4 =	vshll.u32 v4, v40  }
0x589: {  	v4 =	vadd.s32 $0x7, v4  }
0x58a: {  	v41 =	vbroadcast v4, $0x0;
	_ =	sdelay $0x2  }
0x58b: {  	[tilespmem:s5+$0x20] =	vst v2  }
0x58c: {  	[tilespmem:s5+$0x30] =	vst v2  }
0x58d: {  	v42 =	vld.idx.msk [tilespmem:v0+s15+$0x0], $0xffff;
	_ =	sdelay $0x1  }
.Ltmp5:
0x58e: {  	(pc) =	sbr.rel @p0 .LBB2_12-.Ltmp5, $2  }
0x58f: {  	_ =	sdelay $0x2  }
0x590: {  	v43 =	vmov s4;
	[tilespmem:s5+$0x40] =	vst v42  }
0x591: {  	_ =	sdelay $0x1  }
0x592: {  	v0 =	vadd.s32 $0x140, v43  }
0x593: {  	[tilespmem:s3+$0x50] =	vst v42;
	v0 =	vshrl.u32 v0, $0x3  }
0x594: {  	v2 =	vld.idx.msk [tilespmem:v41+s15+$0x0], $0xffff;
	v0 =	vshll.u32 v0, v40  }
0x595: {  	v0 =	vbroadcast v0, $0x0  }
0x596: {  	s17 =	sadd.s32 $0x1, s4  }
0x597: {  	v4 =	vmov s17  }
0x598: {  	v4 =	vadd.s32 $0x140, v4  }
0x599: {  	v4 =	vshrl.u32 v4, $0x3;
	[tilespmem:s3+$0x60] =	vst v2  }
0x59a: {  	v4 =	vshll.u32 v4, v40;
	[tilespmem:s3+$0x70] =	vst v2  }
0x59b: {  	v2 =	vadd.s32 $0x1, v4;
	v0 =	vld.idx.msk [tilespmem:v0+s15+$0x0], $0xffff  }
0x59c: {  	v2 =	vbroadcast v2, $0x0  }
0x59d: {  	s18 =	sadd.s32 $0x2, s4  }
0x59e: {  	v4 =	vmov s18  }
0x59f: {  	s19 =	sadd.s32 $0x100, s5;
	v4 =	vadd.s32 $0x140, v4  }
0x5a0: {  	v4 =	vshrl.u32 v4, $0x3;
	[tilespmem:s19+$0xFFFFFF80] =	vst v0  }
0x5a1: {  	v4 =	vshll.u32 v4, v40;
	[tilespmem:s19+$0xFFFFFF90] =	vst v0  }
0x5a2: {  	v0 =	vadd.s32 $0x2, v4;
	v2 =	vld.idx.msk [tilespmem:v2+s15+$0x0], $0xffff  }
0x5a3: {  	v0 =	vbroadcast v0, $0x0  }
0x5a4: {  	s20 =	sadd.s32 $0x3, s4  }
0x5a5: {  	v4 =	vmov s20  }
0x5a6: {  	v4 =	vadd.s32 $0x140, v4  }
0x5a7: {  	v4 =	vshrl.u32 v4, $0x3;
	[tilespmem:s19+$0xFFFFFFA0] =	vst v2  }
0x5a8: {  	v4 =	vshll.u32 v4, v40;
	[tilespmem:s19+$0xFFFFFFB0] =	vst v2  }
0x5a9: {  	v2 =	vadd.s32 $0x3, v4;
	v0 =	vld.idx.msk [tilespmem:v0+s15+$0x0], $0xffff  }
0x5aa: {  	v2 =	vbroadcast v2, $0x0  }
0x5ab: {  	s22 =	sadd.s32 $0x4, s4  }
0x5ac: {  	v4 =	vmov s22  }
0x5ad: {  	v4 =	vadd.s32 $0x140, v4  }
0x5ae: {  	v4 =	vshrl.u32 v4, $0x3;
	[tilespmem:s19+$0xFFFFFFC0] =	vst v0  }
0x5af: {  	v4 =	vshll.u32 v4, v40;
	[tilespmem:s19+$0xFFFFFFD0] =	vst v0  }
0x5b0: {  	v0 =	vadd.s32 $0x4, v4;
	v2 =	vld.idx.msk [tilespmem:v2+s15+$0x0], $0xffff  }
0x5b1: {  	v0 =	vbroadcast v0, $0x0  }
0x5b2: {  	s25 =	sadd.s32 $0x5, s4  }
0x5b3: {  	v4 =	vmov s25  }
0x5b4: {  	v4 =	vadd.s32 $0x140, v4  }
0x5b5: {  	v4 =	vshrl.u32 v4, $0x3;
	[tilespmem:s19+$0xFFFFFFE0] =	vst v2  }
0x5b6: {  	v4 =	vshll.u32 v4, v40;
	[tilespmem:s19+$0xFFFFFFF0] =	vst v2  }
0x5b7: {  	v2 =	vadd.s32 $0x5, v4;
	v0 =	vld.idx.msk [tilespmem:v0+s15+$0x0], $0xffff  }
0x5b8: {  	v2 =	vbroadcast v2, $0x0  }
0x5b9: {  	s26 =	sadd.s32 $0x6, s4  }
0x5ba: {  	v4 =	vmov s26  }
0x5bb: {  	v4 =	vadd.s32 $0x140, v4  }
0x5bc: {  	v4 =	vshrl.u32 v4, $0x3;
	[tilespmem:s19+$0x0] =	vst v0  }
0x5bd: {  	v4 =	vshll.u32 v4, v40;
	[tilespmem:s19+$0x10] =	vst v0  }
0x5be: {  	v0 =	vadd.s32 $0x6, v4;
	v2 =	vld.idx.msk [tilespmem:v2+s15+$0x0], $0xffff  }
0x5bf: {  	v0 =	vbroadcast v0, $0x0  }
0x5c0: {  	s29 =	sadd.s32 $0x7, s4  }
0x5c1: {  	v4 =	vmov s29  }
0x5c2: {  	v4 =	vadd.s32 $0x140, v4  }
0x5c3: {  	v4 =	vshrl.u32 v4, $0x3;
	[tilespmem:s19+$0x20] =	vst v2  }
0x5c4: {  	v4 =	vshll.u32 v4, v40;
	[tilespmem:s19+$0x30] =	vst v2  }
0x5c5: {  	v2 =	vadd.s32 $0x7, v4;
	v0 =	vld.idx.msk [tilespmem:v0+s15+$0x0], $0xffff  }
0x5c6: {  	v2 =	vbroadcast v2, $0x0;
	_ =	sdelay $0x3  }
0x5c7: {  	[tilespmem:s19+$0x40] =	vst v0  }
0x5c8: {  	[tilespmem:s19+$0x50] =	vst v0  }
0x5c9: {  	v0 =	vld.idx.msk [tilespmem:v2+s15+$0x0], $0xffff;
	_ =	sdelay $0x3  }
0x5ca: {  	s16 =	sadd.s32 $0x1, s16  }
0x5cb: {  	p0 =	sne.s32 s16, s6;
	[tilespmem:s19+$0x60] =	vst v0  }
.Ltmp6:
0x5cc: {  	s30 =	rddreg [dreg:$0x1f];
	[tilespmem:s19+$0x70] =	vst v0;
	(pc) =	sbr.rel @p0 .LBB2_1-.Ltmp6, $4  }
0x5cd: {  	[hbm4b:s30+s2] =	stream.linear.scatter [tilespmem:s14], [sflag:$0x2], $0x2700, $0x38;
	[tilespmem:$0x1C008] =	vst v63  }
0x5ce: {  	_ =	swait.ge [sflag:s7], $0x2700  }
0x5cf: {  	[sflag:s7] =	ssyncset.done $0x0  }
0x5d0: {  	[sflag:s7] =	ssyncadd.s32 $0xFFFFD900  }
0x5d1: {  	_ =	sfence.sel $0x180000  }
0x5d2: {  	[bflag:$0x0] =	sbarrier.arrive $0xFFFF  }
0x5d3: {  	_ =	strace $0x90000047  }
0x5d4: {  	s0 =	stileid.u32;
	[bflag:$0x2] =	sbarrier.arrive $0xFFFF  }
0x5d5: {  	p0 =	sne.s32 s0, $0x0;
	s0 =	rddreg [dreg:$0x4]  }
0x5d6: {  	s0 =	sadd.s32 @!p0 $0x100000, s0  }
0x5d7: {  	[sflag:s0] =	ssyncadd.tile.s32 @!p0 $0x1;
	_ =	shalt  }
.Lfunc_end2:
_tile_overlayer_lowered:
.L_overlay_start_2:
0x5d8: {  	(tag) =	ssettag $0x2  }
0x5d9: {  	s0 =	rddreg [dreg:$0x0];
	s2 =	stileid.u32  }
0x5da: {  	s1 =	rddreg [dreg:$0x1];
	p0 =	sne.s32 s2, $0x0  }
0x5db: {  	s3 =	rddreg [dreg:$0x2];
	[bflag:$0x3] =	sbarrier.arrive $0xFFFF;
	s2 =	simm.s32 @!p0 $0x1C02  }
0x5dc: {  	[timem:s3], [sflag:s2] =	dma.local @!p0 [hbm:s0], s1  }
0x5dd: {  	s0 =	simm.s32 @!p0 $0x2  }
0x5de: {  	_ =	swait.ge @!p0 [sflag:s0], s1  }
0x5df: {  	s1 =	ssub.s32 @!p0 $0x0, s1;
	[sflag:s0] =	ssyncset.done @!p0 $0x0  }
0x5e0: {  	[sflag:s0] =	ssyncadd.s32 @!p0 s1  }
0x5e1: {  	[bflag:$0x3] =	sbarrier.arrive $0xFFFF  }
0x5e2: {  	_ =	shalt  }

</sc_bundles>
